<compile_context>
chip_gen: v7x
topology: tpu7x:2x2x1
jax: 0.10.2.dev20260603
libtpu: 0.0.44.dev20260713+nightly
codegen_flags: <defaults>
</compile_context>

<pallas_src>
import functools

import jax
import jax.numpy as jnp
from jax import lax
from jax.experimental import pallas as pl
from jax.experimental.pallas import tpu as pltpu
from jax.experimental.pallas import tpu_sc as plsc

N = 10000
E = 320000
IN = 128
HID = 256
OUT = 128

NC = 2
NS = 16
CH = 128

ROWS = 10240
HIST = 10112
RPS = ROWS // NS
DUMMY = N

NB = 2
SLAB = 20

_EGRAN = 2 * SLAB * CH
EPS = -(-(E // NS) // _EGRAN) * _EGRAN
EPW = -(-(E // (NC * NS)) // _EGRAN) * _EGRAN

RB = 400
GRID = N // RB



@functools.lru_cache(maxsize=None)
def _make_sc_agg(width, nchunk):
  nslab = nchunk // SLAB

  @functools.partial(
      pl.kernel,
      out_type=jax.ShapeDtypeStruct((NC, ROWS, width), jnp.float32),
      mesh=plsc.VectorSubcoreMesh(core_axis_name="c", subcore_axis_name="s",
                                  num_cores=NC, num_subcores=NS),
      scratch_types=[
          pltpu.VMEM((2, 2 * SLAB, CH), jnp.int32),
          pltpu.VMEM((2, CH, width), jnp.float32),
          pltpu.VMEM_SHARED((ROWS, width), jnp.float32),
          pltpu.SemaphoreType.DMA((2,)),
          pltpu.SemaphoreType.DMA((2,)),
          pltpu.SemaphoreType.DMA((2,)),
      ],
  )
  def agg(table, idx, out, idxbuf, buf2, acc, isem, gsem, ssem):
    c = lax.axis_index("c")
    s = lax.axis_index("s")

    z16 = jnp.zeros((16,), jnp.float32)

    def zrow(i, _):
      for j in range(width // 16):
        buf2[0, i, pl.ds(j * 16, 16)] = z16
      return 0

    lax.fori_loop(0, CH, zrow, 0)
    for k in range(RPS // CH):
      pltpu.sync_copy(buf2.at[0], acc.at[pl.ds(s * RPS + k * CH, CH)])
    plsc.subcore_barrier()

    rbase = s * nslab * 2 * SLAB

    def slab_rows(t):
      return idx.at[c, pl.ds(rbase + t * 2 * SLAB, 2 * SLAB)]

    pltpu.async_copy(slab_rows(0), idxbuf.at[0], isem.at[0])
    pltpu.async_copy(slab_rows(1), idxbuf.at[1], isem.at[1])

    def slab_loop(t, _):
      p = t % 2
      ib = idxbuf.at[p]
      pltpu.make_async_copy(slab_rows(t), ib, isem.at[p]).wait()
      for b in range(2):
        pltpu.async_copy(table.at[ib.at[b]], buf2.at[b], gsem.at[b])

      def chunk(j, _):
        b = j % 2
        pltpu.make_async_copy(table.at[ib.at[j]], buf2.at[b],
                              gsem.at[b]).wait()
        sd = pltpu.async_copy(buf2.at[b], acc.at[ib.at[SLAB + j]],
                              ssem.at[b], add=True)

        @pl.when(j + 2 < SLAB)
        def _():
          sd.wait()
          pltpu.async_copy(table.at[ib.at[j + 2]], buf2.at[b], gsem.at[b])

        return 0

      lax.fori_loop(0, SLAB, chunk, 0)
      for b in range(2):
        pltpu.make_async_copy(buf2.at[b],
                              acc.at[ib.at[2 * SLAB - 2 + b]],
                              ssem.at[b]).wait()

      @pl.when(t + 2 < nslab)
      def _():
        pltpu.async_copy(slab_rows(t + 2), idxbuf.at[p], isem.at[p])

      return 0

    lax.fori_loop(0, nslab, slab_loop, 0)
    plsc.subcore_barrier()

    pltpu.sync_copy(acc.at[pl.ds(s * RPS, RPS)],
                    out.at[c, pl.ds(s * RPS, RPS)])

  return agg


@functools.lru_cache(maxsize=None)
def _make_sc_deg():
  nchunk = EPW // CH

  @functools.partial(
      pl.kernel,
      out_type=jax.ShapeDtypeStruct((NC, NS, HIST), jnp.float32),
      mesh=plsc.VectorSubcoreMesh(core_axis_name="c", subcore_axis_name="s",
                                  num_cores=NC, num_subcores=NS),
      compiler_params=pltpu.CompilerParams(needs_layout_passes=False),
      scratch_types=[
          pltpu.VMEM((nchunk, CH), jnp.int32),
          pltpu.VMEM((HIST,), jnp.float32),
      ],
  )
  def deg(dsts, out, didx, hist):
    c = lax.axis_index("c")
    s = lax.axis_index("s")
    pltpu.sync_copy(dsts.at[c, pl.ds(s * nchunk, nchunk)], didx)
    z16 = jnp.zeros((16,), jnp.float32)
    o16 = jnp.ones((16,), jnp.float32)

    def zr(i, _):
      hist[pl.ds(i * 16, 16)] = z16
      return 0

    lax.fori_loop(0, HIST // 16, zr, 0)

    def step(i, _):
      j = i // (CH // 16)
      k = i % (CH // 16)
      idx_v = didx[j, pl.ds(k * 16, 16)]
      plsc.addupdate_scatter(hist, [idx_v], o16)
      return 0

    lax.fori_loop(0, nchunk * (CH // 16), step, 0)
    pltpu.sync_copy(hist, out.at[c, s])

  return deg



def _tc_pre_body(x_ref, w_ref, dsum_ref, dinv_ref, p_ref):
  dv = lax.rsqrt(dsum_ref[...])
  dinv_ref[...] = dv
  p = jnp.dot(x_ref[...], w_ref[...], preferred_element_type=jnp.float32) * dv
  p_ref[0] = p[:, : HID // 2]
  p_ref[1] = p[:, HID // 2 :]


def _tc_pre(x, W1, dsum):
  return pl.pallas_call(
      _tc_pre_body,
      grid=(GRID,),
      in_specs=[
          pl.BlockSpec((RB, IN), lambda i: (i, 0)),
          pl.BlockSpec((IN, HID), lambda i: (0, 0)),
          pl.BlockSpec((RB, 1), lambda i: (i, 0)),
      ],
      out_specs=[
          pl.BlockSpec((RB, 1), lambda i: (i, 0)),
          pl.BlockSpec((2, RB, HID // 2), lambda i: (0, i, 0)),
      ],
      out_shape=[
          jax.ShapeDtypeStruct((N, 1), jnp.float32),
          jax.ShapeDtypeStruct((2, N, HID // 2), jnp.float32),
      ],
  )(x, W1, dsum)


def _tc_layer_body(k, agg_ref, p_ref, dinv_ref, b_ref, w_ref, sw_ref,
                   fused_ref, pn_ref, fout_ref):
  dv = dinv_ref[...]
  h = jnp.concatenate([agg_ref[0] + p_ref[0], agg_ref[1] + p_ref[1]], axis=-1)
  h = jnp.maximum(h * dv + b_ref[...], 0.0)
  fout_ref[...] = fused_ref[...] + sw_ref[k] * h
  pn = jnp.dot(h, w_ref[...], preferred_element_type=jnp.float32) * dv
  pn_ref[0] = pn[:, : HID // 2]
  pn_ref[1] = pn[:, HID // 2 :]


def _tc_layer(k, agg, P, dinv, b, Wn, sw, fused):
  return pl.pallas_call(
      functools.partial(_tc_layer_body, k),
      grid=(GRID,),
      in_specs=[
          pl.BlockSpec((2, RB, HID // 2), lambda i: (0, i, 0)),
          pl.BlockSpec((2, RB, HID // 2), lambda i: (0, i, 0)),
          pl.BlockSpec((RB, 1), lambda i: (i, 0)),
          pl.BlockSpec((1, HID), lambda i: (0, 0)),
          pl.BlockSpec((HID, HID), lambda i: (0, 0)),
          pl.BlockSpec(memory_space=pltpu.SMEM),
          pl.BlockSpec((RB, HID), lambda i: (i, 0)),
      ],
      out_specs=[
          pl.BlockSpec((2, RB, HID // 2), lambda i: (0, i, 0)),
          pl.BlockSpec((RB, HID), lambda i: (i, 0)),
      ],
      out_shape=[
          jax.ShapeDtypeStruct((2, N, HID // 2), jnp.float32),
          jax.ShapeDtypeStruct((N, HID), jnp.float32),
      ],
  )(agg, P, dinv, b, Wn, sw, fused)


def _tc_layer4_body(agg_ref, p_ref, dinv_ref, b_ref, wf_ref, sw_ref,
                    fused_ref, pf_ref):
  dv = dinv_ref[...]
  h = jnp.concatenate([agg_ref[0] + p_ref[0], agg_ref[1] + p_ref[1]], axis=-1)
  h = jnp.maximum(h * dv + b_ref[...], 0.0)
  fused = fused_ref[...] + sw_ref[3] * h
  pf_ref[...] = jnp.dot(
      fused, wf_ref[...], preferred_element_type=jnp.float32) * dv


def _tc_layer4(agg, P, dinv, b, Wf, sw, fused):
  return pl.pallas_call(
      _tc_layer4_body,
      grid=(GRID,),
      in_specs=[
          pl.BlockSpec((2, RB, HID // 2), lambda i: (0, i, 0)),
          pl.BlockSpec((2, RB, HID // 2), lambda i: (0, i, 0)),
          pl.BlockSpec((RB, 1), lambda i: (i, 0)),
          pl.BlockSpec((1, HID), lambda i: (0, 0)),
          pl.BlockSpec((HID, OUT), lambda i: (0, 0)),
          pl.BlockSpec(memory_space=pltpu.SMEM),
          pl.BlockSpec((RB, HID), lambda i: (i, 0)),
      ],
      out_specs=[
          pl.BlockSpec((RB, OUT), lambda i: (i, 0)),
      ],
      out_shape=[
          jax.ShapeDtypeStruct((N, OUT), jnp.float32),
      ],
  )(agg, P, dinv, b, Wf, sw, fused)[0]


def _tc_final_body(agg_ref, p_ref, dinv_ref, b_ref, out_ref):
  o = agg_ref[0] + agg_ref[1] + p_ref[...]
  out_ref[...] = o * dinv_ref[...] + b_ref[...]


def _tc_final(agg, P, dinv, b):
  return pl.pallas_call(
      _tc_final_body,
      grid=(GRID,),
      in_specs=[
          pl.BlockSpec((2, RB, OUT), lambda i: (0, i, 0)),
          pl.BlockSpec((RB, OUT), lambda i: (i, 0)),
          pl.BlockSpec((RB, 1), lambda i: (i, 0)),
          pl.BlockSpec((1, OUT), lambda i: (0, 0)),
      ],
      out_specs=pl.BlockSpec((RB, OUT), lambda i: (i, 0)),
      out_shape=jax.ShapeDtypeStruct((N, OUT), jnp.float32),
  )(agg, P, dinv, b)



def kernel(x, edge_index, W1, b1, W2, b2, W3, b3, W4, b4, Wf, bf,
           scale_weights):
  src = edge_index[0]
  dst = edge_index[1]

  def _slabbed(s_arr, d_arr, nsplit, per, off):
    s5 = s_arr.reshape(nsplit, per // _EGRAN * 2, SLAB, CH)
    d5 = d_arr.reshape(nsplit, per // _EGRAN * 2, SLAB, CH)
    return jnp.concatenate([s5 + off, d5], axis=2).reshape(nsplit, -1, CH)

  pad = EPS - E // NS
  srcp = jnp.concatenate(
      [src.reshape(NS, E // NS),
       jnp.zeros((NS, pad), jnp.int32)], axis=1)
  dstp = jnp.concatenate(
      [dst.reshape(NS, E // NS),
       jnp.full((NS, pad), DUMMY, jnp.int32)], axis=1)
  idx2 = jnp.concatenate([
      _slabbed(srcp, dstp, 1, NS * EPS, 0),
      _slabbed(srcp, dstp, 1, NS * EPS, N),
  ])

  padw = EPW - E // (NC * NS)
  srcw = jnp.concatenate(
      [src.reshape(NC * NS, E // (NC * NS)),
       jnp.zeros((NC * NS, padw), jnp.int32)], axis=1)
  dstwf = jnp.concatenate(
      [dst.reshape(NC * NS, E // (NC * NS)),
       jnp.full((NC * NS, padw), DUMMY, jnp.int32)], axis=1)
  idxw = _slabbed(srcw.reshape(NC, NS * EPW), dstwf.reshape(NC, NS * EPW),
                  NC, NS * EPW, 0)
  dstw = dstwf.reshape(NC, NS * (EPW // CH), CH)

  deg2 = _make_sc_deg()(dstw)
  dsum = (jnp.sum(deg2, axis=(0, 1))[:N] + 1.0).reshape(N, 1)

  dinv, P = _tc_pre(x, W1, dsum)

  sw = jax.nn.softmax(scale_weights)
  fused = jnp.zeros((N, HID), jnp.float32)

  sc_agg128 = _make_sc_agg(HID // 2, EPS // CH)
  for k, (b, Wn) in enumerate(((b1, W2), (b2, W3), (b3, W4))):
    agg = sc_agg128(P.reshape(2 * N, HID // 2), idx2)
    P, fused = _tc_layer(k, agg, P, dinv, b.reshape(1, HID), Wn, sw, fused)

  agg = sc_agg128(P.reshape(2 * N, HID // 2), idx2)
  Pf = _tc_layer4(agg, P, dinv, b4.reshape(1, HID), Wf, sw, fused)

  aggf = _make_sc_agg(OUT, EPW // CH)(Pf, idxw)
  return _tc_final(aggf, Pf, dinv, bf.reshape(1, OUT))

# --- scband reference (transcript-rebuilt; emitter-appended) ---
"""Pipeline reference for scband-fgnn-50611894616310 (READ-ONLY COPY).

The authoritative reference and input builder live on the scoring server;
editing this copy changes nothing except your own understanding.
"""

import jax, jax.numpy as jnp
import numpy as np

N = 10000
E = 320000
IN = 128
HID = 256
OUT = 128
NUM_SCALES = 4


def _glorot(k, fi, fo):
    s = (6.0 / (fi + fo)) ** 0.5
    return jax.random.uniform(k, (fi, fo), jnp.float32, -s, s)


def setup_inputs(seed: int = 0) -> dict:
    key = jax.random.key(seed)
    ks = jax.random.split(key, 8)
    x = jax.random.normal(ks[0], (N, IN), dtype=jnp.float32)
    edge_index = jax.random.randint(ks[1], (2, E), 0, N, dtype=jnp.int32)
    W1 = _glorot(ks[2], IN, HID)
    b1 = jnp.zeros((HID,), jnp.float32)
    W2 = _glorot(ks[3], HID, HID)
    b2 = jnp.zeros((HID,), jnp.float32)
    W3 = _glorot(ks[4], HID, HID)
    b3 = jnp.zeros((HID,), jnp.float32)
    W4 = _glorot(ks[5], HID, HID)
    b4 = jnp.zeros((HID,), jnp.float32)
    Wf = _glorot(ks[6], HID, OUT)
    bf = jnp.zeros((OUT,), jnp.float32)
    scale_weights = jnp.ones((NUM_SCALES,), jnp.float32)
    return {
        "x": x, "edge_index": edge_index,
        "W1": W1, "b1": b1, "W2": W2, "b2": b2,
        "W3": W3, "b3": b3, "W4": W4, "b4": b4,
        "Wf": Wf, "bf": bf, "scale_weights": scale_weights,
    }


def _gcn(h, src, dst, norm, W, b):
    # GCNConv: linear transform, then normalized scatter-add aggregation, then bias
    h = h @ W
    msg = h[src] * norm[:, None]
    out = jax.ops.segment_sum(msg, dst, num_segments=N)
    return out + b


def reference(x, edge_index, W1, b1, W2, b2, W3, b3, W4, b4, Wf, bf, scale_weights):
    # add self-loops and compute symmetric GCN normalization (shared by all layers)
    loop = jnp.arange(N, dtype=edge_index.dtype)
    src = jnp.concatenate([edge_index[0], loop])
    dst = jnp.concatenate([edge_index[1], loop])
    deg = jax.ops.segment_sum(jnp.ones(src.shape[0], dtype=x.dtype), dst, num_segments=N)
    dinv = jnp.where(deg > 0, deg ** -0.5, 0.0)
    norm = dinv[src] * dinv[dst]

    feats = []
    h = x
    for (W, b) in ((W1, b1), (W2, b2), (W3, b3), (W4, b4)):
        h = jax.nn.relu(_gcn(h, src, dst, norm, W, b))
        feats.append(h)
    sf = jnp.stack(feats, axis=-1)  # [N, HID, num_scales]
    w = jax.nn.softmax(scale_weights, axis=0)
    h = jnp.sum(sf * w, axis=-1)
    return _gcn(h, src, dst, norm, Wf, bf)

if __name__ == "__main__":
    import jax
    _d = setup_inputs()
    print(jax.jit(kernel)(*tuple(_d.values())))

</pallas_src>

<mosaic_0001>
#map = affine_map<(d0, d1) -> (0, 0)>
#map1 = affine_map<(d0, d1) -> (0, 0, 0)>
module attributes {stable_mosaic.version = 14 : i64} {
  func.func @agg(%arg0: i32, %arg1: i32, %arg2: memref<20000x128xf32, #tpu.memory_space<hbm>>, %arg3: memref<2x5120x128xi32, #tpu.memory_space<hbm>>, %arg4: memref<2x10240x128xf32, #tpu.memory_space<hbm>>, %arg5: memref<2x40x128xi32, #tpu.memory_space<vmem>>, %arg6: memref<2x128x128xf32, #tpu.memory_space<vmem>>, %arg7: memref<10240x128xf32, #tpu.memory_space<vmem_shared>>, %arg8: memref<2x!tpu.dma_semaphore, #tpu.memory_space<semaphore_mem>>, %arg9: memref<2x!tpu.dma_semaphore, #tpu.memory_space<semaphore_mem>>, %arg10: memref<2x!tpu.dma_semaphore, #tpu.memory_space<semaphore_mem>>) attributes {dimension_semantics = [#tpu.dimension_semantics<core_parallel>, #tpu.dimension_semantics<subcore_parallel>], iteration_bounds = array<i64: 2, 16>, scalar_prefetch = 0 : i64, scratch_operands = 6 : i64, tpu.core_type = #tpu.core_type<sc_vector_subcore>, window_params = [{transform_indices = #map}, {transform_indices = #map1}, {transform_indices = #map1}]} {
    %broadcast_in_dim3A = arith.constant 0.000000e+00 : f32
    %broadcast_in_dim3A_0 = vector.broadcast %broadcast_in_dim3A : f32 to vector<16xf32>
    %scan3A = arith.constant 0 : i32
    %scan3A_1 = arith.constant 0 : i32
    %scan3A_2 = arith.constant 128 : i32
    %scan3A_3 = arith.addi %scan3A_1, %scan3A_2 : i32
    %scan3A_4 = arith.constant 1 : i32
    %scan3A_5 = scf.for %scan3A_86 = %scan3A_1 to %scan3A_3 step %scan3A_4 iter_args(%scan3A_87 = %scan3A) -> (i32)  : i32 {
      %swap3A = arith.constant 0 : i32
      %swap3A_88 = arith.index_cast %swap3A : i32 to index
      %swap3A_89 = arith.index_cast %scan3A_86 : i32 to index
      %swap3A_90 = arith.constant 0 : index
      %swap3A_91 = tpu.vector_load %arg6[%swap3A_88, %swap3A_89, %swap3A_90] {strides = array<i32>} : memref<2x128x128xf32, #tpu.memory_space<vmem>>, vector<1x1x16xf32>,
      %swap3A_92 = vector.shape_cast %swap3A_91 : vector<1x1x16xf32> to vector<16xf32>
      %swap3A_93 = vector.shape_cast %broadcast_in_dim3A_0 : vector<16xf32> to vector<1x1x16xf32>
      tpu.vector_store %arg6[%swap3A_88, %swap3A_89, %swap3A_90], %swap3A_93 {strides = array<i32>} : memref<2x128x128xf32, #tpu.memory_space<vmem>>, vector<1x1x16xf32>,
      %swap3A_94 = arith.constant 0 : i32
      %swap3A_95 = arith.index_cast %swap3A_94 : i32 to index
      %swap3A_96 = arith.index_cast %scan3A_86 : i32 to index
      %swap3A_97 = arith.constant 16 : index
      %swap3A_98 = tpu.vector_load %arg6[%swap3A_95, %swap3A_96, %swap3A_97] {strides = array<i32>} : memref<2x128x128xf32, #tpu.memory_space<vmem>>, vector<1x1x16xf32>,
      %swap3A_99 = vector.shape_cast %swap3A_98 : vector<1x1x16xf32> to vector<16xf32>
      %swap3A_100 = vector.shape_cast %broadcast_in_dim3A_0 : vector<16xf32> to vector<1x1x16xf32>
      tpu.vector_store %arg6[%swap3A_95, %swap3A_96, %swap3A_97], %swap3A_100 {strides = array<i32>} : memref<2x128x128xf32, #tpu.memory_space<vmem>>, vector<1x1x16xf32>,
      %swap3A_101 = arith.constant 0 : i32
      %swap3A_102 = arith.index_cast %swap3A_101 : i32 to index
      %swap3A_103 = arith.index_cast %scan3A_86 : i32 to index
      %swap3A_104 = arith.constant 32 : index
      %swap3A_105 = tpu.vector_load %arg6[%swap3A_102, %swap3A_103, %swap3A_104] {strides = array<i32>} : memref<2x128x128xf32, #tpu.memory_space<vmem>>, vector<1x1x16xf32>,
      %swap3A_106 = vector.shape_cast %swap3A_105 : vector<1x1x16xf32> to vector<16xf32>
      %swap3A_107 = vector.shape_cast %broadcast_in_dim3A_0 : vector<16xf32> to vector<1x1x16xf32>
      tpu.vector_store %arg6[%swap3A_102, %swap3A_103, %swap3A_104], %swap3A_107 {strides = array<i32>} : memref<2x128x128xf32, #tpu.memory_space<vmem>>, vector<1x1x16xf32>,
      %swap3A_108 = arith.constant 0 : i32
      %swap3A_109 = arith.index_cast %swap3A_108 : i32 to index
      %swap3A_110 = arith.index_cast %scan3A_86 : i32 to index
      %swap3A_111 = arith.constant 48 : index
      %swap3A_112 = tpu.vector_load %arg6[%swap3A_109, %swap3A_110, %swap3A_111] {strides = array<i32>} : memref<2x128x128xf32, #tpu.memory_space<vmem>>, vector<1x1x16xf32>,
      %swap3A_113 = vector.shape_cast %swap3A_112 : vector<1x1x16xf32> to vector<16xf32>
      %swap3A_114 = vector.shape_cast %broadcast_in_dim3A_0 : vector<16xf32> to vector<1x1x16xf32>
      tpu.vector_store %arg6[%swap3A_109, %swap3A_110, %swap3A_111], %swap3A_114 {strides = array<i32>} : memref<2x128x128xf32, #tpu.memory_space<vmem>>, vector<1x1x16xf32>,
      %swap3A_115 = arith.constant 0 : i32
      %swap3A_116 = arith.index_cast %swap3A_115 : i32 to index
      %swap3A_117 = arith.index_cast %scan3A_86 : i32 to index
      %swap3A_118 = arith.constant 64 : index
      %swap3A_119 = tpu.vector_load %arg6[%swap3A_116, %swap3A_117, %swap3A_118] {strides = array<i32>} : memref<2x128x128xf32, #tpu.memory_space<vmem>>, vector<1x1x16xf32>,
      %swap3A_120 = vector.shape_cast %swap3A_119 : vector<1x1x16xf32> to vector<16xf32>
      %swap3A_121 = vector.shape_cast %broadcast_in_dim3A_0 : vector<16xf32> to vector<1x1x16xf32>
      tpu.vector_store %arg6[%swap3A_116, %swap3A_117, %swap3A_118], %swap3A_121 {strides = array<i32>} : memref<2x128x128xf32, #tpu.memory_space<vmem>>, vector<1x1x16xf32>,
      %swap3A_122 = arith.constant 0 : i32
      %swap3A_123 = arith.index_cast %swap3A_122 : i32 to index
      %swap3A_124 = arith.index_cast %scan3A_86 : i32 to index
      %swap3A_125 = arith.constant 80 : index
      %swap3A_126 = tpu.vector_load %arg6[%swap3A_123, %swap3A_124, %swap3A_125] {strides = array<i32>} : memref<2x128x128xf32, #tpu.memory_space<vmem>>, vector<1x1x16xf32>,
      %swap3A_127 = vector.shape_cast %swap3A_126 : vector<1x1x16xf32> to vector<16xf32>
      %swap3A_128 = vector.shape_cast %broadcast_in_dim3A_0 : vector<16xf32> to vector<1x1x16xf32>
      tpu.vector_store %arg6[%swap3A_123, %swap3A_124, %swap3A_125], %swap3A_128 {strides = array<i32>} : memref<2x128x128xf32, #tpu.memory_space<vmem>>, vector<1x1x16xf32>,
      %swap3A_129 = arith.constant 0 : i32
      %swap3A_130 = arith.index_cast %swap3A_129 : i32 to index
      %swap3A_131 = arith.index_cast %scan3A_86 : i32 to index
      %swap3A_132 = arith.constant 96 : index
      %swap3A_133 = tpu.vector_load %arg6[%swap3A_130, %swap3A_131, %swap3A_132] {strides = array<i32>} : memref<2x128x128xf32, #tpu.memory_space<vmem>>, vector<1x1x16xf32>,
      %swap3A_134 = vector.shape_cast %swap3A_133 : vector<1x1x16xf32> to vector<16xf32>
      %swap3A_135 = vector.shape_cast %broadcast_in_dim3A_0 : vector<16xf32> to vector<1x1x16xf32>
      tpu.vector_store %arg6[%swap3A_130, %swap3A_131, %swap3A_132], %swap3A_135 {strides = array<i32>} : memref<2x128x128xf32, #tpu.memory_space<vmem>>, vector<1x1x16xf32>,
      %swap3A_136 = arith.constant 0 : i32
      %swap3A_137 = arith.index_cast %swap3A_136 : i32 to index
      %swap3A_138 = arith.index_cast %scan3A_86 : i32 to index
      %swap3A_139 = arith.constant 112 : index
      %swap3A_140 = tpu.vector_load %arg6[%swap3A_137, %swap3A_138, %swap3A_139] {strides = array<i32>} : memref<2x128x128xf32, #tpu.memory_space<vmem>>, vector<1x1x16xf32>,
      %swap3A_141 = vector.shape_cast %swap3A_140 : vector<1x1x16xf32> to vector<16xf32>
      %swap3A_142 = vector.shape_cast %broadcast_in_dim3A_0 : vector<16xf32> to vector<1x1x16xf32>
      tpu.vector_store %arg6[%swap3A_137, %swap3A_138, %swap3A_139], %swap3A_142 {strides = array<i32>} : memref<2x128x128xf32, #tpu.memory_space<vmem>>, vector<1x1x16xf32>,
      %scan3A_143 = arith.constant 0 : i32
      scf.yield %scan3A_143 : i32
    }
    %scan3A_6 = arith.constant 128 : i32
    %mul3A = arith.constant 640 : i32
    %mul3A_7 = arith.muli %arg1, %mul3A : i32
    %add3A = arith.constant 0 : i32
    %add3A_8 = arith.addi %mul3A_7, %add3A : i32
    %run_scoped3A = arith.constant 0 : i32
    "tpu.region"() ({
      %run_scoped3A_86 = tpu.sem_alloc : memref<!tpu.dma_semaphore, #tpu.memory_space<semaphore_mem>>
      %dma_start3A_87 = arith.constant 0 : i32
      %dma_start3A_88 = arith.constant 0 : i32
      %dma_start3A_89 = tpu.memref_slice %arg6[%run_scoped3A, %dma_start3A_87, %dma_start3A_88] : memref<2x128x128xf32, #tpu.memory_space<vmem>> -> memref<1x128x128xf32, #tpu.memory_space<vmem>>
      %dma_start3A_90 = tpu.memref_squeeze %dma_start3A_89 : memref<1x128x128xf32, #tpu.memory_space<vmem>> -> memref<128x128xf32, #tpu.memory_space<vmem>>
      %dma_start3A_91 = arith.constant 0 : i32
      %dma_start3A_92 = tpu.memref_slice %arg7[%add3A_8, %dma_start3A_91] : memref<10240x128xf32, #tpu.memory_space<vmem_shared>> -> memref<128x128xf32, #tpu.memory_space<vmem_shared>>
      %dma_start3A_93 = arith.constant 0 : i32
      %dma_start3A_94 = tpu.memref_slice %arg7[%add3A_8, %dma_start3A_93] : memref<10240x128xf32, #tpu.memory_space<vmem_shared>> -> memref<128x128xf32, #tpu.memory_space<vmem_shared>>
      %dma_start3A_95 = arith.constant 0 : i32
      %dma_start3A_96 = arith.constant 0 : i32
      %dma_start3A_97 = tpu.memref_slice %arg6[%run_scoped3A, %dma_start3A_95, %dma_start3A_96] : memref<2x128x128xf32, #tpu.memory_space<vmem>> -> memref<1x128x128xf32, #tpu.memory_space<vmem>>
      %dma_start3A_98 = tpu.memref_squeeze %dma_start3A_97 : memref<1x128x128xf32, #tpu.memory_space<vmem>> -> memref<128x128xf32, #tpu.memory_space<vmem>>
      tpu.enqueue_dma source(%dma_start3A_98 : memref<128x128xf32, #tpu.memory_space<vmem>>) target(%dma_start3A_94 : memref<128x128xf32, #tpu.memory_space<vmem_shared>>) target_semaphore(%run_scoped3A_86 : memref<!tpu.dma_semaphore, #tpu.memory_space<semaphore_mem>>)
      %dma_wait3A = arith.constant 0 : i32
      %dma_wait3A_99 = arith.constant 0 : i32
      %dma_wait3A_100 = tpu.memref_slice %arg6[%run_scoped3A, %dma_wait3A, %dma_wait3A_99] : memref<2x128x128xf32, #tpu.memory_space<vmem>> -> memref<1x128x128xf32, #tpu.memory_space<vmem>>
      %dma_wait3A_101 = tpu.memref_squeeze %dma_wait3A_100 : memref<1x128x128xf32, #tpu.memory_space<vmem>> -> memref<128x128xf32, #tpu.memory_space<vmem>>
      %dma_wait3A_102 = arith.constant 0 : i32
      %dma_wait3A_103 = tpu.memref_slice %arg7[%add3A_8, %dma_wait3A_102] : memref<10240x128xf32, #tpu.memory_space<vmem_shared>> -> memref<128x128xf32, #tpu.memory_space<vmem_shared>>
      %dma_wait3A_104 = arith.constant 0 : i32
      %dma_wait3A_105 = tpu.memref_slice %arg7[%add3A_8, %dma_wait3A_104] : memref<10240x128xf32, #tpu.memory_space<vmem_shared>> -> memref<128x128xf32, #tpu.memory_space<vmem_shared>>
      %dma_wait3A_106 = arith.constant 0 : i32
      %dma_wait3A_107 = arith.constant 0 : i32
      %dma_wait3A_108 = tpu.memref_slice %arg6[%run_scoped3A, %dma_wait3A_106, %dma_wait3A_107] : memref<2x128x128xf32, #tpu.memory_space<vmem>> -> memref<1x128x128xf32, #tpu.memory_space<vmem>>
      %dma_wait3A_109 = tpu.memref_squeeze %dma_wait3A_108 : memref<1x128x128xf32, #tpu.memory_space<vmem>> -> memref<128x128xf32, #tpu.memory_space<vmem>>
      tpu.wait_dma2 semaphore(%run_scoped3A_86 : memref<!tpu.dma_semaphore, #tpu.memory_space<semaphore_mem>>) src(%dma_wait3A_109 : memref<128x128xf32, #tpu.memory_space<vmem>>) dst(%dma_wait3A_105 : memref<128x128xf32, #tpu.memory_space<vmem_shared>>)
      tpu.yield
    }) : () -> ()
    %mul3A_9 = arith.constant 640 : i32
    %mul3A_10 = arith.muli %arg1, %mul3A_9 : i32
    %add3A_11 = arith.constant 128 : i32
    %add3A_12 = arith.addi %mul3A_10, %add3A_11 : i32
    %run_scoped3A_13 = arith.constant 0 : i32
    "tpu.region"() ({
      %run_scoped3A_86 = tpu.sem_alloc : memref<!tpu.dma_semaphore, #tpu.memory_space<semaphore_mem>>
      %dma_start3A_87 = arith.constant 0 : i32
      %dma_start3A_88 = arith.constant 0 : i32
      %dma_start3A_89 = tpu.memref_slice %arg6[%run_scoped3A_13, %dma_start3A_87, %dma_start3A_88] : memref<2x128x128xf32, #tpu.memory_space<vmem>> -> memref<1x128x128xf32, #tpu.memory_space<vmem>>
      %dma_start3A_90 = tpu.memref_squeeze %dma_start3A_89 : memref<1x128x128xf32, #tpu.memory_space<vmem>> -> memref<128x128xf32, #tpu.memory_space<vmem>>
      %dma_start3A_91 = arith.constant 0 : i32
      %dma_start3A_92 = tpu.memref_slice %arg7[%add3A_12, %dma_start3A_91] : memref<10240x128xf32, #tpu.memory_space<vmem_shared>> -> memref<128x128xf32, #tpu.memory_space<vmem_shared>>
      %dma_start3A_93 = arith.constant 0 : i32
      %dma_start3A_94 = tpu.memref_slice %arg7[%add3A_12, %dma_start3A_93] : memref<10240x128xf32, #tpu.memory_space<vmem_shared>> -> memref<128x128xf32, #tpu.memory_space<vmem_shared>>
      %dma_start3A_95 = arith.constant 0 : i32
      %dma_start3A_96 = arith.constant 0 : i32
      %dma_start3A_97 = tpu.memref_slice %arg6[%run_scoped3A_13, %dma_start3A_95, %dma_start3A_96] : memref<2x128x128xf32, #tpu.memory_space<vmem>> -> memref<1x128x128xf32, #tpu.memory_space<vmem>>
      %dma_start3A_98 = tpu.memref_squeeze %dma_start3A_97 : memref<1x128x128xf32, #tpu.memory_space<vmem>> -> memref<128x128xf32, #tpu.memory_space<vmem>>
      tpu.enqueue_dma source(%dma_start3A_98 : memref<128x128xf32, #tpu.memory_space<vmem>>) target(%dma_start3A_94 : memref<128x128xf32, #tpu.memory_space<vmem_shared>>) target_semaphore(%run_scoped3A_86 : memref<!tpu.dma_semaphore, #tpu.memory_space<semaphore_mem>>)
      %dma_wait3A = arith.constant 0 : i32
      %dma_wait3A_99 = arith.constant 0 : i32
      %dma_wait3A_100 = tpu.memref_slice %arg6[%run_scoped3A_13, %dma_wait3A, %dma_wait3A_99] : memref<2x128x128xf32, #tpu.memory_space<vmem>> -> memref<1x128x128xf32, #tpu.memory_space<vmem>>
      %dma_wait3A_101 = tpu.memref_squeeze %dma_wait3A_100 : memref<1x128x128xf32, #tpu.memory_space<vmem>> -> memref<128x128xf32, #tpu.memory_space<vmem>>
      %dma_wait3A_102 = arith.constant 0 : i32
      %dma_wait3A_103 = tpu.memref_slice %arg7[%add3A_12, %dma_wait3A_102] : memref<10240x128xf32, #tpu.memory_space<vmem_shared>> -> memref<128x128xf32, #tpu.memory_space<vmem_shared>>
      %dma_wait3A_104 = arith.constant 0 : i32
      %dma_wait3A_105 = tpu.memref_slice %arg7[%add3A_12, %dma_wait3A_104] : memref<10240x128xf32, #tpu.memory_space<vmem_shared>> -> memref<128x128xf32, #tpu.memory_space<vmem_shared>>
      %dma_wait3A_106 = arith.constant 0 : i32
      %dma_wait3A_107 = arith.constant 0 : i32
      %dma_wait3A_108 = tpu.memref_slice %arg6[%run_scoped3A_13, %dma_wait3A_106, %dma_wait3A_107] : memref<2x128x128xf32, #tpu.memory_space<vmem>> -> memref<1x128x128xf32, #tpu.memory_space<vmem>>
      %dma_wait3A_109 = tpu.memref_squeeze %dma_wait3A_108 : memref<1x128x128xf32, #tpu.memory_space<vmem>> -> memref<128x128xf32, #tpu.memory_space<vmem>>
      tpu.wait_dma2 semaphore(%run_scoped3A_86 : memref<!tpu.dma_semaphore, #tpu.memory_space<semaphore_mem>>) src(%dma_wait3A_109 : memref<128x128xf32, #tpu.memory_space<vmem>>) dst(%dma_wait3A_105 : memref<128x128xf32, #tpu.memory_space<vmem_shared>>)
      tpu.yield
    }) : () -> ()
    %mul3A_14 = arith.constant 640 : i32
    %mul3A_15 = arith.muli %arg1, %mul3A_14 : i32
    %add3A_16 = arith.constant 256 : i32
    %add3A_17 = arith.addi %mul3A_15, %add3A_16 : i32
    %run_scoped3A_18 = arith.constant 0 : i32
    "tpu.region"() ({
      %run_scoped3A_86 = tpu.sem_alloc : memref<!tpu.dma_semaphore, #tpu.memory_space<semaphore_mem>>
      %dma_start3A_87 = arith.constant 0 : i32
      %dma_start3A_88 = arith.constant 0 : i32
      %dma_start3A_89 = tpu.memref_slice %arg6[%run_scoped3A_18, %dma_start3A_87, %dma_start3A_88] : memref<2x128x128xf32, #tpu.memory_space<vmem>> -> memref<1x128x128xf32, #tpu.memory_space<vmem>>
      %dma_start3A_90 = tpu.memref_squeeze %dma_start3A_89 : memref<1x128x128xf32, #tpu.memory_space<vmem>> -> memref<128x128xf32, #tpu.memory_space<vmem>>
      %dma_start3A_91 = arith.constant 0 : i32
      %dma_start3A_92 = tpu.memref_slice %arg7[%add3A_17, %dma_start3A_91] : memref<10240x128xf32, #tpu.memory_space<vmem_shared>> -> memref<128x128xf32, #tpu.memory_space<vmem_shared>>
      %dma_start3A_93 = arith.constant 0 : i32
      %dma_start3A_94 = tpu.memref_slice %arg7[%add3A_17, %dma_start3A_93] : memref<10240x128xf32, #tpu.memory_space<vmem_shared>> -> memref<128x128xf32, #tpu.memory_space<vmem_shared>>
      %dma_start3A_95 = arith.constant 0 : i32
      %dma_start3A_96 = arith.constant 0 : i32
      %dma_start3A_97 = tpu.memref_slice %arg6[%run_scoped3A_18, %dma_start3A_95, %dma_start3A_96] : memref<2x128x128xf32, #tpu.memory_space<vmem>> -> memref<1x128x128xf32, #tpu.memory_space<vmem>>
      %dma_start3A_98 = tpu.memref_squeeze %dma_start3A_97 : memref<1x128x128xf32, #tpu.memory_space<vmem>> -> memref<128x128xf32, #tpu.memory_space<vmem>>
      tpu.enqueue_dma source(%dma_start3A_98 : memref<128x128xf32, #tpu.memory_space<vmem>>) target(%dma_start3A_94 : memref<128x128xf32, #tpu.memory_space<vmem_shared>>) target_semaphore(%run_scoped3A_86 : memref<!tpu.dma_semaphore, #tpu.memory_space<semaphore_mem>>)
      %dma_wait3A = arith.constant 0 : i32
      %dma_wait3A_99 = arith.constant 0 : i32
      %dma_wait3A_100 = tpu.memref_slice %arg6[%run_scoped3A_18, %dma_wait3A, %dma_wait3A_99] : memref<2x128x128xf32, #tpu.memory_space<vmem>> -> memref<1x128x128xf32, #tpu.memory_space<vmem>>
      %dma_wait3A_101 = tpu.memref_squeeze %dma_wait3A_100 : memref<1x128x128xf32, #tpu.memory_space<vmem>> -> memref<128x128xf32, #tpu.memory_space<vmem>>
      %dma_wait3A_102 = arith.constant 0 : i32
      %dma_wait3A_103 = tpu.memref_slice %arg7[%add3A_17, %dma_wait3A_102] : memref<10240x128xf32, #tpu.memory_space<vmem_shared>> -> memref<128x128xf32, #tpu.memory_space<vmem_shared>>
      %dma_wait3A_104 = arith.constant 0 : i32
      %dma_wait3A_105 = tpu.memref_slice %arg7[%add3A_17, %dma_wait3A_104] : memref<10240x128xf32, #tpu.memory_space<vmem_shared>> -> memref<128x128xf32, #tpu.memory_space<vmem_shared>>
      %dma_wait3A_106 = arith.constant 0 : i32
      %dma_wait3A_107 = arith.constant 0 : i32
      %dma_wait3A_108 = tpu.memref_slice %arg6[%run_scoped3A_18, %dma_wait3A_106, %dma_wait3A_107] : memref<2x128x128xf32, #tpu.memory_space<vmem>> -> memref<1x128x128xf32, #tpu.memory_space<vmem>>
      %dma_wait3A_109 = tpu.memref_squeeze %dma_wait3A_108 : memref<1x128x128xf32, #tpu.memory_space<vmem>> -> memref<128x128xf32, #tpu.memory_space<vmem>>
      tpu.wait_dma2 semaphore(%run_scoped3A_86 : memref<!tpu.dma_semaphore, #tpu.memory_space<semaphore_mem>>) src(%dma_wait3A_109 : memref<128x128xf32, #tpu.memory_space<vmem>>) dst(%dma_wait3A_105 : memref<128x128xf32, #tpu.memory_space<vmem_shared>>)
      tpu.yield
    }) : () -> ()
    %mul3A_19 = arith.constant 640 : i32
    %mul3A_20 = arith.muli %arg1, %mul3A_19 : i32
    %add3A_21 = arith.constant 384 : i32
    %add3A_22 = arith.addi %mul3A_20, %add3A_21 : i32
    %run_scoped3A_23 = arith.constant 0 : i32
    "tpu.region"() ({
      %run_scoped3A_86 = tpu.sem_alloc : memref<!tpu.dma_semaphore, #tpu.memory_space<semaphore_mem>>
      %dma_start3A_87 = arith.constant 0 : i32
      %dma_start3A_88 = arith.constant 0 : i32
      %dma_start3A_89 = tpu.memref_slice %arg6[%run_scoped3A_23, %dma_start3A_87, %dma_start3A_88] : memref<2x128x128xf32, #tpu.memory_space<vmem>> -> memref<1x128x128xf32, #tpu.memory_space<vmem>>
      %dma_start3A_90 = tpu.memref_squeeze %dma_start3A_89 : memref<1x128x128xf32, #tpu.memory_space<vmem>> -> memref<128x128xf32, #tpu.memory_space<vmem>>
      %dma_start3A_91 = arith.constant 0 : i32
      %dma_start3A_92 = tpu.memref_slice %arg7[%add3A_22, %dma_start3A_91] : memref<10240x128xf32, #tpu.memory_space<vmem_shared>> -> memref<128x128xf32, #tpu.memory_space<vmem_shared>>
      %dma_start3A_93 = arith.constant 0 : i32
      %dma_start3A_94 = tpu.memref_slice %arg7[%add3A_22, %dma_start3A_93] : memref<10240x128xf32, #tpu.memory_space<vmem_shared>> -> memref<128x128xf32, #tpu.memory_space<vmem_shared>>
      %dma_start3A_95 = arith.constant 0 : i32
      %dma_start3A_96 = arith.constant 0 : i32
      %dma_start3A_97 = tpu.memref_slice %arg6[%run_scoped3A_23, %dma_start3A_95, %dma_start3A_96] : memref<2x128x128xf32, #tpu.memory_space<vmem>> -> memref<1x128x128xf32, #tpu.memory_space<vmem>>
      %dma_start3A_98 = tpu.memref_squeeze %dma_start3A_97 : memref<1x128x128xf32, #tpu.memory_space<vmem>> -> memref<128x128xf32, #tpu.memory_space<vmem>>
      tpu.enqueue_dma source(%dma_start3A_98 : memref<128x128xf32, #tpu.memory_space<vmem>>) target(%dma_start3A_94 : memref<128x128xf32, #tpu.memory_space<vmem_shared>>) target_semaphore(%run_scoped3A_86 : memref<!tpu.dma_semaphore, #tpu.memory_space<semaphore_mem>>)
      %dma_wait3A = arith.constant 0 : i32
      %dma_wait3A_99 = arith.constant 0 : i32
      %dma_wait3A_100 = tpu.memref_slice %arg6[%run_scoped3A_23, %dma_wait3A, %dma_wait3A_99] : memref<2x128x128xf32, #tpu.memory_space<vmem>> -> memref<1x128x128xf32, #tpu.memory_space<vmem>>
      %dma_wait3A_101 = tpu.memref_squeeze %dma_wait3A_100 : memref<1x128x128xf32, #tpu.memory_space<vmem>> -> memref<128x128xf32, #tpu.memory_space<vmem>>
      %dma_wait3A_102 = arith.constant 0 : i32
      %dma_wait3A_103 = tpu.memref_slice %arg7[%add3A_22, %dma_wait3A_102] : memref<10240x128xf32, #tpu.memory_space<vmem_shared>> -> memref<128x128xf32, #tpu.memory_space<vmem_shared>>
      %dma_wait3A_104 = arith.constant 0 : i32
      %dma_wait3A_105 = tpu.memref_slice %arg7[%add3A_22, %dma_wait3A_104] : memref<10240x128xf32, #tpu.memory_space<vmem_shared>> -> memref<128x128xf32, #tpu.memory_space<vmem_shared>>
      %dma_wait3A_106 = arith.constant 0 : i32
      %dma_wait3A_107 = arith.constant 0 : i32
      %dma_wait3A_108 = tpu.memref_slice %arg6[%run_scoped3A_23, %dma_wait3A_106, %dma_wait3A_107] : memref<2x128x128xf32, #tpu.memory_space<vmem>> -> memref<1x128x128xf32, #tpu.memory_space<vmem>>
      %dma_wait3A_109 = tpu.memref_squeeze %dma_wait3A_108 : memref<1x128x128xf32, #tpu.memory_space<vmem>> -> memref<128x128xf32, #tpu.memory_space<vmem>>
      tpu.wait_dma2 semaphore(%run_scoped3A_86 : memref<!tpu.dma_semaphore, #tpu.memory_space<semaphore_mem>>) src(%dma_wait3A_109 : memref<128x128xf32, #tpu.memory_space<vmem>>) dst(%dma_wait3A_105 : memref<128x128xf32, #tpu.memory_space<vmem_shared>>)
      tpu.yield
    }) : () -> ()
    %mul3A_24 = arith.constant 640 : i32
    %mul3A_25 = arith.muli %arg1, %mul3A_24 : i32
    %add3A_26 = arith.constant 512 : i32
    %add3A_27 = arith.addi %mul3A_25, %add3A_26 : i32
    %run_scoped3A_28 = arith.constant 0 : i32
    "tpu.region"() ({
      %run_scoped3A_86 = tpu.sem_alloc : memref<!tpu.dma_semaphore, #tpu.memory_space<semaphore_mem>>
      %dma_start3A_87 = arith.constant 0 : i32
      %dma_start3A_88 = arith.constant 0 : i32
      %dma_start3A_89 = tpu.memref_slice %arg6[%run_scoped3A_28, %dma_start3A_87, %dma_start3A_88] : memref<2x128x128xf32, #tpu.memory_space<vmem>> -> memref<1x128x128xf32, #tpu.memory_space<vmem>>
      %dma_start3A_90 = tpu.memref_squeeze %dma_start3A_89 : memref<1x128x128xf32, #tpu.memory_space<vmem>> -> memref<128x128xf32, #tpu.memory_space<vmem>>
      %dma_start3A_91 = arith.constant 0 : i32
      %dma_start3A_92 = tpu.memref_slice %arg7[%add3A_27, %dma_start3A_91] : memref<10240x128xf32, #tpu.memory_space<vmem_shared>> -> memref<128x128xf32, #tpu.memory_space<vmem_shared>>
      %dma_start3A_93 = arith.constant 0 : i32
      %dma_start3A_94 = tpu.memref_slice %arg7[%add3A_27, %dma_start3A_93] : memref<10240x128xf32, #tpu.memory_space<vmem_shared>> -> memref<128x128xf32, #tpu.memory_space<vmem_shared>>
      %dma_start3A_95 = arith.constant 0 : i32
      %dma_start3A_96 = arith.constant 0 : i32
      %dma_start3A_97 = tpu.memref_slice %arg6[%run_scoped3A_28, %dma_start3A_95, %dma_start3A_96] : memref<2x128x128xf32, #tpu.memory_space<vmem>> -> memref<1x128x128xf32, #tpu.memory_space<vmem>>
      %dma_start3A_98 = tpu.memref_squeeze %dma_start3A_97 : memref<1x128x128xf32, #tpu.memory_space<vmem>> -> memref<128x128xf32, #tpu.memory_space<vmem>>
      tpu.enqueue_dma source(%dma_start3A_98 : memref<128x128xf32, #tpu.memory_space<vmem>>) target(%dma_start3A_94 : memref<128x128xf32, #tpu.memory_space<vmem_shared>>) target_semaphore(%run_scoped3A_86 : memref<!tpu.dma_semaphore, #tpu.memory_space<semaphore_mem>>)
      %dma_wait3A = arith.constant 0 : i32
      %dma_wait3A_99 = arith.constant 0 : i32
      %dma_wait3A_100 = tpu.memref_slice %arg6[%run_scoped3A_28, %dma_wait3A, %dma_wait3A_99] : memref<2x128x128xf32, #tpu.memory_space<vmem>> -> memref<1x128x128xf32, #tpu.memory_space<vmem>>
      %dma_wait3A_101 = tpu.memref_squeeze %dma_wait3A_100 : memref<1x128x128xf32, #tpu.memory_space<vmem>> -> memref<128x128xf32, #tpu.memory_space<vmem>>
      %dma_wait3A_102 = arith.constant 0 : i32
      %dma_wait3A_103 = tpu.memref_slice %arg7[%add3A_27, %dma_wait3A_102] : memref<10240x128xf32, #tpu.memory_space<vmem_shared>> -> memref<128x128xf32, #tpu.memory_space<vmem_shared>>
      %dma_wait3A_104 = arith.constant 0 : i32
      %dma_wait3A_105 = tpu.memref_slice %arg7[%add3A_27, %dma_wait3A_104] : memref<10240x128xf32, #tpu.memory_space<vmem_shared>> -> memref<128x128xf32, #tpu.memory_space<vmem_shared>>
      %dma_wait3A_106 = arith.constant 0 : i32
      %dma_wait3A_107 = arith.constant 0 : i32
      %dma_wait3A_108 = tpu.memref_slice %arg6[%run_scoped3A_28, %dma_wait3A_106, %dma_wait3A_107] : memref<2x128x128xf32, #tpu.memory_space<vmem>> -> memref<1x128x128xf32, #tpu.memory_space<vmem>>
      %dma_wait3A_109 = tpu.memref_squeeze %dma_wait3A_108 : memref<1x128x128xf32, #tpu.memory_space<vmem>> -> memref<128x128xf32, #tpu.memory_space<vmem>>
      tpu.wait_dma2 semaphore(%run_scoped3A_86 : memref<!tpu.dma_semaphore, #tpu.memory_space<semaphore_mem>>) src(%dma_wait3A_109 : memref<128x128xf32, #tpu.memory_space<vmem>>) dst(%dma_wait3A_105 : memref<128x128xf32, #tpu.memory_space<vmem_shared>>)
      tpu.yield
    }) : () -> ()
    %barrier3A = arith.constant 0 : index
    tpu.barrier barrier_id(%barrier3A)
    %mul3A_29 = arith.constant 8 : i32
    %mul3A_30 = arith.muli %arg1, %mul3A_29 : i32
    %mul3A_31 = arith.constant 2 : i32
    %mul3A_32 = arith.muli %mul3A_30, %mul3A_31 : i32
    %mul3A_33 = arith.constant 20 : i32
    %mul3A_34 = arith.muli %mul3A_32, %mul3A_33 : i32
    %add3A_35 = arith.constant 0 : i32
    %add3A_36 = arith.addi %mul3A_34, %add3A_35 : i32
    %dma_start3A = arith.constant 0 : i32
    %dma_start3A_37 = arith.constant 0 : i32
    %dma_start3A_38 = arith.constant 0 : i32
    %dma_start3A_39 = arith.constant 0 : i32
    %dma_start3A_40 = tpu.memref_slice %arg5[%dma_start3A, %dma_start3A_38, %dma_start3A_39] : memref<2x40x128xi32, #tpu.memory_space<vmem>> -> memref<1x40x128xi32, #tpu.memory_space<vmem>>
    %dma_start3A_41 = tpu.memref_squeeze %dma_start3A_40 : memref<1x40x128xi32, #tpu.memory_space<vmem>> -> memref<40x128xi32, #tpu.memory_space<vmem>>
    %dma_start3A_42 = arith.constant 0 : i32
    %dma_start3A_43 = tpu.memref_slice %arg3[%arg0, %add3A_36, %dma_start3A_42] : memref<2x5120x128xi32, #tpu.memory_space<hbm>> -> memref<1x40x128xi32, #tpu.memory_space<hbm>>
    %dma_start3A_44 = tpu.memref_squeeze %dma_start3A_43 : memref<1x40x128xi32, #tpu.memory_space<hbm>> -> memref<40x128xi32, #tpu.memory_space<hbm>>
    %dma_start3A_45 = tpu.memref_slice %arg8[%dma_start3A_37] : memref<2x!tpu.dma_semaphore, #tpu.memory_space<semaphore_mem>> -> memref<1x!tpu.dma_semaphore, #tpu.memory_space<semaphore_mem>>
    %dma_start3A_46 = tpu.memref_squeeze %dma_start3A_45 : memref<1x!tpu.dma_semaphore, #tpu.memory_space<semaphore_mem>> -> memref<!tpu.dma_semaphore, #tpu.memory_space<semaphore_mem>>
    %dma_start3A_47 = arith.constant 0 : i32
    %dma_start3A_48 = arith.constant 0 : i32
    %dma_start3A_49 = tpu.memref_slice %arg5[%dma_start3A, %dma_start3A_47, %dma_start3A_48] : memref<2x40x128xi32, #tpu.memory_space<vmem>> -> memref<1x40x128xi32, #tpu.memory_space<vmem>>
    %dma_start3A_50 = tpu.memref_squeeze %dma_start3A_49 : memref<1x40x128xi32, #tpu.memory_space<vmem>> -> memref<40x128xi32, #tpu.memory_space<vmem>>
    %dma_start3A_51 = arith.constant 0 : i32
    %dma_start3A_52 = tpu.memref_slice %arg3[%arg0, %add3A_36, %dma_start3A_51] : memref<2x5120x128xi32, #tpu.memory_space<hbm>> -> memref<1x40x128xi32, #tpu.memory_space<hbm>>
    %dma_start3A_53 = tpu.memref_squeeze %dma_start3A_52 : memref<1x40x128xi32, #tpu.memory_space<hbm>> -> memref<40x128xi32, #tpu.memory_space<hbm>>
    tpu.enqueue_dma source(%dma_start3A_53 : memref<40x128xi32, #tpu.memory_space<hbm>>) target(%dma_start3A_50 : memref<40x128xi32, #tpu.memory_space<vmem>>) target_semaphore(%dma_start3A_46 : memref<!tpu.dma_semaphore, #tpu.memory_space<semaphore_mem>>)
    %add3A_54 = arith.constant 40 : i32
    %add3A_55 = arith.addi %mul3A_34, %add3A_54 : i32
    %dma_start3A_56 = arith.constant 1 : i32
    %dma_start3A_57 = arith.constant 1 : i32
    %dma_start3A_58 = arith.constant 0 : i32
    %dma_start3A_59 = arith.constant 0 : i32
    %dma_start3A_60 = tpu.memref_slice %arg5[%dma_start3A_56, %dma_start3A_58, %dma_start3A_59] : memref<2x40x128xi32, #tpu.memory_space<vmem>> -> memref<1x40x128xi32, #tpu.memory_space<vmem>>
    %dma_start3A_61 = tpu.memref_squeeze %dma_start3A_60 : memref<1x40x128xi32, #tpu.memory_space<vmem>> -> memref<40x128xi32, #tpu.memory_space<vmem>>
    %dma_start3A_62 = arith.constant 0 : i32
    %dma_start3A_63 = tpu.memref_slice %arg3[%arg0, %add3A_55, %dma_start3A_62] : memref<2x5120x128xi32, #tpu.memory_space<hbm>> -> memref<1x40x128xi32, #tpu.memory_space<hbm>>
    %dma_start3A_64 = tpu.memref_squeeze %dma_start3A_63 : memref<1x40x128xi32, #tpu.memory_space<hbm>> -> memref<40x128xi32, #tpu.memory_space<hbm>>
    %dma_start3A_65 = tpu.memref_slice %arg8[%dma_start3A_57] : memref<2x!tpu.dma_semaphore, #tpu.memory_space<semaphore_mem>> -> memref<1x!tpu.dma_semaphore, #tpu.memory_space<semaphore_mem>>
    %dma_start3A_66 = tpu.memref_squeeze %dma_start3A_65 : memref<1x!tpu.dma_semaphore, #tpu.memory_space<semaphore_mem>> -> memref<!tpu.dma_semaphore, #tpu.memory_space<semaphore_mem>>
    %dma_start3A_67 = arith.constant 0 : i32
    %dma_start3A_68 = arith.constant 0 : i32
    %dma_start3A_69 = tpu.memref_slice %arg5[%dma_start3A_56, %dma_start3A_67, %dma_start3A_68] : memref<2x40x128xi32, #tpu.memory_space<vmem>> -> memref<1x40x128xi32, #tpu.memory_space<vmem>>
    %dma_start3A_70 = tpu.memref_squeeze %dma_start3A_69 : memref<1x40x128xi32, #tpu.memory_space<vmem>> -> memref<40x128xi32, #tpu.memory_space<vmem>>
    %dma_start3A_71 = arith.constant 0 : i32
    %dma_start3A_72 = tpu.memref_slice %arg3[%arg0, %add3A_55, %dma_start3A_71] : memref<2x5120x128xi32, #tpu.memory_space<hbm>> -> memref<1x40x128xi32, #tpu.memory_space<hbm>>
    %dma_start3A_73 = tpu.memref_squeeze %dma_start3A_72 : memref<1x40x128xi32, #tpu.memory_space<hbm>> -> memref<40x128xi32, #tpu.memory_space<hbm>>
    tpu.enqueue_dma source(%dma_start3A_73 : memref<40x128xi32, #tpu.memory_space<hbm>>) target(%dma_start3A_70 : memref<40x128xi32, #tpu.memory_space<vmem>>) target_semaphore(%dma_start3A_66 : memref<!tpu.dma_semaphore, #tpu.memory_space<semaphore_mem>>)
    %scan3A_74 = arith.constant 0 : i32
    %scan3A_75 = arith.constant 0 : i32
    %scan3A_76 = arith.constant 8 : i32
    %scan3A_77 = arith.addi %scan3A_75, %scan3A_76 : i32
    %scan3A_78 = arith.constant 1 : i32
    %scan3A_79 = scf.for %scan3A_86 = %scan3A_75 to %scan3A_77 step %scan3A_78 iter_args(%scan3A_87 = %scan3A_74) -> (i32)  : i32 {
      %jit3A = arith.constant 2 : i32
      %eq3A = arith.constant 0 : i32
      %eq3A_88 = arith.cmpi eq, %jit3A, %eq3A : i32
      %jit3A_89 = arith.constant 1 : i32
      %select_n3A = arith.select %eq3A_88, %jit3A_89, %jit3A : i32
      %rem3A = arith.remsi %scan3A_86, %select_n3A : i32
      %ne3A = arith.constant 0 : i32
      %ne3A_90 = arith.cmpi ne, %rem3A, %ne3A : i32
      %lt3A = arith.constant 0 : i32
      %lt3A_91 = arith.cmpi slt, %rem3A, %lt3A : i32
      %lt3A_92 = arith.constant 0 : i32
      %lt3A_93 = arith.cmpi slt, %select_n3A, %lt3A_92 : i32
      %ne3A_94 = arith.xori %lt3A_91, %lt3A_93 : i1
      %and3A = arith.andi %ne3A_94, %ne3A_90 : i1
      %add3A_95 = arith.addi %rem3A, %select_n3A : i32
      %select_n3A_96 = arith.select %and3A, %add3A_95, %rem3A : i32
      %mul3A_97 = arith.constant 2 : i32
      %mul3A_98 = arith.muli %scan3A_86, %mul3A_97 : i32
      %mul3A_99 = arith.constant 20 : i32
      %mul3A_100 = arith.muli %mul3A_98, %mul3A_99 : i32
      %add3A_101 = arith.addi %mul3A_34, %mul3A_100 : i32
      %dma_wait3A = arith.constant 0 : i32
      %dma_wait3A_102 = arith.constant 0 : i32
      %dma_wait3A_103 = tpu.memref_slice %arg5[%select_n3A_96, %dma_wait3A, %dma_wait3A_102] : memref<2x40x128xi32, #tpu.memory_space<vmem>> -> memref<1x40x128xi32, #tpu.memory_space<vmem>>
      %dma_wait3A_104 = tpu.memref_squeeze %dma_wait3A_103 : memref<1x40x128xi32, #tpu.memory_space<vmem>> -> memref<40x128xi32, #tpu.memory_space<vmem>>
      %dma_wait3A_105 = arith.constant 0 : i32
      %dma_wait3A_106 = tpu.memref_slice %arg3[%arg0, %add3A_101, %dma_wait3A_105] : memref<2x5120x128xi32, #tpu.memory_space<hbm>> -> memref<1x40x128xi32, #tpu.memory_space<hbm>>
      %dma_wait3A_107 = tpu.memref_squeeze %dma_wait3A_106 : memref<1x40x128xi32, #tpu.memory_space<hbm>> -> memref<40x128xi32, #tpu.memory_space<hbm>>
      %dma_wait3A_108 = tpu.memref_slice %arg8[%select_n3A_96] : memref<2x!tpu.dma_semaphore, #tpu.memory_space<semaphore_mem>> -> memref<1x!tpu.dma_semaphore, #tpu.memory_space<semaphore_mem>>
      %dma_wait3A_109 = tpu.memref_squeeze %dma_wait3A_108 : memref<1x!tpu.dma_semaphore, #tpu.memory_space<semaphore_mem>> -> memref<!tpu.dma_semaphore, #tpu.memory_space<semaphore_mem>>
      %dma_wait3A_110 = arith.constant 0 : i32
      %dma_wait3A_111 = arith.constant 0 : i32
      %dma_wait3A_112 = tpu.memref_slice %arg5[%select_n3A_96, %dma_wait3A_110, %dma_wait3A_111] : memref<2x40x128xi32, #tpu.memory_space<vmem>> -> memref<1x40x128xi32, #tpu.memory_space<vmem>>
      %dma_wait3A_113 = tpu.memref_squeeze %dma_wait3A_112 : memref<1x40x128xi32, #tpu.memory_space<vmem>> -> memref<40x128xi32, #tpu.memory_space<vmem>>
      %dma_wait3A_114 = arith.constant 0 : i32
      %dma_wait3A_115 = tpu.memref_slice %arg3[%arg0, %add3A_101, %dma_wait3A_114] : memref<2x5120x128xi32, #tpu.memory_space<hbm>> -> memref<1x40x128xi32, #tpu.memory_space<hbm>>
      %dma_wait3A_116 = tpu.memref_squeeze %dma_wait3A_115 : memref<1x40x128xi32, #tpu.memory_space<hbm>> -> memref<40x128xi32, #tpu.memory_space<hbm>>
      tpu.wait_dma2 semaphore(%dma_wait3A_109 : memref<!tpu.dma_semaphore, #tpu.memory_space<semaphore_mem>>) src(%dma_wait3A_116 : memref<40x128xi32, #tpu.memory_space<hbm>>) dst(%dma_wait3A_113 : memref<40x128xi32, #tpu.memory_space<vmem>>)
      %dma_start3A_117 = arith.constant 0 : i32
      %dma_start3A_118 = arith.constant 0 : i32
      %dma_start3A_119 = arith.constant 0 : i32
      %dma_start3A_120 = arith.constant 0 : i32
      %dma_start3A_121 = arith.constant 0 : i32
      %dma_start3A_122 = tpu.memref_slice %arg6[%dma_start3A_118, %dma_start3A_120, %dma_start3A_121] : memref<2x128x128xf32, #tpu.memory_space<vmem>> -> memref<1x128x128xf32, #tpu.memory_space<vmem>>
      %dma_start3A_123 = tpu.memref_squeeze %dma_start3A_122 : memref<1x128x128xf32, #tpu.memory_space<vmem>> -> memref<128x128xf32, #tpu.memory_space<vmem>>
      %dma_start3A_124 = arith.constant 0 : i32
      %dma_start3A_125 = arith.constant 0 : i32
      %dma_start3A_126 = tpu.memref_slice %arg5[%select_n3A_96, %dma_start3A_124, %dma_start3A_125] : memref<2x40x128xi32, #tpu.memory_space<vmem>> -> memref<1x40x128xi32, #tpu.memory_space<vmem>>
      %dma_start3A_127 = tpu.memref_squeeze %dma_start3A_126 : memref<1x40x128xi32, #tpu.memory_space<vmem>> -> memref<40x128xi32, #tpu.memory_space<vmem>>
      %dma_start3A_128 = arith.constant 0 : i32
      %dma_start3A_129 = tpu.memref_slice %dma_start3A_127[%dma_start3A_117, %dma_start3A_128] : memref<40x128xi32, #tpu.memory_space<vmem>> -> memref<1x128xi32, #tpu.memory_space<vmem>>
      %dma_start3A_130 = tpu.memref_squeeze %dma_start3A_129 : memref<1x128xi32, #tpu.memory_space<vmem>> -> memref<128xi32, #tpu.memory_space<vmem>>
      %dma_start3A_131 = arith.constant 0 : i32
      %dma_start3A_132 = arith.constant 0 : i32
      %dma_start3A_133 = tpu.memref_slice %arg2[%dma_start3A_131, %dma_start3A_132] : memref<20000x128xf32, #tpu.memory_space<hbm>> -> memref<20000x128xf32, #tpu.memory_space<hbm>>
      %dma_start3A_134 = tpu.memref_slice %arg9[%dma_start3A_119] : memref<2x!tpu.dma_semaphore, #tpu.memory_space<semaphore_mem>> -> memref<1x!tpu.dma_semaphore, #tpu.memory_space<semaphore_mem>>
      %dma_start3A_135 = tpu.memref_squeeze %dma_start3A_134 : memref<1x!tpu.dma_semaphore, #tpu.memory_space<semaphore_mem>> -> memref<!tpu.dma_semaphore, #tpu.memory_space<semaphore_mem>>
      tpu.enqueue_indirect_dma source(%dma_start3A_133 : memref<20000x128xf32, #tpu.memory_space<hbm>>) target(%dma_start3A_123 : memref<128x128xf32, #tpu.memory_space<vmem>>) offsets(%dma_start3A_130 : memref<128xi32, #tpu.memory_space<vmem>>) semaphore(%dma_start3A_135 : memref<!tpu.dma_semaphore, #tpu.memory_space<semaphore_mem>>)
      %dma_start3A_136 = arith.constant 1 : i32
      %dma_start3A_137 = arith.constant 1 : i32
      %dma_start3A_138 = arith.constant 1 : i32
      %dma_start3A_139 = arith.constant 0 : i32
      %dma_start3A_140 = arith.constant 0 : i32
      %dma_start3A_141 = tpu.memref_slice %arg6[%dma_start3A_137, %dma_start3A_139, %dma_start3A_140] : memref<2x128x128xf32, #tpu.memory_space<vmem>> -> memref<1x128x128xf32, #tpu.memory_space<vmem>>
      %dma_start3A_142 = tpu.memref_squeeze %dma_start3A_141 : memref<1x128x128xf32, #tpu.memory_space<vmem>> -> memref<128x128xf32, #tpu.memory_space<vmem>>
      %dma_start3A_143 = arith.constant 0 : i32
      %dma_start3A_144 = arith.constant 0 : i32
      %dma_start3A_145 = tpu.memref_slice %arg5[%select_n3A_96, %dma_start3A_143, %dma_start3A_144] : memref<2x40x128xi32, #tpu.memory_space<vmem>> -> memref<1x40x128xi32, #tpu.memory_space<vmem>>
      %dma_start3A_146 = tpu.memref_squeeze %dma_start3A_145 : memref<1x40x128xi32, #tpu.memory_space<vmem>> -> memref<40x128xi32, #tpu.memory_space<vmem>>
      %dma_start3A_147 = arith.constant 0 : i32
      %dma_start3A_148 = tpu.memref_slice %dma_start3A_146[%dma_start3A_136, %dma_start3A_147] : memref<40x128xi32, #tpu.memory_space<vmem>> -> memref<1x128xi32, #tpu.memory_space<vmem>>
      %dma_start3A_149 = tpu.memref_squeeze %dma_start3A_148 : memref<1x128xi32, #tpu.memory_space<vmem>> -> memref<128xi32, #tpu.memory_space<vmem>>
      %dma_start3A_150 = arith.constant 0 : i32
      %dma_start3A_151 = arith.constant 0 : i32
      %dma_start3A_152 = tpu.memref_slice %arg2[%dma_start3A_150, %dma_start3A_151] : memref<20000x128xf32, #tpu.memory_space<hbm>> -> memref<20000x128xf32, #tpu.memory_space<hbm>>
      %dma_start3A_153 = tpu.memref_slice %arg9[%dma_start3A_138] : memref<2x!tpu.dma_semaphore, #tpu.memory_space<semaphore_mem>> -> memref<1x!tpu.dma_semaphore, #tpu.memory_space<semaphore_mem>>
      %dma_start3A_154 = tpu.memref_squeeze %dma_start3A_153 : memref<1x!tpu.dma_semaphore, #tpu.memory_space<semaphore_mem>> -> memref<!tpu.dma_semaphore, #tpu.memory_space<semaphore_mem>>
      tpu.enqueue_indirect_dma source(%dma_start3A_152 : memref<20000x128xf32, #tpu.memory_space<hbm>>) target(%dma_start3A_142 : memref<128x128xf32, #tpu.memory_space<vmem>>) offsets(%dma_start3A_149 : memref<128xi32, #tpu.memory_space<vmem>>) semaphore(%dma_start3A_154 : memref<!tpu.dma_semaphore, #tpu.memory_space<semaphore_mem>>)
      %scan3A_155 = arith.constant 0 : i32
      %scan3A_156 = arith.constant 0 : i32
      %scan3A_157 = arith.constant 20 : i32
      %scan3A_158 = arith.addi %scan3A_156, %scan3A_157 : i32
      %scan3A_159 = arith.constant 1 : i32
      %scan3A_160 = scf.for %scan3A_206 = %scan3A_156 to %scan3A_158 step %scan3A_159 iter_args(%scan3A_207 = %scan3A_155) -> (i32)  : i32 {
        %jit3A_208 = arith.constant 2 : i32
        %eq3A_209 = arith.constant 0 : i32
        %eq3A_210 = arith.cmpi eq, %jit3A_208, %eq3A_209 : i32
        %jit3A_211 = arith.constant 1 : i32
        %select_n3A_212 = arith.select %eq3A_210, %jit3A_211, %jit3A_208 : i32
        %rem3A_213 = arith.remsi %scan3A_206, %select_n3A_212 : i32
        %ne3A_214 = arith.constant 0 : i32
        %ne3A_215 = arith.cmpi ne, %rem3A_213, %ne3A_214 : i32
        %lt3A_216 = arith.constant 0 : i32
        %lt3A_217 = arith.cmpi slt, %rem3A_213, %lt3A_216 : i32
        %lt3A_218 = arith.constant 0 : i32
        %lt3A_219 = arith.cmpi slt, %select_n3A_212, %lt3A_218 : i32
        %ne3A_220 = arith.xori %lt3A_217, %lt3A_219 : i1
        %and3A_221 = arith.andi %ne3A_220, %ne3A_215 : i1
        %add3A_222 = arith.addi %rem3A_213, %select_n3A_212 : i32
        %select_n3A_223 = arith.select %and3A_221, %add3A_222, %rem3A_213 : i32
        %dma_wait3A_224 = arith.constant 0 : i32
        %dma_wait3A_225 = arith.constant 0 : i32
        %dma_wait3A_226 = tpu.memref_slice %arg6[%select_n3A_223, %dma_wait3A_224, %dma_wait3A_225] : memref<2x128x128xf32, #tpu.memory_space<vmem>> -> memref<1x128x128xf32, #tpu.memory_space<vmem>>
        %dma_wait3A_227 = tpu.memref_squeeze %dma_wait3A_226 : memref<1x128x128xf32, #tpu.memory_space<vmem>> -> memref<128x128xf32, #tpu.memory_space<vmem>>
        %dma_wait3A_228 = arith.constant 0 : i32
        %dma_wait3A_229 = arith.constant 0 : i32
        %dma_wait3A_230 = tpu.memref_slice %arg5[%select_n3A_96, %dma_wait3A_228, %dma_wait3A_229] : memref<2x40x128xi32, #tpu.memory_space<vmem>> -> memref<1x40x128xi32, #tpu.memory_space<vmem>>
        %dma_wait3A_231 = tpu.memref_squeeze %dma_wait3A_230 : memref<1x40x128xi32, #tpu.memory_space<vmem>> -> memref<40x128xi32, #tpu.memory_space<vmem>>
        %dma_wait3A_232 = arith.constant 0 : i32
        %dma_wait3A_233 = tpu.memref_slice %dma_wait3A_231[%scan3A_206, %dma_wait3A_232] : memref<40x128xi32, #tpu.memory_space<vmem>> -> memref<1x128xi32, #tpu.memory_space<vmem>>
        %dma_wait3A_234 = tpu.memref_squeeze %dma_wait3A_233 : memref<1x128xi32, #tpu.memory_space<vmem>> -> memref<128xi32, #tpu.memory_space<vmem>>
        %dma_wait3A_235 = arith.constant 0 : i32
        %dma_wait3A_236 = arith.constant 0 : i32
        %dma_wait3A_237 = tpu.memref_slice %arg2[%dma_wait3A_235, %dma_wait3A_236] : memref<20000x128xf32, #tpu.memory_space<hbm>> -> memref<20000x128xf32, #tpu.memory_space<hbm>>
        %dma_wait3A_238 = tpu.memref_slice %arg9[%select_n3A_223] : memref<2x!tpu.dma_semaphore, #tpu.memory_space<semaphore_mem>> -> memref<1x!tpu.dma_semaphore, #tpu.memory_space<semaphore_mem>>
        %dma_wait3A_239 = tpu.memref_squeeze %dma_wait3A_238 : memref<1x!tpu.dma_semaphore, #tpu.memory_space<semaphore_mem>> -> memref<!tpu.dma_semaphore, #tpu.memory_space<semaphore_mem>>
        tpu.wait_indirect_dma semaphore(%dma_wait3A_239 : memref<!tpu.dma_semaphore, #tpu.memory_space<semaphore_mem>>) src(%dma_wait3A_237 : memref<20000x128xf32, #tpu.memory_space<hbm>>) dst(%dma_wait3A_227 : memref<128x128xf32, #tpu.memory_space<vmem>>)
        %add3A_240 = arith.constant 20 : i32
        %add3A_241 = arith.addi %add3A_240, %scan3A_206 : i32
        %dma_start3A_242 = arith.constant 0 : i32
        %dma_start3A_243 = arith.constant 0 : i32
        %dma_start3A_244 = tpu.memref_slice %arg6[%select_n3A_223, %dma_start3A_242, %dma_start3A_243] : memref<2x128x128xf32, #tpu.memory_space<vmem>> -> memref<1x128x128xf32, #tpu.memory_space<vmem>>
        %dma_start3A_245 = tpu.memref_squeeze %dma_start3A_244 : memref<1x128x128xf32, #tpu.memory_space<vmem>> -> memref<128x128xf32, #tpu.memory_space<vmem>>
        %dma_start3A_246 = arith.constant 0 : i32
        %dma_start3A_247 = arith.constant 0 : i32
        %dma_start3A_248 = tpu.memref_slice %arg5[%select_n3A_96, %dma_start3A_246, %dma_start3A_247] : memref<2x40x128xi32, #tpu.memory_space<vmem>> -> memref<1x40x128xi32, #tpu.memory_space<vmem>>
        %dma_start3A_249 = tpu.memref_squeeze %dma_start3A_248 : memref<1x40x128xi32, #tpu.memory_space<vmem>> -> memref<40x128xi32, #tpu.memory_space<vmem>>
        %dma_start3A_250 = arith.constant 0 : i32
        %dma_start3A_251 = tpu.memref_slice %dma_start3A_249[%add3A_241, %dma_start3A_250] : memref<40x128xi32, #tpu.memory_space<vmem>> -> memref<1x128xi32, #tpu.memory_space<vmem>>
        %dma_start3A_252 = tpu.memref_squeeze %dma_start3A_251 : memref<1x128xi32, #tpu.memory_space<vmem>> -> memref<128xi32, #tpu.memory_space<vmem>>
        %dma_start3A_253 = arith.constant 0 : i32
        %dma_start3A_254 = arith.constant 0 : i32
        %dma_start3A_255 = tpu.memref_slice %arg7[%dma_start3A_253, %dma_start3A_254] : memref<10240x128xf32, #tpu.memory_space<vmem_shared>> -> memref<10240x128xf32, #tpu.memory_space<vmem_shared>>
        %dma_start3A_256 = tpu.memref_slice %arg10[%select_n3A_223] : memref<2x!tpu.dma_semaphore, #tpu.memory_space<semaphore_mem>> -> memref<1x!tpu.dma_semaphore, #tpu.memory_space<semaphore_mem>>
        %dma_start3A_257 = tpu.memref_squeeze %dma_start3A_256 : memref<1x!tpu.dma_semaphore, #tpu.memory_space<semaphore_mem>> -> memref<!tpu.dma_semaphore, #tpu.memory_space<semaphore_mem>>
        tpu.enqueue_indirect_dma source(%dma_start3A_245 : memref<128x128xf32, #tpu.memory_space<vmem>>) target(%dma_start3A_255 : memref<10240x128xf32, #tpu.memory_space<vmem_shared>>) offsets(%dma_start3A_252 : memref<128xi32, #tpu.memory_space<vmem>>) semaphore(%dma_start3A_257 : memref<!tpu.dma_semaphore, #tpu.memory_space<semaphore_mem>>) {add = true}
        %add3A_258 = arith.constant 2 : i32
        %add3A_259 = arith.addi %scan3A_206, %add3A_258 : i32
        %lt3A_260 = arith.constant 20 : i32
        %lt3A_261 = arith.cmpi slt, %add3A_259, %lt3A_260 : i32
        %convert_element_type3A_262 = arith.extui %lt3A_261 : i1 to i32
        %cond3A_263 = arith.constant 0 : i32
        %cond3A_264 = arith.cmpi ne, %convert_element_type3A_262, %cond3A_263 : i32
        scf.if %cond3A_264 {
          %dma_wait3A_266 = arith.constant 0 : i32
          %dma_wait3A_267 = arith.constant 0 : i32
          %dma_wait3A_268 = tpu.memref_slice %arg6[%select_n3A_223, %dma_wait3A_266, %dma_wait3A_267] : memref<2x128x128xf32, #tpu.memory_space<vmem>> -> memref<1x128x128xf32, #tpu.memory_space<vmem>>
          %dma_wait3A_269 = tpu.memref_squeeze %dma_wait3A_268 : memref<1x128x128xf32, #tpu.memory_space<vmem>> -> memref<128x128xf32, #tpu.memory_space<vmem>>
          %dma_wait3A_270 = arith.constant 0 : i32
          %dma_wait3A_271 = arith.constant 0 : i32
          %dma_wait3A_272 = tpu.memref_slice %arg5[%select_n3A_96, %dma_wait3A_270, %dma_wait3A_271] : memref<2x40x128xi32, #tpu.memory_space<vmem>> -> memref<1x40x128xi32, #tpu.memory_space<vmem>>
          %dma_wait3A_273 = tpu.memref_squeeze %dma_wait3A_272 : memref<1x40x128xi32, #tpu.memory_space<vmem>> -> memref<40x128xi32, #tpu.memory_space<vmem>>
          %dma_wait3A_274 = arith.constant 0 : i32
          %dma_wait3A_275 = tpu.memref_slice %dma_wait3A_273[%add3A_241, %dma_wait3A_274] : memref<40x128xi32, #tpu.memory_space<vmem>> -> memref<1x128xi32, #tpu.memory_space<vmem>>
          %dma_wait3A_276 = tpu.memref_squeeze %dma_wait3A_275 : memref<1x128xi32, #tpu.memory_space<vmem>> -> memref<128xi32, #tpu.memory_space<vmem>>
          %dma_wait3A_277 = arith.constant 0 : i32
          %dma_wait3A_278 = arith.constant 0 : i32
          %dma_wait3A_279 = tpu.memref_slice %arg7[%dma_wait3A_277, %dma_wait3A_278] : memref<10240x128xf32, #tpu.memory_space<vmem_shared>> -> memref<10240x128xf32, #tpu.memory_space<vmem_shared>>
          %dma_wait3A_280 = tpu.memref_slice %arg10[%select_n3A_223] : memref<2x!tpu.dma_semaphore, #tpu.memory_space<semaphore_mem>> -> memref<1x!tpu.dma_semaphore, #tpu.memory_space<semaphore_mem>>
          %dma_wait3A_281 = tpu.memref_squeeze %dma_wait3A_280 : memref<1x!tpu.dma_semaphore, #tpu.memory_space<semaphore_mem>> -> memref<!tpu.dma_semaphore, #tpu.memory_space<semaphore_mem>>
          tpu.wait_indirect_dma semaphore(%dma_wait3A_281 : memref<!tpu.dma_semaphore, #tpu.memory_space<semaphore_mem>>) src(%dma_wait3A_269 : memref<128x128xf32, #tpu.memory_space<vmem>>) dst(%dma_wait3A_279 : memref<10240x128xf32, #tpu.memory_space<vmem_shared>>)
          %add3A_282 = arith.constant 2 : i32
          %add3A_283 = arith.addi %scan3A_206, %add3A_282 : i32
          %dma_start3A_284 = arith.constant 0 : i32
          %dma_start3A_285 = arith.constant 0 : i32
          %dma_start3A_286 = tpu.memref_slice %arg6[%select_n3A_223, %dma_start3A_284, %dma_start3A_285] : memref<2x128x128xf32, #tpu.memory_space<vmem>> -> memref<1x128x128xf32, #tpu.memory_space<vmem>>
          %dma_start3A_287 = tpu.memref_squeeze %dma_start3A_286 : memref<1x128x128xf32, #tpu.memory_space<vmem>> -> memref<128x128xf32, #tpu.memory_space<vmem>>
          %dma_start3A_288 = arith.constant 0 : i32
          %dma_start3A_289 = arith.constant 0 : i32
          %dma_start3A_290 = tpu.memref_slice %arg5[%select_n3A_96, %dma_start3A_288, %dma_start3A_289] : memref<2x40x128xi32, #tpu.memory_space<vmem>> -> memref<1x40x128xi32, #tpu.memory_space<vmem>>
          %dma_start3A_291 = tpu.memref_squeeze %dma_start3A_290 : memref<1x40x128xi32, #tpu.memory_space<vmem>> -> memref<40x128xi32, #tpu.memory_space<vmem>>
          %dma_start3A_292 = arith.constant 0 : i32
          %dma_start3A_293 = tpu.memref_slice %dma_start3A_291[%add3A_283, %dma_start3A_292] : memref<40x128xi32, #tpu.memory_space<vmem>> -> memref<1x128xi32, #tpu.memory_space<vmem>>
          %dma_start3A_294 = tpu.memref_squeeze %dma_start3A_293 : memref<1x128xi32, #tpu.memory_space<vmem>> -> memref<128xi32, #tpu.memory_space<vmem>>
          %dma_start3A_295 = arith.constant 0 : i32
          %dma_start3A_296 = arith.constant 0 : i32
          %dma_start3A_297 = tpu.memref_slice %arg2[%dma_start3A_295, %dma_start3A_296] : memref<20000x128xf32, #tpu.memory_space<hbm>> -> memref<20000x128xf32, #tpu.memory_space<hbm>>
          %dma_start3A_298 = tpu.memref_slice %arg9[%select_n3A_223] : memref<2x!tpu.dma_semaphore, #tpu.memory_space<semaphore_mem>> -> memref<1x!tpu.dma_semaphore, #tpu.memory_space<semaphore_mem>>
          %dma_start3A_299 = tpu.memref_squeeze %dma_start3A_298 : memref<1x!tpu.dma_semaphore, #tpu.memory_space<semaphore_mem>> -> memref<!tpu.dma_semaphore, #tpu.memory_space<semaphore_mem>>
          tpu.enqueue_indirect_dma source(%dma_start3A_297 : memref<20000x128xf32, #tpu.memory_space<hbm>>) target(%dma_start3A_287 : memref<128x128xf32, #tpu.memory_space<vmem>>) offsets(%dma_start3A_294 : memref<128xi32, #tpu.memory_space<vmem>>) semaphore(%dma_start3A_299 : memref<!tpu.dma_semaphore, #tpu.memory_space<semaphore_mem>>)
        } else {
        }
        %scan3A_265 = arith.constant 0 : i32
        scf.yield %scan3A_265 : i32
      }
      %scan3A_161 = arith.constant 20 : i32
      %dma_wait3A_162 = arith.constant 0 : i32
      %dma_wait3A_163 = arith.constant 38 : i32
      %dma_wait3A_164 = arith.constant 0 : i32
      %dma_wait3A_165 = arith.constant 0 : i32
      %dma_wait3A_166 = arith.constant 0 : i32
      %dma_wait3A_167 = tpu.memref_slice %arg6[%dma_wait3A_162, %dma_wait3A_165, %dma_wait3A_166] : memref<2x128x128xf32, #tpu.memory_space<vmem>> -> memref<1x128x128xf32, #tpu.memory_space<vmem>>
      %dma_wait3A_168 = tpu.memref_squeeze %dma_wait3A_167 : memref<1x128x128xf32, #tpu.memory_space<vmem>> -> memref<128x128xf32, #tpu.memory_space<vmem>>
      %dma_wait3A_169 = arith.constant 0 : i32
      %dma_wait3A_170 = arith.constant 0 : i32
      %dma_wait3A_171 = tpu.memref_slice %arg5[%select_n3A_96, %dma_wait3A_169, %dma_wait3A_170] : memref<2x40x128xi32, #tpu.memory_space<vmem>> -> memref<1x40x128xi32, #tpu.memory_space<vmem>>
      %dma_wait3A_172 = tpu.memref_squeeze %dma_wait3A_171 : memref<1x40x128xi32, #tpu.memory_space<vmem>> -> memref<40x128xi32, #tpu.memory_space<vmem>>
      %dma_wait3A_173 = arith.constant 0 : i32
      %dma_wait3A_174 = tpu.memref_slice %dma_wait3A_172[%dma_wait3A_163, %dma_wait3A_173] : memref<40x128xi32, #tpu.memory_space<vmem>> -> memref<1x128xi32, #tpu.memory_space<vmem>>
      %dma_wait3A_175 = tpu.memref_squeeze %dma_wait3A_174 : memref<1x128xi32, #tpu.memory_space<vmem>> -> memref<128xi32, #tpu.memory_space<vmem>>
      %dma_wait3A_176 = arith.constant 0 : i32
      %dma_wait3A_177 = arith.constant 0 : i32
      %dma_wait3A_178 = tpu.memref_slice %arg7[%dma_wait3A_176, %dma_wait3A_177] : memref<10240x128xf32, #tpu.memory_space<vmem_shared>> -> memref<10240x128xf32, #tpu.memory_space<vmem_shared>>
      %dma_wait3A_179 = tpu.memref_slice %arg10[%dma_wait3A_164] : memref<2x!tpu.dma_semaphore, #tpu.memory_space<semaphore_mem>> -> memref<1x!tpu.dma_semaphore, #tpu.memory_space<semaphore_mem>>
      %dma_wait3A_180 = tpu.memref_squeeze %dma_wait3A_179 : memref<1x!tpu.dma_semaphore, #tpu.memory_space<semaphore_mem>> -> memref<!tpu.dma_semaphore, #tpu.memory_space<semaphore_mem>>
      tpu.wait_indirect_dma semaphore(%dma_wait3A_180 : memref<!tpu.dma_semaphore, #tpu.memory_space<semaphore_mem>>) src(%dma_wait3A_168 : memref<128x128xf32, #tpu.memory_space<vmem>>) dst(%dma_wait3A_178 : memref<10240x128xf32, #tpu.memory_space<vmem_shared>>)
      %dma_wait3A_181 = arith.constant 1 : i32
      %dma_wait3A_182 = arith.constant 39 : i32
      %dma_wait3A_183 = arith.constant 1 : i32
      %dma_wait3A_184 = arith.constant 0 : i32
      %dma_wait3A_185 = arith.constant 0 : i32
      %dma_wait3A_186 = tpu.memref_slice %arg6[%dma_wait3A_181, %dma_wait3A_184, %dma_wait3A_185] : memref<2x128x128xf32, #tpu.memory_space<vmem>> -> memref<1x128x128xf32, #tpu.memory_space<vmem>>
      %dma_wait3A_187 = tpu.memref_squeeze %dma_wait3A_186 : memref<1x128x128xf32, #tpu.memory_space<vmem>> -> memref<128x128xf32, #tpu.memory_space<vmem>>
      %dma_wait3A_188 = arith.constant 0 : i32
      %dma_wait3A_189 = arith.constant 0 : i32
      %dma_wait3A_190 = tpu.memref_slice %arg5[%select_n3A_96, %dma_wait3A_188, %dma_wait3A_189] : memref<2x40x128xi32, #tpu.memory_space<vmem>> -> memref<1x40x128xi32, #tpu.memory_space<vmem>>
      %dma_wait3A_191 = tpu.memref_squeeze %dma_wait3A_190 : memref<1x40x128xi32, #tpu.memory_space<vmem>> -> memref<40x128xi32, #tpu.memory_space<vmem>>
      %dma_wait3A_192 = arith.constant 0 : i32
      %dma_wait3A_193 = tpu.memref_slice %dma_wait3A_191[%dma_wait3A_182, %dma_wait3A_192] : memref<40x128xi32, #tpu.memory_space<vmem>> -> memref<1x128xi32, #tpu.memory_space<vmem>>
      %dma_wait3A_194 = tpu.memref_squeeze %dma_wait3A_193 : memref<1x128xi32, #tpu.memory_space<vmem>> -> memref<128xi32, #tpu.memory_space<vmem>>
      %dma_wait3A_195 = arith.constant 0 : i32
      %dma_wait3A_196 = arith.constant 0 : i32
      %dma_wait3A_197 = tpu.memref_slice %arg7[%dma_wait3A_195, %dma_wait3A_196] : memref<10240x128xf32, #tpu.memory_space<vmem_shared>> -> memref<10240x128xf32, #tpu.memory_space<vmem_shared>>
      %dma_wait3A_198 = tpu.memref_slice %arg10[%dma_wait3A_183] : memref<2x!tpu.dma_semaphore, #tpu.memory_space<semaphore_mem>> -> memref<1x!tpu.dma_semaphore, #tpu.memory_space<semaphore_mem>>
      %dma_wait3A_199 = tpu.memref_squeeze %dma_wait3A_198 : memref<1x!tpu.dma_semaphore, #tpu.memory_space<semaphore_mem>> -> memref<!tpu.dma_semaphore, #tpu.memory_space<semaphore_mem>>
      tpu.wait_indirect_dma semaphore(%dma_wait3A_199 : memref<!tpu.dma_semaphore, #tpu.memory_space<semaphore_mem>>) src(%dma_wait3A_187 : memref<128x128xf32, #tpu.memory_space<vmem>>) dst(%dma_wait3A_197 : memref<10240x128xf32, #tpu.memory_space<vmem_shared>>)
      %add3A_200 = arith.constant 2 : i32
      %add3A_201 = arith.addi %scan3A_86, %add3A_200 : i32
      %lt3A_202 = arith.constant 8 : i32
      %lt3A_203 = arith.cmpi slt, %add3A_201, %lt3A_202 : i32
      %convert_element_type3A = arith.extui %lt3A_203 : i1 to i32
      %cond3A = arith.constant 0 : i32
      %cond3A_204 = arith.cmpi ne, %convert_element_type3A, %cond3A : i32
      scf.if %cond3A_204 {
        %add3A_206 = arith.constant 2 : i32
        %add3A_207 = arith.addi %scan3A_86, %add3A_206 : i32
        %mul3A_208 = arith.constant 2 : i32
        %mul3A_209 = arith.muli %add3A_207, %mul3A_208 : i32
        %mul3A_210 = arith.constant 20 : i32
        %mul3A_211 = arith.muli %mul3A_209, %mul3A_210 : i32
        %add3A_212 = arith.addi %mul3A_34, %mul3A_211 : i32
        %dma_start3A_213 = arith.constant 0 : i32
        %dma_start3A_214 = arith.constant 0 : i32
        %dma_start3A_215 = tpu.memref_slice %arg5[%select_n3A_96, %dma_start3A_213, %dma_start3A_214] : memref<2x40x128xi32, #tpu.memory_space<vmem>> -> memref<1x40x128xi32, #tpu.memory_space<vmem>>
        %dma_start3A_216 = tpu.memref_squeeze %dma_start3A_215 : memref<1x40x128xi32, #tpu.memory_space<vmem>> -> memref<40x128xi32, #tpu.memory_space<vmem>>
        %dma_start3A_217 = arith.constant 0 : i32
        %dma_start3A_218 = tpu.memref_slice %arg3[%arg0, %add3A_212, %dma_start3A_217] : memref<2x5120x128xi32, #tpu.memory_space<hbm>> -> memref<1x40x128xi32, #tpu.memory_space<hbm>>
        %dma_start3A_219 = tpu.memref_squeeze %dma_start3A_218 : memref<1x40x128xi32, #tpu.memory_space<hbm>> -> memref<40x128xi32, #tpu.memory_space<hbm>>
        %dma_start3A_220 = tpu.memref_slice %arg8[%select_n3A_96] : memref<2x!tpu.dma_semaphore, #tpu.memory_space<semaphore_mem>> -> memref<1x!tpu.dma_semaphore, #tpu.memory_space<semaphore_mem>>
        %dma_start3A_221 = tpu.memref_squeeze %dma_start3A_220 : memref<1x!tpu.dma_semaphore, #tpu.memory_space<semaphore_mem>> -> memref<!tpu.dma_semaphore, #tpu.memory_space<semaphore_mem>>
        %dma_start3A_222 = arith.constant 0 : i32
        %dma_start3A_223 = arith.constant 0 : i32
        %dma_start3A_224 = tpu.memref_slice %arg5[%select_n3A_96, %dma_start3A_222, %dma_start3A_223] : memref<2x40x128xi32, #tpu.memory_space<vmem>> -> memref<1x40x128xi32, #tpu.memory_space<vmem>>
        %dma_start3A_225 = tpu.memref_squeeze %dma_start3A_224 : memref<1x40x128xi32, #tpu.memory_space<vmem>> -> memref<40x128xi32, #tpu.memory_space<vmem>>
        %dma_start3A_226 = arith.constant 0 : i32
        %dma_start3A_227 = tpu.memref_slice %arg3[%arg0, %add3A_212, %dma_start3A_226] : memref<2x5120x128xi32, #tpu.memory_space<hbm>> -> memref<1x40x128xi32, #tpu.memory_space<hbm>>
        %dma_start3A_228 = tpu.memref_squeeze %dma_start3A_227 : memref<1x40x128xi32, #tpu.memory_space<hbm>> -> memref<40x128xi32, #tpu.memory_space<hbm>>
        tpu.enqueue_dma source(%dma_start3A_228 : memref<40x128xi32, #tpu.memory_space<hbm>>) target(%dma_start3A_225 : memref<40x128xi32, #tpu.memory_space<vmem>>) target_semaphore(%dma_start3A_221 : memref<!tpu.dma_semaphore, #tpu.memory_space<semaphore_mem>>)
      } else {
      }
      %scan3A_205 = arith.constant 0 : i32
      scf.yield %scan3A_205 : i32
    }
    %scan3A_80 = arith.constant 8 : i32
    %barrier3A_81 = arith.constant 0 : index
    tpu.barrier barrier_id(%barrier3A_81)
    %mul3A_82 = arith.constant 640 : i32
    %mul3A_83 = arith.muli %arg1, %mul3A_82 : i32
    %mul3A_84 = arith.constant 640 : i32
    %mul3A_85 = arith.muli %arg1, %mul3A_84 : i32
    "tpu.region"() ({
      %run_scoped3A_86 = tpu.sem_alloc : memref<!tpu.dma_semaphore, #tpu.memory_space<semaphore_mem>>
      %dma_start3A_87 = arith.constant 0 : i32
      %dma_start3A_88 = tpu.memref_slice %arg4[%arg0, %mul3A_85, %dma_start3A_87] : memref<2x10240x128xf32, #tpu.memory_space<hbm>> -> memref<1x640x128xf32, #tpu.memory_space<hbm>>
      %dma_start3A_89 = tpu.memref_squeeze %dma_start3A_88 : memref<1x640x128xf32, #tpu.memory_space<hbm>> -> memref<640x128xf32, #tpu.memory_space<hbm>>
      %dma_start3A_90 = arith.constant 0 : i32
      %dma_start3A_91 = tpu.memref_slice %arg7[%mul3A_83, %dma_start3A_90] : memref<10240x128xf32, #tpu.memory_space<vmem_shared>> -> memref<640x128xf32, #tpu.memory_space<vmem_shared>>
      tpu.enqueue_dma source(%dma_start3A_91 : memref<640x128xf32, #tpu.memory_space<vmem_shared>>) target(%dma_start3A_89 : memref<640x128xf32, #tpu.memory_space<hbm>>) target_semaphore(%run_scoped3A_86 : memref<!tpu.dma_semaphore, #tpu.memory_space<semaphore_mem>>)
      %dma_wait3A = arith.constant 0 : i32
      %dma_wait3A_92 = tpu.memref_slice %arg4[%arg0, %mul3A_85, %dma_wait3A] : memref<2x10240x128xf32, #tpu.memory_space<hbm>> -> memref<1x640x128xf32, #tpu.memory_space<hbm>>
      %dma_wait3A_93 = tpu.memref_squeeze %dma_wait3A_92 : memref<1x640x128xf32, #tpu.memory_space<hbm>> -> memref<640x128xf32, #tpu.memory_space<hbm>>
      %dma_wait3A_94 = arith.constant 0 : i32
      %dma_wait3A_95 = tpu.memref_slice %arg7[%mul3A_83, %dma_wait3A_94] : memref<10240x128xf32, #tpu.memory_space<vmem_shared>> -> memref<640x128xf32, #tpu.memory_space<vmem_shared>>
      tpu.wait_dma2 semaphore(%run_scoped3A_86 : memref<!tpu.dma_semaphore, #tpu.memory_space<semaphore_mem>>) src(%dma_wait3A_95 : memref<640x128xf32, #tpu.memory_space<vmem_shared>>) dst(%dma_wait3A_93 : memref<640x128xf32, #tpu.memory_space<hbm>>)
      tpu.yield
    }) : () -> ()
    return
  }
}

#map = affine_map<(d0, d1) -> (0, 0)>
#map1 = affine_map<(d0, d1) -> (0, 0, 0)>
module attributes {stable_mosaic.version = 14 : i64} {
  func.func @agg(%arg0: i32, %arg1: i32, %arg2: memref<20000x128xf32, #tpu.memory_space<hbm>>, %arg3: memref<2x5120x128xi32, #tpu.memory_space<hbm>>, %arg4: memref<2x10240x128xf32, #tpu.memory_space<hbm>>, %arg5: memref<2x40x128xi32, #tpu.memory_space<vmem>>, %arg6: memref<2x128x128xf32, #tpu.memory_space<vmem>>, %arg7: memref<10240x128xf32, #tpu.memory_space<vmem_shared>>, %arg8: memref<2x!tpu.dma_semaphore, #tpu.memory_space<semaphore_mem>>, %arg9: memref<2x!tpu.dma_semaphore, #tpu.memory_space<semaphore_mem>>, %arg10: memref<2x!tpu.dma_semaphore, #tpu.memory_space<semaphore_mem>>) attributes {dimension_semantics = [#tpu.dimension_semantics<core_parallel>, #tpu.dimension_semantics<subcore_parallel>], iteration_bounds = array<i64: 2, 16>, scalar_prefetch = 0 : i64, scratch_operands = 6 : i64, tpu.core_type = #tpu.core_type<sc_vector_subcore>, window_params = [{transform_indices = #map}, {transform_indices = #map1}, {transform_indices = #map1}]} {
    %broadcast_in_dim3A = arith.constant 0.000000e+00 : f32
    %broadcast_in_dim3A_0 = vector.broadcast %broadcast_in_dim3A : f32 to vector<16xf32>
    %scan3A = arith.constant 0 : i32
    %scan3A_1 = arith.constant 0 : i32
    %scan3A_2 = arith.constant 128 : i32
    %scan3A_3 = arith.addi %scan3A_1, %scan3A_2 : i32
    %scan3A_4 = arith.constant 1 : i32
    %scan3A_5 = scf.for %scan3A_86 = %scan3A_1 to %scan3A_3 step %scan3A_4 iter_args(%scan3A_87 = %scan3A) -> (i32)  : i32 {
      %swap3A = arith.constant 0 : i32
      %swap3A_88 = arith.index_cast %swap3A : i32 to index
      %swap3A_89 = arith.index_cast %scan3A_86 : i32 to index
      %swap3A_90 = arith.constant 0 : index
      %swap3A_91 = tpu.vector_load %arg6[%swap3A_88, %swap3A_89, %swap3A_90] {strides = array<i32>} : memref<2x128x128xf32, #tpu.memory_space<vmem>>, vector<1x1x16xf32>,
      %swap3A_92 = vector.shape_cast %swap3A_91 : vector<1x1x16xf32> to vector<16xf32>
      %swap3A_93 = vector.shape_cast %broadcast_in_dim3A_0 : vector<16xf32> to vector<1x1x16xf32>
      tpu.vector_store %arg6[%swap3A_88, %swap3A_89, %swap3A_90], %swap3A_93 {strides = array<i32>} : memref<2x128x128xf32, #tpu.memory_space<vmem>>, vector<1x1x16xf32>,
      %swap3A_94 = arith.constant 0 : i32
      %swap3A_95 = arith.index_cast %swap3A_94 : i32 to index
      %swap3A_96 = arith.index_cast %scan3A_86 : i32 to index
      %swap3A_97 = arith.constant 16 : index
      %swap3A_98 = tpu.vector_load %arg6[%swap3A_95, %swap3A_96, %swap3A_97] {strides = array<i32>} : memref<2x128x128xf32, #tpu.memory_space<vmem>>, vector<1x1x16xf32>,
      %swap3A_99 = vector.shape_cast %swap3A_98 : vector<1x1x16xf32> to vector<16xf32>
      %swap3A_100 = vector.shape_cast %broadcast_in_dim3A_0 : vector<16xf32> to vector<1x1x16xf32>
      tpu.vector_store %arg6[%swap3A_95, %swap3A_96, %swap3A_97], %swap3A_100 {strides = array<i32>} : memref<2x128x128xf32, #tpu.memory_space<vmem>>, vector<1x1x16xf32>,
      %swap3A_101 = arith.constant 0 : i32
      %swap3A_102 = arith.index_cast %swap3A_101 : i32 to index
      %swap3A_103 = arith.index_cast %scan3A_86 : i32 to index
      %swap3A_104 = arith.constant 32 : index
      %swap3A_105 = tpu.vector_load %arg6[%swap3A_102, %swap3A_103, %swap3A_104] {strides = array<i32>} : memref<2x128x128xf32, #tpu.memory_space<vmem>>, vector<1x1x16xf32>,
      %swap3A_106 = vector.shape_cast %swap3A_105 : vector<1x1x16xf32> to vector<16xf32>
      %swap3A_107 = vector.shape_cast %broadcast_in_dim3A_0 : vector<16xf32> to vector<1x1x16xf32>
      tpu.vector_store %arg6[%swap3A_102, %swap3A_103, %swap3A_104], %swap3A_107 {strides = array<i32>} : memref<2x128x128xf32, #tpu.memory_space<vmem>>, vector<1x1x16xf32>,
      %swap3A_108 = arith.constant 0 : i32
      %swap3A_109 = arith.index_cast %swap3A_108 : i32 to index
      %swap3A_110 = arith.index_cast %scan3A_86 : i32 to index
      %swap3A_111 = arith.constant 48 : index
      %swap3A_112 = tpu.vector_load %arg6[%swap3A_109, %swap3A_110, %swap3A_111] {strides = array<i32>} : memref<2x128x128xf32, #tpu.memory_space<vmem>>, vector<1x1x16xf32>,
      %swap3A_113 = vector.shape_cast %swap3A_112 : vector<1x1x16xf32> to vector<16xf32>
      %swap3A_114 = vector.shape_cast %broadcast_in_dim3A_0 : vector<16xf32> to vector<1x1x16xf32>
      tpu.vector_store %arg6[%swap3A_109, %swap3A_110, %swap3A_111], %swap3A_114 {strides = array<i32>} : memref<2x128x128xf32, #tpu.memory_space<vmem>>, vector<1x1x16xf32>,
      %swap3A_115 = arith.constant 0 : i32
      %swap3A_116 = arith.index_cast %swap3A_115 : i32 to index
      %swap3A_117 = arith.index_cast %scan3A_86 : i32 to index
      %swap3A_118 = arith.constant 64 : index
      %swap3A_119 = tpu.vector_load %arg6[%swap3A_116, %swap3A_117, %swap3A_118] {strides = array<i32>} : memref<2x128x128xf32, #tpu.memory_space<vmem>>, vector<1x1x16xf32>,
      %swap3A_120 = vector.shape_cast %swap3A_119 : vector<1x1x16xf32> to vector<16xf32>
      %swap3A_121 = vector.shape_cast %broadcast_in_dim3A_0 : vector<16xf32> to vector<1x1x16xf32>
      tpu.vector_store %arg6[%swap3A_116, %swap3A_117, %swap3A_118], %swap3A_121 {strides = array<i32>} : memref<2x128x128xf32, #tpu.memory_space<vmem>>, vector<1x1x16xf32>,
      %swap3A_122 = arith.constant 0 : i32
      %swap3A_123 = arith.index_cast %swap3A_122 : i32 to index
      %swap3A_124 = arith.index_cast %scan3A_86 : i32 to index
      %swap3A_125 = arith.constant 80 : index
      %swap3A_126 = tpu.vector_load %arg6[%swap3A_123, %swap3A_124, %swap3A_125] {strides = array<i32>} : memref<2x128x128xf32, #tpu.memory_space<vmem>>, vector<1x1x16xf32>,
      %swap3A_127 = vector.shape_cast %swap3A_126 : vector<1x1x16xf32> to vector<16xf32>
      %swap3A_128 = vector.shape_cast %broadcast_in_dim3A_0 : vector<16xf32> to vector<1x1x16xf32>
      tpu.vector_store %arg6[%swap3A_123, %swap3A_124, %swap3A_125], %swap3A_128 {strides = array<i32>} : memref<2x128x128xf32, #tpu.memory_space<vmem>>, vector<1x1x16xf32>,
      %swap3A_129 = arith.constant 0 : i32
      %swap3A_130 = arith.index_cast %swap3A_129 : i32 to index
      %swap3A_131 = arith.index_cast %scan3A_86 : i32 to index
      %swap3A_132 = arith.constant 96 : index
      %swap3A_133 = tpu.vector_load %arg6[%swap3A_130, %swap3A_131, %swap3A_132] {strides = array<i32>} : memref<2x128x128xf32, #tpu.memory_space<vmem>>, vector<1x1x16xf32>,
      %swap3A_134 = vector.shape_cast %swap3A_133 : vector<1x1x16xf32> to vector<16xf32>
      %swap3A_135 = vector.shape_cast %broadcast_in_dim3A_0 : vector<16xf32> to vector<1x1x16xf32>
      tpu.vector_store %arg6[%swap3A_130, %swap3A_131, %swap3A_132], %swap3A_135 {strides = array<i32>} : memref<2x128x128xf32, #tpu.memory_space<vmem>>, vector<1x1x16xf32>,
      %swap3A_136 = arith.constant 0 : i32
      %swap3A_137 = arith.index_cast %swap3A_136 : i32 to index
      %swap3A_138 = arith.index_cast %scan3A_86 : i32 to index
      %swap3A_139 = arith.constant 112 : index
      %swap3A_140 = tpu.vector_load %arg6[%swap3A_137, %swap3A_138, %swap3A_139] {strides = array<i32>} : memref<2x128x128xf32, #tpu.memory_space<vmem>>, vector<1x1x16xf32>,
      %swap3A_141 = vector.shape_cast %swap3A_140 : vector<1x1x16xf32> to vector<16xf32>
      %swap3A_142 = vector.shape_cast %broadcast_in_dim3A_0 : vector<16xf32> to vector<1x1x16xf32>
      tpu.vector_store %arg6[%swap3A_137, %swap3A_138, %swap3A_139], %swap3A_142 {strides = array<i32>} : memref<2x128x128xf32, #tpu.memory_space<vmem>>, vector<1x1x16xf32>,
      %scan3A_143 = arith.constant 0 : i32
      scf.yield %scan3A_143 : i32
    }
    %scan3A_6 = arith.constant 128 : i32
    %mul3A = arith.constant 640 : i32
    %mul3A_7 = arith.muli %arg1, %mul3A : i32
    %add3A = arith.constant 0 : i32
    %add3A_8 = arith.addi %mul3A_7, %add3A : i32
    %run_scoped3A = arith.constant 0 : i32
    "tpu.region"() ({
      %run_scoped3A_86 = tpu.sem_alloc : memref<!tpu.dma_semaphore, #tpu.memory_space<semaphore_mem>>
      %dma_start3A_87 = arith.constant 0 : i32
      %dma_start3A_88 = arith.constant 0 : i32
      %dma_start3A_89 = tpu.memref_slice %arg6[%run_scoped3A, %dma_start3A_87, %dma_start3A_88] : memref<2x128x128xf32, #tpu.memory_space<vmem>> -> memref<1x128x128xf32, #tpu.memory_space<vmem>>
      %dma_start3A_90 = tpu.memref_squeeze %dma_start3A_89 : memref<1x128x128xf32, #tpu.memory_space<vmem>> -> memref<128x128xf32, #tpu.memory_space<vmem>>
      %dma_start3A_91 = arith.constant 0 : i32
      %dma_start3A_92 = tpu.memref_slice %arg7[%add3A_8, %dma_start3A_91] : memref<10240x128xf32, #tpu.memory_space<vmem_shared>> -> memref<128x128xf32, #tpu.memory_space<vmem_shared>>
      %dma_start3A_93 = arith.constant 0 : i32
      %dma_start3A_94 = tpu.memref_slice %arg7[%add3A_8, %dma_start3A_93] : memref<10240x128xf32, #tpu.memory_space<vmem_shared>> -> memref<128x128xf32, #tpu.memory_space<vmem_shared>>
      %dma_start3A_95 = arith.constant 0 : i32
      %dma_start3A_96 = arith.constant 0 : i32
      %dma_start3A_97 = tpu.memref_slice %arg6[%run_scoped3A, %dma_start3A_95, %dma_start3A_96] : memref<2x128x128xf32, #tpu.memory_space<vmem>> -> memref<1x128x128xf32, #tpu.memory_space<vmem>>
      %dma_start3A_98 = tpu.memref_squeeze %dma_start3A_97 : memref<1x128x128xf32, #tpu.memory_space<vmem>> -> memref<128x128xf32, #tpu.memory_space<vmem>>
      tpu.enqueue_dma source(%dma_start3A_98 : memref<128x128xf32, #tpu.memory_space<vmem>>) target(%dma_start3A_94 : memref<128x128xf32, #tpu.memory_space<vmem_shared>>) target_semaphore(%run_scoped3A_86 : memref<!tpu.dma_semaphore, #tpu.memory_space<semaphore_mem>>)
      %dma_wait3A = arith.constant 0 : i32
      %dma_wait3A_99 = arith.constant 0 : i32
      %dma_wait3A_100 = tpu.memref_slice %arg6[%run_scoped3A, %dma_wait3A, %dma_wait3A_99] : memref<2x128x128xf32, #tpu.memory_space<vmem>> -> memref<1x128x128xf32, #tpu.memory_space<vmem>>
      %dma_wait3A_101 = tpu.memref_squeeze %dma_wait3A_100 : memref<1x128x128xf32, #tpu.memory_space<vmem>> -> memref<128x128xf32, #tpu.memory_space<vmem>>
      %dma_wait3A_102 = arith.constant 0 : i32
      %dma_wait3A_103 = tpu.memref_slice %arg7[%add3A_8, %dma_wait3A_102] : memref<10240x128xf32, #tpu.memory_space<vmem_shared>> -> memref<128x128xf32, #tpu.memory_space<vmem_shared>>
      %dma_wait3A_104 = arith.constant 0 : i32
      %dma_wait3A_105 = tpu.memref_slice %arg7[%add3A_8, %dma_wait3A_104] : memref<10240x128xf32, #tpu.memory_space<vmem_shared>> -> memref<128x128xf32, #tpu.memory_space<vmem_shared>>
      %dma_wait3A_106 = arith.constant 0 : i32
      %dma_wait3A_107 = arith.constant 0 : i32
      %dma_wait3A_108 = tpu.memref_slice %arg6[%run_scoped3A, %dma_wait3A_106, %dma_wait3A_107] : memref<2x128x128xf32, #tpu.memory_space<vmem>> -> memref<1x128x128xf32, #tpu.memory_space<vmem>>
      %dma_wait3A_109 = tpu.memref_squeeze %dma_wait3A_108 : memref<1x128x128xf32, #tpu.memory_space<vmem>> -> memref<128x128xf32, #tpu.memory_space<vmem>>
      tpu.wait_dma2 semaphore(%run_scoped3A_86 : memref<!tpu.dma_semaphore, #tpu.memory_space<semaphore_mem>>) src(%dma_wait3A_109 : memref<128x128xf32, #tpu.memory_space<vmem>>) dst(%dma_wait3A_105 : memref<128x128xf32, #tpu.memory_space<vmem_shared>>)
      tpu.yield
    }) : () -> ()
    %mul3A_9 = arith.constant 640 : i32
    %mul3A_10 = arith.muli %arg1, %mul3A_9 : i32
    %add3A_11 = arith.constant 128 : i32
    %add3A_12 = arith.addi %mul3A_10, %add3A_11 : i32
    %run_scoped3A_13 = arith.constant 0 : i32
    "tpu.region"() ({
      %run_scoped3A_86 = tpu.sem_alloc : memref<!tpu.dma_semaphore, #tpu.memory_space<semaphore_mem>>
      %dma_start3A_87 = arith.constant 0 : i32
      %dma_start3A_88 = arith.constant 0 : i32
      %dma_start3A_89 = tpu.memref_slice %arg6[%run_scoped3A_13, %dma_start3A_87, %dma_start3A_88] : memref<2x128x128xf32, #tpu.memory_space<vmem>> -> memref<1x128x128xf32, #tpu.memory_space<vmem>>
      %dma_start3A_90 = tpu.memref_squeeze %dma_start3A_89 : memref<1x128x128xf32, #tpu.memory_space<vmem>> -> memref<128x128xf32, #tpu.memory_space<vmem>>
      %dma_start3A_91 = arith.constant 0 : i32
      %dma_start3A_92 = tpu.memref_slice %arg7[%add3A_12, %dma_start3A_91] : memref<10240x128xf32, #tpu.memory_space<vmem_shared>> -> memref<128x128xf32, #tpu.memory_space<vmem_shared>>
      %dma_start3A_93 = arith.constant 0 : i32
      %dma_start3A_94 = tpu.memref_slice %arg7[%add3A_12, %dma_start3A_93] : memref<10240x128xf32, #tpu.memory_space<vmem_shared>> -> memref<128x128xf32, #tpu.memory_space<vmem_shared>>
      %dma_start3A_95 = arith.constant 0 : i32
      %dma_start3A_96 = arith.constant 0 : i32
      %dma_start3A_97 = tpu.memref_slice %arg6[%run_scoped3A_13, %dma_start3A_95, %dma_start3A_96] : memref<2x128x128xf32, #tpu.memory_space<vmem>> -> memref<1x128x128xf32, #tpu.memory_space<vmem>>
      %dma_start3A_98 = tpu.memref_squeeze %dma_start3A_97 : memref<1x128x128xf32, #tpu.memory_space<vmem>> -> memref<128x128xf32, #tpu.memory_space<vmem>>
      tpu.enqueue_dma source(%dma_start3A_98 : memref<128x128xf32, #tpu.memory_space<vmem>>) target(%dma_start3A_94 : memref<128x128xf32, #tpu.memory_space<vmem_shared>>) target_semaphore(%run_scoped3A_86 : memref<!tpu.dma_semaphore, #tpu.memory_space<semaphore_mem>>)
      %dma_wait3A = arith.constant 0 : i32
      %dma_wait3A_99 = arith.constant 0 : i32
      %dma_wait3A_100 = tpu.memref_slice %arg6[%run_scoped3A_13, %dma_wait3A, %dma_wait3A_99] : memref<2x128x128xf32, #tpu.memory_space<vmem>> -> memref<1x128x128xf32, #tpu.memory_space<vmem>>
      %dma_wait3A_101 = tpu.memref_squeeze %dma_wait3A_100 : memref<1x128x128xf32, #tpu.memory_space<vmem>> -> memref<128x128xf32, #tpu.memory_space<vmem>>
      %dma_wait3A_102 = arith.constant 0 : i32
      %dma_wait3A_103 = tpu.memref_slice %arg7[%add3A_12, %dma_wait3A_102] : memref<10240x128xf32, #tpu.memory_space<vmem_shared>> -> memref<128x128xf32, #tpu.memory_space<vmem_shared>>
      %dma_wait3A_104 = arith.constant 0 : i32
      %dma_wait3A_105 = tpu.memref_slice %arg7[%add3A_12, %dma_wait3A_104] : memref<10240x128xf32, #tpu.memory_space<vmem_shared>> -> memref<128x128xf32, #tpu.memory_space<vmem_shared>>
      %dma_wait3A_106 = arith.constant 0 : i32
      %dma_wait3A_107 = arith.constant 0 : i32
      %dma_wait3A_108 = tpu.memref_slice %arg6[%run_scoped3A_13, %dma_wait3A_106, %dma_wait3A_107] : memref<2x128x128xf32, #tpu.memory_space<vmem>> -> memref<1x128x128xf32, #tpu.memory_space<vmem>>
      %dma_wait3A_109 = tpu.memref_squeeze %dma_wait3A_108 : memref<1x128x128xf32, #tpu.memory_space<vmem>> -> memref<128x128xf32, #tpu.memory_space<vmem>>
      tpu.wait_dma2 semaphore(%run_scoped3A_86 : memref<!tpu.dma_semaphore, #tpu.memory_space<semaphore_mem>>) src(%dma_wait3A_109 : memref<128x128xf32, #tpu.memory_space<vmem>>) dst(%dma_wait3A_105 : memref<128x128xf32, #tpu.memory_space<vmem_shared>>)
      tpu.yield
    }) : () -> ()
    %mul3A_14 = arith.constant 640 : i32
    %mul3A_15 = arith.muli %arg1, %mul3A_14 : i32
    %add3A_16 = arith.constant 256 : i32
    %add3A_17 = arith.addi %mul3A_15, %add3A_16 : i32
    %run_scoped3A_18 = arith.constant 0 : i32
    "tpu.region"() ({
      %run_scoped3A_86 = tpu.sem_alloc : memref<!tpu.dma_semaphore, #tpu.memory_space<semaphore_mem>>
      %dma_start3A_87 = arith.constant 0 : i32
      %dma_start3A_88 = arith.constant 0 : i32
      %dma_start3A_89 = tpu.memref_slice %arg6[%run_scoped3A_18, %dma_start3A_87, %dma_start3A_88] : memref<2x128x128xf32, #tpu.memory_space<vmem>> -> memref<1x128x128xf32, #tpu.memory_space<vmem>>
      %dma_start3A_90 = tpu.memref_squeeze %dma_start3A_89 : memref<1x128x128xf32, #tpu.memory_space<vmem>> -> memref<128x128xf32, #tpu.memory_space<vmem>>
      %dma_start3A_91 = arith.constant 0 : i32
      %dma_start3A_92 = tpu.memref_slice %arg7[%add3A_17, %dma_start3A_91] : memref<10240x128xf32, #tpu.memory_space<vmem_shared>> -> memref<128x128xf32, #tpu.memory_space<vmem_shared>>
      %dma_start3A_93 = arith.constant 0 : i32
      %dma_start3A_94 = tpu.memref_slice %arg7[%add3A_17, %dma_start3A_93] : memref<10240x128xf32, #tpu.memory_space<vmem_shared>> -> memref<128x128xf32, #tpu.memory_space<vmem_shared>>
      %dma_start3A_95 = arith.constant 0 : i32
      %dma_start3A_96 = arith.constant 0 : i32
      %dma_start3A_97 = tpu.memref_slice %arg6[%run_scoped3A_18, %dma_start3A_95, %dma_start3A_96] : memref<2x128x128xf32, #tpu.memory_space<vmem>> -> memref<1x128x128xf32, #tpu.memory_space<vmem>>
      %dma_start3A_98 = tpu.memref_squeeze %dma_start3A_97 : memref<1x128x128xf32, #tpu.memory_space<vmem>> -> memref<128x128xf32, #tpu.memory_space<vmem>>
      tpu.enqueue_dma source(%dma_start3A_98 : memref<128x128xf32, #tpu.memory_space<vmem>>) target(%dma_start3A_94 : memref<128x128xf32, #tpu.memory_space<vmem_shared>>) target_semaphore(%run_scoped3A_86 : memref<!tpu.dma_semaphore, #tpu.memory_space<semaphore_mem>>)
      %dma_wait3A = arith.constant 0 : i32
      %dma_wait3A_99 = arith.constant 0 : i32
      %dma_wait3A_100 = tpu.memref_slice %arg6[%run_scoped3A_18, %dma_wait3A, %dma_wait3A_99] : memref<2x128x128xf32, #tpu.memory_space<vmem>> -> memref<1x128x128xf32, #tpu.memory_space<vmem>>
      %dma_wait3A_101 = tpu.memref_squeeze %dma_wait3A_100 : memref<1x128x128xf32, #tpu.memory_space<vmem>> -> memref<128x128xf32, #tpu.memory_space<vmem>>
      %dma_wait3A_102 = arith.constant 0 : i32
      %dma_wait3A_103 = tpu.memref_slice %arg7[%add3A_17, %dma_wait3A_102] : memref<10240x128xf32, #tpu.memory_space<vmem_shared>> -> memref<128x128xf32, #tpu.memory_space<vmem_shared>>
      %dma_wait3A_104 = arith.constant 0 : i32
      %dma_wait3A_105 = tpu.memref_slice %arg7[%add3A_17, %dma_wait3A_104] : memref<10240x128xf32, #tpu.memory_space<vmem_shared>> -> memref<128x128xf32, #tpu.memory_space<vmem_shared>>
      %dma_wait3A_106 = arith.constant 0 : i32
      %dma_wait3A_107 = arith.constant 0 : i32
      %dma_wait3A_108 = tpu.memref_slice %arg6[%run_scoped3A_18, %dma_wait3A_106, %dma_wait3A_107] : memref<2x128x128xf32, #tpu.memory_space<vmem>> -> memref<1x128x128xf32, #tpu.memory_space<vmem>>
      %dma_wait3A_109 = tpu.memref_squeeze %dma_wait3A_108 : memref<1x128x128xf32, #tpu.memory_space<vmem>> -> memref<128x128xf32, #tpu.memory_space<vmem>>
      tpu.wait_dma2 semaphore(%run_scoped3A_86 : memref<!tpu.dma_semaphore, #tpu.memory_space<semaphore_mem>>) src(%dma_wait3A_109 : memref<128x128xf32, #tpu.memory_space<vmem>>) dst(%dma_wait3A_105 : memref<128x128xf32, #tpu.memory_space<vmem_shared>>)
      tpu.yield
    }) : () -> ()
    %mul3A_19 = arith.constant 640 : i32
    %mul3A_20 = arith.muli %arg1, %mul3A_19 : i32
    %add3A_21 = arith.constant 384 : i32
    %add3A_22 = arith.addi %mul3A_20, %add3A_21 : i32
    %run_scoped3A_23 = arith.constant 0 : i32
    "tpu.region"() ({
      %run_scoped3A_86 = tpu.sem_alloc : memref<!tpu.dma_semaphore, #tpu.memory_space<semaphore_mem>>
      %dma_start3A_87 = arith.constant 0 : i32
      %dma_start3A_88 = arith.constant 0 : i32
      %dma_start3A_89 = tpu.memref_slice %arg6[%run_scoped3A_23, %dma_start3A_87, %dma_start3A_88] : memref<2x128x128xf32, #tpu.memory_space<vmem>> -> memref<1x128x128xf32, #tpu.memory_space<vmem>>
      %dma_start3A_90 = tpu.memref_squeeze %dma_start3A_89 : memref<1x128x128xf32, #tpu.memory_space<vmem>> -> memref<128x128xf32, #tpu.memory_space<vmem>>
      %dma_start3A_91 = arith.constant 0 : i32
      %dma_start3A_92 = tpu.memref_slice %arg7[%add3A_22, %dma_start3A_91] : memref<10240x128xf32, #tpu.memory_space<vmem_shared>> -> memref<128x128xf32, #tpu.memory_space<vmem_shared>>
      %dma_start3A_93 = arith.constant 0 : i32
      %dma_start3A_94 = tpu.memref_slice %arg7[%add3A_22, %dma_start3A_93] : memref<10240x128xf32, #tpu.memory_space<vmem_shared>> -> memref<128x128xf32, #tpu.memory_space<vmem_shared>>
      %dma_start3A_95 = arith.constant 0 : i32
      %dma_start3A_96 = arith.constant 0 : i32
      %dma_start3A_97 = tpu.memref_slice %arg6[%run_scoped3A_23, %dma_start3A_95, %dma_start3A_96] : memref<2x128x128xf32, #tpu.memory_space<vmem>> -> memref<1x128x128xf32, #tpu.memory_space<vmem>>
      %dma_start3A_98 = tpu.memref_squeeze %dma_start3A_97 : memref<1x128x128xf32, #tpu.memory_space<vmem>> -> memref<128x128xf32, #tpu.memory_space<vmem>>
      tpu.enqueue_dma source(%dma_start3A_98 : memref<128x128xf32, #tpu.memory_space<vmem>>) target(%dma_start3A_94 : memref<128x128xf32, #tpu.memory_space<vmem_shared>>) target_semaphore(%run_scoped3A_86 : memref<!tpu.dma_semaphore, #tpu.memory_space<semaphore_mem>>)
      %dma_wait3A = arith.constant 0 : i32
      %dma_wait3A_99 = arith.constant 0 : i32
      %dma_wait3A_100 = tpu.memref_slice %arg6[%run_scoped3A_23, %dma_wait3A, %dma_wait3A_99] : memref<2x128x128xf32, #tpu.memory_space<vmem>> -> memref<1x128x128xf32, #tpu.memory_space<vmem>>
      %dma_wait3A_101 = tpu.memref_squeeze %dma_wait3A_100 : memref<1x128x128xf32, #tpu.memory_space<vmem>> -> memref<128x128xf32, #tpu.memory_space<vmem>>
      %dma_wait3A_102 = arith.constant 0 : i32
      %dma_wait3A_103 = tpu.memref_slice %arg7[%add3A_22, %dma_wait3A_102] : memref<10240x128xf32, #tpu.memory_space<vmem_shared>> -> memref<128x128xf32, #tpu.memory_space<vmem_shared>>
      %dma_wait3A_104 = arith.constant 0 : i32
      %dma_wait3A_105 = tpu.memref_slice %arg7[%add3A_22, %dma_wait3A_104] : memref<10240x128xf32, #tpu.memory_space<vmem_shared>> -> memref<128x128xf32, #tpu.memory_space<vmem_shared>>
      %dma_wait3A_106 = arith.constant 0 : i32
      %dma_wait3A_107 = arith.constant 0 : i32
      %dma_wait3A_108 = tpu.memref_slice %arg6[%run_scoped3A_23, %dma_wait3A_106, %dma_wait3A_107] : memref<2x128x128xf32, #tpu.memory_space<vmem>> -> memref<1x128x128xf32, #tpu.memory_space<vmem>>
      %dma_wait3A_109 = tpu.memref_squeeze %dma_wait3A_108 : memref<1x128x128xf32, #tpu.memory_space<vmem>> -> memref<128x128xf32, #tpu.memory_space<vmem>>
      tpu.wait_dma2 semaphore(%run_scoped3A_86 : memref<!tpu.dma_semaphore, #tpu.memory_space<semaphore_mem>>) src(%dma_wait3A_109 : memref<128x128xf32, #tpu.memory_space<vmem>>) dst(%dma_wait3A_105 : memref<128x128xf32, #tpu.memory_space<vmem_shared>>)
      tpu.yield
    }) : () -> ()
    %mul3A_24 = arith.constant 640 : i32
    %mul3A_25 = arith.muli %arg1, %mul3A_24 : i32
    %add3A_26 = arith.constant 512 : i32
    %add3A_27 = arith.addi %mul3A_25, %add3A_26 : i32
    %run_scoped3A_28 = arith.constant 0 : i32
    "tpu.region"() ({
      %run_scoped3A_86 = tpu.sem_alloc : memref<!tpu.dma_semaphore, #tpu.memory_space<semaphore_mem>>
      %dma_start3A_87 = arith.constant 0 : i32
      %dma_start3A_88 = arith.constant 0 : i32
      %dma_start3A_89 = tpu.memref_slice %arg6[%run_scoped3A_28, %dma_start3A_87, %dma_start3A_88] : memref<2x128x128xf32, #tpu.memory_space<vmem>> -> memref<1x128x128xf32, #tpu.memory_space<vmem>>
      %dma_start3A_90 = tpu.memref_squeeze %dma_start3A_89 : memref<1x128x128xf32, #tpu.memory_space<vmem>> -> memref<128x128xf32, #tpu.memory_space<vmem>>
      %dma_start3A_91 = arith.constant 0 : i32
      %dma_start3A_92 = tpu.memref_slice %arg7[%add3A_27, %dma_start3A_91] : memref<10240x128xf32, #tpu.memory_space<vmem_shared>> -> memref<128x128xf32, #tpu.memory_space<vmem_shared>>
      %dma_start3A_93 = arith.constant 0 : i32
      %dma_start3A_94 = tpu.memref_slice %arg7[%add3A_27, %dma_start3A_93] : memref<10240x128xf32, #tpu.memory_space<vmem_shared>> -> memref<128x128xf32, #tpu.memory_space<vmem_shared>>
      %dma_start3A_95 = arith.constant 0 : i32
      %dma_start3A_96 = arith.constant 0 : i32
      %dma_start3A_97 = tpu.memref_slice %arg6[%run_scoped3A_28, %dma_start3A_95, %dma_start3A_96] : memref<2x128x128xf32, #tpu.memory_space<vmem>> -> memref<1x128x128xf32, #tpu.memory_space<vmem>>
      %dma_start3A_98 = tpu.memref_squeeze %dma_start3A_97 : memref<1x128x128xf32, #tpu.memory_space<vmem>> -> memref<128x128xf32, #tpu.memory_space<vmem>>
      tpu.enqueue_dma source(%dma_start3A_98 : memref<128x128xf32, #tpu.memory_space<vmem>>) target(%dma_start3A_94 : memref<128x128xf32, #tpu.memory_space<vmem_shared>>) target_semaphore(%run_scoped3A_86 : memref<!tpu.dma_semaphore, #tpu.memory_space<semaphore_mem>>)
      %dma_wait3A = arith.constant 0 : i32
      %dma_wait3A_99 = arith.constant 0 : i32
      %dma_wait3A_100 = tpu.memref_slice %arg6[%run_scoped3A_28, %dma_wait3A, %dma_wait3A_99] : memref<2x128x128xf32, #tpu.memory_space<vmem>> -> memref<1x128x128xf32, #tpu.memory_space<vmem>>
      %dma_wait3A_101 = tpu.memref_squeeze %dma_wait3A_100 : memref<1x128x128xf32, #tpu.memory_space<vmem>> -> memref<128x128xf32, #tpu.memory_space<vmem>>
      %dma_wait3A_102 = arith.constant 0 : i32
      %dma_wait3A_103 = tpu.memref_slice %arg7[%add3A_27, %dma_wait3A_102] : memref<10240x128xf32, #tpu.memory_space<vmem_shared>> -> memref<128x128xf32, #tpu.memory_space<vmem_shared>>
      %dma_wait3A_104 = arith.constant 0 : i32
      %dma_wait3A_105 = tpu.memref_slice %arg7[%add3A_27, %dma_wait3A_104] : memref<10240x128xf32, #tpu.memory_space<vmem_shared>> -> memref<128x128xf32, #tpu.memory_space<vmem_shared>>
      %dma_wait3A_106 = arith.constant 0 : i32
      %dma_wait3A_107 = arith.constant 0 : i32
      %dma_wait3A_108 = tpu.memref_slice %arg6[%run_scoped3A_28, %dma_wait3A_106, %dma_wait3A_107] : memref<2x128x128xf32, #tpu.memory_space<vmem>> -> memref<1x128x128xf32, #tpu.memory_space<vmem>>
      %dma_wait3A_109 = tpu.memref_squeeze %dma_wait3A_108 : memref<1x128x128xf32, #tpu.memory_space<vmem>> -> memref<128x128xf32, #tpu.memory_space<vmem>>
      tpu.wait_dma2 semaphore(%run_scoped3A_86 : memref<!tpu.dma_semaphore, #tpu.memory_space<semaphore_mem>>) src(%dma_wait3A_109 : memref<128x128xf32, #tpu.memory_space<vmem>>) dst(%dma_wait3A_105 : memref<128x128xf32, #tpu.memory_space<vmem_shared>>)
      tpu.yield
    }) : () -> ()
    %barrier3A = arith.constant 0 : index
    tpu.barrier barrier_id(%barrier3A)
    %mul3A_29 = arith.constant 8 : i32
    %mul3A_30 = arith.muli %arg1, %mul3A_29 : i32
    %mul3A_31 = arith.constant 2 : i32
    %mul3A_32 = arith.muli %mul3A_30, %mul3A_31 : i32
    %mul3A_33 = arith.constant 20 : i32
    %mul3A_34 = arith.muli %mul3A_32, %mul3A_33 : i32
    %add3A_35 = arith.constant 0 : i32
    %add3A_36 = arith.addi %mul3A_34, %add3A_35 : i32
    %dma_start3A = arith.constant 0 : i32
    %dma_start3A_37 = arith.constant 0 : i32
    %dma_start3A_38 = arith.constant 0 : i32
    %dma_start3A_39 = arith.constant 0 : i32
    %dma_start3A_40 = tpu.memref_slice %arg5[%dma_start3A, %dma_start3A_38, %dma_start3A_39] : memref<2x40x128xi32, #tpu.memory_space<vmem>> -> memref<1x40x128xi32, #tpu.memory_space<vmem>>
    %dma_start3A_41 = tpu.memref_squeeze %dma_start3A_40 : memref<1x40x128xi32, #tpu.memory_space<vmem>> -> memref<40x128xi32, #tpu.memory_space<vmem>>
    %dma_start3A_42 = arith.constant 0 : i32
    %dma_start3A_43 = tpu.memref_slice %arg3[%arg0, %add3A_36, %dma_start3A_42] : memref<2x5120x128xi32, #tpu.memory_space<hbm>> -> memref<1x40x128xi32, #tpu.memory_space<hbm>>
    %dma_start3A_44 = tpu.memref_squeeze %dma_start3A_43 : memref<1x40x128xi32, #tpu.memory_space<hbm>> -> memref<40x128xi32, #tpu.memory_space<hbm>>
    %dma_start3A_45 = tpu.memref_slice %arg8[%dma_start3A_37] : memref<2x!tpu.dma_semaphore, #tpu.memory_space<semaphore_mem>> -> memref<1x!tpu.dma_semaphore, #tpu.memory_space<semaphore_mem>>
    %dma_start3A_46 = tpu.memref_squeeze %dma_start3A_45 : memref<1x!tpu.dma_semaphore, #tpu.memory_space<semaphore_mem>> -> memref<!tpu.dma_semaphore, #tpu.memory_space<semaphore_mem>>
    %dma_start3A_47 = arith.constant 0 : i32
    %dma_start3A_48 = arith.constant 0 : i32
    %dma_start3A_49 = tpu.memref_slice %arg5[%dma_start3A, %dma_start3A_47, %dma_start3A_48] : memref<2x40x128xi32, #tpu.memory_space<vmem>> -> memref<1x40x128xi32, #tpu.memory_space<vmem>>
    %dma_start3A_50 = tpu.memref_squeeze %dma_start3A_49 : memref<1x40x128xi32, #tpu.memory_space<vmem>> -> memref<40x128xi32, #tpu.memory_space<vmem>>
    %dma_start3A_51 = arith.constant 0 : i32
    %dma_start3A_52 = tpu.memref_slice %arg3[%arg0, %add3A_36, %dma_start3A_51] : memref<2x5120x128xi32, #tpu.memory_space<hbm>> -> memref<1x40x128xi32, #tpu.memory_space<hbm>>
    %dma_start3A_53 = tpu.memref_squeeze %dma_start3A_52 : memref<1x40x128xi32, #tpu.memory_space<hbm>> -> memref<40x128xi32, #tpu.memory_space<hbm>>
    tpu.enqueue_dma source(%dma_start3A_53 : memref<40x128xi32, #tpu.memory_space<hbm>>) target(%dma_start3A_50 : memref<40x128xi32, #tpu.memory_space<vmem>>) target_semaphore(%dma_start3A_46 : memref<!tpu.dma_semaphore, #tpu.memory_space<semaphore_mem>>)
    %add3A_54 = arith.constant 40 : i32
    %add3A_55 = arith.addi %mul3A_34, %add3A_54 : i32
    %dma_start3A_56 = arith.constant 1 : i32
    %dma_start3A_57 = arith.constant 1 : i32
    %dma_start3A_58 = arith.constant 0 : i32
    %dma_start3A_59 = arith.constant 0 : i32
    %dma_start3A_60 = tpu.memref_slice %arg5[%dma_start3A_56, %dma_start3A_58, %dma_start3A_59] : memref<2x40x128xi32, #tpu.memory_space<vmem>> -> memref<1x40x128xi32, #tpu.memory_space<vmem>>
    %dma_start3A_61 = tpu.memref_squeeze %dma_start3A_60 : memref<1x40x128xi32, #tpu.memory_space<vmem>> -> memref<40x128xi32, #tpu.memory_space<vmem>>
    %dma_start3A_62 = arith.constant 0 : i32
    %dma_start3A_63 = tpu.memref_slice %arg3[%arg0, %add3A_55, %dma_start3A_62] : memref<2x5120x128xi32, #tpu.memory_space<hbm>> -> memref<1x40x128xi32, #tpu.memory_space<hbm>>
    %dma_start3A_64 = tpu.memref_squeeze %dma_start3A_63 : memref<1x40x128xi32, #tpu.memory_space<hbm>> -> memref<40x128xi32, #tpu.memory_space<hbm>>
    %dma_start3A_65 = tpu.memref_slice %arg8[%dma_start3A_57] : memref<2x!tpu.dma_semaphore, #tpu.memory_space<semaphore_mem>> -> memref<1x!tpu.dma_semaphore, #tpu.memory_space<semaphore_mem>>
    %dma_start3A_66 = tpu.memref_squeeze %dma_start3A_65 : memref<1x!tpu.dma_semaphore, #tpu.memory_space<semaphore_mem>> -> memref<!tpu.dma_semaphore, #tpu.memory_space<semaphore_mem>>
    %dma_start3A_67 = arith.constant 0 : i32
    %dma_start3A_68 = arith.constant 0 : i32
    %dma_start3A_69 = tpu.memref_slice %arg5[%dma_start3A_56, %dma_start3A_67, %dma_start3A_68] : memref<2x40x128xi32, #tpu.memory_space<vmem>> -> memref<1x40x128xi32, #tpu.memory_space<vmem>>
    %dma_start3A_70 = tpu.memref_squeeze %dma_start3A_69 : memref<1x40x128xi32, #tpu.memory_space<vmem>> -> memref<40x128xi32, #tpu.memory_space<vmem>>
    %dma_start3A_71 = arith.constant 0 : i32
    %dma_start3A_72 = tpu.memref_slice %arg3[%arg0, %add3A_55, %dma_start3A_71] : memref<2x5120x128xi32, #tpu.memory_space<hbm>> -> memref<1x40x128xi32, #tpu.memory_space<hbm>>
    %dma_start3A_73 = tpu.memref_squeeze %dma_start3A_72 : memref<1x40x128xi32, #tpu.memory_space<hbm>> -> memref<40x128xi32, #tpu.memory_space<hbm>>
    tpu.enqueue_dma source(%dma_start3A_73 : memref<40x128xi32, #tpu.memory_space<hbm>>) target(%dma_start3A_70 : memref<40x128xi32, #tpu.memory_space<vmem>>) target_semaphore(%dma_start3A_66 : memref<!tpu.dma_semaphore, #tpu.memory_space<semaphore_mem>>)
    %scan3A_74 = arith.constant 0 : i32
    %scan3A_75 = arith.constant 0 : i32
    %scan3A_76 = arith.constant 8 : i32
    %scan3A_77 = arith.addi %scan3A_75, %scan3A_76 : i32
    %scan3A_78 = arith.constant 1 : i32
    %scan3A_79 = scf.for %scan3A_86 = %scan3A_75 to %scan3A_77 step %scan3A_78 iter_args(%scan3A_87 = %scan3A_74) -> (i32)  : i32 {
      %jit3A = arith.constant 2 : i32
      %eq3A = arith.constant 0 : i32
      %eq3A_88 = arith.cmpi eq, %jit3A, %eq3A : i32
      %jit3A_89 = arith.constant 1 : i32
      %select_n3A = arith.select %eq3A_88, %jit3A_89, %jit3A : i32
      %rem3A = arith.remsi %scan3A_86, %select_n3A : i32
      %ne3A = arith.constant 0 : i32
      %ne3A_90 = arith.cmpi ne, %rem3A, %ne3A : i32
      %lt3A = arith.constant 0 : i32
      %lt3A_91 = arith.cmpi slt, %rem3A, %lt3A : i32
      %lt3A_92 = arith.constant 0 : i32
      %lt3A_93 = arith.cmpi slt, %select_n3A, %lt3A_92 : i32
      %ne3A_94 = arith.xori %lt3A_91, %lt3A_93 : i1
      %and3A = arith.andi %ne3A_94, %ne3A_90 : i1
      %add3A_95 = arith.addi %rem3A, %select_n3A : i32
      %select_n3A_96 = arith.select %and3A, %add3A_95, %rem3A : i32
      %mul3A_97 = arith.constant 2 : i32
      %mul3A_98 = arith.muli %scan3A_86, %mul3A_97 : i32
      %mul3A_99 = arith.constant 20 : i32
      %mul3A_100 = arith.muli %mul3A_98, %mul3A_99 : i32
      %add3A_101 = arith.addi %mul3A_34, %mul3A_100 : i32
      %dma_wait3A = arith.constant 0 : i32
      %dma_wait3A_102 = arith.constant 0 : i32
      %dma_wait3A_103 = tpu.memref_slice %arg5[%select_n3A_96, %dma_wait3A, %dma_wait3A_102] : memref<2x40x128xi32, #tpu.memory_space<vmem>> -> memref<1x40x128xi32, #tpu.memory_space<vmem>>
      %dma_wait3A_104 = tpu.memref_squeeze %dma_wait3A_103 : memref<1x40x128xi32, #tpu.memory_space<vmem>> -> memref<40x128xi32, #tpu.memory_space<vmem>>
      %dma_wait3A_105 = arith.constant 0 : i32
      %dma_wait3A_106 = tpu.memref_slice %arg3[%arg0, %add3A_101, %dma_wait3A_105] : memref<2x5120x128xi32, #tpu.memory_space<hbm>> -> memref<1x40x128xi32, #tpu.memory_space<hbm>>
      %dma_wait3A_107 = tpu.memref_squeeze %dma_wait3A_106 : memref<1x40x128xi32, #tpu.memory_space<hbm>> -> memref<40x128xi32, #tpu.memory_space<hbm>>
      %dma_wait3A_108 = tpu.memref_slice %arg8[%select_n3A_96] : memref<2x!tpu.dma_semaphore, #tpu.memory_space<semaphore_mem>> -> memref<1x!tpu.dma_semaphore, #tpu.memory_space<semaphore_mem>>
      %dma_wait3A_109 = tpu.memref_squeeze %dma_wait3A_108 : memref<1x!tpu.dma_semaphore, #tpu.memory_space<semaphore_mem>> -> memref<!tpu.dma_semaphore, #tpu.memory_space<semaphore_mem>>
      %dma_wait3A_110 = arith.constant 0 : i32
      %dma_wait3A_111 = arith.constant 0 : i32
      %dma_wait3A_112 = tpu.memref_slice %arg5[%select_n3A_96, %dma_wait3A_110, %dma_wait3A_111] : memref<2x40x128xi32, #tpu.memory_space<vmem>> -> memref<1x40x128xi32, #tpu.memory_space<vmem>>
      %dma_wait3A_113 = tpu.memref_squeeze %dma_wait3A_112 : memref<1x40x128xi32, #tpu.memory_space<vmem>> -> memref<40x128xi32, #tpu.memory_space<vmem>>
      %dma_wait3A_114 = arith.constant 0 : i32
      %dma_wait3A_115 = tpu.memref_slice %arg3[%arg0, %add3A_101, %dma_wait3A_114] : memref<2x5120x128xi32, #tpu.memory_space<hbm>> -> memref<1x40x128xi32, #tpu.memory_space<hbm>>
      %dma_wait3A_116 = tpu.memref_squeeze %dma_wait3A_115 : memref<1x40x128xi32, #tpu.memory_space<hbm>> -> memref<40x128xi32, #tpu.memory_space<hbm>>
      tpu.wait_dma2 semaphore(%dma_wait3A_109 : memref<!tpu.dma_semaphore, #tpu.memory_space<semaphore_mem>>) src(%dma_wait3A_116 : memref<40x128xi32, #tpu.memory_space<hbm>>) dst(%dma_wait3A_113 : memref<40x128xi32, #tpu.memory_space<vmem>>)
      %dma_start3A_117 = arith.constant 0 : i32
      %dma_start3A_118 = arith.constant 0 : i32
      %dma_start3A_119 = arith.constant 0 : i32
      %dma_start3A_120 = arith.constant 0 : i32
      %dma_start3A_121 = arith.constant 0 : i32
      %dma_start3A_122 = tpu.memref_slice %arg6[%dma_start3A_118, %dma_start3A_120, %dma_start3A_121] : memref<2x128x128xf32, #tpu.memory_space<vmem>> -> memref<1x128x128xf32, #tpu.memory_space<vmem>>
      %dma_start3A_123 = tpu.memref_squeeze %dma_start3A_122 : memref<1x128x128xf32, #tpu.memory_space<vmem>> -> memref<128x128xf32, #tpu.memory_space<vmem>>
      %dma_start3A_124 = arith.constant 0 : i32
      %dma_start3A_125 = arith.constant 0 : i32
      %dma_start3A_126 = tpu.memref_slice %arg5[%select_n3A_96, %dma_start3A_124, %dma_start3A_125] : memref<2x40x128xi32, #tpu.memory_space<vmem>> -> memref<1x40x128xi32, #tpu.memory_space<vmem>>
      %dma_start3A_127 = tpu.memref_squeeze %dma_start3A_126 : memref<1x40x128xi32, #tpu.memory_space<vmem>> -> memref<40x128xi32, #tpu.memory_space<vmem>>
      %dma_start3A_128 = arith.constant 0 : i32
      %dma_start3A_129 = tpu.memref_slice %dma_start3A_127[%dma_start3A_117, %dma_start3A_128] : memref<40x128xi32, #tpu.memory_space<vmem>> -> memref<1x128xi32, #tpu.memory_space<vmem>>
      %dma_start3A_130 = tpu.memref_squeeze %dma_start3A_129 : memref<1x128xi32, #tpu.memory_space<vmem>> -> memref<128xi32, #tpu.memory_space<vmem>>
      %dma_start3A_131 = arith.constant 0 : i32
      %dma_start3A_132 = arith.constant 0 : i32
      %dma_start3A_133 = tpu.memref_slice %arg2[%dma_start3A_131, %dma_start3A_132] : memref<20000x128xf32, #tpu.memory_space<hbm>> -> memref<20000x128xf32, #tpu.memory_space<hbm>>
      %dma_start3A_134 = tpu.memref_slice %arg9[%dma_start3A_119] : memref<2x!tpu.dma_semaphore, #tpu.memory_space<semaphore_mem>> -> memref<1x!tpu.dma_semaphore, #tpu.memory_space<semaphore_mem>>
      %dma_start3A_135 = tpu.memref_squeeze %dma_start3A_134 : memref<1x!tpu.dma_semaphore, #tpu.memory_space<semaphore_mem>> -> memref<!tpu.dma_semaphore, #tpu.memory_space<semaphore_mem>>
      tpu.enqueue_indirect_dma source(%dma_start3A_133 : memref<20000x128xf32, #tpu.memory_space<hbm>>) target(%dma_start3A_123 : memref<128x128xf32, #tpu.memory_space<vmem>>) offsets(%dma_start3A_130 : memref<128xi32, #tpu.memory_space<vmem>>) semaphore(%dma_start3A_135 : memref<!tpu.dma_semaphore, #tpu.memory_space<semaphore_mem>>)
      %dma_start3A_136 = arith.constant 1 : i32
      %dma_start3A_137 = arith.constant 1 : i32
      %dma_start3A_138 = arith.constant 1 : i32
      %dma_start3A_139 = arith.constant 0 : i32
      %dma_start3A_140 = arith.constant 0 : i32
      %dma_start3A_141 = tpu.memref_slice %arg6[%dma_start3A_137, %dma_start3A_139, %dma_start3A_140] : memref<2x128x128xf32, #tpu.memory_space<vmem>> -> memref<1x128x128xf32, #tpu.memory_space<vmem>>
      %dma_start3A_142 = tpu.memref_squeeze %dma_start3A_141 : memref<1x128x128xf32, #tpu.memory_space<vmem>> -> memref<128x128xf32, #tpu.memory_space<vmem>>
      %dma_start3A_143 = arith.constant 0 : i32
      %dma_start3A_144 = arith.constant 0 : i32
      %dma_start3A_145 = tpu.memref_slice %arg5[%select_n3A_96, %dma_start3A_143, %dma_start3A_144] : memref<2x40x128xi32, #tpu.memory_space<vmem>> -> memref<1x40x128xi32, #tpu.memory_space<vmem>>
      %dma_start3A_146 = tpu.memref_squeeze %dma_start3A_145 : memref<1x40x128xi32, #tpu.memory_space<vmem>> -> memref<40x128xi32, #tpu.memory_space<vmem>>
      %dma_start3A_147 = arith.constant 0 : i32
      %dma_start3A_148 = tpu.memref_slice %dma_start3A_146[%dma_start3A_136, %dma_start3A_147] : memref<40x128xi32, #tpu.memory_space<vmem>> -> memref<1x128xi32, #tpu.memory_space<vmem>>
      %dma_start3A_149 = tpu.memref_squeeze %dma_start3A_148 : memref<1x128xi32, #tpu.memory_space<vmem>> -> memref<128xi32, #tpu.memory_space<vmem>>
      %dma_start3A_150 = arith.constant 0 : i32
      %dma_start3A_151 = arith.constant 0 : i32
      %dma_start3A_152 = tpu.memref_slice %arg2[%dma_start3A_150, %dma_start3A_151] : memref<20000x128xf32, #tpu.memory_space<hbm>> -> memref<20000x128xf32, #tpu.memory_space<hbm>>
      %dma_start3A_153 = tpu.memref_slice %arg9[%dma_start3A_138] : memref<2x!tpu.dma_semaphore, #tpu.memory_space<semaphore_mem>> -> memref<1x!tpu.dma_semaphore, #tpu.memory_space<semaphore_mem>>
      %dma_start3A_154 = tpu.memref_squeeze %dma_start3A_153 : memref<1x!tpu.dma_semaphore, #tpu.memory_space<semaphore_mem>> -> memref<!tpu.dma_semaphore, #tpu.memory_space<semaphore_mem>>
      tpu.enqueue_indirect_dma source(%dma_start3A_152 : memref<20000x128xf32, #tpu.memory_space<hbm>>) target(%dma_start3A_142 : memref<128x128xf32, #tpu.memory_space<vmem>>) offsets(%dma_start3A_149 : memref<128xi32, #tpu.memory_space<vmem>>) semaphore(%dma_start3A_154 : memref<!tpu.dma_semaphore, #tpu.memory_space<semaphore_mem>>)
      %scan3A_155 = arith.constant 0 : i32
      %scan3A_156 = arith.constant 0 : i32
      %scan3A_157 = arith.constant 20 : i32
      %scan3A_158 = arith.addi %scan3A_156, %scan3A_157 : i32
      %scan3A_159 = arith.constant 1 : i32
      %scan3A_160 = scf.for %scan3A_206 = %scan3A_156 to %scan3A_158 step %scan3A_159 iter_args(%scan3A_207 = %scan3A_155) -> (i32)  : i32 {
        %jit3A_208 = arith.constant 2 : i32
        %eq3A_209 = arith.constant 0 : i32
        %eq3A_210 = arith.cmpi eq, %jit3A_208, %eq3A_209 : i32
        %jit3A_211 = arith.constant 1 : i32
        %select_n3A_212 = arith.select %eq3A_210, %jit3A_211, %jit3A_208 : i32
        %rem3A_213 = arith.remsi %scan3A_206, %select_n3A_212 : i32
        %ne3A_214 = arith.constant 0 : i32
        %ne3A_215 = arith.cmpi ne, %rem3A_213, %ne3A_214 : i32
        %lt3A_216 = arith.constant 0 : i32
        %lt3A_217 = arith.cmpi slt, %rem3A_213, %lt3A_216 : i32
        %lt3A_218 = arith.constant 0 : i32
        %lt3A_219 = arith.cmpi slt, %select_n3A_212, %lt3A_218 : i32
        %ne3A_220 = arith.xori %lt3A_217, %lt3A_219 : i1
        %and3A_221 = arith.andi %ne3A_220, %ne3A_215 : i1
        %add3A_222 = arith.addi %rem3A_213, %select_n3A_212 : i32
        %select_n3A_223 = arith.select %and3A_221, %add3A_222, %rem3A_213 : i32
        %dma_wait3A_224 = arith.constant 0 : i32
        %dma_wait3A_225 = arith.constant 0 : i32
        %dma_wait3A_226 = tpu.memref_slice %arg6[%select_n3A_223, %dma_wait3A_224, %dma_wait3A_225] : memref<2x128x128xf32, #tpu.memory_space<vmem>> -> memref<1x128x128xf32, #tpu.memory_space<vmem>>
        %dma_wait3A_227 = tpu.memref_squeeze %dma_wait3A_226 : memref<1x128x128xf32, #tpu.memory_space<vmem>> -> memref<128x128xf32, #tpu.memory_space<vmem>>
        %dma_wait3A_228 = arith.constant 0 : i32
        %dma_wait3A_229 = arith.constant 0 : i32
        %dma_wait3A_230 = tpu.memref_slice %arg5[%select_n3A_96, %dma_wait3A_228, %dma_wait3A_229] : memref<2x40x128xi32, #tpu.memory_space<vmem>> -> memref<1x40x128xi32, #tpu.memory_space<vmem>>
        %dma_wait3A_231 = tpu.memref_squeeze %dma_wait3A_230 : memref<1x40x128xi32, #tpu.memory_space<vmem>> -> memref<40x128xi32, #tpu.memory_space<vmem>>
        %dma_wait3A_232 = arith.constant 0 : i32
        %dma_wait3A_233 = tpu.memref_slice %dma_wait3A_231[%scan3A_206, %dma_wait3A_232] : memref<40x128xi32, #tpu.memory_space<vmem>> -> memref<1x128xi32, #tpu.memory_space<vmem>>
        %dma_wait3A_234 = tpu.memref_squeeze %dma_wait3A_233 : memref<1x128xi32, #tpu.memory_space<vmem>> -> memref<128xi32, #tpu.memory_space<vmem>>
        %dma_wait3A_235 = arith.constant 0 : i32
        %dma_wait3A_236 = arith.constant 0 : i32
        %dma_wait3A_237 = tpu.memref_slice %arg2[%dma_wait3A_235, %dma_wait3A_236] : memref<20000x128xf32, #tpu.memory_space<hbm>> -> memref<20000x128xf32, #tpu.memory_space<hbm>>
        %dma_wait3A_238 = tpu.memref_slice %arg9[%select_n3A_223] : memref<2x!tpu.dma_semaphore, #tpu.memory_space<semaphore_mem>> -> memref<1x!tpu.dma_semaphore, #tpu.memory_space<semaphore_mem>>
        %dma_wait3A_239 = tpu.memref_squeeze %dma_wait3A_238 : memref<1x!tpu.dma_semaphore, #tpu.memory_space<semaphore_mem>> -> memref<!tpu.dma_semaphore, #tpu.memory_space<semaphore_mem>>
        tpu.wait_indirect_dma semaphore(%dma_wait3A_239 : memref<!tpu.dma_semaphore, #tpu.memory_space<semaphore_mem>>) src(%dma_wait3A_237 : memref<20000x128xf32, #tpu.memory_space<hbm>>) dst(%dma_wait3A_227 : memref<128x128xf32, #tpu.memory_space<vmem>>)
        %add3A_240 = arith.constant 20 : i32
        %add3A_241 = arith.addi %add3A_240, %scan3A_206 : i32
        %dma_start3A_242 = arith.constant 0 : i32
        %dma_start3A_243 = arith.constant 0 : i32
        %dma_start3A_244 = tpu.memref_slice %arg6[%select_n3A_223, %dma_start3A_242, %dma_start3A_243] : memref<2x128x128xf32, #tpu.memory_space<vmem>> -> memref<1x128x128xf32, #tpu.memory_space<vmem>>
        %dma_start3A_245 = tpu.memref_squeeze %dma_start3A_244 : memref<1x128x128xf32, #tpu.memory_space<vmem>> -> memref<128x128xf32, #tpu.memory_space<vmem>>
        %dma_start3A_246 = arith.constant 0 : i32
        %dma_start3A_247 = arith.constant 0 : i32
        %dma_start3A_248 = tpu.memref_slice %arg5[%select_n3A_96, %dma_start3A_246, %dma_start3A_247] : memref<2x40x128xi32, #tpu.memory_space<vmem>> -> memref<1x40x128xi32, #tpu.memory_space<vmem>>
        %dma_start3A_249 = tpu.memref_squeeze %dma_start3A_248 : memref<1x40x128xi32, #tpu.memory_space<vmem>> -> memref<40x128xi32, #tpu.memory_space<vmem>>
        %dma_start3A_250 = arith.constant 0 : i32
        %dma_start3A_251 = tpu.memref_slice %dma_start3A_249[%add3A_241, %dma_start3A_250] : memref<40x128xi32, #tpu.memory_space<vmem>> -> memref<1x128xi32, #tpu.memory_space<vmem>>
        %dma_start3A_252 = tpu.memref_squeeze %dma_start3A_251 : memref<1x128xi32, #tpu.memory_space<vmem>> -> memref<128xi32, #tpu.memory_space<vmem>>
        %dma_start3A_253 = arith.constant 0 : i32
        %dma_start3A_254 = arith.constant 0 : i32
        %dma_start3A_255 = tpu.memref_slice %arg7[%dma_start3A_253, %dma_start3A_254] : memref<10240x128xf32, #tpu.memory_space<vmem_shared>> -> memref<10240x128xf32, #tpu.memory_space<vmem_shared>>
        %dma_start3A_256 = tpu.memref_slice %arg10[%select_n3A_223] : memref<2x!tpu.dma_semaphore, #tpu.memory_space<semaphore_mem>> -> memref<1x!tpu.dma_semaphore, #tpu.memory_space<semaphore_mem>>
        %dma_start3A_257 = tpu.memref_squeeze %dma_start3A_256 : memref<1x!tpu.dma_semaphore, #tpu.memory_space<semaphore_mem>> -> memref<!tpu.dma_semaphore, #tpu.memory_space<semaphore_mem>>
        tpu.enqueue_indirect_dma source(%dma_start3A_245 : memref<128x128xf32, #tpu.memory_space<vmem>>) target(%dma_start3A_255 : memref<10240x128xf32, #tpu.memory_space<vmem_shared>>) offsets(%dma_start3A_252 : memref<128xi32, #tpu.memory_space<vmem>>) semaphore(%dma_start3A_257 : memref<!tpu.dma_semaphore, #tpu.memory_space<semaphore_mem>>) {add = true}
        %add3A_258 = arith.constant 2 : i32
        %add3A_259 = arith.addi %scan3A_206, %add3A_258 : i32
        %lt3A_260 = arith.constant 20 : i32
        %lt3A_261 = arith.cmpi slt, %add3A_259, %lt3A_260 : i32
        %convert_element_type3A_262 = arith.extui %lt3A_261 : i1 to i32
        %cond3A_263 = arith.constant 0 : i32
        %cond3A_264 = arith.cmpi ne, %convert_element_type3A_262, %cond3A_263 : i32
        scf.if %cond3A_264 {
          %dma_wait3A_266 = arith.constant 0 : i32
          %dma_wait3A_267 = arith.constant 0 : i32
          %dma_wait3A_268 = tpu.memref_slice %arg6[%select_n3A_223, %dma_wait3A_266, %dma_wait3A_267] : memref<2x128x128xf32, #tpu.memory_space<vmem>> -> memref<1x128x128xf32, #tpu.memory_space<vmem>>
          %dma_wait3A_269 = tpu.memref_squeeze %dma_wait3A_268 : memref<1x128x128xf32, #tpu.memory_space<vmem>> -> memref<128x128xf32, #tpu.memory_space<vmem>>
          %dma_wait3A_270 = arith.constant 0 : i32
          %dma_wait3A_271 = arith.constant 0 : i32
          %dma_wait3A_272 = tpu.memref_slice %arg5[%select_n3A_96, %dma_wait3A_270, %dma_wait3A_271] : memref<2x40x128xi32, #tpu.memory_space<vmem>> -> memref<1x40x128xi32, #tpu.memory_space<vmem>>
          %dma_wait3A_273 = tpu.memref_squeeze %dma_wait3A_272 : memref<1x40x128xi32, #tpu.memory_space<vmem>> -> memref<40x128xi32, #tpu.memory_space<vmem>>
          %dma_wait3A_274 = arith.constant 0 : i32
          %dma_wait3A_275 = tpu.memref_slice %dma_wait3A_273[%add3A_241, %dma_wait3A_274] : memref<40x128xi32, #tpu.memory_space<vmem>> -> memref<1x128xi32, #tpu.memory_space<vmem>>
          %dma_wait3A_276 = tpu.memref_squeeze %dma_wait3A_275 : memref<1x128xi32, #tpu.memory_space<vmem>> -> memref<128xi32, #tpu.memory_space<vmem>>
          %dma_wait3A_277 = arith.constant 0 : i32
          %dma_wait3A_278 = arith.constant 0 : i32
          %dma_wait3A_279 = tpu.memref_slice %arg7[%dma_wait3A_277, %dma_wait3A_278] : memref<10240x128xf32, #tpu.memory_space<vmem_shared>> -> memref<10240x128xf32, #tpu.memory_space<vmem_shared>>
          %dma_wait3A_280 = tpu.memref_slice %arg10[%select_n3A_223] : memref<2x!tpu.dma_semaphore, #tpu.memory_space<semaphore_mem>> -> memref<1x!tpu.dma_semaphore, #tpu.memory_space<semaphore_mem>>
          %dma_wait3A_281 = tpu.memref_squeeze %dma_wait3A_280 : memref<1x!tpu.dma_semaphore, #tpu.memory_space<semaphore_mem>> -> memref<!tpu.dma_semaphore, #tpu.memory_space<semaphore_mem>>
          tpu.wait_indirect_dma semaphore(%dma_wait3A_281 : memref<!tpu.dma_semaphore, #tpu.memory_space<semaphore_mem>>) src(%dma_wait3A_269 : memref<128x128xf32, #tpu.memory_space<vmem>>) dst(%dma_wait3A_279 : memref<10240x128xf32, #tpu.memory_space<vmem_shared>>)
          %add3A_282 = arith.constant 2 : i32
          %add3A_283 = arith.addi %scan3A_206, %add3A_282 : i32
          %dma_start3A_284 = arith.constant 0 : i32
          %dma_start3A_285 = arith.constant 0 : i32
          %dma_start3A_286 = tpu.memref_slice %arg6[%select_n3A_223, %dma_start3A_284, %dma_start3A_285] : memref<2x128x128xf32, #tpu.memory_space<vmem>> -> memref<1x128x128xf32, #tpu.memory_space<vmem>>
          %dma_start3A_287 = tpu.memref_squeeze %dma_start3A_286 : memref<1x128x128xf32, #tpu.memory_space<vmem>> -> memref<128x128xf32, #tpu.memory_space<vmem>>
          %dma_start3A_288 = arith.constant 0 : i32
          %dma_start3A_289 = arith.constant 0 : i32
          %dma_start3A_290 = tpu.memref_slice %arg5[%select_n3A_96, %dma_start3A_288, %dma_start3A_289] : memref<2x40x128xi32, #tpu.memory_space<vmem>> -> memref<1x40x128xi32, #tpu.memory_space<vmem>>
          %dma_start3A_291 = tpu.memref_squeeze %dma_start3A_290 : memref<1x40x128xi32, #tpu.memory_space<vmem>> -> memref<40x128xi32, #tpu.memory_space<vmem>>
          %dma_start3A_292 = arith.constant 0 : i32
          %dma_start3A_293 = tpu.memref_slice %dma_start3A_291[%add3A_283, %dma_start3A_292] : memref<40x128xi32, #tpu.memory_space<vmem>> -> memref<1x128xi32, #tpu.memory_space<vmem>>
          %dma_start3A_294 = tpu.memref_squeeze %dma_start3A_293 : memref<1x128xi32, #tpu.memory_space<vmem>> -> memref<128xi32, #tpu.memory_space<vmem>>
          %dma_start3A_295 = arith.constant 0 : i32
          %dma_start3A_296 = arith.constant 0 : i32
          %dma_start3A_297 = tpu.memref_slice %arg2[%dma_start3A_295, %dma_start3A_296] : memref<20000x128xf32, #tpu.memory_space<hbm>> -> memref<20000x128xf32, #tpu.memory_space<hbm>>
          %dma_start3A_298 = tpu.memref_slice %arg9[%select_n3A_223] : memref<2x!tpu.dma_semaphore, #tpu.memory_space<semaphore_mem>> -> memref<1x!tpu.dma_semaphore, #tpu.memory_space<semaphore_mem>>
          %dma_start3A_299 = tpu.memref_squeeze %dma_start3A_298 : memref<1x!tpu.dma_semaphore, #tpu.memory_space<semaphore_mem>> -> memref<!tpu.dma_semaphore, #tpu.memory_space<semaphore_mem>>
          tpu.enqueue_indirect_dma source(%dma_start3A_297 : memref<20000x128xf32, #tpu.memory_space<hbm>>) target(%dma_start3A_287 : memref<128x128xf32, #tpu.memory_space<vmem>>) offsets(%dma_start3A_294 : memref<128xi32, #tpu.memory_space<vmem>>) semaphore(%dma_start3A_299 : memref<!tpu.dma_semaphore, #tpu.memory_space<semaphore_mem>>)
        } else {
        }
        %scan3A_265 = arith.constant 0 : i32
        scf.yield %scan3A_265 : i32
      }
      %scan3A_161 = arith.constant 20 : i32
      %dma_wait3A_162 = arith.constant 0 : i32
      %dma_wait3A_163 = arith.constant 38 : i32
      %dma_wait3A_164 = arith.constant 0 : i32
      %dma_wait3A_165 = arith.constant 0 : i32
      %dma_wait3A_166 = arith.constant 0 : i32
      %dma_wait3A_167 = tpu.memref_slice %arg6[%dma_wait3A_162, %dma_wait3A_165, %dma_wait3A_166] : memref<2x128x128xf32, #tpu.memory_space<vmem>> -> memref<1x128x128xf32, #tpu.memory_space<vmem>>
      %dma_wait3A_168 = tpu.memref_squeeze %dma_wait3A_167 : memref<1x128x128xf32, #tpu.memory_space<vmem>> -> memref<128x128xf32, #tpu.memory_space<vmem>>
      %dma_wait3A_169 = arith.constant 0 : i32
      %dma_wait3A_170 = arith.constant 0 : i32
      %dma_wait3A_171 = tpu.memref_slice %arg5[%select_n3A_96, %dma_wait3A_169, %dma_wait3A_170] : memref<2x40x128xi32, #tpu.memory_space<vmem>> -> memref<1x40x128xi32, #tpu.memory_space<vmem>>
      %dma_wait3A_172 = tpu.memref_squeeze %dma_wait3A_171 : memref<1x40x128xi32, #tpu.memory_space<vmem>> -> memref<40x128xi32, #tpu.memory_space<vmem>>
      %dma_wait3A_173 = arith.constant 0 : i32
      %dma_wait3A_174 = tpu.memref_slice %dma_wait3A_172[%dma_wait3A_163, %dma_wait3A_173] : memref<40x128xi32, #tpu.memory_space<vmem>> -> memref<1x128xi32, #tpu.memory_space<vmem>>
      %dma_wait3A_175 = tpu.memref_squeeze %dma_wait3A_174 : memref<1x128xi32, #tpu.memory_space<vmem>> -> memref<128xi32, #tpu.memory_space<vmem>>
      %dma_wait3A_176 = arith.constant 0 : i32
      %dma_wait3A_177 = arith.constant 0 : i32
      %dma_wait3A_178 = tpu.memref_slice %arg7[%dma_wait3A_176, %dma_wait3A_177] : memref<10240x128xf32, #tpu.memory_space<vmem_shared>> -> memref<10240x128xf32, #tpu.memory_space<vmem_shared>>
      %dma_wait3A_179 = tpu.memref_slice %arg10[%dma_wait3A_164] : memref<2x!tpu.dma_semaphore, #tpu.memory_space<semaphore_mem>> -> memref<1x!tpu.dma_semaphore, #tpu.memory_space<semaphore_mem>>
      %dma_wait3A_180 = tpu.memref_squeeze %dma_wait3A_179 : memref<1x!tpu.dma_semaphore, #tpu.memory_space<semaphore_mem>> -> memref<!tpu.dma_semaphore, #tpu.memory_space<semaphore_mem>>
      tpu.wait_indirect_dma semaphore(%dma_wait3A_180 : memref<!tpu.dma_semaphore, #tpu.memory_space<semaphore_mem>>) src(%dma_wait3A_168 : memref<128x128xf32, #tpu.memory_space<vmem>>) dst(%dma_wait3A_178 : memref<10240x128xf32, #tpu.memory_space<vmem_shared>>)
      %dma_wait3A_181 = arith.constant 1 : i32
      %dma_wait3A_182 = arith.constant 39 : i32
      %dma_wait3A_183 = arith.constant 1 : i32
      %dma_wait3A_184 = arith.constant 0 : i32
      %dma_wait3A_185 = arith.constant 0 : i32
      %dma_wait3A_186 = tpu.memref_slice %arg6[%dma_wait3A_181, %dma_wait3A_184, %dma_wait3A_185] : memref<2x128x128xf32, #tpu.memory_space<vmem>> -> memref<1x128x128xf32, #tpu.memory_space<vmem>>
      %dma_wait3A_187 = tpu.memref_squeeze %dma_wait3A_186 : memref<1x128x128xf32, #tpu.memory_space<vmem>> -> memref<128x128xf32, #tpu.memory_space<vmem>>
      %dma_wait3A_188 = arith.constant 0 : i32
      %dma_wait3A_189 = arith.constant 0 : i32
      %dma_wait3A_190 = tpu.memref_slice %arg5[%select_n3A_96, %dma_wait3A_188, %dma_wait3A_189] : memref<2x40x128xi32, #tpu.memory_space<vmem>> -> memref<1x40x128xi32, #tpu.memory_space<vmem>>
      %dma_wait3A_191 = tpu.memref_squeeze %dma_wait3A_190 : memref<1x40x128xi32, #tpu.memory_space<vmem>> -> memref<40x128xi32, #tpu.memory_space<vmem>>
      %dma_wait3A_192 = arith.constant 0 : i32
      %dma_wait3A_193 = tpu.memref_slice %dma_wait3A_191[%dma_wait3A_182, %dma_wait3A_192] : memref<40x128xi32, #tpu.memory_space<vmem>> -> memref<1x128xi32, #tpu.memory_space<vmem>>
      %dma_wait3A_194 = tpu.memref_squeeze %dma_wait3A_193 : memref<1x128xi32, #tpu.memory_space<vmem>> -> memref<128xi32, #tpu.memory_space<vmem>>
      %dma_wait3A_195 = arith.constant 0 : i32
      %dma_wait3A_196 = arith.constant 0 : i32
      %dma_wait3A_197 = tpu.memref_slice %arg7[%dma_wait3A_195, %dma_wait3A_196] : memref<10240x128xf32, #tpu.memory_space<vmem_shared>> -> memref<10240x128xf32, #tpu.memory_space<vmem_shared>>
      %dma_wait3A_198 = tpu.memref_slice %arg10[%dma_wait3A_183] : memref<2x!tpu.dma_semaphore, #tpu.memory_space<semaphore_mem>> -> memref<1x!tpu.dma_semaphore, #tpu.memory_space<semaphore_mem>>
      %dma_wait3A_199 = tpu.memref_squeeze %dma_wait3A_198 : memref<1x!tpu.dma_semaphore, #tpu.memory_space<semaphore_mem>> -> memref<!tpu.dma_semaphore, #tpu.memory_space<semaphore_mem>>
      tpu.wait_indirect_dma semaphore(%dma_wait3A_199 : memref<!tpu.dma_semaphore, #tpu.memory_space<semaphore_mem>>) src(%dma_wait3A_187 : memref<128x128xf32, #tpu.memory_space<vmem>>) dst(%dma_wait3A_197 : memref<10240x128xf32, #tpu.memory_space<vmem_shared>>)
      %add3A_200 = arith.constant 2 : i32
      %add3A_201 = arith.addi %scan3A_86, %add3A_200 : i32
      %lt3A_202 = arith.constant 8 : i32
      %lt3A_203 = arith.cmpi slt, %add3A_201, %lt3A_202 : i32
      %convert_element_type3A = arith.extui %lt3A_203 : i1 to i32
      %cond3A = arith.constant 0 : i32
      %cond3A_204 = arith.cmpi ne, %convert_element_type3A, %cond3A : i32
      scf.if %cond3A_204 {
        %add3A_206 = arith.constant 2 : i32
        %add3A_207 = arith.addi %scan3A_86, %add3A_206 : i32
        %mul3A_208 = arith.constant 2 : i32
        %mul3A_209 = arith.muli %add3A_207, %mul3A_208 : i32
        %mul3A_210 = arith.constant 20 : i32
        %mul3A_211 = arith.muli %mul3A_209, %mul3A_210 : i32
        %add3A_212 = arith.addi %mul3A_34, %mul3A_211 : i32
        %dma_start3A_213 = arith.constant 0 : i32
        %dma_start3A_214 = arith.constant 0 : i32
        %dma_start3A_215 = tpu.memref_slice %arg5[%select_n3A_96, %dma_start3A_213, %dma_start3A_214] : memref<2x40x128xi32, #tpu.memory_space<vmem>> -> memref<1x40x128xi32, #tpu.memory_space<vmem>>
        %dma_start3A_216 = tpu.memref_squeeze %dma_start3A_215 : memref<1x40x128xi32, #tpu.memory_space<vmem>> -> memref<40x128xi32, #tpu.memory_space<vmem>>
        %dma_start3A_217 = arith.constant 0 : i32
        %dma_start3A_218 = tpu.memref_slice %arg3[%arg0, %add3A_212, %dma_start3A_217] : memref<2x5120x128xi32, #tpu.memory_space<hbm>> -> memref<1x40x128xi32, #tpu.memory_space<hbm>>
        %dma_start3A_219 = tpu.memref_squeeze %dma_start3A_218 : memref<1x40x128xi32, #tpu.memory_space<hbm>> -> memref<40x128xi32, #tpu.memory_space<hbm>>
        %dma_start3A_220 = tpu.memref_slice %arg8[%select_n3A_96] : memref<2x!tpu.dma_semaphore, #tpu.memory_space<semaphore_mem>> -> memref<1x!tpu.dma_semaphore, #tpu.memory_space<semaphore_mem>>
        %dma_start3A_221 = tpu.memref_squeeze %dma_start3A_220 : memref<1x!tpu.dma_semaphore, #tpu.memory_space<semaphore_mem>> -> memref<!tpu.dma_semaphore, #tpu.memory_space<semaphore_mem>>
        %dma_start3A_222 = arith.constant 0 : i32
        %dma_start3A_223 = arith.constant 0 : i32
        %dma_start3A_224 = tpu.memref_slice %arg5[%select_n3A_96, %dma_start3A_222, %dma_start3A_223] : memref<2x40x128xi32, #tpu.memory_space<vmem>> -> memref<1x40x128xi32, #tpu.memory_space<vmem>>
        %dma_start3A_225 = tpu.memref_squeeze %dma_start3A_224 : memref<1x40x128xi32, #tpu.memory_space<vmem>> -> memref<40x128xi32, #tpu.memory_space<vmem>>
        %dma_start3A_226 = arith.constant 0 : i32
        %dma_start3A_227 = tpu.memref_slice %arg3[%arg0, %add3A_212, %dma_start3A_226] : memref<2x5120x128xi32, #tpu.memory_space<hbm>> -> memref<1x40x128xi32, #tpu.memory_space<hbm>>
        %dma_start3A_228 = tpu.memref_squeeze %dma_start3A_227 : memref<1x40x128xi32, #tpu.memory_space<hbm>> -> memref<40x128xi32, #tpu.memory_space<hbm>>
        tpu.enqueue_dma source(%dma_start3A_228 : memref<40x128xi32, #tpu.memory_space<hbm>>) target(%dma_start3A_225 : memref<40x128xi32, #tpu.memory_space<vmem>>) target_semaphore(%dma_start3A_221 : memref<!tpu.dma_semaphore, #tpu.memory_space<semaphore_mem>>)
      } else {
      }
      %scan3A_205 = arith.constant 0 : i32
      scf.yield %scan3A_205 : i32
    }
    %scan3A_80 = arith.constant 8 : i32
    %barrier3A_81 = arith.constant 0 : index
    tpu.barrier barrier_id(%barrier3A_81)
    %mul3A_82 = arith.constant 640 : i32
    %mul3A_83 = arith.muli %arg1, %mul3A_82 : i32
    %mul3A_84 = arith.constant 640 : i32
    %mul3A_85 = arith.muli %arg1, %mul3A_84 : i32
    "tpu.region"() ({
      %run_scoped3A_86 = tpu.sem_alloc : memref<!tpu.dma_semaphore, #tpu.memory_space<semaphore_mem>>
      %dma_start3A_87 = arith.constant 0 : i32
      %dma_start3A_88 = tpu.memref_slice %arg4[%arg0, %mul3A_85, %dma_start3A_87] : memref<2x10240x128xf32, #tpu.memory_space<hbm>> -> memref<1x640x128xf32, #tpu.memory_space<hbm>>
      %dma_start3A_89 = tpu.memref_squeeze %dma_start3A_88 : memref<1x640x128xf32, #tpu.memory_space<hbm>> -> memref<640x128xf32, #tpu.memory_space<hbm>>
      %dma_start3A_90 = arith.constant 0 : i32
      %dma_start3A_91 = tpu.memref_slice %arg7[%mul3A_83, %dma_start3A_90] : memref<10240x128xf32, #tpu.memory_space<vmem_shared>> -> memref<640x128xf32, #tpu.memory_space<vmem_shared>>
      tpu.enqueue_dma source(%dma_start3A_91 : memref<640x128xf32, #tpu.memory_space<vmem_shared>>) target(%dma_start3A_89 : memref<640x128xf32, #tpu.memory_space<hbm>>) target_semaphore(%run_scoped3A_86 : memref<!tpu.dma_semaphore, #tpu.memory_space<semaphore_mem>>)
      %dma_wait3A = arith.constant 0 : i32
      %dma_wait3A_92 = tpu.memref_slice %arg4[%arg0, %mul3A_85, %dma_wait3A] : memref<2x10240x128xf32, #tpu.memory_space<hbm>> -> memref<1x640x128xf32, #tpu.memory_space<hbm>>
      %dma_wait3A_93 = tpu.memref_squeeze %dma_wait3A_92 : memref<1x640x128xf32, #tpu.memory_space<hbm>> -> memref<640x128xf32, #tpu.memory_space<hbm>>
      %dma_wait3A_94 = arith.constant 0 : i32
      %dma_wait3A_95 = tpu.memref_slice %arg7[%mul3A_83, %dma_wait3A_94] : memref<10240x128xf32, #tpu.memory_space<vmem_shared>> -> memref<640x128xf32, #tpu.memory_space<vmem_shared>>
      tpu.wait_dma2 semaphore(%run_scoped3A_86 : memref<!tpu.dma_semaphore, #tpu.memory_space<semaphore_mem>>) src(%dma_wait3A_95 : memref<640x128xf32, #tpu.memory_space<vmem_shared>>) dst(%dma_wait3A_93 : memref<640x128xf32, #tpu.memory_space<hbm>>)
      tpu.yield
    }) : () -> ()
    return
  }
}

#map = affine_map<(d0, d1) -> (0, 0, 0)>
module attributes {stable_mosaic.version = 14 : i64} {
  func.func @deg(%arg0: i32, %arg1: i32, %arg2: memref<2x1280x128xi32, #tpu.memory_space<hbm>>, %arg3: memref<2x16x10112xf32, #tpu.memory_space<hbm>>, %arg4: memref<80x128xi32, #tpu.memory_space<vmem>>, %arg5: memref<10112xf32, #tpu.memory_space<vmem>>) attributes {dimension_semantics = [#tpu.dimension_semantics<core_parallel>, #tpu.dimension_semantics<subcore_parallel>], iteration_bounds = array<i64: 2, 16>, scalar_prefetch = 0 : i64, scratch_operands = 2 : i64, tpu.core_type = #tpu.core_type<sc_vector_subcore>, window_params = [{transform_indices = #map}, {transform_indices = #map}]} {
    %mul3A = arith.constant 80 : i32
    %mul3A_0 = arith.muli %arg1, %mul3A : i32
    "tpu.region"() ({
      %run_scoped3A = tpu.sem_alloc : memref<!tpu.dma_semaphore, #tpu.memory_space<semaphore_mem>>
      %dma_start3A = arith.constant 0 : i32
      %dma_start3A_17 = tpu.memref_slice %arg2[%arg0, %mul3A_0, %dma_start3A] : memref<2x1280x128xi32, #tpu.memory_space<hbm>> -> memref<1x80x128xi32, #tpu.memory_space<hbm>>
      %dma_start3A_18 = tpu.memref_squeeze %dma_start3A_17 : memref<1x80x128xi32, #tpu.memory_space<hbm>> -> memref<80x128xi32, #tpu.memory_space<hbm>>
      %dma_start3A_19 = arith.constant 0 : i32
      %dma_start3A_20 = tpu.memref_slice %arg2[%arg0, %mul3A_0, %dma_start3A_19] : memref<2x1280x128xi32, #tpu.memory_space<hbm>> -> memref<1x80x128xi32, #tpu.memory_space<hbm>>
      %dma_start3A_21 = tpu.memref_squeeze %dma_start3A_20 : memref<1x80x128xi32, #tpu.memory_space<hbm>> -> memref<80x128xi32, #tpu.memory_space<hbm>>
      tpu.enqueue_dma source(%dma_start3A_21 : memref<80x128xi32, #tpu.memory_space<hbm>>) target(%arg4 : memref<80x128xi32, #tpu.memory_space<vmem>>) target_semaphore(%run_scoped3A : memref<!tpu.dma_semaphore, #tpu.memory_space<semaphore_mem>>)
      %dma_wait3A = arith.constant 0 : i32
      %dma_wait3A_22 = tpu.memref_slice %arg2[%arg0, %mul3A_0, %dma_wait3A] : memref<2x1280x128xi32, #tpu.memory_space<hbm>> -> memref<1x80x128xi32, #tpu.memory_space<hbm>>
      %dma_wait3A_23 = tpu.memref_squeeze %dma_wait3A_22 : memref<1x80x128xi32, #tpu.memory_space<hbm>> -> memref<80x128xi32, #tpu.memory_space<hbm>>
      %dma_wait3A_24 = arith.constant 0 : i32
      %dma_wait3A_25 = tpu.memref_slice %arg2[%arg0, %mul3A_0, %dma_wait3A_24] : memref<2x1280x128xi32, #tpu.memory_space<hbm>> -> memref<1x80x128xi32, #tpu.memory_space<hbm>>
      %dma_wait3A_26 = tpu.memref_squeeze %dma_wait3A_25 : memref<1x80x128xi32, #tpu.memory_space<hbm>> -> memref<80x128xi32, #tpu.memory_space<hbm>>
      tpu.wait_dma2 semaphore(%run_scoped3A : memref<!tpu.dma_semaphore, #tpu.memory_space<semaphore_mem>>) src(%dma_wait3A_26 : memref<80x128xi32, #tpu.memory_space<hbm>>) dst(%arg4 : memref<80x128xi32, #tpu.memory_space<vmem>>)
      tpu.yield
    }) : () -> ()
    %broadcast_in_dim3A = arith.constant 0.000000e+00 : f32
    %broadcast_in_dim3A_1 = vector.broadcast %broadcast_in_dim3A : f32 to vector<16xf32>
    %broadcast_in_dim3A_2 = arith.constant 1.000000e+00 : f32
    %broadcast_in_dim3A_3 = vector.broadcast %broadcast_in_dim3A_2 : f32 to vector<16xf32>
    %scan3A = arith.constant 0 : i32
    %scan3A_4 = arith.constant 0 : i32
    %scan3A_5 = arith.constant 632 : i32
    %scan3A_6 = arith.addi %scan3A_4, %scan3A_5 : i32
    %scan3A_7 = arith.constant 1 : i32
    %scan3A_8 = scf.for %scan3A_17 = %scan3A_4 to %scan3A_6 step %scan3A_7 iter_args(%scan3A_18 = %scan3A) -> (i32)  : i32 {
      %mul3A_19 = arith.constant 16 : i32
      %mul3A_20 = arith.muli %scan3A_17, %mul3A_19 : i32
      %swap3A = arith.index_cast %mul3A_20 : i32 to index
      %swap3A_21 = tpu.vector_load %arg5[%swap3A] {strides = array<i32>} : memref<10112xf32, #tpu.memory_space<vmem>>, vector<16xf32>,
      tpu.vector_store %arg5[%swap3A], %broadcast_in_dim3A_1 {strides = array<i32>} : memref<10112xf32, #tpu.memory_space<vmem>>, vector<16xf32>,
      %scan3A_22 = arith.constant 0 : i32
      scf.yield %scan3A_22 : i32
    }
    %scan3A_9 = arith.constant 632 : i32
    %scan3A_10 = arith.constant 0 : i32
    %scan3A_11 = arith.constant 0 : i32
    %scan3A_12 = arith.constant 640 : i32
    %scan3A_13 = arith.addi %scan3A_11, %scan3A_12 : i32
    %scan3A_14 = arith.constant 1 : i32
    %scan3A_15 = scf.for %scan3A_17 = %scan3A_11 to %scan3A_13 step %scan3A_14 iter_args(%scan3A_18 = %scan3A_10) -> (i32)  : i32 {
      %jit3A = arith.constant 8 : i32
      %div3A = arith.divsi %scan3A_17, %jit3A : i32
      %sign3A = arith.constant 0 : i32
      %sign3A_19 = arith.cmpi sgt, %scan3A_17, %sign3A : i32
      %sign3A_20 = arith.extui %sign3A_19 : i1 to i32
      %sign3A_21 = arith.constant 0 : i32
      %sign3A_22 = arith.cmpi slt, %scan3A_17, %sign3A_21 : i32
      %sign3A_23 = arith.extui %sign3A_22 : i1 to i32
      %sign3A_24 = arith.subi %sign3A_20, %sign3A_23 : i32
      %sign3A_25 = arith.constant 0 : i32
      %sign3A_26 = arith.cmpi sgt, %jit3A, %sign3A_25 : i32
      %sign3A_27 = arith.extui %sign3A_26 : i1 to i32
      %sign3A_28 = arith.constant 0 : i32
      %sign3A_29 = arith.cmpi slt, %jit3A, %sign3A_28 : i32
      %sign3A_30 = arith.extui %sign3A_29 : i1 to i32
      %sign3A_31 = arith.subi %sign3A_27, %sign3A_30 : i32
      %ne3A = arith.cmpi ne, %sign3A_24, %sign3A_31 : i32
      %rem3A = arith.remsi %scan3A_17, %jit3A : i32
      %ne3A_32 = arith.constant 0 : i32
      %ne3A_33 = arith.cmpi ne, %rem3A, %ne3A_32 : i32
      %and3A = arith.andi %ne3A, %ne3A_33 : i1
      %sub3A = arith.constant 1 : i32
      %sub3A_34 = arith.subi %div3A, %sub3A : i32
      %select_n3A = arith.select %and3A, %sub3A_34, %div3A : i32
      %jit3A_35 = arith.constant 8 : i32
      %eq3A = arith.constant 0 : i32
      %eq3A_36 = arith.cmpi eq, %jit3A_35, %eq3A : i32
      %jit3A_37 = arith.constant 1 : i32
      %select_n3A_38 = arith.select %eq3A_36, %jit3A_37, %jit3A_35 : i32
      %rem3A_39 = arith.remsi %scan3A_17, %select_n3A_38 : i32
      %ne3A_40 = arith.constant 0 : i32
      %ne3A_41 = arith.cmpi ne, %rem3A_39, %ne3A_40 : i32
      %lt3A = arith.constant 0 : i32
      %lt3A_42 = arith.cmpi slt, %rem3A_39, %lt3A : i32
      %lt3A_43 = arith.constant 0 : i32
      %lt3A_44 = arith.cmpi slt, %select_n3A_38, %lt3A_43 : i32
      %ne3A_45 = arith.xori %lt3A_42, %lt3A_44 : i1
      %and3A_46 = arith.andi %ne3A_45, %ne3A_41 : i1
      %add3A = arith.addi %rem3A_39, %select_n3A_38 : i32
      %select_n3A_47 = arith.select %and3A_46, %add3A, %rem3A_39 : i32
      %mul3A_48 = arith.constant 16 : i32
      %mul3A_49 = arith.muli %select_n3A_47, %mul3A_48 : i32
      %get3A = arith.index_cast %select_n3A : i32 to index
      %get3A_50 = arith.index_cast %mul3A_49 : i32 to index
      %get3A_51 = tpu.vector_load %arg4[%get3A, %get3A_50] {strides = array<i32>} : memref<80x128xi32, #tpu.memory_space<vmem>>, vector<16xi32>,
      tpu.vector_store_idx %arg5[%get3A_51], %broadcast_in_dim3A_3 {add = true} : memref<10112xf32, #tpu.memory_space<vmem>>[vector<16xi32>], vector<16xf32>,
      %scan3A_52 = arith.constant 0 : i32
      scf.yield %scan3A_52 : i32
    }
    %scan3A_16 = arith.constant 640 : i32
    "tpu.region"() ({
      %run_scoped3A = tpu.sem_alloc : memref<!tpu.dma_semaphore, #tpu.memory_space<semaphore_mem>>
      %dma_start3A = arith.constant 0 : i32
      %dma_start3A_17 = tpu.memref_slice %arg3[%arg0, %arg1, %dma_start3A] : memref<2x16x10112xf32, #tpu.memory_space<hbm>> -> memref<1x1x10112xf32, #tpu.memory_space<hbm>>
      %dma_start3A_18 = tpu.memref_squeeze %dma_start3A_17 : memref<1x1x10112xf32, #tpu.memory_space<hbm>> -> memref<10112xf32, #tpu.memory_space<hbm>>
      %dma_start3A_19 = arith.constant 0 : i32
      %dma_start3A_20 = tpu.memref_slice %arg3[%arg0, %arg1, %dma_start3A_19] : memref<2x16x10112xf32, #tpu.memory_space<hbm>> -> memref<1x1x10112xf32, #tpu.memory_space<hbm>>
      %dma_start3A_21 = tpu.memref_squeeze %dma_start3A_20 : memref<1x1x10112xf32, #tpu.memory_space<hbm>> -> memref<10112xf32, #tpu.memory_space<hbm>>
      tpu.enqueue_dma source(%arg5 : memref<10112xf32, #tpu.memory_space<vmem>>) target(%dma_start3A_21 : memref<10112xf32, #tpu.memory_space<hbm>>) target_semaphore(%run_scoped3A : memref<!tpu.dma_semaphore, #tpu.memory_space<semaphore_mem>>)
      %dma_wait3A = arith.constant 0 : i32
      %dma_wait3A_22 = tpu.memref_slice %arg3[%arg0, %arg1, %dma_wait3A] : memref<2x16x10112xf32, #tpu.memory_space<hbm>> -> memref<1x1x10112xf32, #tpu.memory_space<hbm>>
      %dma_wait3A_23 = tpu.memref_squeeze %dma_wait3A_22 : memref<1x1x10112xf32, #tpu.memory_space<hbm>> -> memref<10112xf32, #tpu.memory_space<hbm>>
      %dma_wait3A_24 = arith.constant 0 : i32
      %dma_wait3A_25 = tpu.memref_slice %arg3[%arg0, %arg1, %dma_wait3A_24] : memref<2x16x10112xf32, #tpu.memory_space<hbm>> -> memref<1x1x10112xf32, #tpu.memory_space<hbm>>
      %dma_wait3A_26 = tpu.memref_squeeze %dma_wait3A_25 : memref<1x1x10112xf32, #tpu.memory_space<hbm>> -> memref<10112xf32, #tpu.memory_space<hbm>>
      tpu.wait_dma2 semaphore(%run_scoped3A : memref<!tpu.dma_semaphore, #tpu.memory_space<semaphore_mem>>) src(%arg5 : memref<10112xf32, #tpu.memory_space<vmem>>) dst(%dma_wait3A_26 : memref<10112xf32, #tpu.memory_space<hbm>>)
      tpu.yield
    }) : () -> ()
    return
  }
}

#map = affine_map<(d0, d1) -> (0, 0)>
#map1 = affine_map<(d0, d1) -> (0, 0, 0)>
module attributes {stable_mosaic.version = 14 : i64} {
  func.func @agg(%arg0: i32, %arg1: i32, %arg2: memref<20000x128xf32, #tpu.memory_space<hbm>>, %arg3: memref<2x5120x128xi32, #tpu.memory_space<hbm>>, %arg4: memref<2x10240x128xf32, #tpu.memory_space<hbm>>, %arg5: memref<2x40x128xi32, #tpu.memory_space<vmem>>, %arg6: memref<2x128x128xf32, #tpu.memory_space<vmem>>, %arg7: memref<10240x128xf32, #tpu.memory_space<vmem_shared>>, %arg8: memref<2x!tpu.dma_semaphore, #tpu.memory_space<semaphore_mem>>, %arg9: memref<2x!tpu.dma_semaphore, #tpu.memory_space<semaphore_mem>>, %arg10: memref<2x!tpu.dma_semaphore, #tpu.memory_space<semaphore_mem>>) attributes {dimension_semantics = [#tpu.dimension_semantics<core_parallel>, #tpu.dimension_semantics<subcore_parallel>], iteration_bounds = array<i64: 2, 16>, scalar_prefetch = 0 : i64, scratch_operands = 6 : i64, tpu.core_type = #tpu.core_type<sc_vector_subcore>, window_params = [{transform_indices = #map}, {transform_indices = #map1}, {transform_indices = #map1}]} {
    %broadcast_in_dim3A = arith.constant 0.000000e+00 : f32
    %broadcast_in_dim3A_0 = vector.broadcast %broadcast_in_dim3A : f32 to vector<16xf32>
    %scan3A = arith.constant 0 : i32
    %scan3A_1 = arith.constant 0 : i32
    %scan3A_2 = arith.constant 128 : i32
    %scan3A_3 = arith.addi %scan3A_1, %scan3A_2 : i32
    %scan3A_4 = arith.constant 1 : i32
    %scan3A_5 = scf.for %scan3A_86 = %scan3A_1 to %scan3A_3 step %scan3A_4 iter_args(%scan3A_87 = %scan3A) -> (i32)  : i32 {
      %swap3A = arith.constant 0 : i32
      %swap3A_88 = arith.index_cast %swap3A : i32 to index
      %swap3A_89 = arith.index_cast %scan3A_86 : i32 to index
      %swap3A_90 = arith.constant 0 : index
      %swap3A_91 = tpu.vector_load %arg6[%swap3A_88, %swap3A_89, %swap3A_90] {strides = array<i32>} : memref<2x128x128xf32, #tpu.memory_space<vmem>>, vector<1x1x16xf32>,
      %swap3A_92 = vector.shape_cast %swap3A_91 : vector<1x1x16xf32> to vector<16xf32>
      %swap3A_93 = vector.shape_cast %broadcast_in_dim3A_0 : vector<16xf32> to vector<1x1x16xf32>
      tpu.vector_store %arg6[%swap3A_88, %swap3A_89, %swap3A_90], %swap3A_93 {strides = array<i32>} : memref<2x128x128xf32, #tpu.memory_space<vmem>>, vector<1x1x16xf32>,
      %swap3A_94 = arith.constant 0 : i32
      %swap3A_95 = arith.index_cast %swap3A_94 : i32 to index
      %swap3A_96 = arith.index_cast %scan3A_86 : i32 to index
      %swap3A_97 = arith.constant 16 : index
      %swap3A_98 = tpu.vector_load %arg6[%swap3A_95, %swap3A_96, %swap3A_97] {strides = array<i32>} : memref<2x128x128xf32, #tpu.memory_space<vmem>>, vector<1x1x16xf32>,
      %swap3A_99 = vector.shape_cast %swap3A_98 : vector<1x1x16xf32> to vector<16xf32>
      %swap3A_100 = vector.shape_cast %broadcast_in_dim3A_0 : vector<16xf32> to vector<1x1x16xf32>
      tpu.vector_store %arg6[%swap3A_95, %swap3A_96, %swap3A_97], %swap3A_100 {strides = array<i32>} : memref<2x128x128xf32, #tpu.memory_space<vmem>>, vector<1x1x16xf32>,
      %swap3A_101 = arith.constant 0 : i32
      %swap3A_102 = arith.index_cast %swap3A_101 : i32 to index
      %swap3A_103 = arith.index_cast %scan3A_86 : i32 to index
      %swap3A_104 = arith.constant 32 : index
      %swap3A_105 = tpu.vector_load %arg6[%swap3A_102, %swap3A_103, %swap3A_104] {strides = array<i32>} : memref<2x128x128xf32, #tpu.memory_space<vmem>>, vector<1x1x16xf32>,
      %swap3A_106 = vector.shape_cast %swap3A_105 : vector<1x1x16xf32> to vector<16xf32>
      %swap3A_107 = vector.shape_cast %broadcast_in_dim3A_0 : vector<16xf32> to vector<1x1x16xf32>
      tpu.vector_store %arg6[%swap3A_102, %swap3A_103, %swap3A_104], %swap3A_107 {strides = array<i32>} : memref<2x128x128xf32, #tpu.memory_space<vmem>>, vector<1x1x16xf32>,
      %swap3A_108 = arith.constant 0 : i32
      %swap3A_109 = arith.index_cast %swap3A_108 : i32 to index
      %swap3A_110 = arith.index_cast %scan3A_86 : i32 to index
      %swap3A_111 = arith.constant 48 : index
      %swap3A_112 = tpu.vector_load %arg6[%swap3A_109, %swap3A_110, %swap3A_111] {strides = array<i32>} : memref<2x128x128xf32, #tpu.memory_space<vmem>>, vector<1x1x16xf32>,
      %swap3A_113 = vector.shape_cast %swap3A_112 : vector<1x1x16xf32> to vector<16xf32>
      %swap3A_114 = vector.shape_cast %broadcast_in_dim3A_0 : vector<16xf32> to vector<1x1x16xf32>
      tpu.vector_store %arg6[%swap3A_109, %swap3A_110, %swap3A_111], %swap3A_114 {strides = array<i32>} : memref<2x128x128xf32, #tpu.memory_space<vmem>>, vector<1x1x16xf32>,
      %swap3A_115 = arith.constant 0 : i32
      %swap3A_116 = arith.index_cast %swap3A_115 : i32 to index
      %swap3A_117 = arith.index_cast %scan3A_86 : i32 to index
      %swap3A_118 = arith.constant 64 : index
      %swap3A_119 = tpu.vector_load %arg6[%swap3A_116, %swap3A_117, %swap3A_118] {strides = array<i32>} : memref<2x128x128xf32, #tpu.memory_space<vmem>>, vector<1x1x16xf32>,
      %swap3A_120 = vector.shape_cast %swap3A_119 : vector<1x1x16xf32> to vector<16xf32>
      %swap3A_121 = vector.shape_cast %broadcast_in_dim3A_0 : vector<16xf32> to vector<1x1x16xf32>
      tpu.vector_store %arg6[%swap3A_116, %swap3A_117, %swap3A_118], %swap3A_121 {strides = array<i32>} : memref<2x128x128xf32, #tpu.memory_space<vmem>>, vector<1x1x16xf32>,
      %swap3A_122 = arith.constant 0 : i32
      %swap3A_123 = arith.index_cast %swap3A_122 : i32 to index
      %swap3A_124 = arith.index_cast %scan3A_86 : i32 to index
      %swap3A_125 = arith.constant 80 : index
      %swap3A_126 = tpu.vector_load %arg6[%swap3A_123, %swap3A_124, %swap3A_125] {strides = array<i32>} : memref<2x128x128xf32, #tpu.memory_space<vmem>>, vector<1x1x16xf32>,
      %swap3A_127 = vector.shape_cast %swap3A_126 : vector<1x1x16xf32> to vector<16xf32>
      %swap3A_128 = vector.shape_cast %broadcast_in_dim3A_0 : vector<16xf32> to vector<1x1x16xf32>
      tpu.vector_store %arg6[%swap3A_123, %swap3A_124, %swap3A_125], %swap3A_128 {strides = array<i32>} : memref<2x128x128xf32, #tpu.memory_space<vmem>>, vector<1x1x16xf32>,
      %swap3A_129 = arith.constant 0 : i32
      %swap3A_130 = arith.index_cast %swap3A_129 : i32 to index
      %swap3A_131 = arith.index_cast %scan3A_86 : i32 to index
      %swap3A_132 = arith.constant 96 : index
      %swap3A_133 = tpu.vector_load %arg6[%swap3A_130, %swap3A_131, %swap3A_132] {strides = array<i32>} : memref<2x128x128xf32, #tpu.memory_space<vmem>>, vector<1x1x16xf32>,
      %swap3A_134 = vector.shape_cast %swap3A_133 : vector<1x1x16xf32> to vector<16xf32>
      %swap3A_135 = vector.shape_cast %broadcast_in_dim3A_0 : vector<16xf32> to vector<1x1x16xf32>
      tpu.vector_store %arg6[%swap3A_130, %swap3A_131, %swap3A_132], %swap3A_135 {strides = array<i32>} : memref<2x128x128xf32, #tpu.memory_space<vmem>>, vector<1x1x16xf32>,
      %swap3A_136 = arith.constant 0 : i32
      %swap3A_137 = arith.index_cast %swap3A_136 : i32 to index
      %swap3A_138 = arith.index_cast %scan3A_86 : i32 to index
      %swap3A_139 = arith.constant 112 : index
      %swap3A_140 = tpu.vector_load %arg6[%swap3A_137, %swap3A_138, %swap3A_139] {strides = array<i32>} : memref<2x128x128xf32, #tpu.memory_space<vmem>>, vector<1x1x16xf32>,
      %swap3A_141 = vector.shape_cast %swap3A_140 : vector<1x1x16xf32> to vector<16xf32>
      %swap3A_142 = vector.shape_cast %broadcast_in_dim3A_0 : vector<16xf32> to vector<1x1x16xf32>
      tpu.vector_store %arg6[%swap3A_137, %swap3A_138, %swap3A_139], %swap3A_142 {strides = array<i32>} : memref<2x128x128xf32, #tpu.memory_space<vmem>>, vector<1x1x16xf32>,
      %scan3A_143 = arith.constant 0 : i32
      scf.yield %scan3A_143 : i32
    }
    %scan3A_6 = arith.constant 128 : i32
    %mul3A = arith.constant 640 : i32
    %mul3A_7 = arith.muli %arg1, %mul3A : i32
    %add3A = arith.constant 0 : i32
    %add3A_8 = arith.addi %mul3A_7, %add3A : i32
    %run_scoped3A = arith.constant 0 : i32
    "tpu.region"() ({
      %run_scoped3A_86 = tpu.sem_alloc : memref<!tpu.dma_semaphore, #tpu.memory_space<semaphore_mem>>
      %dma_start3A_87 = arith.constant 0 : i32
      %dma_start3A_88 = arith.constant 0 : i32
      %dma_start3A_89 = tpu.memref_slice %arg6[%run_scoped3A, %dma_start3A_87, %dma_start3A_88] : memref<2x128x128xf32, #tpu.memory_space<vmem>> -> memref<1x128x128xf32, #tpu.memory_space<vmem>>
      %dma_start3A_90 = tpu.memref_squeeze %dma_start3A_89 : memref<1x128x128xf32, #tpu.memory_space<vmem>> -> memref<128x128xf32, #tpu.memory_space<vmem>>
      %dma_start3A_91 = arith.constant 0 : i32
      %dma_start3A_92 = tpu.memref_slice %arg7[%add3A_8, %dma_start3A_91] : memref<10240x128xf32, #tpu.memory_space<vmem_shared>> -> memref<128x128xf32, #tpu.memory_space<vmem_shared>>
      %dma_start3A_93 = arith.constant 0 : i32
      %dma_start3A_94 = tpu.memref_slice %arg7[%add3A_8, %dma_start3A_93] : memref<10240x128xf32, #tpu.memory_space<vmem_shared>> -> memref<128x128xf32, #tpu.memory_space<vmem_shared>>
      %dma_start3A_95 = arith.constant 0 : i32
      %dma_start3A_96 = arith.constant 0 : i32
      %dma_start3A_97 = tpu.memref_slice %arg6[%run_scoped3A, %dma_start3A_95, %dma_start3A_96] : memref<2x128x128xf32, #tpu.memory_space<vmem>> -> memref<1x128x128xf32, #tpu.memory_space<vmem>>
      %dma_start3A_98 = tpu.memref_squeeze %dma_start3A_97 : memref<1x128x128xf32, #tpu.memory_space<vmem>> -> memref<128x128xf32, #tpu.memory_space<vmem>>
      tpu.enqueue_dma source(%dma_start3A_98 : memref<128x128xf32, #tpu.memory_space<vmem>>) target(%dma_start3A_94 : memref<128x128xf32, #tpu.memory_space<vmem_shared>>) target_semaphore(%run_scoped3A_86 : memref<!tpu.dma_semaphore, #tpu.memory_space<semaphore_mem>>)
      %dma_wait3A = arith.constant 0 : i32
      %dma_wait3A_99 = arith.constant 0 : i32
      %dma_wait3A_100 = tpu.memref_slice %arg6[%run_scoped3A, %dma_wait3A, %dma_wait3A_99] : memref<2x128x128xf32, #tpu.memory_space<vmem>> -> memref<1x128x128xf32, #tpu.memory_space<vmem>>
      %dma_wait3A_101 = tpu.memref_squeeze %dma_wait3A_100 : memref<1x128x128xf32, #tpu.memory_space<vmem>> -> memref<128x128xf32, #tpu.memory_space<vmem>>
      %dma_wait3A_102 = arith.constant 0 : i32
      %dma_wait3A_103 = tpu.memref_slice %arg7[%add3A_8, %dma_wait3A_102] : memref<10240x128xf32, #tpu.memory_space<vmem_shared>> -> memref<128x128xf32, #tpu.memory_space<vmem_shared>>
      %dma_wait3A_104 = arith.constant 0 : i32
      %dma_wait3A_105 = tpu.memref_slice %arg7[%add3A_8, %dma_wait3A_104] : memref<10240x128xf32, #tpu.memory_space<vmem_shared>> -> memref<128x128xf32, #tpu.memory_space<vmem_shared>>
      %dma_wait3A_106 = arith.constant 0 : i32
      %dma_wait3A_107 = arith.constant 0 : i32
      %dma_wait3A_108 = tpu.memref_slice %arg6[%run_scoped3A, %dma_wait3A_106, %dma_wait3A_107] : memref<2x128x128xf32, #tpu.memory_space<vmem>> -> memref<1x128x128xf32, #tpu.memory_space<vmem>>
      %dma_wait3A_109 = tpu.memref_squeeze %dma_wait3A_108 : memref<1x128x128xf32, #tpu.memory_space<vmem>> -> memref<128x128xf32, #tpu.memory_space<vmem>>
      tpu.wait_dma2 semaphore(%run_scoped3A_86 : memref<!tpu.dma_semaphore, #tpu.memory_space<semaphore_mem>>) src(%dma_wait3A_109 : memref<128x128xf32, #tpu.memory_space<vmem>>) dst(%dma_wait3A_105 : memref<128x128xf32, #tpu.memory_space<vmem_shared>>)
      tpu.yield
    }) : () -> ()
    %mul3A_9 = arith.constant 640 : i32
    %mul3A_10 = arith.muli %arg1, %mul3A_9 : i32
    %add3A_11 = arith.constant 128 : i32
    %add3A_12 = arith.addi %mul3A_10, %add3A_11 : i32
    %run_scoped3A_13 = arith.constant 0 : i32
    "tpu.region"() ({
      %run_scoped3A_86 = tpu.sem_alloc : memref<!tpu.dma_semaphore, #tpu.memory_space<semaphore_mem>>
      %dma_start3A_87 = arith.constant 0 : i32
      %dma_start3A_88 = arith.constant 0 : i32
      %dma_start3A_89 = tpu.memref_slice %arg6[%run_scoped3A_13, %dma_start3A_87, %dma_start3A_88] : memref<2x128x128xf32, #tpu.memory_space<vmem>> -> memref<1x128x128xf32, #tpu.memory_space<vmem>>
      %dma_start3A_90 = tpu.memref_squeeze %dma_start3A_89 : memref<1x128x128xf32, #tpu.memory_space<vmem>> -> memref<128x128xf32, #tpu.memory_space<vmem>>
      %dma_start3A_91 = arith.constant 0 : i32
      %dma_start3A_92 = tpu.memref_slice %arg7[%add3A_12, %dma_start3A_91] : memref<10240x128xf32, #tpu.memory_space<vmem_shared>> -> memref<128x128xf32, #tpu.memory_space<vmem_shared>>
      %dma_start3A_93 = arith.constant 0 : i32
      %dma_start3A_94 = tpu.memref_slice %arg7[%add3A_12, %dma_start3A_93] : memref<10240x128xf32, #tpu.memory_space<vmem_shared>> -> memref<128x128xf32, #tpu.memory_space<vmem_shared>>
      %dma_start3A_95 = arith.constant 0 : i32
      %dma_start3A_96 = arith.constant 0 : i32
      %dma_start3A_97 = tpu.memref_slice %arg6[%run_scoped3A_13, %dma_start3A_95, %dma_start3A_96] : memref<2x128x128xf32, #tpu.memory_space<vmem>> -> memref<1x128x128xf32, #tpu.memory_space<vmem>>
      %dma_start3A_98 = tpu.memref_squeeze %dma_start3A_97 : memref<1x128x128xf32, #tpu.memory_space<vmem>> -> memref<128x128xf32, #tpu.memory_space<vmem>>
      tpu.enqueue_dma source(%dma_start3A_98 : memref<128x128xf32, #tpu.memory_space<vmem>>) target(%dma_start3A_94 : memref<128x128xf32, #tpu.memory_space<vmem_shared>>) target_semaphore(%run_scoped3A_86 : memref<!tpu.dma_semaphore, #tpu.memory_space<semaphore_mem>>)
      %dma_wait3A = arith.constant 0 : i32
      %dma_wait3A_99 = arith.constant 0 : i32
      %dma_wait3A_100 = tpu.memref_slice %arg6[%run_scoped3A_13, %dma_wait3A, %dma_wait3A_99] : memref<2x128x128xf32, #tpu.memory_space<vmem>> -> memref<1x128x128xf32, #tpu.memory_space<vmem>>
      %dma_wait3A_101 = tpu.memref_squeeze %dma_wait3A_100 : memref<1x128x128xf32, #tpu.memory_space<vmem>> -> memref<128x128xf32, #tpu.memory_space<vmem>>
      %dma_wait3A_102 = arith.constant 0 : i32
      %dma_wait3A_103 = tpu.memref_slice %arg7[%add3A_12, %dma_wait3A_102] : memref<10240x128xf32, #tpu.memory_space<vmem_shared>> -> memref<128x128xf32, #tpu.memory_space<vmem_shared>>
      %dma_wait3A_104 = arith.constant 0 : i32
      %dma_wait3A_105 = tpu.memref_slice %arg7[%add3A_12, %dma_wait3A_104] : memref<10240x128xf32, #tpu.memory_space<vmem_shared>> -> memref<128x128xf32, #tpu.memory_space<vmem_shared>>
      %dma_wait3A_106 = arith.constant 0 : i32
      %dma_wait3A_107 = arith.constant 0 : i32
      %dma_wait3A_108 = tpu.memref_slice %arg6[%run_scoped3A_13, %dma_wait3A_106, %dma_wait3A_107] : memref<2x128x128xf32, #tpu.memory_space<vmem>> -> memref<1x128x128xf32, #tpu.memory_space<vmem>>
      %dma_wait3A_109 = tpu.memref_squeeze %dma_wait3A_108 : memref<1x128x128xf32, #tpu.memory_space<vmem>> -> memref<128x128xf32, #tpu.memory_space<vmem>>
      tpu.wait_dma2 semaphore(%run_scoped3A_86 : memref<!tpu.dma_semaphore, #tpu.memory_space<semaphore_mem>>) src(%dma_wait3A_109 : memref<128x128xf32, #tpu.memory_space<vmem>>) dst(%dma_wait3A_105 : memref<128x128xf32, #tpu.memory_space<vmem_shared>>)
      tpu.yield
    }) : () -> ()
    %mul3A_14 = arith.constant 640 : i32
    %mul3A_15 = arith.muli %arg1, %mul3A_14 : i32
    %add3A_16 = arith.constant 256 : i32
    %add3A_17 = arith.addi %mul3A_15, %add3A_16 : i32
    %run_scoped3A_18 = arith.constant 0 : i32
    "tpu.region"() ({
      %run_scoped3A_86 = tpu.sem_alloc : memref<!tpu.dma_semaphore, #tpu.memory_space<semaphore_mem>>
      %dma_start3A_87 = arith.constant 0 : i32
      %dma_start3A_88 = arith.constant 0 : i32
      %dma_start3A_89 = tpu.memref_slice %arg6[%run_scoped3A_18, %dma_start3A_87, %dma_start3A_88] : memref<2x128x128xf32, #tpu.memory_space<vmem>> -> memref<1x128x128xf32, #tpu.memory_space<vmem>>
      %dma_start3A_90 = tpu.memref_squeeze %dma_start3A_89 : memref<1x128x128xf32, #tpu.memory_space<vmem>> -> memref<128x128xf32, #tpu.memory_space<vmem>>
      %dma_start3A_91 = arith.constant 0 : i32
      %dma_start3A_92 = tpu.memref_slice %arg7[%add3A_17, %dma_start3A_91] : memref<10240x128xf32, #tpu.memory_space<vmem_shared>> -> memref<128x128xf32, #tpu.memory_space<vmem_shared>>
      %dma_start3A_93 = arith.constant 0 : i32
      %dma_start3A_94 = tpu.memref_slice %arg7[%add3A_17, %dma_start3A_93] : memref<10240x128xf32, #tpu.memory_space<vmem_shared>> -> memref<128x128xf32, #tpu.memory_space<vmem_shared>>
      %dma_start3A_95 = arith.constant 0 : i32
      %dma_start3A_96 = arith.constant 0 : i32
      %dma_start3A_97 = tpu.memref_slice %arg6[%run_scoped3A_18, %dma_start3A_95, %dma_start3A_96] : memref<2x128x128xf32, #tpu.memory_space<vmem>> -> memref<1x128x128xf32, #tpu.memory_space<vmem>>
      %dma_start3A_98 = tpu.memref_squeeze %dma_start3A_97 : memref<1x128x128xf32, #tpu.memory_space<vmem>> -> memref<128x128xf32, #tpu.memory_space<vmem>>
      tpu.enqueue_dma source(%dma_start3A_98 : memref<128x128xf32, #tpu.memory_space<vmem>>) target(%dma_start3A_94 : memref<128x128xf32, #tpu.memory_space<vmem_shared>>) target_semaphore(%run_scoped3A_86 : memref<!tpu.dma_semaphore, #tpu.memory_space<semaphore_mem>>)
      %dma_wait3A = arith.constant 0 : i32
      %dma_wait3A_99 = arith.constant 0 : i32
      %dma_wait3A_100 = tpu.memref_slice %arg6[%run_scoped3A_18, %dma_wait3A, %dma_wait3A_99] : memref<2x128x128xf32, #tpu.memory_space<vmem>> -> memref<1x128x128xf32, #tpu.memory_space<vmem>>
      %dma_wait3A_101 = tpu.memref_squeeze %dma_wait3A_100 : memref<1x128x128xf32, #tpu.memory_space<vmem>> -> memref<128x128xf32, #tpu.memory_space<vmem>>
      %dma_wait3A_102 = arith.constant 0 : i32
      %dma_wait3A_103 = tpu.memref_slice %arg7[%add3A_17, %dma_wait3A_102] : memref<10240x128xf32, #tpu.memory_space<vmem_shared>> -> memref<128x128xf32, #tpu.memory_space<vmem_shared>>
      %dma_wait3A_104 = arith.constant 0 : i32
      %dma_wait3A_105 = tpu.memref_slice %arg7[%add3A_17, %dma_wait3A_104] : memref<10240x128xf32, #tpu.memory_space<vmem_shared>> -> memref<128x128xf32, #tpu.memory_space<vmem_shared>>
      %dma_wait3A_106 = arith.constant 0 : i32
      %dma_wait3A_107 = arith.constant 0 : i32
      %dma_wait3A_108 = tpu.memref_slice %arg6[%run_scoped3A_18, %dma_wait3A_106, %dma_wait3A_107] : memref<2x128x128xf32, #tpu.memory_space<vmem>> -> memref<1x128x128xf32, #tpu.memory_space<vmem>>
      %dma_wait3A_109 = tpu.memref_squeeze %dma_wait3A_108 : memref<1x128x128xf32, #tpu.memory_space<vmem>> -> memref<128x128xf32, #tpu.memory_space<vmem>>
      tpu.wait_dma2 semaphore(%run_scoped3A_86 : memref<!tpu.dma_semaphore, #tpu.memory_space<semaphore_mem>>) src(%dma_wait3A_109 : memref<128x128xf32, #tpu.memory_space<vmem>>) dst(%dma_wait3A_105 : memref<128x128xf32, #tpu.memory_space<vmem_shared>>)
      tpu.yield
    }) : () -> ()
    %mul3A_19 = arith.constant 640 : i32
    %mul3A_20 = arith.muli %arg1, %mul3A_19 : i32
    %add3A_21 = arith.constant 384 : i32
    %add3A_22 = arith.addi %mul3A_20, %add3A_21 : i32
    %run_scoped3A_23 = arith.constant 0 : i32
    "tpu.region"() ({
      %run_scoped3A_86 = tpu.sem_alloc : memref<!tpu.dma_semaphore, #tpu.memory_space<semaphore_mem>>
      %dma_start3A_87 = arith.constant 0 : i32
      %dma_start3A_88 = arith.constant 0 : i32
      %dma_start3A_89 = tpu.memref_slice %arg6[%run_scoped3A_23, %dma_start3A_87, %dma_start3A_88] : memref<2x128x128xf32, #tpu.memory_space<vmem>> -> memref<1x128x128xf32, #tpu.memory_space<vmem>>
      %dma_start3A_90 = tpu.memref_squeeze %dma_start3A_89 : memref<1x128x128xf32, #tpu.memory_space<vmem>> -> memref<128x128xf32, #tpu.memory_space<vmem>>
      %dma_start3A_91 = arith.constant 0 : i32
      %dma_start3A_92 = tpu.memref_slice %arg7[%add3A_22, %dma_start3A_91] : memref<10240x128xf32, #tpu.memory_space<vmem_shared>> -> memref<128x128xf32, #tpu.memory_space<vmem_shared>>
      %dma_start3A_93 = arith.constant 0 : i32
      %dma_start3A_94 = tpu.memref_slice %arg7[%add3A_22, %dma_start3A_93] : memref<10240x128xf32, #tpu.memory_space<vmem_shared>> -> memref<128x128xf32, #tpu.memory_space<vmem_shared>>
      %dma_start3A_95 = arith.constant 0 : i32
      %dma_start3A_96 = arith.constant 0 : i32
      %dma_start3A_97 = tpu.memref_slice %arg6[%run_scoped3A_23, %dma_start3A_95, %dma_start3A_96] : memref<2x128x128xf32, #tpu.memory_space<vmem>> -> memref<1x128x128xf32, #tpu.memory_space<vmem>>
      %dma_start3A_98 = tpu.memref_squeeze %dma_start3A_97 : memref<1x128x128xf32, #tpu.memory_space<vmem>> -> memref<128x128xf32, #tpu.memory_space<vmem>>
      tpu.enqueue_dma source(%dma_start3A_98 : memref<128x128xf32, #tpu.memory_space<vmem>>) target(%dma_start3A_94 : memref<128x128xf32, #tpu.memory_space<vmem_shared>>) target_semaphore(%run_scoped3A_86 : memref<!tpu.dma_semaphore, #tpu.memory_space<semaphore_mem>>)
      %dma_wait3A = arith.constant 0 : i32
      %dma_wait3A_99 = arith.constant 0 : i32
      %dma_wait3A_100 = tpu.memref_slice %arg6[%run_scoped3A_23, %dma_wait3A, %dma_wait3A_99] : memref<2x128x128xf32, #tpu.memory_space<vmem>> -> memref<1x128x128xf32, #tpu.memory_space<vmem>>
      %dma_wait3A_101 = tpu.memref_squeeze %dma_wait3A_100 : memref<1x128x128xf32, #tpu.memory_space<vmem>> -> memref<128x128xf32, #tpu.memory_space<vmem>>
      %dma_wait3A_102 = arith.constant 0 : i32
      %dma_wait3A_103 = tpu.memref_slice %arg7[%add3A_22, %dma_wait3A_102] : memref<10240x128xf32, #tpu.memory_space<vmem_shared>> -> memref<128x128xf32, #tpu.memory_space<vmem_shared>>
      %dma_wait3A_104 = arith.constant 0 : i32
      %dma_wait3A_105 = tpu.memref_slice %arg7[%add3A_22, %dma_wait3A_104] : memref<10240x128xf32, #tpu.memory_space<vmem_shared>> -> memref<128x128xf32, #tpu.memory_space<vmem_shared>>
      %dma_wait3A_106 = arith.constant 0 : i32
      %dma_wait3A_107 = arith.constant 0 : i32
      %dma_wait3A_108 = tpu.memref_slice %arg6[%run_scoped3A_23, %dma_wait3A_106, %dma_wait3A_107] : memref<2x128x128xf32, #tpu.memory_space<vmem>> -> memref<1x128x128xf32, #tpu.memory_space<vmem>>
      %dma_wait3A_109 = tpu.memref_squeeze %dma_wait3A_108 : memref<1x128x128xf32, #tpu.memory_space<vmem>> -> memref<128x128xf32, #tpu.memory_space<vmem>>
      tpu.wait_dma2 semaphore(%run_scoped3A_86 : memref<!tpu.dma_semaphore, #tpu.memory_space<semaphore_mem>>) src(%dma_wait3A_109 : memref<128x128xf32, #tpu.memory_space<vmem>>) dst(%dma_wait3A_105 : memref<128x128xf32, #tpu.memory_space<vmem_shared>>)
      tpu.yield
    }) : () -> ()
    %mul3A_24 = arith.constant 640 : i32
    %mul3A_25 = arith.muli %arg1, %mul3A_24 : i32
    %add3A_26 = arith.constant 512 : i32
    %add3A_27 = arith.addi %mul3A_25, %add3A_26 : i32
    %run_scoped3A_28 = arith.constant 0 : i32
    "tpu.region"() ({
      %run_scoped3A_86 = tpu.sem_alloc : memref<!tpu.dma_semaphore, #tpu.memory_space<semaphore_mem>>
      %dma_start3A_87 = arith.constant 0 : i32
      %dma_start3A_88 = arith.constant 0 : i32
      %dma_start3A_89 = tpu.memref_slice %arg6[%run_scoped3A_28, %dma_start3A_87, %dma_start3A_88] : memref<2x128x128xf32, #tpu.memory_space<vmem>> -> memref<1x128x128xf32, #tpu.memory_space<vmem>>
      %dma_start3A_90 = tpu.memref_squeeze %dma_start3A_89 : memref<1x128x128xf32, #tpu.memory_space<vmem>> -> memref<128x128xf32, #tpu.memory_space<vmem>>
      %dma_start3A_91 = arith.constant 0 : i32
      %dma_start3A_92 = tpu.memref_slice %arg7[%add3A_27, %dma_start3A_91] : memref<10240x128xf32, #tpu.memory_space<vmem_shared>> -> memref<128x128xf32, #tpu.memory_space<vmem_shared>>
      %dma_start3A_93 = arith.constant 0 : i32
      %dma_start3A_94 = tpu.memref_slice %arg7[%add3A_27, %dma_start3A_93] : memref<10240x128xf32, #tpu.memory_space<vmem_shared>> -> memref<128x128xf32, #tpu.memory_space<vmem_shared>>
      %dma_start3A_95 = arith.constant 0 : i32
      %dma_start3A_96 = arith.constant 0 : i32
      %dma_start3A_97 = tpu.memref_slice %arg6[%run_scoped3A_28, %dma_start3A_95, %dma_start3A_96] : memref<2x128x128xf32, #tpu.memory_space<vmem>> -> memref<1x128x128xf32, #tpu.memory_space<vmem>>
      %dma_start3A_98 = tpu.memref_squeeze %dma_start3A_97 : memref<1x128x128xf32, #tpu.memory_space<vmem>> -> memref<128x128xf32, #tpu.memory_space<vmem>>
      tpu.enqueue_dma source(%dma_start3A_98 : memref<128x128xf32, #tpu.memory_space<vmem>>) target(%dma_start3A_94 : memref<128x128xf32, #tpu.memory_space<vmem_shared>>) target_semaphore(%run_scoped3A_86 : memref<!tpu.dma_semaphore, #tpu.memory_space<semaphore_mem>>)
      %dma_wait3A = arith.constant 0 : i32
      %dma_wait3A_99 = arith.constant 0 : i32
      %dma_wait3A_100 = tpu.memref_slice %arg6[%run_scoped3A_28, %dma_wait3A, %dma_wait3A_99] : memref<2x128x128xf32, #tpu.memory_space<vmem>> -> memref<1x128x128xf32, #tpu.memory_space<vmem>>
      %dma_wait3A_101 = tpu.memref_squeeze %dma_wait3A_100 : memref<1x128x128xf32, #tpu.memory_space<vmem>> -> memref<128x128xf32, #tpu.memory_space<vmem>>
      %dma_wait3A_102 = arith.constant 0 : i32
      %dma_wait3A_103 = tpu.memref_slice %arg7[%add3A_27, %dma_wait3A_102] : memref<10240x128xf32, #tpu.memory_space<vmem_shared>> -> memref<128x128xf32, #tpu.memory_space<vmem_shared>>
      %dma_wait3A_104 = arith.constant 0 : i32
      %dma_wait3A_105 = tpu.memref_slice %arg7[%add3A_27, %dma_wait3A_104] : memref<10240x128xf32, #tpu.memory_space<vmem_shared>> -> memref<128x128xf32, #tpu.memory_space<vmem_shared>>
      %dma_wait3A_106 = arith.constant 0 : i32
      %dma_wait3A_107 = arith.constant 0 : i32
      %dma_wait3A_108 = tpu.memref_slice %arg6[%run_scoped3A_28, %dma_wait3A_106, %dma_wait3A_107] : memref<2x128x128xf32, #tpu.memory_space<vmem>> -> memref<1x128x128xf32, #tpu.memory_space<vmem>>
      %dma_wait3A_109 = tpu.memref_squeeze %dma_wait3A_108 : memref<1x128x128xf32, #tpu.memory_space<vmem>> -> memref<128x128xf32, #tpu.memory_space<vmem>>
      tpu.wait_dma2 semaphore(%run_scoped3A_86 : memref<!tpu.dma_semaphore, #tpu.memory_space<semaphore_mem>>) src(%dma_wait3A_109 : memref<128x128xf32, #tpu.memory_space<vmem>>) dst(%dma_wait3A_105 : memref<128x128xf32, #tpu.memory_space<vmem_shared>>)
      tpu.yield
    }) : () -> ()
    %barrier3A = arith.constant 0 : index
    tpu.barrier barrier_id(%barrier3A)
    %mul3A_29 = arith.constant 8 : i32
    %mul3A_30 = arith.muli %arg1, %mul3A_29 : i32
    %mul3A_31 = arith.constant 2 : i32
    %mul3A_32 = arith.muli %mul3A_30, %mul3A_31 : i32
    %mul3A_33 = arith.constant 20 : i32
    %mul3A_34 = arith.muli %mul3A_32, %mul3A_33 : i32
    %add3A_35 = arith.constant 0 : i32
    %add3A_36 = arith.addi %mul3A_34, %add3A_35 : i32
    %dma_start3A = arith.constant 0 : i32
    %dma_start3A_37 = arith.constant 0 : i32
    %dma_start3A_38 = arith.constant 0 : i32
    %dma_start3A_39 = arith.constant 0 : i32
    %dma_start3A_40 = tpu.memref_slice %arg5[%dma_start3A, %dma_start3A_38, %dma_start3A_39] : memref<2x40x128xi32, #tpu.memory_space<vmem>> -> memref<1x40x128xi32, #tpu.memory_space<vmem>>
    %dma_start3A_41 = tpu.memref_squeeze %dma_start3A_40 : memref<1x40x128xi32, #tpu.memory_space<vmem>> -> memref<40x128xi32, #tpu.memory_space<vmem>>
    %dma_start3A_42 = arith.constant 0 : i32
    %dma_start3A_43 = tpu.memref_slice %arg3[%arg0, %add3A_36, %dma_start3A_42] : memref<2x5120x128xi32, #tpu.memory_space<hbm>> -> memref<1x40x128xi32, #tpu.memory_space<hbm>>
    %dma_start3A_44 = tpu.memref_squeeze %dma_start3A_43 : memref<1x40x128xi32, #tpu.memory_space<hbm>> -> memref<40x128xi32, #tpu.memory_space<hbm>>
    %dma_start3A_45 = tpu.memref_slice %arg8[%dma_start3A_37] : memref<2x!tpu.dma_semaphore, #tpu.memory_space<semaphore_mem>> -> memref<1x!tpu.dma_semaphore, #tpu.memory_space<semaphore_mem>>
    %dma_start3A_46 = tpu.memref_squeeze %dma_start3A_45 : memref<1x!tpu.dma_semaphore, #tpu.memory_space<semaphore_mem>> -> memref<!tpu.dma_semaphore, #tpu.memory_space<semaphore_mem>>
    %dma_start3A_47 = arith.constant 0 : i32
    %dma_start3A_48 = arith.constant 0 : i32
    %dma_start3A_49 = tpu.memref_slice %arg5[%dma_start3A, %dma_start3A_47, %dma_start3A_48] : memref<2x40x128xi32, #tpu.memory_space<vmem>> -> memref<1x40x128xi32, #tpu.memory_space<vmem>>
    %dma_start3A_50 = tpu.memref_squeeze %dma_start3A_49 : memref<1x40x128xi32, #tpu.memory_space<vmem>> -> memref<40x128xi32, #tpu.memory_space<vmem>>
    %dma_start3A_51 = arith.constant 0 : i32
    %dma_start3A_52 = tpu.memref_slice %arg3[%arg0, %add3A_36, %dma_start3A_51] : memref<2x5120x128xi32, #tpu.memory_space<hbm>> -> memref<1x40x128xi32, #tpu.memory_space<hbm>>
    %dma_start3A_53 = tpu.memref_squeeze %dma_start3A_52 : memref<1x40x128xi32, #tpu.memory_space<hbm>> -> memref<40x128xi32, #tpu.memory_space<hbm>>
    tpu.enqueue_dma source(%dma_start3A_53 : memref<40x128xi32, #tpu.memory_space<hbm>>) target(%dma_start3A_50 : memref<40x128xi32, #tpu.memory_space<vmem>>) target_semaphore(%dma_start3A_46 : memref<!tpu.dma_semaphore, #tpu.memory_space<semaphore_mem>>)
    %add3A_54 = arith.constant 40 : i32
    %add3A_55 = arith.addi %mul3A_34, %add3A_54 : i32
    %dma_start3A_56 = arith.constant 1 : i32
    %dma_start3A_57 = arith.constant 1 : i32
    %dma_start3A_58 = arith.constant 0 : i32
    %dma_start3A_59 = arith.constant 0 : i32
    %dma_start3A_60 = tpu.memref_slice %arg5[%dma_start3A_56, %dma_start3A_58, %dma_start3A_59] : memref<2x40x128xi32, #tpu.memory_space<vmem>> -> memref<1x40x128xi32, #tpu.memory_space<vmem>>
    %dma_start3A_61 = tpu.memref_squeeze %dma_start3A_60 : memref<1x40x128xi32, #tpu.memory_space<vmem>> -> memref<40x128xi32, #tpu.memory_space<vmem>>
    %dma_start3A_62 = arith.constant 0 : i32
    %dma_start3A_63 = tpu.memref_slice %arg3[%arg0, %add3A_55, %dma_start3A_62] : memref<2x5120x128xi32, #tpu.memory_space<hbm>> -> memref<1x40x128xi32, #tpu.memory_space<hbm>>
    %dma_start3A_64 = tpu.memref_squeeze %dma_start3A_63 : memref<1x40x128xi32, #tpu.memory_space<hbm>> -> memref<40x128xi32, #tpu.memory_space<hbm>>
    %dma_start3A_65 = tpu.memref_slice %arg8[%dma_start3A_57] : memref<2x!tpu.dma_semaphore, #tpu.memory_space<semaphore_mem>> -> memref<1x!tpu.dma_semaphore, #tpu.memory_space<semaphore_mem>>
    %dma_start3A_66 = tpu.memref_squeeze %dma_start3A_65 : memref<1x!tpu.dma_semaphore, #tpu.memory_space<semaphore_mem>> -> memref<!tpu.dma_semaphore, #tpu.memory_space<semaphore_mem>>
    %dma_start3A_67 = arith.constant 0 : i32
    %dma_start3A_68 = arith.constant 0 : i32
    %dma_start3A_69 = tpu.memref_slice %arg5[%dma_start3A_56, %dma_start3A_67, %dma_start3A_68] : memref<2x40x128xi32, #tpu.memory_space<vmem>> -> memref<1x40x128xi32, #tpu.memory_space<vmem>>
    %dma_start3A_70 = tpu.memref_squeeze %dma_start3A_69 : memref<1x40x128xi32, #tpu.memory_space<vmem>> -> memref<40x128xi32, #tpu.memory_space<vmem>>
    %dma_start3A_71 = arith.constant 0 : i32
    %dma_start3A_72 = tpu.memref_slice %arg3[%arg0, %add3A_55, %dma_start3A_71] : memref<2x5120x128xi32, #tpu.memory_space<hbm>> -> memref<1x40x128xi32, #tpu.memory_space<hbm>>
    %dma_start3A_73 = tpu.memref_squeeze %dma_start3A_72 : memref<1x40x128xi32, #tpu.memory_space<hbm>> -> memref<40x128xi32, #tpu.memory_space<hbm>>
    tpu.enqueue_dma source(%dma_start3A_73 : memref<40x128xi32, #tpu.memory_space<hbm>>) target(%dma_start3A_70 : memref<40x128xi32, #tpu.memory_space<vmem>>) target_semaphore(%dma_start3A_66 : memref<!tpu.dma_semaphore, #tpu.memory_space<semaphore_mem>>)
    %scan3A_74 = arith.constant 0 : i32
    %scan3A_75 = arith.constant 0 : i32
    %scan3A_76 = arith.constant 8 : i32
    %scan3A_77 = arith.addi %scan3A_75, %scan3A_76 : i32
    %scan3A_78 = arith.constant 1 : i32
    %scan3A_79 = scf.for %scan3A_86 = %scan3A_75 to %scan3A_77 step %scan3A_78 iter_args(%scan3A_87 = %scan3A_74) -> (i32)  : i32 {
      %jit3A = arith.constant 2 : i32
      %eq3A = arith.constant 0 : i32
      %eq3A_88 = arith.cmpi eq, %jit3A, %eq3A : i32
      %jit3A_89 = arith.constant 1 : i32
      %select_n3A = arith.select %eq3A_88, %jit3A_89, %jit3A : i32
      %rem3A = arith.remsi %scan3A_86, %select_n3A : i32
      %ne3A = arith.constant 0 : i32
      %ne3A_90 = arith.cmpi ne, %rem3A, %ne3A : i32
      %lt3A = arith.constant 0 : i32
      %lt3A_91 = arith.cmpi slt, %rem3A, %lt3A : i32
      %lt3A_92 = arith.constant 0 : i32
      %lt3A_93 = arith.cmpi slt, %select_n3A, %lt3A_92 : i32
      %ne3A_94 = arith.xori %lt3A_91, %lt3A_93 : i1
      %and3A = arith.andi %ne3A_94, %ne3A_90 : i1
      %add3A_95 = arith.addi %rem3A, %select_n3A : i32
      %select_n3A_96 = arith.select %and3A, %add3A_95, %rem3A : i32
      %mul3A_97 = arith.constant 2 : i32
      %mul3A_98 = arith.muli %scan3A_86, %mul3A_97 : i32
      %mul3A_99 = arith.constant 20 : i32
      %mul3A_100 = arith.muli %mul3A_98, %mul3A_99 : i32
      %add3A_101 = arith.addi %mul3A_34, %mul3A_100 : i32
      %dma_wait3A = arith.constant 0 : i32
      %dma_wait3A_102 = arith.constant 0 : i32
      %dma_wait3A_103 = tpu.memref_slice %arg5[%select_n3A_96, %dma_wait3A, %dma_wait3A_102] : memref<2x40x128xi32, #tpu.memory_space<vmem>> -> memref<1x40x128xi32, #tpu.memory_space<vmem>>
      %dma_wait3A_104 = tpu.memref_squeeze %dma_wait3A_103 : memref<1x40x128xi32, #tpu.memory_space<vmem>> -> memref<40x128xi32, #tpu.memory_space<vmem>>
      %dma_wait3A_105 = arith.constant 0 : i32
      %dma_wait3A_106 = tpu.memref_slice %arg3[%arg0, %add3A_101, %dma_wait3A_105] : memref<2x5120x128xi32, #tpu.memory_space<hbm>> -> memref<1x40x128xi32, #tpu.memory_space<hbm>>
      %dma_wait3A_107 = tpu.memref_squeeze %dma_wait3A_106 : memref<1x40x128xi32, #tpu.memory_space<hbm>> -> memref<40x128xi32, #tpu.memory_space<hbm>>
      %dma_wait3A_108 = tpu.memref_slice %arg8[%select_n3A_96] : memref<2x!tpu.dma_semaphore, #tpu.memory_space<semaphore_mem>> -> memref<1x!tpu.dma_semaphore, #tpu.memory_space<semaphore_mem>>
      %dma_wait3A_109 = tpu.memref_squeeze %dma_wait3A_108 : memref<1x!tpu.dma_semaphore, #tpu.memory_space<semaphore_mem>> -> memref<!tpu.dma_semaphore, #tpu.memory_space<semaphore_mem>>
      %dma_wait3A_110 = arith.constant 0 : i32
      %dma_wait3A_111 = arith.constant 0 : i32
      %dma_wait3A_112 = tpu.memref_slice %arg5[%select_n3A_96, %dma_wait3A_110, %dma_wait3A_111] : memref<2x40x128xi32, #tpu.memory_space<vmem>> -> memref<1x40x128xi32, #tpu.memory_space<vmem>>
      %dma_wait3A_113 = tpu.memref_squeeze %dma_wait3A_112 : memref<1x40x128xi32, #tpu.memory_space<vmem>> -> memref<40x128xi32, #tpu.memory_space<vmem>>
      %dma_wait3A_114 = arith.constant 0 : i32
      %dma_wait3A_115 = tpu.memref_slice %arg3[%arg0, %add3A_101, %dma_wait3A_114] : memref<2x5120x128xi32, #tpu.memory_space<hbm>> -> memref<1x40x128xi32, #tpu.memory_space<hbm>>
      %dma_wait3A_116 = tpu.memref_squeeze %dma_wait3A_115 : memref<1x40x128xi32, #tpu.memory_space<hbm>> -> memref<40x128xi32, #tpu.memory_space<hbm>>
      tpu.wait_dma2 semaphore(%dma_wait3A_109 : memref<!tpu.dma_semaphore, #tpu.memory_space<semaphore_mem>>) src(%dma_wait3A_116 : memref<40x128xi32, #tpu.memory_space<hbm>>) dst(%dma_wait3A_113 : memref<40x128xi32, #tpu.memory_space<vmem>>)
      %dma_start3A_117 = arith.constant 0 : i32
      %dma_start3A_118 = arith.constant 0 : i32
      %dma_start3A_119 = arith.constant 0 : i32
      %dma_start3A_120 = arith.constant 0 : i32
      %dma_start3A_121 = arith.constant 0 : i32
      %dma_start3A_122 = tpu.memref_slice %arg6[%dma_start3A_118, %dma_start3A_120, %dma_start3A_121] : memref<2x128x128xf32, #tpu.memory_space<vmem>> -> memref<1x128x128xf32, #tpu.memory_space<vmem>>
      %dma_start3A_123 = tpu.memref_squeeze %dma_start3A_122 : memref<1x128x128xf32, #tpu.memory_space<vmem>> -> memref<128x128xf32, #tpu.memory_space<vmem>>
      %dma_start3A_124 = arith.constant 0 : i32
      %dma_start3A_125 = arith.constant 0 : i32
      %dma_start3A_126 = tpu.memref_slice %arg5[%select_n3A_96, %dma_start3A_124, %dma_start3A_125] : memref<2x40x128xi32, #tpu.memory_space<vmem>> -> memref<1x40x128xi32, #tpu.memory_space<vmem>>
      %dma_start3A_127 = tpu.memref_squeeze %dma_start3A_126 : memref<1x40x128xi32, #tpu.memory_space<vmem>> -> memref<40x128xi32, #tpu.memory_space<vmem>>
      %dma_start3A_128 = arith.constant 0 : i32
      %dma_start3A_129 = tpu.memref_slice %dma_start3A_127[%dma_start3A_117, %dma_start3A_128] : memref<40x128xi32, #tpu.memory_space<vmem>> -> memref<1x128xi32, #tpu.memory_space<vmem>>
      %dma_start3A_130 = tpu.memref_squeeze %dma_start3A_129 : memref<1x128xi32, #tpu.memory_space<vmem>> -> memref<128xi32, #tpu.memory_space<vmem>>
      %dma_start3A_131 = arith.constant 0 : i32
      %dma_start3A_132 = arith.constant 0 : i32
      %dma_start3A_133 = tpu.memref_slice %arg2[%dma_start3A_131, %dma_start3A_132] : memref<20000x128xf32, #tpu.memory_space<hbm>> -> memref<20000x128xf32, #tpu.memory_space<hbm>>
      %dma_start3A_134 = tpu.memref_slice %arg9[%dma_start3A_119] : memref<2x!tpu.dma_semaphore, #tpu.memory_space<semaphore_mem>> -> memref<1x!tpu.dma_semaphore, #tpu.memory_space<semaphore_mem>>
      %dma_start3A_135 = tpu.memref_squeeze %dma_start3A_134 : memref<1x!tpu.dma_semaphore, #tpu.memory_space<semaphore_mem>> -> memref<!tpu.dma_semaphore, #tpu.memory_space<semaphore_mem>>
      tpu.enqueue_indirect_dma source(%dma_start3A_133 : memref<20000x128xf32, #tpu.memory_space<hbm>>) target(%dma_start3A_123 : memref<128x128xf32, #tpu.memory_space<vmem>>) offsets(%dma_start3A_130 : memref<128xi32, #tpu.memory_space<vmem>>) semaphore(%dma_start3A_135 : memref<!tpu.dma_semaphore, #tpu.memory_space<semaphore_mem>>)
      %dma_start3A_136 = arith.constant 1 : i32
      %dma_start3A_137 = arith.constant 1 : i32
      %dma_start3A_138 = arith.constant 1 : i32
      %dma_start3A_139 = arith.constant 0 : i32
      %dma_start3A_140 = arith.constant 0 : i32
      %dma_start3A_141 = tpu.memref_slice %arg6[%dma_start3A_137, %dma_start3A_139, %dma_start3A_140] : memref<2x128x128xf32, #tpu.memory_space<vmem>> -> memref<1x128x128xf32, #tpu.memory_space<vmem>>
      %dma_start3A_142 = tpu.memref_squeeze %dma_start3A_141 : memref<1x128x128xf32, #tpu.memory_space<vmem>> -> memref<128x128xf32, #tpu.memory_space<vmem>>
      %dma_start3A_143 = arith.constant 0 : i32
      %dma_start3A_144 = arith.constant 0 : i32
      %dma_start3A_145 = tpu.memref_slice %arg5[%select_n3A_96, %dma_start3A_143, %dma_start3A_144] : memref<2x40x128xi32, #tpu.memory_space<vmem>> -> memref<1x40x128xi32, #tpu.memory_space<vmem>>
      %dma_start3A_146 = tpu.memref_squeeze %dma_start3A_145 : memref<1x40x128xi32, #tpu.memory_space<vmem>> -> memref<40x128xi32, #tpu.memory_space<vmem>>
      %dma_start3A_147 = arith.constant 0 : i32
      %dma_start3A_148 = tpu.memref_slice %dma_start3A_146[%dma_start3A_136, %dma_start3A_147] : memref<40x128xi32, #tpu.memory_space<vmem>> -> memref<1x128xi32, #tpu.memory_space<vmem>>
      %dma_start3A_149 = tpu.memref_squeeze %dma_start3A_148 : memref<1x128xi32, #tpu.memory_space<vmem>> -> memref<128xi32, #tpu.memory_space<vmem>>
      %dma_start3A_150 = arith.constant 0 : i32
      %dma_start3A_151 = arith.constant 0 : i32
      %dma_start3A_152 = tpu.memref_slice %arg2[%dma_start3A_150, %dma_start3A_151] : memref<20000x128xf32, #tpu.memory_space<hbm>> -> memref<20000x128xf32, #tpu.memory_space<hbm>>
      %dma_start3A_153 = tpu.memref_slice %arg9[%dma_start3A_138] : memref<2x!tpu.dma_semaphore, #tpu.memory_space<semaphore_mem>> -> memref<1x!tpu.dma_semaphore, #tpu.memory_space<semaphore_mem>>
      %dma_start3A_154 = tpu.memref_squeeze %dma_start3A_153 : memref<1x!tpu.dma_semaphore, #tpu.memory_space<semaphore_mem>> -> memref<!tpu.dma_semaphore, #tpu.memory_space<semaphore_mem>>
      tpu.enqueue_indirect_dma source(%dma_start3A_152 : memref<20000x128xf32, #tpu.memory_space<hbm>>) target(%dma_start3A_142 : memref<128x128xf32, #tpu.memory_space<vmem>>) offsets(%dma_start3A_149 : memref<128xi32, #tpu.memory_space<vmem>>) semaphore(%dma_start3A_154 : memref<!tpu.dma_semaphore, #tpu.memory_space<semaphore_mem>>)
      %scan3A_155 = arith.constant 0 : i32
      %scan3A_156 = arith.constant 0 : i32
      %scan3A_157 = arith.constant 20 : i32
      %scan3A_158 = arith.addi %scan3A_156, %scan3A_157 : i32
      %scan3A_159 = arith.constant 1 : i32
      %scan3A_160 = scf.for %scan3A_206 = %scan3A_156 to %scan3A_158 step %scan3A_159 iter_args(%scan3A_207 = %scan3A_155) -> (i32)  : i32 {
        %jit3A_208 = arith.constant 2 : i32
        %eq3A_209 = arith.constant 0 : i32
        %eq3A_210 = arith.cmpi eq, %jit3A_208, %eq3A_209 : i32
        %jit3A_211 = arith.constant 1 : i32
        %select_n3A_212 = arith.select %eq3A_210, %jit3A_211, %jit3A_208 : i32
        %rem3A_213 = arith.remsi %scan3A_206, %select_n3A_212 : i32
        %ne3A_214 = arith.constant 0 : i32
        %ne3A_215 = arith.cmpi ne, %rem3A_213, %ne3A_214 : i32
        %lt3A_216 = arith.constant 0 : i32
        %lt3A_217 = arith.cmpi slt, %rem3A_213, %lt3A_216 : i32
        %lt3A_218 = arith.constant 0 : i32
        %lt3A_219 = arith.cmpi slt, %select_n3A_212, %lt3A_218 : i32
        %ne3A_220 = arith.xori %lt3A_217, %lt3A_219 : i1
        %and3A_221 = arith.andi %ne3A_220, %ne3A_215 : i1
        %add3A_222 = arith.addi %rem3A_213, %select_n3A_212 : i32
        %select_n3A_223 = arith.select %and3A_221, %add3A_222, %rem3A_213 : i32
        %dma_wait3A_224 = arith.constant 0 : i32
        %dma_wait3A_225 = arith.constant 0 : i32
        %dma_wait3A_226 = tpu.memref_slice %arg6[%select_n3A_223, %dma_wait3A_224, %dma_wait3A_225] : memref<2x128x128xf32, #tpu.memory_space<vmem>> -> memref<1x128x128xf32, #tpu.memory_space<vmem>>
        %dma_wait3A_227 = tpu.memref_squeeze %dma_wait3A_226 : memref<1x128x128xf32, #tpu.memory_space<vmem>> -> memref<128x128xf32, #tpu.memory_space<vmem>>
        %dma_wait3A_228 = arith.constant 0 : i32
        %dma_wait3A_229 = arith.constant 0 : i32
        %dma_wait3A_230 = tpu.memref_slice %arg5[%select_n3A_96, %dma_wait3A_228, %dma_wait3A_229] : memref<2x40x128xi32, #tpu.memory_space<vmem>> -> memref<1x40x128xi32, #tpu.memory_space<vmem>>
        %dma_wait3A_231 = tpu.memref_squeeze %dma_wait3A_230 : memref<1x40x128xi32, #tpu.memory_space<vmem>> -> memref<40x128xi32, #tpu.memory_space<vmem>>
        %dma_wait3A_232 = arith.constant 0 : i32
        %dma_wait3A_233 = tpu.memref_slice %dma_wait3A_231[%scan3A_206, %dma_wait3A_232] : memref<40x128xi32, #tpu.memory_space<vmem>> -> memref<1x128xi32, #tpu.memory_space<vmem>>
        %dma_wait3A_234 = tpu.memref_squeeze %dma_wait3A_233 : memref<1x128xi32, #tpu.memory_space<vmem>> -> memref<128xi32, #tpu.memory_space<vmem>>
        %dma_wait3A_235 = arith.constant 0 : i32
        %dma_wait3A_236 = arith.constant 0 : i32
        %dma_wait3A_237 = tpu.memref_slice %arg2[%dma_wait3A_235, %dma_wait3A_236] : memref<20000x128xf32, #tpu.memory_space<hbm>> -> memref<20000x128xf32, #tpu.memory_space<hbm>>
        %dma_wait3A_238 = tpu.memref_slice %arg9[%select_n3A_223] : memref<2x!tpu.dma_semaphore, #tpu.memory_space<semaphore_mem>> -> memref<1x!tpu.dma_semaphore, #tpu.memory_space<semaphore_mem>>
        %dma_wait3A_239 = tpu.memref_squeeze %dma_wait3A_238 : memref<1x!tpu.dma_semaphore, #tpu.memory_space<semaphore_mem>> -> memref<!tpu.dma_semaphore, #tpu.memory_space<semaphore_mem>>
        tpu.wait_indirect_dma semaphore(%dma_wait3A_239 : memref<!tpu.dma_semaphore, #tpu.memory_space<semaphore_mem>>) src(%dma_wait3A_237 : memref<20000x128xf32, #tpu.memory_space<hbm>>) dst(%dma_wait3A_227 : memref<128x128xf32, #tpu.memory_space<vmem>>)
        %add3A_240 = arith.constant 20 : i32
        %add3A_241 = arith.addi %add3A_240, %scan3A_206 : i32
        %dma_start3A_242 = arith.constant 0 : i32
        %dma_start3A_243 = arith.constant 0 : i32
        %dma_start3A_244 = tpu.memref_slice %arg6[%select_n3A_223, %dma_start3A_242, %dma_start3A_243] : memref<2x128x128xf32, #tpu.memory_space<vmem>> -> memref<1x128x128xf32, #tpu.memory_space<vmem>>
        %dma_start3A_245 = tpu.memref_squeeze %dma_start3A_244 : memref<1x128x128xf32, #tpu.memory_space<vmem>> -> memref<128x128xf32, #tpu.memory_space<vmem>>
        %dma_start3A_246 = arith.constant 0 : i32
        %dma_start3A_247 = arith.constant 0 : i32
        %dma_start3A_248 = tpu.memref_slice %arg5[%select_n3A_96, %dma_start3A_246, %dma_start3A_247] : memref<2x40x128xi32, #tpu.memory_space<vmem>> -> memref<1x40x128xi32, #tpu.memory_space<vmem>>
        %dma_start3A_249 = tpu.memref_squeeze %dma_start3A_248 : memref<1x40x128xi32, #tpu.memory_space<vmem>> -> memref<40x128xi32, #tpu.memory_space<vmem>>
        %dma_start3A_250 = arith.constant 0 : i32
        %dma_start3A_251 = tpu.memref_slice %dma_start3A_249[%add3A_241, %dma_start3A_250] : memref<40x128xi32, #tpu.memory_space<vmem>> -> memref<1x128xi32, #tpu.memory_space<vmem>>
        %dma_start3A_252 = tpu.memref_squeeze %dma_start3A_251 : memref<1x128xi32, #tpu.memory_space<vmem>> -> memref<128xi32, #tpu.memory_space<vmem>>
        %dma_start3A_253 = arith.constant 0 : i32
        %dma_start3A_254 = arith.constant 0 : i32
        %dma_start3A_255 = tpu.memref_slice %arg7[%dma_start3A_253, %dma_start3A_254] : memref<10240x128xf32, #tpu.memory_space<vmem_shared>> -> memref<10240x128xf32, #tpu.memory_space<vmem_shared>>
        %dma_start3A_256 = tpu.memref_slice %arg10[%select_n3A_223] : memref<2x!tpu.dma_semaphore, #tpu.memory_space<semaphore_mem>> -> memref<1x!tpu.dma_semaphore, #tpu.memory_space<semaphore_mem>>
        %dma_start3A_257 = tpu.memref_squeeze %dma_start3A_256 : memref<1x!tpu.dma_semaphore, #tpu.memory_space<semaphore_mem>> -> memref<!tpu.dma_semaphore, #tpu.memory_space<semaphore_mem>>
        tpu.enqueue_indirect_dma source(%dma_start3A_245 : memref<128x128xf32, #tpu.memory_space<vmem>>) target(%dma_start3A_255 : memref<10240x128xf32, #tpu.memory_space<vmem_shared>>) offsets(%dma_start3A_252 : memref<128xi32, #tpu.memory_space<vmem>>) semaphore(%dma_start3A_257 : memref<!tpu.dma_semaphore, #tpu.memory_space<semaphore_mem>>) {add = true}
        %add3A_258 = arith.constant 2 : i32
        %add3A_259 = arith.addi %scan3A_206, %add3A_258 : i32
        %lt3A_260 = arith.constant 20 : i32
        %lt3A_261 = arith.cmpi slt, %add3A_259, %lt3A_260 : i32
        %convert_element_type3A_262 = arith.extui %lt3A_261 : i1 to i32
        %cond3A_263 = arith.constant 0 : i32
        %cond3A_264 = arith.cmpi ne, %convert_element_type3A_262, %cond3A_263 : i32
        scf.if %cond3A_264 {
          %dma_wait3A_266 = arith.constant 0 : i32
          %dma_wait3A_267 = arith.constant 0 : i32
          %dma_wait3A_268 = tpu.memref_slice %arg6[%select_n3A_223, %dma_wait3A_266, %dma_wait3A_267] : memref<2x128x128xf32, #tpu.memory_space<vmem>> -> memref<1x128x128xf32, #tpu.memory_space<vmem>>
          %dma_wait3A_269 = tpu.memref_squeeze %dma_wait3A_268 : memref<1x128x128xf32, #tpu.memory_space<vmem>> -> memref<128x128xf32, #tpu.memory_space<vmem>>
          %dma_wait3A_270 = arith.constant 0 : i32
          %dma_wait3A_271 = arith.constant 0 : i32
          %dma_wait3A_272 = tpu.memref_slice %arg5[%select_n3A_96, %dma_wait3A_270, %dma_wait3A_271] : memref<2x40x128xi32, #tpu.memory_space<vmem>> -> memref<1x40x128xi32, #tpu.memory_space<vmem>>
          %dma_wait3A_273 = tpu.memref_squeeze %dma_wait3A_272 : memref<1x40x128xi32, #tpu.memory_space<vmem>> -> memref<40x128xi32, #tpu.memory_space<vmem>>
          %dma_wait3A_274 = arith.constant 0 : i32
          %dma_wait3A_275 = tpu.memref_slice %dma_wait3A_273[%add3A_241, %dma_wait3A_274] : memref<40x128xi32, #tpu.memory_space<vmem>> -> memref<1x128xi32, #tpu.memory_space<vmem>>
          %dma_wait3A_276 = tpu.memref_squeeze %dma_wait3A_275 : memref<1x128xi32, #tpu.memory_space<vmem>> -> memref<128xi32, #tpu.memory_space<vmem>>
          %dma_wait3A_277 = arith.constant 0 : i32
          %dma_wait3A_278 = arith.constant 0 : i32
          %dma_wait3A_279 = tpu.memref_slice %arg7[%dma_wait3A_277, %dma_wait3A_278] : memref<10240x128xf32, #tpu.memory_space<vmem_shared>> -> memref<10240x128xf32, #tpu.memory_space<vmem_shared>>
          %dma_wait3A_280 = tpu.memref_slice %arg10[%select_n3A_223] : memref<2x!tpu.dma_semaphore, #tpu.memory_space<semaphore_mem>> -> memref<1x!tpu.dma_semaphore, #tpu.memory_space<semaphore_mem>>
          %dma_wait3A_281 = tpu.memref_squeeze %dma_wait3A_280 : memref<1x!tpu.dma_semaphore, #tpu.memory_space<semaphore_mem>> -> memref<!tpu.dma_semaphore, #tpu.memory_space<semaphore_mem>>
          tpu.wait_indirect_dma semaphore(%dma_wait3A_281 : memref<!tpu.dma_semaphore, #tpu.memory_space<semaphore_mem>>) src(%dma_wait3A_269 : memref<128x128xf32, #tpu.memory_space<vmem>>) dst(%dma_wait3A_279 : memref<10240x128xf32, #tpu.memory_space<vmem_shared>>)
          %add3A_282 = arith.constant 2 : i32
          %add3A_283 = arith.addi %scan3A_206, %add3A_282 : i32
          %dma_start3A_284 = arith.constant 0 : i32
          %dma_start3A_285 = arith.constant 0 : i32
          %dma_start3A_286 = tpu.memref_slice %arg6[%select_n3A_223, %dma_start3A_284, %dma_start3A_285] : memref<2x128x128xf32, #tpu.memory_space<vmem>> -> memref<1x128x128xf32, #tpu.memory_space<vmem>>
          %dma_start3A_287 = tpu.memref_squeeze %dma_start3A_286 : memref<1x128x128xf32, #tpu.memory_space<vmem>> -> memref<128x128xf32, #tpu.memory_space<vmem>>
          %dma_start3A_288 = arith.constant 0 : i32
          %dma_start3A_289 = arith.constant 0 : i32
          %dma_start3A_290 = tpu.memref_slice %arg5[%select_n3A_96, %dma_start3A_288, %dma_start3A_289] : memref<2x40x128xi32, #tpu.memory_space<vmem>> -> memref<1x40x128xi32, #tpu.memory_space<vmem>>
          %dma_start3A_291 = tpu.memref_squeeze %dma_start3A_290 : memref<1x40x128xi32, #tpu.memory_space<vmem>> -> memref<40x128xi32, #tpu.memory_space<vmem>>
          %dma_start3A_292 = arith.constant 0 : i32
          %dma_start3A_293 = tpu.memref_slice %dma_start3A_291[%add3A_283, %dma_start3A_292] : memref<40x128xi32, #tpu.memory_space<vmem>> -> memref<1x128xi32, #tpu.memory_space<vmem>>
          %dma_start3A_294 = tpu.memref_squeeze %dma_start3A_293 : memref<1x128xi32, #tpu.memory_space<vmem>> -> memref<128xi32, #tpu.memory_space<vmem>>
          %dma_start3A_295 = arith.constant 0 : i32
          %dma_start3A_296 = arith.constant 0 : i32
          %dma_start3A_297 = tpu.memref_slice %arg2[%dma_start3A_295, %dma_start3A_296] : memref<20000x128xf32, #tpu.memory_space<hbm>> -> memref<20000x128xf32, #tpu.memory_space<hbm>>
          %dma_start3A_298 = tpu.memref_slice %arg9[%select_n3A_223] : memref<2x!tpu.dma_semaphore, #tpu.memory_space<semaphore_mem>> -> memref<1x!tpu.dma_semaphore, #tpu.memory_space<semaphore_mem>>
          %dma_start3A_299 = tpu.memref_squeeze %dma_start3A_298 : memref<1x!tpu.dma_semaphore, #tpu.memory_space<semaphore_mem>> -> memref<!tpu.dma_semaphore, #tpu.memory_space<semaphore_mem>>
          tpu.enqueue_indirect_dma source(%dma_start3A_297 : memref<20000x128xf32, #tpu.memory_space<hbm>>) target(%dma_start3A_287 : memref<128x128xf32, #tpu.memory_space<vmem>>) offsets(%dma_start3A_294 : memref<128xi32, #tpu.memory_space<vmem>>) semaphore(%dma_start3A_299 : memref<!tpu.dma_semaphore, #tpu.memory_space<semaphore_mem>>)
        } else {
        }
        %scan3A_265 = arith.constant 0 : i32
        scf.yield %scan3A_265 : i32
      }
      %scan3A_161 = arith.constant 20 : i32
      %dma_wait3A_162 = arith.constant 0 : i32
      %dma_wait3A_163 = arith.constant 38 : i32
      %dma_wait3A_164 = arith.constant 0 : i32
      %dma_wait3A_165 = arith.constant 0 : i32
      %dma_wait3A_166 = arith.constant 0 : i32
      %dma_wait3A_167 = tpu.memref_slice %arg6[%dma_wait3A_162, %dma_wait3A_165, %dma_wait3A_166] : memref<2x128x128xf32, #tpu.memory_space<vmem>> -> memref<1x128x128xf32, #tpu.memory_space<vmem>>
      %dma_wait3A_168 = tpu.memref_squeeze %dma_wait3A_167 : memref<1x128x128xf32, #tpu.memory_space<vmem>> -> memref<128x128xf32, #tpu.memory_space<vmem>>
      %dma_wait3A_169 = arith.constant 0 : i32
      %dma_wait3A_170 = arith.constant 0 : i32
      %dma_wait3A_171 = tpu.memref_slice %arg5[%select_n3A_96, %dma_wait3A_169, %dma_wait3A_170] : memref<2x40x128xi32, #tpu.memory_space<vmem>> -> memref<1x40x128xi32, #tpu.memory_space<vmem>>
      %dma_wait3A_172 = tpu.memref_squeeze %dma_wait3A_171 : memref<1x40x128xi32, #tpu.memory_space<vmem>> -> memref<40x128xi32, #tpu.memory_space<vmem>>
      %dma_wait3A_173 = arith.constant 0 : i32
      %dma_wait3A_174 = tpu.memref_slice %dma_wait3A_172[%dma_wait3A_163, %dma_wait3A_173] : memref<40x128xi32, #tpu.memory_space<vmem>> -> memref<1x128xi32, #tpu.memory_space<vmem>>
      %dma_wait3A_175 = tpu.memref_squeeze %dma_wait3A_174 : memref<1x128xi32, #tpu.memory_space<vmem>> -> memref<128xi32, #tpu.memory_space<vmem>>
      %dma_wait3A_176 = arith.constant 0 : i32
      %dma_wait3A_177 = arith.constant 0 : i32
      %dma_wait3A_178 = tpu.memref_slice %arg7[%dma_wait3A_176, %dma_wait3A_177] : memref<10240x128xf32, #tpu.memory_space<vmem_shared>> -> memref<10240x128xf32, #tpu.memory_space<vmem_shared>>
      %dma_wait3A_179 = tpu.memref_slice %arg10[%dma_wait3A_164] : memref<2x!tpu.dma_semaphore, #tpu.memory_space<semaphore_mem>> -> memref<1x!tpu.dma_semaphore, #tpu.memory_space<semaphore_mem>>
      %dma_wait3A_180 = tpu.memref_squeeze %dma_wait3A_179 : memref<1x!tpu.dma_semaphore, #tpu.memory_space<semaphore_mem>> -> memref<!tpu.dma_semaphore, #tpu.memory_space<semaphore_mem>>
      tpu.wait_indirect_dma semaphore(%dma_wait3A_180 : memref<!tpu.dma_semaphore, #tpu.memory_space<semaphore_mem>>) src(%dma_wait3A_168 : memref<128x128xf32, #tpu.memory_space<vmem>>) dst(%dma_wait3A_178 : memref<10240x128xf32, #tpu.memory_space<vmem_shared>>)
      %dma_wait3A_181 = arith.constant 1 : i32
      %dma_wait3A_182 = arith.constant 39 : i32
      %dma_wait3A_183 = arith.constant 1 : i32
      %dma_wait3A_184 = arith.constant 0 : i32
      %dma_wait3A_185 = arith.constant 0 : i32
      %dma_wait3A_186 = tpu.memref_slice %arg6[%dma_wait3A_181, %dma_wait3A_184, %dma_wait3A_185] : memref<2x128x128xf32, #tpu.memory_space<vmem>> -> memref<1x128x128xf32, #tpu.memory_space<vmem>>
      %dma_wait3A_187 = tpu.memref_squeeze %dma_wait3A_186 : memref<1x128x128xf32, #tpu.memory_space<vmem>> -> memref<128x128xf32, #tpu.memory_space<vmem>>
      %dma_wait3A_188 = arith.constant 0 : i32
      %dma_wait3A_189 = arith.constant 0 : i32
      %dma_wait3A_190 = tpu.memref_slice %arg5[%select_n3A_96, %dma_wait3A_188, %dma_wait3A_189] : memref<2x40x128xi32, #tpu.memory_space<vmem>> -> memref<1x40x128xi32, #tpu.memory_space<vmem>>
      %dma_wait3A_191 = tpu.memref_squeeze %dma_wait3A_190 : memref<1x40x128xi32, #tpu.memory_space<vmem>> -> memref<40x128xi32, #tpu.memory_space<vmem>>
      %dma_wait3A_192 = arith.constant 0 : i32
      %dma_wait3A_193 = tpu.memref_slice %dma_wait3A_191[%dma_wait3A_182, %dma_wait3A_192] : memref<40x128xi32, #tpu.memory_space<vmem>> -> memref<1x128xi32, #tpu.memory_space<vmem>>
      %dma_wait3A_194 = tpu.memref_squeeze %dma_wait3A_193 : memref<1x128xi32, #tpu.memory_space<vmem>> -> memref<128xi32, #tpu.memory_space<vmem>>
      %dma_wait3A_195 = arith.constant 0 : i32
      %dma_wait3A_196 = arith.constant 0 : i32
      %dma_wait3A_197 = tpu.memref_slice %arg7[%dma_wait3A_195, %dma_wait3A_196] : memref<10240x128xf32, #tpu.memory_space<vmem_shared>> -> memref<10240x128xf32, #tpu.memory_space<vmem_shared>>
      %dma_wait3A_198 = tpu.memref_slice %arg10[%dma_wait3A_183] : memref<2x!tpu.dma_semaphore, #tpu.memory_space<semaphore_mem>> -> memref<1x!tpu.dma_semaphore, #tpu.memory_space<semaphore_mem>>
      %dma_wait3A_199 = tpu.memref_squeeze %dma_wait3A_198 : memref<1x!tpu.dma_semaphore, #tpu.memory_space<semaphore_mem>> -> memref<!tpu.dma_semaphore, #tpu.memory_space<semaphore_mem>>
      tpu.wait_indirect_dma semaphore(%dma_wait3A_199 : memref<!tpu.dma_semaphore, #tpu.memory_space<semaphore_mem>>) src(%dma_wait3A_187 : memref<128x128xf32, #tpu.memory_space<vmem>>) dst(%dma_wait3A_197 : memref<10240x128xf32, #tpu.memory_space<vmem_shared>>)
      %add3A_200 = arith.constant 2 : i32
      %add3A_201 = arith.addi %scan3A_86, %add3A_200 : i32
      %lt3A_202 = arith.constant 8 : i32
      %lt3A_203 = arith.cmpi slt, %add3A_201, %lt3A_202 : i32
      %convert_element_type3A = arith.extui %lt3A_203 : i1 to i32
      %cond3A = arith.constant 0 : i32
      %cond3A_204 = arith.cmpi ne, %convert_element_type3A, %cond3A : i32
      scf.if %cond3A_204 {
        %add3A_206 = arith.constant 2 : i32
        %add3A_207 = arith.addi %scan3A_86, %add3A_206 : i32
        %mul3A_208 = arith.constant 2 : i32
        %mul3A_209 = arith.muli %add3A_207, %mul3A_208 : i32
        %mul3A_210 = arith.constant 20 : i32
        %mul3A_211 = arith.muli %mul3A_209, %mul3A_210 : i32
        %add3A_212 = arith.addi %mul3A_34, %mul3A_211 : i32
        %dma_start3A_213 = arith.constant 0 : i32
        %dma_start3A_214 = arith.constant 0 : i32
        %dma_start3A_215 = tpu.memref_slice %arg5[%select_n3A_96, %dma_start3A_213, %dma_start3A_214] : memref<2x40x128xi32, #tpu.memory_space<vmem>> -> memref<1x40x128xi32, #tpu.memory_space<vmem>>
        %dma_start3A_216 = tpu.memref_squeeze %dma_start3A_215 : memref<1x40x128xi32, #tpu.memory_space<vmem>> -> memref<40x128xi32, #tpu.memory_space<vmem>>
        %dma_start3A_217 = arith.constant 0 : i32
        %dma_start3A_218 = tpu.memref_slice %arg3[%arg0, %add3A_212, %dma_start3A_217] : memref<2x5120x128xi32, #tpu.memory_space<hbm>> -> memref<1x40x128xi32, #tpu.memory_space<hbm>>
        %dma_start3A_219 = tpu.memref_squeeze %dma_start3A_218 : memref<1x40x128xi32, #tpu.memory_space<hbm>> -> memref<40x128xi32, #tpu.memory_space<hbm>>
        %dma_start3A_220 = tpu.memref_slice %arg8[%select_n3A_96] : memref<2x!tpu.dma_semaphore, #tpu.memory_space<semaphore_mem>> -> memref<1x!tpu.dma_semaphore, #tpu.memory_space<semaphore_mem>>
        %dma_start3A_221 = tpu.memref_squeeze %dma_start3A_220 : memref<1x!tpu.dma_semaphore, #tpu.memory_space<semaphore_mem>> -> memref<!tpu.dma_semaphore, #tpu.memory_space<semaphore_mem>>
        %dma_start3A_222 = arith.constant 0 : i32
        %dma_start3A_223 = arith.constant 0 : i32
        %dma_start3A_224 = tpu.memref_slice %arg5[%select_n3A_96, %dma_start3A_222, %dma_start3A_223] : memref<2x40x128xi32, #tpu.memory_space<vmem>> -> memref<1x40x128xi32, #tpu.memory_space<vmem>>
        %dma_start3A_225 = tpu.memref_squeeze %dma_start3A_224 : memref<1x40x128xi32, #tpu.memory_space<vmem>> -> memref<40x128xi32, #tpu.memory_space<vmem>>
        %dma_start3A_226 = arith.constant 0 : i32
        %dma_start3A_227 = tpu.memref_slice %arg3[%arg0, %add3A_212, %dma_start3A_226] : memref<2x5120x128xi32, #tpu.memory_space<hbm>> -> memref<1x40x128xi32, #tpu.memory_space<hbm>>
        %dma_start3A_228 = tpu.memref_squeeze %dma_start3A_227 : memref<1x40x128xi32, #tpu.memory_space<hbm>> -> memref<40x128xi32, #tpu.memory_space<hbm>>
        tpu.enqueue_dma source(%dma_start3A_228 : memref<40x128xi32, #tpu.memory_space<hbm>>) target(%dma_start3A_225 : memref<40x128xi32, #tpu.memory_space<vmem>>) target_semaphore(%dma_start3A_221 : memref<!tpu.dma_semaphore, #tpu.memory_space<semaphore_mem>>)
      } else {
      }
      %scan3A_205 = arith.constant 0 : i32
      scf.yield %scan3A_205 : i32
    }
    %scan3A_80 = arith.constant 8 : i32
    %barrier3A_81 = arith.constant 0 : index
    tpu.barrier barrier_id(%barrier3A_81)
    %mul3A_82 = arith.constant 640 : i32
    %mul3A_83 = arith.muli %arg1, %mul3A_82 : i32
    %mul3A_84 = arith.constant 640 : i32
    %mul3A_85 = arith.muli %arg1, %mul3A_84 : i32
    "tpu.region"() ({
      %run_scoped3A_86 = tpu.sem_alloc : memref<!tpu.dma_semaphore, #tpu.memory_space<semaphore_mem>>
      %dma_start3A_87 = arith.constant 0 : i32
      %dma_start3A_88 = tpu.memref_slice %arg4[%arg0, %mul3A_85, %dma_start3A_87] : memref<2x10240x128xf32, #tpu.memory_space<hbm>> -> memref<1x640x128xf32, #tpu.memory_space<hbm>>
      %dma_start3A_89 = tpu.memref_squeeze %dma_start3A_88 : memref<1x640x128xf32, #tpu.memory_space<hbm>> -> memref<640x128xf32, #tpu.memory_space<hbm>>
      %dma_start3A_90 = arith.constant 0 : i32
      %dma_start3A_91 = tpu.memref_slice %arg7[%mul3A_83, %dma_start3A_90] : memref<10240x128xf32, #tpu.memory_space<vmem_shared>> -> memref<640x128xf32, #tpu.memory_space<vmem_shared>>
      tpu.enqueue_dma source(%dma_start3A_91 : memref<640x128xf32, #tpu.memory_space<vmem_shared>>) target(%dma_start3A_89 : memref<640x128xf32, #tpu.memory_space<hbm>>) target_semaphore(%run_scoped3A_86 : memref<!tpu.dma_semaphore, #tpu.memory_space<semaphore_mem>>)
      %dma_wait3A = arith.constant 0 : i32
      %dma_wait3A_92 = tpu.memref_slice %arg4[%arg0, %mul3A_85, %dma_wait3A] : memref<2x10240x128xf32, #tpu.memory_space<hbm>> -> memref<1x640x128xf32, #tpu.memory_space<hbm>>
      %dma_wait3A_93 = tpu.memref_squeeze %dma_wait3A_92 : memref<1x640x128xf32, #tpu.memory_space<hbm>> -> memref<640x128xf32, #tpu.memory_space<hbm>>
      %dma_wait3A_94 = arith.constant 0 : i32
      %dma_wait3A_95 = tpu.memref_slice %arg7[%mul3A_83, %dma_wait3A_94] : memref<10240x128xf32, #tpu.memory_space<vmem_shared>> -> memref<640x128xf32, #tpu.memory_space<vmem_shared>>
      tpu.wait_dma2 semaphore(%run_scoped3A_86 : memref<!tpu.dma_semaphore, #tpu.memory_space<semaphore_mem>>) src(%dma_wait3A_95 : memref<640x128xf32, #tpu.memory_space<vmem_shared>>) dst(%dma_wait3A_93 : memref<640x128xf32, #tpu.memory_space<hbm>>)
      tpu.yield
    }) : () -> ()
    return
  }
}

#map = affine_map<(d0, d1) -> (0, 0)>
#map1 = affine_map<(d0, d1) -> (0, 0, 0)>
module attributes {stable_mosaic.version = 14 : i64} {
  func.func @agg(%arg0: i32, %arg1: i32, %arg2: memref<20000x128xf32, #tpu.memory_space<hbm>>, %arg3: memref<2x5120x128xi32, #tpu.memory_space<hbm>>, %arg4: memref<2x10240x128xf32, #tpu.memory_space<hbm>>, %arg5: memref<2x40x128xi32, #tpu.memory_space<vmem>>, %arg6: memref<2x128x128xf32, #tpu.memory_space<vmem>>, %arg7: memref<10240x128xf32, #tpu.memory_space<vmem_shared>>, %arg8: memref<2x!tpu.dma_semaphore, #tpu.memory_space<semaphore_mem>>, %arg9: memref<2x!tpu.dma_semaphore, #tpu.memory_space<semaphore_mem>>, %arg10: memref<2x!tpu.dma_semaphore, #tpu.memory_space<semaphore_mem>>) attributes {dimension_semantics = [#tpu.dimension_semantics<core_parallel>, #tpu.dimension_semantics<subcore_parallel>], iteration_bounds = array<i64: 2, 16>, scalar_prefetch = 0 : i64, scratch_operands = 6 : i64, tpu.core_type = #tpu.core_type<sc_vector_subcore>, window_params = [{transform_indices = #map}, {transform_indices = #map1}, {transform_indices = #map1}]} {
    %broadcast_in_dim3A = arith.constant 0.000000e+00 : f32
    %broadcast_in_dim3A_0 = vector.broadcast %broadcast_in_dim3A : f32 to vector<16xf32>
    %scan3A = arith.constant 0 : i32
    %scan3A_1 = arith.constant 0 : i32
    %scan3A_2 = arith.constant 128 : i32
    %scan3A_3 = arith.addi %scan3A_1, %scan3A_2 : i32
    %scan3A_4 = arith.constant 1 : i32
    %scan3A_5 = scf.for %scan3A_86 = %scan3A_1 to %scan3A_3 step %scan3A_4 iter_args(%scan3A_87 = %scan3A) -> (i32)  : i32 {
      %swap3A = arith.constant 0 : i32
      %swap3A_88 = arith.index_cast %swap3A : i32 to index
      %swap3A_89 = arith.index_cast %scan3A_86 : i32 to index
      %swap3A_90 = arith.constant 0 : index
      %swap3A_91 = tpu.vector_load %arg6[%swap3A_88, %swap3A_89, %swap3A_90] {strides = array<i32>} : memref<2x128x128xf32, #tpu.memory_space<vmem>>, vector<1x1x16xf32>,
      %swap3A_92 = vector.shape_cast %swap3A_91 : vector<1x1x16xf32> to vector<16xf32>
      %swap3A_93 = vector.shape_cast %broadcast_in_dim3A_0 : vector<16xf32> to vector<1x1x16xf32>
      tpu.vector_store %arg6[%swap3A_88, %swap3A_89, %swap3A_90], %swap3A_93 {strides = array<i32>} : memref<2x128x128xf32, #tpu.memory_space<vmem>>, vector<1x1x16xf32>,
      %swap3A_94 = arith.constant 0 : i32
      %swap3A_95 = arith.index_cast %swap3A_94 : i32 to index
      %swap3A_96 = arith.index_cast %scan3A_86 : i32 to index
      %swap3A_97 = arith.constant 16 : index
      %swap3A_98 = tpu.vector_load %arg6[%swap3A_95, %swap3A_96, %swap3A_97] {strides = array<i32>} : memref<2x128x128xf32, #tpu.memory_space<vmem>>, vector<1x1x16xf32>,
      %swap3A_99 = vector.shape_cast %swap3A_98 : vector<1x1x16xf32> to vector<16xf32>
      %swap3A_100 = vector.shape_cast %broadcast_in_dim3A_0 : vector<16xf32> to vector<1x1x16xf32>
      tpu.vector_store %arg6[%swap3A_95, %swap3A_96, %swap3A_97], %swap3A_100 {strides = array<i32>} : memref<2x128x128xf32, #tpu.memory_space<vmem>>, vector<1x1x16xf32>,
      %swap3A_101 = arith.constant 0 : i32
      %swap3A_102 = arith.index_cast %swap3A_101 : i32 to index
      %swap3A_103 = arith.index_cast %scan3A_86 : i32 to index
      %swap3A_104 = arith.constant 32 : index
      %swap3A_105 = tpu.vector_load %arg6[%swap3A_102, %swap3A_103, %swap3A_104] {strides = array<i32>} : memref<2x128x128xf32, #tpu.memory_space<vmem>>, vector<1x1x16xf32>,
      %swap3A_106 = vector.shape_cast %swap3A_105 : vector<1x1x16xf32> to vector<16xf32>
      %swap3A_107 = vector.shape_cast %broadcast_in_dim3A_0 : vector<16xf32> to vector<1x1x16xf32>
      tpu.vector_store %arg6[%swap3A_102, %swap3A_103, %swap3A_104], %swap3A_107 {strides = array<i32>} : memref<2x128x128xf32, #tpu.memory_space<vmem>>, vector<1x1x16xf32>,
      %swap3A_108 = arith.constant 0 : i32
      %swap3A_109 = arith.index_cast %swap3A_108 : i32 to index
      %swap3A_110 = arith.index_cast %scan3A_86 : i32 to index
      %swap3A_111 = arith.constant 48 : index
      %swap3A_112 = tpu.vector_load %arg6[%swap3A_109, %swap3A_110, %swap3A_111] {strides = array<i32>} : memref<2x128x128xf32, #tpu.memory_space<vmem>>, vector<1x1x16xf32>,
      %swap3A_113 = vector.shape_cast %swap3A_112 : vector<1x1x16xf32> to vector<16xf32>
      %swap3A_114 = vector.shape_cast %broadcast_in_dim3A_0 : vector<16xf32> to vector<1x1x16xf32>
      tpu.vector_store %arg6[%swap3A_109, %swap3A_110, %swap3A_111], %swap3A_114 {strides = array<i32>} : memref<2x128x128xf32, #tpu.memory_space<vmem>>, vector<1x1x16xf32>,
      %swap3A_115 = arith.constant 0 : i32
      %swap3A_116 = arith.index_cast %swap3A_115 : i32 to index
      %swap3A_117 = arith.index_cast %scan3A_86 : i32 to index
      %swap3A_118 = arith.constant 64 : index
      %swap3A_119 = tpu.vector_load %arg6[%swap3A_116, %swap3A_117, %swap3A_118] {strides = array<i32>} : memref<2x128x128xf32, #tpu.memory_space<vmem>>, vector<1x1x16xf32>,
      %swap3A_120 = vector.shape_cast %swap3A_119 : vector<1x1x16xf32> to vector<16xf32>
      %swap3A_121 = vector.shape_cast %broadcast_in_dim3A_0 : vector<16xf32> to vector<1x1x16xf32>
      tpu.vector_store %arg6[%swap3A_116, %swap3A_117, %swap3A_118], %swap3A_121 {strides = array<i32>} : memref<2x128x128xf32, #tpu.memory_space<vmem>>, vector<1x1x16xf32>,
      %swap3A_122 = arith.constant 0 : i32
      %swap3A_123 = arith.index_cast %swap3A_122 : i32 to index
      %swap3A_124 = arith.index_cast %scan3A_86 : i32 to index
      %swap3A_125 = arith.constant 80 : index
      %swap3A_126 = tpu.vector_load %arg6[%swap3A_123, %swap3A_124, %swap3A_125] {strides = array<i32>} : memref<2x128x128xf32, #tpu.memory_space<vmem>>, vector<1x1x16xf32>,
      %swap3A_127 = vector.shape_cast %swap3A_126 : vector<1x1x16xf32> to vector<16xf32>
      %swap3A_128 = vector.shape_cast %broadcast_in_dim3A_0 : vector<16xf32> to vector<1x1x16xf32>
      tpu.vector_store %arg6[%swap3A_123, %swap3A_124, %swap3A_125], %swap3A_128 {strides = array<i32>} : memref<2x128x128xf32, #tpu.memory_space<vmem>>, vector<1x1x16xf32>,
      %swap3A_129 = arith.constant 0 : i32
      %swap3A_130 = arith.index_cast %swap3A_129 : i32 to index
      %swap3A_131 = arith.index_cast %scan3A_86 : i32 to index
      %swap3A_132 = arith.constant 96 : index
      %swap3A_133 = tpu.vector_load %arg6[%swap3A_130, %swap3A_131, %swap3A_132] {strides = array<i32>} : memref<2x128x128xf32, #tpu.memory_space<vmem>>, vector<1x1x16xf32>,
      %swap3A_134 = vector.shape_cast %swap3A_133 : vector<1x1x16xf32> to vector<16xf32>
      %swap3A_135 = vector.shape_cast %broadcast_in_dim3A_0 : vector<16xf32> to vector<1x1x16xf32>
      tpu.vector_store %arg6[%swap3A_130, %swap3A_131, %swap3A_132], %swap3A_135 {strides = array<i32>} : memref<2x128x128xf32, #tpu.memory_space<vmem>>, vector<1x1x16xf32>,
      %swap3A_136 = arith.constant 0 : i32
      %swap3A_137 = arith.index_cast %swap3A_136 : i32 to index
      %swap3A_138 = arith.index_cast %scan3A_86 : i32 to index
      %swap3A_139 = arith.constant 112 : index
      %swap3A_140 = tpu.vector_load %arg6[%swap3A_137, %swap3A_138, %swap3A_139] {strides = array<i32>} : memref<2x128x128xf32, #tpu.memory_space<vmem>>, vector<1x1x16xf32>,
      %swap3A_141 = vector.shape_cast %swap3A_140 : vector<1x1x16xf32> to vector<16xf32>
      %swap3A_142 = vector.shape_cast %broadcast_in_dim3A_0 : vector<16xf32> to vector<1x1x16xf32>
      tpu.vector_store %arg6[%swap3A_137, %swap3A_138, %swap3A_139], %swap3A_142 {strides = array<i32>} : memref<2x128x128xf32, #tpu.memory_space<vmem>>, vector<1x1x16xf32>,
      %scan3A_143 = arith.constant 0 : i32
      scf.yield %scan3A_143 : i32
    }
    %scan3A_6 = arith.constant 128 : i32
    %mul3A = arith.constant 640 : i32
    %mul3A_7 = arith.muli %arg1, %mul3A : i32
    %add3A = arith.constant 0 : i32
    %add3A_8 = arith.addi %mul3A_7, %add3A : i32
    %run_scoped3A = arith.constant 0 : i32
    "tpu.region"() ({
      %run_scoped3A_86 = tpu.sem_alloc : memref<!tpu.dma_semaphore, #tpu.memory_space<semaphore_mem>>
      %dma_start3A_87 = arith.constant 0 : i32
      %dma_start3A_88 = arith.constant 0 : i32
      %dma_start3A_89 = tpu.memref_slice %arg6[%run_scoped3A, %dma_start3A_87, %dma_start3A_88] : memref<2x128x128xf32, #tpu.memory_space<vmem>> -> memref<1x128x128xf32, #tpu.memory_space<vmem>>
      %dma_start3A_90 = tpu.memref_squeeze %dma_start3A_89 : memref<1x128x128xf32, #tpu.memory_space<vmem>> -> memref<128x128xf32, #tpu.memory_space<vmem>>
      %dma_start3A_91 = arith.constant 0 : i32
      %dma_start3A_92 = tpu.memref_slice %arg7[%add3A_8, %dma_start3A_91] : memref<10240x128xf32, #tpu.memory_space<vmem_shared>> -> memref<128x128xf32, #tpu.memory_space<vmem_shared>>
      %dma_start3A_93 = arith.constant 0 : i32
      %dma_start3A_94 = tpu.memref_slice %arg7[%add3A_8, %dma_start3A_93] : memref<10240x128xf32, #tpu.memory_space<vmem_shared>> -> memref<128x128xf32, #tpu.memory_space<vmem_shared>>
      %dma_start3A_95 = arith.constant 0 : i32
      %dma_start3A_96 = arith.constant 0 : i32
      %dma_start3A_97 = tpu.memref_slice %arg6[%run_scoped3A, %dma_start3A_95, %dma_start3A_96] : memref<2x128x128xf32, #tpu.memory_space<vmem>> -> memref<1x128x128xf32, #tpu.memory_space<vmem>>
      %dma_start3A_98 = tpu.memref_squeeze %dma_start3A_97 : memref<1x128x128xf32, #tpu.memory_space<vmem>> -> memref<128x128xf32, #tpu.memory_space<vmem>>
      tpu.enqueue_dma source(%dma_start3A_98 : memref<128x128xf32, #tpu.memory_space<vmem>>) target(%dma_start3A_94 : memref<128x128xf32, #tpu.memory_space<vmem_shared>>) target_semaphore(%run_scoped3A_86 : memref<!tpu.dma_semaphore, #tpu.memory_space<semaphore_mem>>)
      %dma_wait3A = arith.constant 0 : i32
      %dma_wait3A_99 = arith.constant 0 : i32
      %dma_wait3A_100 = tpu.memref_slice %arg6[%run_scoped3A, %dma_wait3A, %dma_wait3A_99] : memref<2x128x128xf32, #tpu.memory_space<vmem>> -> memref<1x128x128xf32, #tpu.memory_space<vmem>>
      %dma_wait3A_101 = tpu.memref_squeeze %dma_wait3A_100 : memref<1x128x128xf32, #tpu.memory_space<vmem>> -> memref<128x128xf32, #tpu.memory_space<vmem>>
      %dma_wait3A_102 = arith.constant 0 : i32
      %dma_wait3A_103 = tpu.memref_slice %arg7[%add3A_8, %dma_wait3A_102] : memref<10240x128xf32, #tpu.memory_space<vmem_shared>> -> memref<128x128xf32, #tpu.memory_space<vmem_shared>>
      %dma_wait3A_104 = arith.constant 0 : i32
      %dma_wait3A_105 = tpu.memref_slice %arg7[%add3A_8, %dma_wait3A_104] : memref<10240x128xf32, #tpu.memory_space<vmem_shared>> -> memref<128x128xf32, #tpu.memory_space<vmem_shared>>
      %dma_wait3A_106 = arith.constant 0 : i32
      %dma_wait3A_107 = arith.constant 0 : i32
      %dma_wait3A_108 = tpu.memref_slice %arg6[%run_scoped3A, %dma_wait3A_106, %dma_wait3A_107] : memref<2x128x128xf32, #tpu.memory_space<vmem>> -> memref<1x128x128xf32, #tpu.memory_space<vmem>>
      %dma_wait3A_109 = tpu.memref_squeeze %dma_wait3A_108 : memref<1x128x128xf32, #tpu.memory_space<vmem>> -> memref<128x128xf32, #tpu.memory_space<vmem>>
      tpu.wait_dma2 semaphore(%run_scoped3A_86 : memref<!tpu.dma_semaphore, #tpu.memory_space<semaphore_mem>>) src(%dma_wait3A_109 : memref<128x128xf32, #tpu.memory_space<vmem>>) dst(%dma_wait3A_105 : memref<128x128xf32, #tpu.memory_space<vmem_shared>>)
      tpu.yield
    }) : () -> ()
    %mul3A_9 = arith.constant 640 : i32
    %mul3A_10 = arith.muli %arg1, %mul3A_9 : i32
    %add3A_11 = arith.constant 128 : i32
    %add3A_12 = arith.addi %mul3A_10, %add3A_11 : i32
    %run_scoped3A_13 = arith.constant 0 : i32
    "tpu.region"() ({
      %run_scoped3A_86 = tpu.sem_alloc : memref<!tpu.dma_semaphore, #tpu.memory_space<semaphore_mem>>
      %dma_start3A_87 = arith.constant 0 : i32
      %dma_start3A_88 = arith.constant 0 : i32
      %dma_start3A_89 = tpu.memref_slice %arg6[%run_scoped3A_13, %dma_start3A_87, %dma_start3A_88] : memref<2x128x128xf32, #tpu.memory_space<vmem>> -> memref<1x128x128xf32, #tpu.memory_space<vmem>>
      %dma_start3A_90 = tpu.memref_squeeze %dma_start3A_89 : memref<1x128x128xf32, #tpu.memory_space<vmem>> -> memref<128x128xf32, #tpu.memory_space<vmem>>
      %dma_start3A_91 = arith.constant 0 : i32
      %dma_start3A_92 = tpu.memref_slice %arg7[%add3A_12, %dma_start3A_91] : memref<10240x128xf32, #tpu.memory_space<vmem_shared>> -> memref<128x128xf32, #tpu.memory_space<vmem_shared>>
      %dma_start3A_93 = arith.constant 0 : i32
      %dma_start3A_94 = tpu.memref_slice %arg7[%add3A_12, %dma_start3A_93] : memref<10240x128xf32, #tpu.memory_space<vmem_shared>> -> memref<128x128xf32, #tpu.memory_space<vmem_shared>>
      %dma_start3A_95 = arith.constant 0 : i32
      %dma_start3A_96 = arith.constant 0 : i32
      %dma_start3A_97 = tpu.memref_slice %arg6[%run_scoped3A_13, %dma_start3A_95, %dma_start3A_96] : memref<2x128x128xf32, #tpu.memory_space<vmem>> -> memref<1x128x128xf32, #tpu.memory_space<vmem>>
      %dma_start3A_98 = tpu.memref_squeeze %dma_start3A_97 : memref<1x128x128xf32, #tpu.memory_space<vmem>> -> memref<128x128xf32, #tpu.memory_space<vmem>>
      tpu.enqueue_dma source(%dma_start3A_98 : memref<128x128xf32, #tpu.memory_space<vmem>>) target(%dma_start3A_94 : memref<128x128xf32, #tpu.memory_space<vmem_shared>>) target_semaphore(%run_scoped3A_86 : memref<!tpu.dma_semaphore, #tpu.memory_space<semaphore_mem>>)
      %dma_wait3A = arith.constant 0 : i32
      %dma_wait3A_99 = arith.constant 0 : i32
      %dma_wait3A_100 = tpu.memref_slice %arg6[%run_scoped3A_13, %dma_wait3A, %dma_wait3A_99] : memref<2x128x128xf32, #tpu.memory_space<vmem>> -> memref<1x128x128xf32, #tpu.memory_space<vmem>>
      %dma_wait3A_101 = tpu.memref_squeeze %dma_wait3A_100 : memref<1x128x128xf32, #tpu.memory_space<vmem>> -> memref<128x128xf32, #tpu.memory_space<vmem>>
      %dma_wait3A_102 = arith.constant 0 : i32
      %dma_wait3A_103 = tpu.memref_slice %arg7[%add3A_12, %dma_wait3A_102] : memref<10240x128xf32, #tpu.memory_space<vmem_shared>> -> memref<128x128xf32, #tpu.memory_space<vmem_shared>>
      %dma_wait3A_104 = arith.constant 0 : i32
      %dma_wait3A_105 = tpu.memref_slice %arg7[%add3A_12, %dma_wait3A_104] : memref<10240x128xf32, #tpu.memory_space<vmem_shared>> -> memref<128x128xf32, #tpu.memory_space<vmem_shared>>
      %dma_wait3A_106 = arith.constant 0 : i32
      %dma_wait3A_107 = arith.constant 0 : i32
      %dma_wait3A_108 = tpu.memref_slice %arg6[%run_scoped3A_13, %dma_wait3A_106, %dma_wait3A_107] : memref<2x128x128xf32, #tpu.memory_space<vmem>> -> memref<1x128x128xf32, #tpu.memory_space<vmem>>
      %dma_wait3A_109 = tpu.memref_squeeze %dma_wait3A_108 : memref<1x128x128xf32, #tpu.memory_space<vmem>> -> memref<128x128xf32, #tpu.memory_space<vmem>>
      tpu.wait_dma2 semaphore(%run_scoped3A_86 : memref<!tpu.dma_semaphore, #tpu.memory_space<semaphore_mem>>) src(%dma_wait3A_109 : memref<128x128xf32, #tpu.memory_space<vmem>>) dst(%dma_wait3A_105 : memref<128x128xf32, #tpu.memory_space<vmem_shared>>)
      tpu.yield
    }) : () -> ()
    %mul3A_14 = arith.constant 640 : i32
    %mul3A_15 = arith.muli %arg1, %mul3A_14 : i32
    %add3A_16 = arith.constant 256 : i32
    %add3A_17 = arith.addi %mul3A_15, %add3A_16 : i32
    %run_scoped3A_18 = arith.constant 0 : i32
    "tpu.region"() ({
      %run_scoped3A_86 = tpu.sem_alloc : memref<!tpu.dma_semaphore, #tpu.memory_space<semaphore_mem>>
      %dma_start3A_87 = arith.constant 0 : i32
      %dma_start3A_88 = arith.constant 0 : i32
      %dma_start3A_89 = tpu.memref_slice %arg6[%run_scoped3A_18, %dma_start3A_87, %dma_start3A_88] : memref<2x128x128xf32, #tpu.memory_space<vmem>> -> memref<1x128x128xf32, #tpu.memory_space<vmem>>
      %dma_start3A_90 = tpu.memref_squeeze %dma_start3A_89 : memref<1x128x128xf32, #tpu.memory_space<vmem>> -> memref<128x128xf32, #tpu.memory_space<vmem>>
      %dma_start3A_91 = arith.constant 0 : i32
      %dma_start3A_92 = tpu.memref_slice %arg7[%add3A_17, %dma_start3A_91] : memref<10240x128xf32, #tpu.memory_space<vmem_shared>> -> memref<128x128xf32, #tpu.memory_space<vmem_shared>>
      %dma_start3A_93 = arith.constant 0 : i32
      %dma_start3A_94 = tpu.memref_slice %arg7[%add3A_17, %dma_start3A_93] : memref<10240x128xf32, #tpu.memory_space<vmem_shared>> -> memref<128x128xf32, #tpu.memory_space<vmem_shared>>
      %dma_start3A_95 = arith.constant 0 : i32
      %dma_start3A_96 = arith.constant 0 : i32
      %dma_start3A_97 = tpu.memref_slice %arg6[%run_scoped3A_18, %dma_start3A_95, %dma_start3A_96] : memref<2x128x128xf32, #tpu.memory_space<vmem>> -> memref<1x128x128xf32, #tpu.memory_space<vmem>>
      %dma_start3A_98 = tpu.memref_squeeze %dma_start3A_97 : memref<1x128x128xf32, #tpu.memory_space<vmem>> -> memref<128x128xf32, #tpu.memory_space<vmem>>
      tpu.enqueue_dma source(%dma_start3A_98 : memref<128x128xf32, #tpu.memory_space<vmem>>) target(%dma_start3A_94 : memref<128x128xf32, #tpu.memory_space<vmem_shared>>) target_semaphore(%run_scoped3A_86 : memref<!tpu.dma_semaphore, #tpu.memory_space<semaphore_mem>>)
      %dma_wait3A = arith.constant 0 : i32
      %dma_wait3A_99 = arith.constant 0 : i32
      %dma_wait3A_100 = tpu.memref_slice %arg6[%run_scoped3A_18, %dma_wait3A, %dma_wait3A_99] : memref<2x128x128xf32, #tpu.memory_space<vmem>> -> memref<1x128x128xf32, #tpu.memory_space<vmem>>
      %dma_wait3A_101 = tpu.memref_squeeze %dma_wait3A_100 : memref<1x128x128xf32, #tpu.memory_space<vmem>> -> memref<128x128xf32, #tpu.memory_space<vmem>>
      %dma_wait3A_102 = arith.constant 0 : i32
      %dma_wait3A_103 = tpu.memref_slice %arg7[%add3A_17, %dma_wait3A_102] : memref<10240x128xf32, #tpu.memory_space<vmem_shared>> -> memref<128x128xf32, #tpu.memory_space<vmem_shared>>
      %dma_wait3A_104 = arith.constant 0 : i32
      %dma_wait3A_105 = tpu.memref_slice %arg7[%add3A_17, %dma_wait3A_104] : memref<10240x128xf32, #tpu.memory_space<vmem_shared>> -> memref<128x128xf32, #tpu.memory_space<vmem_shared>>
      %dma_wait3A_106 = arith.constant 0 : i32
      %dma_wait3A_107 = arith.constant 0 : i32
      %dma_wait3A_108 = tpu.memref_slice %arg6[%run_scoped3A_18, %dma_wait3A_106, %dma_wait3A_107] : memref<2x128x128xf32, #tpu.memory_space<vmem>> -> memref<1x128x128xf32, #tpu.memory_space<vmem>>
      %dma_wait3A_109 = tpu.memref_squeeze %dma_wait3A_108 : memref<1x128x128xf32, #tpu.memory_space<vmem>> -> memref<128x128xf32, #tpu.memory_space<vmem>>
      tpu.wait_dma2 semaphore(%run_scoped3A_86 : memref<!tpu.dma_semaphore, #tpu.memory_space<semaphore_mem>>) src(%dma_wait3A_109 : memref<128x128xf32, #tpu.memory_space<vmem>>) dst(%dma_wait3A_105 : memref<128x128xf32, #tpu.memory_space<vmem_shared>>)
      tpu.yield
    }) : () -> ()
    %mul3A_19 = arith.constant 640 : i32
    %mul3A_20 = arith.muli %arg1, %mul3A_19 : i32
    %add3A_21 = arith.constant 384 : i32
    %add3A_22 = arith.addi %mul3A_20, %add3A_21 : i32
    %run_scoped3A_23 = arith.constant 0 : i32
    "tpu.region"() ({
      %run_scoped3A_86 = tpu.sem_alloc : memref<!tpu.dma_semaphore, #tpu.memory_space<semaphore_mem>>
      %dma_start3A_87 = arith.constant 0 : i32
      %dma_start3A_88 = arith.constant 0 : i32
      %dma_start3A_89 = tpu.memref_slice %arg6[%run_scoped3A_23, %dma_start3A_87, %dma_start3A_88] : memref<2x128x128xf32, #tpu.memory_space<vmem>> -> memref<1x128x128xf32, #tpu.memory_space<vmem>>
      %dma_start3A_90 = tpu.memref_squeeze %dma_start3A_89 : memref<1x128x128xf32, #tpu.memory_space<vmem>> -> memref<128x128xf32, #tpu.memory_space<vmem>>
      %dma_start3A_91 = arith.constant 0 : i32
      %dma_start3A_92 = tpu.memref_slice %arg7[%add3A_22, %dma_start3A_91] : memref<10240x128xf32, #tpu.memory_space<vmem_shared>> -> memref<128x128xf32, #tpu.memory_space<vmem_shared>>
      %dma_start3A_93 = arith.constant 0 : i32
      %dma_start3A_94 = tpu.memref_slice %arg7[%add3A_22, %dma_start3A_93] : memref<10240x128xf32, #tpu.memory_space<vmem_shared>> -> memref<128x128xf32, #tpu.memory_space<vmem_shared>>
      %dma_start3A_95 = arith.constant 0 : i32
      %dma_start3A_96 = arith.constant 0 : i32
      %dma_start3A_97 = tpu.memref_slice %arg6[%run_scoped3A_23, %dma_start3A_95, %dma_start3A_96] : memref<2x128x128xf32, #tpu.memory_space<vmem>> -> memref<1x128x128xf32, #tpu.memory_space<vmem>>
      %dma_start3A_98 = tpu.memref_squeeze %dma_start3A_97 : memref<1x128x128xf32, #tpu.memory_space<vmem>> -> memref<128x128xf32, #tpu.memory_space<vmem>>
      tpu.enqueue_dma source(%dma_start3A_98 : memref<128x128xf32, #tpu.memory_space<vmem>>) target(%dma_start3A_94 : memref<128x128xf32, #tpu.memory_space<vmem_shared>>) target_semaphore(%run_scoped3A_86 : memref<!tpu.dma_semaphore, #tpu.memory_space<semaphore_mem>>)
      %dma_wait3A = arith.constant 0 : i32
      %dma_wait3A_99 = arith.constant 0 : i32
      %dma_wait3A_100 = tpu.memref_slice %arg6[%run_scoped3A_23, %dma_wait3A, %dma_wait3A_99] : memref<2x128x128xf32, #tpu.memory_space<vmem>> -> memref<1x128x128xf32, #tpu.memory_space<vmem>>
      %dma_wait3A_101 = tpu.memref_squeeze %dma_wait3A_100 : memref<1x128x128xf32, #tpu.memory_space<vmem>> -> memref<128x128xf32, #tpu.memory_space<vmem>>
      %dma_wait3A_102 = arith.constant 0 : i32
      %dma_wait3A_103 = tpu.memref_slice %arg7[%add3A_22, %dma_wait3A_102] : memref<10240x128xf32, #tpu.memory_space<vmem_shared>> -> memref<128x128xf32, #tpu.memory_space<vmem_shared>>
      %dma_wait3A_104 = arith.constant 0 : i32
      %dma_wait3A_105 = tpu.memref_slice %arg7[%add3A_22, %dma_wait3A_104] : memref<10240x128xf32, #tpu.memory_space<vmem_shared>> -> memref<128x128xf32, #tpu.memory_space<vmem_shared>>
      %dma_wait3A_106 = arith.constant 0 : i32
      %dma_wait3A_107 = arith.constant 0 : i32
      %dma_wait3A_108 = tpu.memref_slice %arg6[%run_scoped3A_23, %dma_wait3A_106, %dma_wait3A_107] : memref<2x128x128xf32, #tpu.memory_space<vmem>> -> memref<1x128x128xf32, #tpu.memory_space<vmem>>
      %dma_wait3A_109 = tpu.memref_squeeze %dma_wait3A_108 : memref<1x128x128xf32, #tpu.memory_space<vmem>> -> memref<128x128xf32, #tpu.memory_space<vmem>>
      tpu.wait_dma2 semaphore(%run_scoped3A_86 : memref<!tpu.dma_semaphore, #tpu.memory_space<semaphore_mem>>) src(%dma_wait3A_109 : memref<128x128xf32, #tpu.memory_space<vmem>>) dst(%dma_wait3A_105 : memref<128x128xf32, #tpu.memory_space<vmem_shared>>)
      tpu.yield
    }) : () -> ()
    %mul3A_24 = arith.constant 640 : i32
    %mul3A_25 = arith.muli %arg1, %mul3A_24 : i32
    %add3A_26 = arith.constant 512 : i32
    %add3A_27 = arith.addi %mul3A_25, %add3A_26 : i32
    %run_scoped3A_28 = arith.constant 0 : i32
    "tpu.region"() ({
      %run_scoped3A_86 = tpu.sem_alloc : memref<!tpu.dma_semaphore, #tpu.memory_space<semaphore_mem>>
      %dma_start3A_87 = arith.constant 0 : i32
      %dma_start3A_88 = arith.constant 0 : i32
      %dma_start3A_89 = tpu.memref_slice %arg6[%run_scoped3A_28, %dma_start3A_87, %dma_start3A_88] : memref<2x128x128xf32, #tpu.memory_space<vmem>> -> memref<1x128x128xf32, #tpu.memory_space<vmem>>
      %dma_start3A_90 = tpu.memref_squeeze %dma_start3A_89 : memref<1x128x128xf32, #tpu.memory_space<vmem>> -> memref<128x128xf32, #tpu.memory_space<vmem>>
      %dma_start3A_91 = arith.constant 0 : i32
      %dma_start3A_92 = tpu.memref_slice %arg7[%add3A_27, %dma_start3A_91] : memref<10240x128xf32, #tpu.memory_space<vmem_shared>> -> memref<128x128xf32, #tpu.memory_space<vmem_shared>>
      %dma_start3A_93 = arith.constant 0 : i32
      %dma_start3A_94 = tpu.memref_slice %arg7[%add3A_27, %dma_start3A_93] : memref<10240x128xf32, #tpu.memory_space<vmem_shared>> -> memref<128x128xf32, #tpu.memory_space<vmem_shared>>
      %dma_start3A_95 = arith.constant 0 : i32
      %dma_start3A_96 = arith.constant 0 : i32
      %dma_start3A_97 = tpu.memref_slice %arg6[%run_scoped3A_28, %dma_start3A_95, %dma_start3A_96] : memref<2x128x128xf32, #tpu.memory_space<vmem>> -> memref<1x128x128xf32, #tpu.memory_space<vmem>>
      %dma_start3A_98 = tpu.memref_squeeze %dma_start3A_97 : memref<1x128x128xf32, #tpu.memory_space<vmem>> -> memref<128x128xf32, #tpu.memory_space<vmem>>
      tpu.enqueue_dma source(%dma_start3A_98 : memref<128x128xf32, #tpu.memory_space<vmem>>) target(%dma_start3A_94 : memref<128x128xf32, #tpu.memory_space<vmem_shared>>) target_semaphore(%run_scoped3A_86 : memref<!tpu.dma_semaphore, #tpu.memory_space<semaphore_mem>>)
      %dma_wait3A = arith.constant 0 : i32
      %dma_wait3A_99 = arith.constant 0 : i32
      %dma_wait3A_100 = tpu.memref_slice %arg6[%run_scoped3A_28, %dma_wait3A, %dma_wait3A_99] : memref<2x128x128xf32, #tpu.memory_space<vmem>> -> memref<1x128x128xf32, #tpu.memory_space<vmem>>
      %dma_wait3A_101 = tpu.memref_squeeze %dma_wait3A_100 : memref<1x128x128xf32, #tpu.memory_space<vmem>> -> memref<128x128xf32, #tpu.memory_space<vmem>>
      %dma_wait3A_102 = arith.constant 0 : i32
      %dma_wait3A_103 = tpu.memref_slice %arg7[%add3A_27, %dma_wait3A_102] : memref<10240x128xf32, #tpu.memory_space<vmem_shared>> -> memref<128x128xf32, #tpu.memory_space<vmem_shared>>
      %dma_wait3A_104 = arith.constant 0 : i32
      %dma_wait3A_105 = tpu.memref_slice %arg7[%add3A_27, %dma_wait3A_104] : memref<10240x128xf32, #tpu.memory_space<vmem_shared>> -> memref<128x128xf32, #tpu.memory_space<vmem_shared>>
      %dma_wait3A_106 = arith.constant 0 : i32
      %dma_wait3A_107 = arith.constant 0 : i32
      %dma_wait3A_108 = tpu.memref_slice %arg6[%run_scoped3A_28, %dma_wait3A_106, %dma_wait3A_107] : memref<2x128x128xf32, #tpu.memory_space<vmem>> -> memref<1x128x128xf32, #tpu.memory_space<vmem>>
      %dma_wait3A_109 = tpu.memref_squeeze %dma_wait3A_108 : memref<1x128x128xf32, #tpu.memory_space<vmem>> -> memref<128x128xf32, #tpu.memory_space<vmem>>
      tpu.wait_dma2 semaphore(%run_scoped3A_86 : memref<!tpu.dma_semaphore, #tpu.memory_space<semaphore_mem>>) src(%dma_wait3A_109 : memref<128x128xf32, #tpu.memory_space<vmem>>) dst(%dma_wait3A_105 : memref<128x128xf32, #tpu.memory_space<vmem_shared>>)
      tpu.yield
    }) : () -> ()
    %barrier3A = arith.constant 0 : index
    tpu.barrier barrier_id(%barrier3A)
    %mul3A_29 = arith.constant 8 : i32
    %mul3A_30 = arith.muli %arg1, %mul3A_29 : i32
    %mul3A_31 = arith.constant 2 : i32
    %mul3A_32 = arith.muli %mul3A_30, %mul3A_31 : i32
    %mul3A_33 = arith.constant 20 : i32
    %mul3A_34 = arith.muli %mul3A_32, %mul3A_33 : i32
    %add3A_35 = arith.constant 0 : i32
    %add3A_36 = arith.addi %mul3A_34, %add3A_35 : i32
    %dma_start3A = arith.constant 0 : i32
    %dma_start3A_37 = arith.constant 0 : i32
    %dma_start3A_38 = arith.constant 0 : i32
    %dma_start3A_39 = arith.constant 0 : i32
    %dma_start3A_40 = tpu.memref_slice %arg5[%dma_start3A, %dma_start3A_38, %dma_start3A_39] : memref<2x40x128xi32, #tpu.memory_space<vmem>> -> memref<1x40x128xi32, #tpu.memory_space<vmem>>
    %dma_start3A_41 = tpu.memref_squeeze %dma_start3A_40 : memref<1x40x128xi32, #tpu.memory_space<vmem>> -> memref<40x128xi32, #tpu.memory_space<vmem>>
    %dma_start3A_42 = arith.constant 0 : i32
    %dma_start3A_43 = tpu.memref_slice %arg3[%arg0, %add3A_36, %dma_start3A_42] : memref<2x5120x128xi32, #tpu.memory_space<hbm>> -> memref<1x40x128xi32, #tpu.memory_space<hbm>>
    %dma_start3A_44 = tpu.memref_squeeze %dma_start3A_43 : memref<1x40x128xi32, #tpu.memory_space<hbm>> -> memref<40x128xi32, #tpu.memory_space<hbm>>
    %dma_start3A_45 = tpu.memref_slice %arg8[%dma_start3A_37] : memref<2x!tpu.dma_semaphore, #tpu.memory_space<semaphore_mem>> -> memref<1x!tpu.dma_semaphore, #tpu.memory_space<semaphore_mem>>
    %dma_start3A_46 = tpu.memref_squeeze %dma_start3A_45 : memref<1x!tpu.dma_semaphore, #tpu.memory_space<semaphore_mem>> -> memref<!tpu.dma_semaphore, #tpu.memory_space<semaphore_mem>>
    %dma_start3A_47 = arith.constant 0 : i32
    %dma_start3A_48 = arith.constant 0 : i32
    %dma_start3A_49 = tpu.memref_slice %arg5[%dma_start3A, %dma_start3A_47, %dma_start3A_48] : memref<2x40x128xi32, #tpu.memory_space<vmem>> -> memref<1x40x128xi32, #tpu.memory_space<vmem>>
    %dma_start3A_50 = tpu.memref_squeeze %dma_start3A_49 : memref<1x40x128xi32, #tpu.memory_space<vmem>> -> memref<40x128xi32, #tpu.memory_space<vmem>>
    %dma_start3A_51 = arith.constant 0 : i32
    %dma_start3A_52 = tpu.memref_slice %arg3[%arg0, %add3A_36, %dma_start3A_51] : memref<2x5120x128xi32, #tpu.memory_space<hbm>> -> memref<1x40x128xi32, #tpu.memory_space<hbm>>
    %dma_start3A_53 = tpu.memref_squeeze %dma_start3A_52 : memref<1x40x128xi32, #tpu.memory_space<hbm>> -> memref<40x128xi32, #tpu.memory_space<hbm>>
    tpu.enqueue_dma source(%dma_start3A_53 : memref<40x128xi32, #tpu.memory_space<hbm>>) target(%dma_start3A_50 : memref<40x128xi32, #tpu.memory_space<vmem>>) target_semaphore(%dma_start3A_46 : memref<!tpu.dma_semaphore, #tpu.memory_space<semaphore_mem>>)
    %add3A_54 = arith.constant 40 : i32
    %add3A_55 = arith.addi %mul3A_34, %add3A_54 : i32
    %dma_start3A_56 = arith.constant 1 : i32
    %dma_start3A_57 = arith.constant 1 : i32
    %dma_start3A_58 = arith.constant 0 : i32
    %dma_start3A_59 = arith.constant 0 : i32
    %dma_start3A_60 = tpu.memref_slice %arg5[%dma_start3A_56, %dma_start3A_58, %dma_start3A_59] : memref<2x40x128xi32, #tpu.memory_space<vmem>> -> memref<1x40x128xi32, #tpu.memory_space<vmem>>
    %dma_start3A_61 = tpu.memref_squeeze %dma_start3A_60 : memref<1x40x128xi32, #tpu.memory_space<vmem>> -> memref<40x128xi32, #tpu.memory_space<vmem>>
    %dma_start3A_62 = arith.constant 0 : i32
    %dma_start3A_63 = tpu.memref_slice %arg3[%arg0, %add3A_55, %dma_start3A_62] : memref<2x5120x128xi32, #tpu.memory_space<hbm>> -> memref<1x40x128xi32, #tpu.memory_space<hbm>>
    %dma_start3A_64 = tpu.memref_squeeze %dma_start3A_63 : memref<1x40x128xi32, #tpu.memory_space<hbm>> -> memref<40x128xi32, #tpu.memory_space<hbm>>
    %dma_start3A_65 = tpu.memref_slice %arg8[%dma_start3A_57] : memref<2x!tpu.dma_semaphore, #tpu.memory_space<semaphore_mem>> -> memref<1x!tpu.dma_semaphore, #tpu.memory_space<semaphore_mem>>
    %dma_start3A_66 = tpu.memref_squeeze %dma_start3A_65 : memref<1x!tpu.dma_semaphore, #tpu.memory_space<semaphore_mem>> -> memref<!tpu.dma_semaphore, #tpu.memory_space<semaphore_mem>>
    %dma_start3A_67 = arith.constant 0 : i32
    %dma_start3A_68 = arith.constant 0 : i32
    %dma_start3A_69 = tpu.memref_slice %arg5[%dma_start3A_56, %dma_start3A_67, %dma_start3A_68] : memref<2x40x128xi32, #tpu.memory_space<vmem>> -> memref<1x40x128xi32, #tpu.memory_space<vmem>>
    %dma_start3A_70 = tpu.memref_squeeze %dma_start3A_69 : memref<1x40x128xi32, #tpu.memory_space<vmem>> -> memref<40x128xi32, #tpu.memory_space<vmem>>
    %dma_start3A_71 = arith.constant 0 : i32
    %dma_start3A_72 = tpu.memref_slice %arg3[%arg0, %add3A_55, %dma_start3A_71] : memref<2x5120x128xi32, #tpu.memory_space<hbm>> -> memref<1x40x128xi32, #tpu.memory_space<hbm>>
    %dma_start3A_73 = tpu.memref_squeeze %dma_start3A_72 : memref<1x40x128xi32, #tpu.memory_space<hbm>> -> memref<40x128xi32, #tpu.memory_space<hbm>>
    tpu.enqueue_dma source(%dma_start3A_73 : memref<40x128xi32, #tpu.memory_space<hbm>>) target(%dma_start3A_70 : memref<40x128xi32, #tpu.memory_space<vmem>>) target_semaphore(%dma_start3A_66 : memref<!tpu.dma_semaphore, #tpu.memory_space<semaphore_mem>>)
    %scan3A_74 = arith.constant 0 : i32
    %scan3A_75 = arith.constant 0 : i32
    %scan3A_76 = arith.constant 8 : i32
    %scan3A_77 = arith.addi %scan3A_75, %scan3A_76 : i32
    %scan3A_78 = arith.constant 1 : i32
    %scan3A_79 = scf.for %scan3A_86 = %scan3A_75 to %scan3A_77 step %scan3A_78 iter_args(%scan3A_87 = %scan3A_74) -> (i32)  : i32 {
      %jit3A = arith.constant 2 : i32
      %eq3A = arith.constant 0 : i32
      %eq3A_88 = arith.cmpi eq, %jit3A, %eq3A : i32
      %jit3A_89 = arith.constant 1 : i32
      %select_n3A = arith.select %eq3A_88, %jit3A_89, %jit3A : i32
      %rem3A = arith.remsi %scan3A_86, %select_n3A : i32
      %ne3A = arith.constant 0 : i32
      %ne3A_90 = arith.cmpi ne, %rem3A, %ne3A : i32
      %lt3A = arith.constant 0 : i32
      %lt3A_91 = arith.cmpi slt, %rem3A, %lt3A : i32
      %lt3A_92 = arith.constant 0 : i32
      %lt3A_93 = arith.cmpi slt, %select_n3A, %lt3A_92 : i32
      %ne3A_94 = arith.xori %lt3A_91, %lt3A_93 : i1
      %and3A = arith.andi %ne3A_94, %ne3A_90 : i1
      %add3A_95 = arith.addi %rem3A, %select_n3A : i32
      %select_n3A_96 = arith.select %and3A, %add3A_95, %rem3A : i32
      %mul3A_97 = arith.constant 2 : i32
      %mul3A_98 = arith.muli %scan3A_86, %mul3A_97 : i32
      %mul3A_99 = arith.constant 20 : i32
      %mul3A_100 = arith.muli %mul3A_98, %mul3A_99 : i32
      %add3A_101 = arith.addi %mul3A_34, %mul3A_100 : i32
      %dma_wait3A = arith.constant 0 : i32
      %dma_wait3A_102 = arith.constant 0 : i32
      %dma_wait3A_103 = tpu.memref_slice %arg5[%select_n3A_96, %dma_wait3A, %dma_wait3A_102] : memref<2x40x128xi32, #tpu.memory_space<vmem>> -> memref<1x40x128xi32, #tpu.memory_space<vmem>>
      %dma_wait3A_104 = tpu.memref_squeeze %dma_wait3A_103 : memref<1x40x128xi32, #tpu.memory_space<vmem>> -> memref<40x128xi32, #tpu.memory_space<vmem>>
      %dma_wait3A_105 = arith.constant 0 : i32
      %dma_wait3A_106 = tpu.memref_slice %arg3[%arg0, %add3A_101, %dma_wait3A_105] : memref<2x5120x128xi32, #tpu.memory_space<hbm>> -> memref<1x40x128xi32, #tpu.memory_space<hbm>>
      %dma_wait3A_107 = tpu.memref_squeeze %dma_wait3A_106 : memref<1x40x128xi32, #tpu.memory_space<hbm>> -> memref<40x128xi32, #tpu.memory_space<hbm>>
      %dma_wait3A_108 = tpu.memref_slice %arg8[%select_n3A_96] : memref<2x!tpu.dma_semaphore, #tpu.memory_space<semaphore_mem>> -> memref<1x!tpu.dma_semaphore, #tpu.memory_space<semaphore_mem>>
      %dma_wait3A_109 = tpu.memref_squeeze %dma_wait3A_108 : memref<1x!tpu.dma_semaphore, #tpu.memory_space<semaphore_mem>> -> memref<!tpu.dma_semaphore, #tpu.memory_space<semaphore_mem>>
      %dma_wait3A_110 = arith.constant 0 : i32
      %dma_wait3A_111 = arith.constant 0 : i32
      %dma_wait3A_112 = tpu.memref_slice %arg5[%select_n3A_96, %dma_wait3A_110, %dma_wait3A_111] : memref<2x40x128xi32, #tpu.memory_space<vmem>> -> memref<1x40x128xi32, #tpu.memory_space<vmem>>
      %dma_wait3A_113 = tpu.memref_squeeze %dma_wait3A_112 : memref<1x40x128xi32, #tpu.memory_space<vmem>> -> memref<40x128xi32, #tpu.memory_space<vmem>>
      %dma_wait3A_114 = arith.constant 0 : i32
      %dma_wait3A_115 = tpu.memref_slice %arg3[%arg0, %add3A_101, %dma_wait3A_114] : memref<2x5120x128xi32, #tpu.memory_space<hbm>> -> memref<1x40x128xi32, #tpu.memory_space<hbm>>
      %dma_wait3A_116 = tpu.memref_squeeze %dma_wait3A_115 : memref<1x40x128xi32, #tpu.memory_space<hbm>> -> memref<40x128xi32, #tpu.memory_space<hbm>>
      tpu.wait_dma2 semaphore(%dma_wait3A_109 : memref<!tpu.dma_semaphore, #tpu.memory_space<semaphore_mem>>) src(%dma_wait3A_116 : memref<40x128xi32, #tpu.memory_space<hbm>>) dst(%dma_wait3A_113 : memref<40x128xi32, #tpu.memory_space<vmem>>)
      %dma_start3A_117 = arith.constant 0 : i32
      %dma_start3A_118 = arith.constant 0 : i32
      %dma_start3A_119 = arith.constant 0 : i32
      %dma_start3A_120 = arith.constant 0 : i32
      %dma_start3A_121 = arith.constant 0 : i32
      %dma_start3A_122 = tpu.memref_slice %arg6[%dma_start3A_118, %dma_start3A_120, %dma_start3A_121] : memref<2x128x128xf32, #tpu.memory_space<vmem>> -> memref<1x128x128xf32, #tpu.memory_space<vmem>>
      %dma_start3A_123 = tpu.memref_squeeze %dma_start3A_122 : memref<1x128x128xf32, #tpu.memory_space<vmem>> -> memref<128x128xf32, #tpu.memory_space<vmem>>
      %dma_start3A_124 = arith.constant 0 : i32
      %dma_start3A_125 = arith.constant 0 : i32
      %dma_start3A_126 = tpu.memref_slice %arg5[%select_n3A_96, %dma_start3A_124, %dma_start3A_125] : memref<2x40x128xi32, #tpu.memory_space<vmem>> -> memref<1x40x128xi32, #tpu.memory_space<vmem>>
      %dma_start3A_127 = tpu.memref_squeeze %dma_start3A_126 : memref<1x40x128xi32, #tpu.memory_space<vmem>> -> memref<40x128xi32, #tpu.memory_space<vmem>>
      %dma_start3A_128 = arith.constant 0 : i32
      %dma_start3A_129 = tpu.memref_slice %dma_start3A_127[%dma_start3A_117, %dma_start3A_128] : memref<40x128xi32, #tpu.memory_space<vmem>> -> memref<1x128xi32, #tpu.memory_space<vmem>>
      %dma_start3A_130 = tpu.memref_squeeze %dma_start3A_129 : memref<1x128xi32, #tpu.memory_space<vmem>> -> memref<128xi32, #tpu.memory_space<vmem>>
      %dma_start3A_131 = arith.constant 0 : i32
      %dma_start3A_132 = arith.constant 0 : i32
      %dma_start3A_133 = tpu.memref_slice %arg2[%dma_start3A_131, %dma_start3A_132] : memref<20000x128xf32, #tpu.memory_space<hbm>> -> memref<20000x128xf32, #tpu.memory_space<hbm>>
      %dma_start3A_134 = tpu.memref_slice %arg9[%dma_start3A_119] : memref<2x!tpu.dma_semaphore, #tpu.memory_space<semaphore_mem>> -> memref<1x!tpu.dma_semaphore, #tpu.memory_space<semaphore_mem>>
      %dma_start3A_135 = tpu.memref_squeeze %dma_start3A_134 : memref<1x!tpu.dma_semaphore, #tpu.memory_space<semaphore_mem>> -> memref<!tpu.dma_semaphore, #tpu.memory_space<semaphore_mem>>
      tpu.enqueue_indirect_dma source(%dma_start3A_133 : memref<20000x128xf32, #tpu.memory_space<hbm>>) target(%dma_start3A_123 : memref<128x128xf32, #tpu.memory_space<vmem>>) offsets(%dma_start3A_130 : memref<128xi32, #tpu.memory_space<vmem>>) semaphore(%dma_start3A_135 : memref<!tpu.dma_semaphore, #tpu.memory_space<semaphore_mem>>)
      %dma_start3A_136 = arith.constant 1 : i32
      %dma_start3A_137 = arith.constant 1 : i32
      %dma_start3A_138 = arith.constant 1 : i32
      %dma_start3A_139 = arith.constant 0 : i32
      %dma_start3A_140 = arith.constant 0 : i32
      %dma_start3A_141 = tpu.memref_slice %arg6[%dma_start3A_137, %dma_start3A_139, %dma_start3A_140] : memref<2x128x128xf32, #tpu.memory_space<vmem>> -> memref<1x128x128xf32, #tpu.memory_space<vmem>>
      %dma_start3A_142 = tpu.memref_squeeze %dma_start3A_141 : memref<1x128x128xf32, #tpu.memory_space<vmem>> -> memref<128x128xf32, #tpu.memory_space<vmem>>
      %dma_start3A_143 = arith.constant 0 : i32
      %dma_start3A_144 = arith.constant 0 : i32
      %dma_start3A_145 = tpu.memref_slice %arg5[%select_n3A_96, %dma_start3A_143, %dma_start3A_144] : memref<2x40x128xi32, #tpu.memory_space<vmem>> -> memref<1x40x128xi32, #tpu.memory_space<vmem>>
      %dma_start3A_146 = tpu.memref_squeeze %dma_start3A_145 : memref<1x40x128xi32, #tpu.memory_space<vmem>> -> memref<40x128xi32, #tpu.memory_space<vmem>>
      %dma_start3A_147 = arith.constant 0 : i32
      %dma_start3A_148 = tpu.memref_slice %dma_start3A_146[%dma_start3A_136, %dma_start3A_147] : memref<40x128xi32, #tpu.memory_space<vmem>> -> memref<1x128xi32, #tpu.memory_space<vmem>>
      %dma_start3A_149 = tpu.memref_squeeze %dma_start3A_148 : memref<1x128xi32, #tpu.memory_space<vmem>> -> memref<128xi32, #tpu.memory_space<vmem>>
      %dma_start3A_150 = arith.constant 0 : i32
      %dma_start3A_151 = arith.constant 0 : i32
      %dma_start3A_152 = tpu.memref_slice %arg2[%dma_start3A_150, %dma_start3A_151] : memref<20000x128xf32, #tpu.memory_space<hbm>> -> memref<20000x128xf32, #tpu.memory_space<hbm>>
      %dma_start3A_153 = tpu.memref_slice %arg9[%dma_start3A_138] : memref<2x!tpu.dma_semaphore, #tpu.memory_space<semaphore_mem>> -> memref<1x!tpu.dma_semaphore, #tpu.memory_space<semaphore_mem>>
      %dma_start3A_154 = tpu.memref_squeeze %dma_start3A_153 : memref<1x!tpu.dma_semaphore, #tpu.memory_space<semaphore_mem>> -> memref<!tpu.dma_semaphore, #tpu.memory_space<semaphore_mem>>
      tpu.enqueue_indirect_dma source(%dma_start3A_152 : memref<20000x128xf32, #tpu.memory_space<hbm>>) target(%dma_start3A_142 : memref<128x128xf32, #tpu.memory_space<vmem>>) offsets(%dma_start3A_149 : memref<128xi32, #tpu.memory_space<vmem>>) semaphore(%dma_start3A_154 : memref<!tpu.dma_semaphore, #tpu.memory_space<semaphore_mem>>)
      %scan3A_155 = arith.constant 0 : i32
      %scan3A_156 = arith.constant 0 : i32
      %scan3A_157 = arith.constant 20 : i32
      %scan3A_158 = arith.addi %scan3A_156, %scan3A_157 : i32
      %scan3A_159 = arith.constant 1 : i32
      %scan3A_160 = scf.for %scan3A_206 = %scan3A_156 to %scan3A_158 step %scan3A_159 iter_args(%scan3A_207 = %scan3A_155) -> (i32)  : i32 {
        %jit3A_208 = arith.constant 2 : i32
        %eq3A_209 = arith.constant 0 : i32
        %eq3A_210 = arith.cmpi eq, %jit3A_208, %eq3A_209 : i32
        %jit3A_211 = arith.constant 1 : i32
        %select_n3A_212 = arith.select %eq3A_210, %jit3A_211, %jit3A_208 : i32
        %rem3A_213 = arith.remsi %scan3A_206, %select_n3A_212 : i32
        %ne3A_214 = arith.constant 0 : i32
        %ne3A_215 = arith.cmpi ne, %rem3A_213, %ne3A_214 : i32
        %lt3A_216 = arith.constant 0 : i32
        %lt3A_217 = arith.cmpi slt, %rem3A_213, %lt3A_216 : i32
        %lt3A_218 = arith.constant 0 : i32
        %lt3A_219 = arith.cmpi slt, %select_n3A_212, %lt3A_218 : i32
        %ne3A_220 = arith.xori %lt3A_217, %lt3A_219 : i1
        %and3A_221 = arith.andi %ne3A_220, %ne3A_215 : i1
        %add3A_222 = arith.addi %rem3A_213, %select_n3A_212 : i32
        %select_n3A_223 = arith.select %and3A_221, %add3A_222, %rem3A_213 : i32
        %dma_wait3A_224 = arith.constant 0 : i32
        %dma_wait3A_225 = arith.constant 0 : i32
        %dma_wait3A_226 = tpu.memref_slice %arg6[%select_n3A_223, %dma_wait3A_224, %dma_wait3A_225] : memref<2x128x128xf32, #tpu.memory_space<vmem>> -> memref<1x128x128xf32, #tpu.memory_space<vmem>>
        %dma_wait3A_227 = tpu.memref_squeeze %dma_wait3A_226 : memref<1x128x128xf32, #tpu.memory_space<vmem>> -> memref<128x128xf32, #tpu.memory_space<vmem>>
        %dma_wait3A_228 = arith.constant 0 : i32
        %dma_wait3A_229 = arith.constant 0 : i32
        %dma_wait3A_230 = tpu.memref_slice %arg5[%select_n3A_96, %dma_wait3A_228, %dma_wait3A_229] : memref<2x40x128xi32, #tpu.memory_space<vmem>> -> memref<1x40x128xi32, #tpu.memory_space<vmem>>
        %dma_wait3A_231 = tpu.memref_squeeze %dma_wait3A_230 : memref<1x40x128xi32, #tpu.memory_space<vmem>> -> memref<40x128xi32, #tpu.memory_space<vmem>>
        %dma_wait3A_232 = arith.constant 0 : i32
        %dma_wait3A_233 = tpu.memref_slice %dma_wait3A_231[%scan3A_206, %dma_wait3A_232] : memref<40x128xi32, #tpu.memory_space<vmem>> -> memref<1x128xi32, #tpu.memory_space<vmem>>
        %dma_wait3A_234 = tpu.memref_squeeze %dma_wait3A_233 : memref<1x128xi32, #tpu.memory_space<vmem>> -> memref<128xi32, #tpu.memory_space<vmem>>
        %dma_wait3A_235 = arith.constant 0 : i32
        %dma_wait3A_236 = arith.constant 0 : i32
        %dma_wait3A_237 = tpu.memref_slice %arg2[%dma_wait3A_235, %dma_wait3A_236] : memref<20000x128xf32, #tpu.memory_space<hbm>> -> memref<20000x128xf32, #tpu.memory_space<hbm>>
        %dma_wait3A_238 = tpu.memref_slice %arg9[%select_n3A_223] : memref<2x!tpu.dma_semaphore, #tpu.memory_space<semaphore_mem>> -> memref<1x!tpu.dma_semaphore, #tpu.memory_space<semaphore_mem>>
        %dma_wait3A_239 = tpu.memref_squeeze %dma_wait3A_238 : memref<1x!tpu.dma_semaphore, #tpu.memory_space<semaphore_mem>> -> memref<!tpu.dma_semaphore, #tpu.memory_space<semaphore_mem>>
        tpu.wait_indirect_dma semaphore(%dma_wait3A_239 : memref<!tpu.dma_semaphore, #tpu.memory_space<semaphore_mem>>) src(%dma_wait3A_237 : memref<20000x128xf32, #tpu.memory_space<hbm>>) dst(%dma_wait3A_227 : memref<128x128xf32, #tpu.memory_space<vmem>>)
        %add3A_240 = arith.constant 20 : i32
        %add3A_241 = arith.addi %add3A_240, %scan3A_206 : i32
        %dma_start3A_242 = arith.constant 0 : i32
        %dma_start3A_243 = arith.constant 0 : i32
        %dma_start3A_244 = tpu.memref_slice %arg6[%select_n3A_223, %dma_start3A_242, %dma_start3A_243] : memref<2x128x128xf32, #tpu.memory_space<vmem>> -> memref<1x128x128xf32, #tpu.memory_space<vmem>>
        %dma_start3A_245 = tpu.memref_squeeze %dma_start3A_244 : memref<1x128x128xf32, #tpu.memory_space<vmem>> -> memref<128x128xf32, #tpu.memory_space<vmem>>
        %dma_start3A_246 = arith.constant 0 : i32
        %dma_start3A_247 = arith.constant 0 : i32
        %dma_start3A_248 = tpu.memref_slice %arg5[%select_n3A_96, %dma_start3A_246, %dma_start3A_247] : memref<2x40x128xi32, #tpu.memory_space<vmem>> -> memref<1x40x128xi32, #tpu.memory_space<vmem>>
        %dma_start3A_249 = tpu.memref_squeeze %dma_start3A_248 : memref<1x40x128xi32, #tpu.memory_space<vmem>> -> memref<40x128xi32, #tpu.memory_space<vmem>>
        %dma_start3A_250 = arith.constant 0 : i32
        %dma_start3A_251 = tpu.memref_slice %dma_start3A_249[%add3A_241, %dma_start3A_250] : memref<40x128xi32, #tpu.memory_space<vmem>> -> memref<1x128xi32, #tpu.memory_space<vmem>>
        %dma_start3A_252 = tpu.memref_squeeze %dma_start3A_251 : memref<1x128xi32, #tpu.memory_space<vmem>> -> memref<128xi32, #tpu.memory_space<vmem>>
        %dma_start3A_253 = arith.constant 0 : i32
        %dma_start3A_254 = arith.constant 0 : i32
        %dma_start3A_255 = tpu.memref_slice %arg7[%dma_start3A_253, %dma_start3A_254] : memref<10240x128xf32, #tpu.memory_space<vmem_shared>> -> memref<10240x128xf32, #tpu.memory_space<vmem_shared>>
        %dma_start3A_256 = tpu.memref_slice %arg10[%select_n3A_223] : memref<2x!tpu.dma_semaphore, #tpu.memory_space<semaphore_mem>> -> memref<1x!tpu.dma_semaphore, #tpu.memory_space<semaphore_mem>>
        %dma_start3A_257 = tpu.memref_squeeze %dma_start3A_256 : memref<1x!tpu.dma_semaphore, #tpu.memory_space<semaphore_mem>> -> memref<!tpu.dma_semaphore, #tpu.memory_space<semaphore_mem>>
        tpu.enqueue_indirect_dma source(%dma_start3A_245 : memref<128x128xf32, #tpu.memory_space<vmem>>) target(%dma_start3A_255 : memref<10240x128xf32, #tpu.memory_space<vmem_shared>>) offsets(%dma_start3A_252 : memref<128xi32, #tpu.memory_space<vmem>>) semaphore(%dma_start3A_257 : memref<!tpu.dma_semaphore, #tpu.memory_space<semaphore_mem>>) {add = true}
        %add3A_258 = arith.constant 2 : i32
        %add3A_259 = arith.addi %scan3A_206, %add3A_258 : i32
        %lt3A_260 = arith.constant 20 : i32
        %lt3A_261 = arith.cmpi slt, %add3A_259, %lt3A_260 : i32
        %convert_element_type3A_262 = arith.extui %lt3A_261 : i1 to i32
        %cond3A_263 = arith.constant 0 : i32
        %cond3A_264 = arith.cmpi ne, %convert_element_type3A_262, %cond3A_263 : i32
        scf.if %cond3A_264 {
          %dma_wait3A_266 = arith.constant 0 : i32
          %dma_wait3A_267 = arith.constant 0 : i32
          %dma_wait3A_268 = tpu.memref_slice %arg6[%select_n3A_223, %dma_wait3A_266, %dma_wait3A_267] : memref<2x128x128xf32, #tpu.memory_space<vmem>> -> memref<1x128x128xf32, #tpu.memory_space<vmem>>
          %dma_wait3A_269 = tpu.memref_squeeze %dma_wait3A_268 : memref<1x128x128xf32, #tpu.memory_space<vmem>> -> memref<128x128xf32, #tpu.memory_space<vmem>>
          %dma_wait3A_270 = arith.constant 0 : i32
          %dma_wait3A_271 = arith.constant 0 : i32
          %dma_wait3A_272 = tpu.memref_slice %arg5[%select_n3A_96, %dma_wait3A_270, %dma_wait3A_271] : memref<2x40x128xi32, #tpu.memory_space<vmem>> -> memref<1x40x128xi32, #tpu.memory_space<vmem>>
          %dma_wait3A_273 = tpu.memref_squeeze %dma_wait3A_272 : memref<1x40x128xi32, #tpu.memory_space<vmem>> -> memref<40x128xi32, #tpu.memory_space<vmem>>
          %dma_wait3A_274 = arith.constant 0 : i32
          %dma_wait3A_275 = tpu.memref_slice %dma_wait3A_273[%add3A_241, %dma_wait3A_274] : memref<40x128xi32, #tpu.memory_space<vmem>> -> memref<1x128xi32, #tpu.memory_space<vmem>>
          %dma_wait3A_276 = tpu.memref_squeeze %dma_wait3A_275 : memref<1x128xi32, #tpu.memory_space<vmem>> -> memref<128xi32, #tpu.memory_space<vmem>>
          %dma_wait3A_277 = arith.constant 0 : i32
          %dma_wait3A_278 = arith.constant 0 : i32
          %dma_wait3A_279 = tpu.memref_slice %arg7[%dma_wait3A_277, %dma_wait3A_278] : memref<10240x128xf32, #tpu.memory_space<vmem_shared>> -> memref<10240x128xf32, #tpu.memory_space<vmem_shared>>
          %dma_wait3A_280 = tpu.memref_slice %arg10[%select_n3A_223] : memref<2x!tpu.dma_semaphore, #tpu.memory_space<semaphore_mem>> -> memref<1x!tpu.dma_semaphore, #tpu.memory_space<semaphore_mem>>
          %dma_wait3A_281 = tpu.memref_squeeze %dma_wait3A_280 : memref<1x!tpu.dma_semaphore, #tpu.memory_space<semaphore_mem>> -> memref<!tpu.dma_semaphore, #tpu.memory_space<semaphore_mem>>
          tpu.wait_indirect_dma semaphore(%dma_wait3A_281 : memref<!tpu.dma_semaphore, #tpu.memory_space<semaphore_mem>>) src(%dma_wait3A_269 : memref<128x128xf32, #tpu.memory_space<vmem>>) dst(%dma_wait3A_279 : memref<10240x128xf32, #tpu.memory_space<vmem_shared>>)
          %add3A_282 = arith.constant 2 : i32
          %add3A_283 = arith.addi %scan3A_206, %add3A_282 : i32
          %dma_start3A_284 = arith.constant 0 : i32
          %dma_start3A_285 = arith.constant 0 : i32
          %dma_start3A_286 = tpu.memref_slice %arg6[%select_n3A_223, %dma_start3A_284, %dma_start3A_285] : memref<2x128x128xf32, #tpu.memory_space<vmem>> -> memref<1x128x128xf32, #tpu.memory_space<vmem>>
          %dma_start3A_287 = tpu.memref_squeeze %dma_start3A_286 : memref<1x128x128xf32, #tpu.memory_space<vmem>> -> memref<128x128xf32, #tpu.memory_space<vmem>>
          %dma_start3A_288 = arith.constant 0 : i32
          %dma_start3A_289 = arith.constant 0 : i32
          %dma_start3A_290 = tpu.memref_slice %arg5[%select_n3A_96, %dma_start3A_288, %dma_start3A_289] : memref<2x40x128xi32, #tpu.memory_space<vmem>> -> memref<1x40x128xi32, #tpu.memory_space<vmem>>
          %dma_start3A_291 = tpu.memref_squeeze %dma_start3A_290 : memref<1x40x128xi32, #tpu.memory_space<vmem>> -> memref<40x128xi32, #tpu.memory_space<vmem>>
          %dma_start3A_292 = arith.constant 0 : i32
          %dma_start3A_293 = tpu.memref_slice %dma_start3A_291[%add3A_283, %dma_start3A_292] : memref<40x128xi32, #tpu.memory_space<vmem>> -> memref<1x128xi32, #tpu.memory_space<vmem>>
          %dma_start3A_294 = tpu.memref_squeeze %dma_start3A_293 : memref<1x128xi32, #tpu.memory_space<vmem>> -> memref<128xi32, #tpu.memory_space<vmem>>
          %dma_start3A_295 = arith.constant 0 : i32
          %dma_start3A_296 = arith.constant 0 : i32
          %dma_start3A_297 = tpu.memref_slice %arg2[%dma_start3A_295, %dma_start3A_296] : memref<20000x128xf32, #tpu.memory_space<hbm>> -> memref<20000x128xf32, #tpu.memory_space<hbm>>
          %dma_start3A_298 = tpu.memref_slice %arg9[%select_n3A_223] : memref<2x!tpu.dma_semaphore, #tpu.memory_space<semaphore_mem>> -> memref<1x!tpu.dma_semaphore, #tpu.memory_space<semaphore_mem>>
          %dma_start3A_299 = tpu.memref_squeeze %dma_start3A_298 : memref<1x!tpu.dma_semaphore, #tpu.memory_space<semaphore_mem>> -> memref<!tpu.dma_semaphore, #tpu.memory_space<semaphore_mem>>
          tpu.enqueue_indirect_dma source(%dma_start3A_297 : memref<20000x128xf32, #tpu.memory_space<hbm>>) target(%dma_start3A_287 : memref<128x128xf32, #tpu.memory_space<vmem>>) offsets(%dma_start3A_294 : memref<128xi32, #tpu.memory_space<vmem>>) semaphore(%dma_start3A_299 : memref<!tpu.dma_semaphore, #tpu.memory_space<semaphore_mem>>)
        } else {
        }
        %scan3A_265 = arith.constant 0 : i32
        scf.yield %scan3A_265 : i32
      }
      %scan3A_161 = arith.constant 20 : i32
      %dma_wait3A_162 = arith.constant 0 : i32
      %dma_wait3A_163 = arith.constant 38 : i32
      %dma_wait3A_164 = arith.constant 0 : i32
      %dma_wait3A_165 = arith.constant 0 : i32
      %dma_wait3A_166 = arith.constant 0 : i32
      %dma_wait3A_167 = tpu.memref_slice %arg6[%dma_wait3A_162, %dma_wait3A_165, %dma_wait3A_166] : memref<2x128x128xf32, #tpu.memory_space<vmem>> -> memref<1x128x128xf32, #tpu.memory_space<vmem>>
      %dma_wait3A_168 = tpu.memref_squeeze %dma_wait3A_167 : memref<1x128x128xf32, #tpu.memory_space<vmem>> -> memref<128x128xf32, #tpu.memory_space<vmem>>
      %dma_wait3A_169 = arith.constant 0 : i32
      %dma_wait3A_170 = arith.constant 0 : i32
      %dma_wait3A_171 = tpu.memref_slice %arg5[%select_n3A_96, %dma_wait3A_169, %dma_wait3A_170] : memref<2x40x128xi32, #tpu.memory_space<vmem>> -> memref<1x40x128xi32, #tpu.memory_space<vmem>>
      %dma_wait3A_172 = tpu.memref_squeeze %dma_wait3A_171 : memref<1x40x128xi32, #tpu.memory_space<vmem>> -> memref<40x128xi32, #tpu.memory_space<vmem>>
      %dma_wait3A_173 = arith.constant 0 : i32
      %dma_wait3A_174 = tpu.memref_slice %dma_wait3A_172[%dma_wait3A_163, %dma_wait3A_173] : memref<40x128xi32, #tpu.memory_space<vmem>> -> memref<1x128xi32, #tpu.memory_space<vmem>>
      %dma_wait3A_175 = tpu.memref_squeeze %dma_wait3A_174 : memref<1x128xi32, #tpu.memory_space<vmem>> -> memref<128xi32, #tpu.memory_space<vmem>>
      %dma_wait3A_176 = arith.constant 0 : i32
      %dma_wait3A_177 = arith.constant 0 : i32
      %dma_wait3A_178 = tpu.memref_slice %arg7[%dma_wait3A_176, %dma_wait3A_177] : memref<10240x128xf32, #tpu.memory_space<vmem_shared>> -> memref<10240x128xf32, #tpu.memory_space<vmem_shared>>
      %dma_wait3A_179 = tpu.memref_slice %arg10[%dma_wait3A_164] : memref<2x!tpu.dma_semaphore, #tpu.memory_space<semaphore_mem>> -> memref<1x!tpu.dma_semaphore, #tpu.memory_space<semaphore_mem>>
      %dma_wait3A_180 = tpu.memref_squeeze %dma_wait3A_179 : memref<1x!tpu.dma_semaphore, #tpu.memory_space<semaphore_mem>> -> memref<!tpu.dma_semaphore, #tpu.memory_space<semaphore_mem>>
      tpu.wait_indirect_dma semaphore(%dma_wait3A_180 : memref<!tpu.dma_semaphore, #tpu.memory_space<semaphore_mem>>) src(%dma_wait3A_168 : memref<128x128xf32, #tpu.memory_space<vmem>>) dst(%dma_wait3A_178 : memref<10240x128xf32, #tpu.memory_space<vmem_shared>>)
      %dma_wait3A_181 = arith.constant 1 : i32
      %dma_wait3A_182 = arith.constant 39 : i32
      %dma_wait3A_183 = arith.constant 1 : i32
      %dma_wait3A_184 = arith.constant 0 : i32
      %dma_wait3A_185 = arith.constant 0 : i32
      %dma_wait3A_186 = tpu.memref_slice %arg6[%dma_wait3A_181, %dma_wait3A_184, %dma_wait3A_185] : memref<2x128x128xf32, #tpu.memory_space<vmem>> -> memref<1x128x128xf32, #tpu.memory_space<vmem>>
      %dma_wait3A_187 = tpu.memref_squeeze %dma_wait3A_186 : memref<1x128x128xf32, #tpu.memory_space<vmem>> -> memref<128x128xf32, #tpu.memory_space<vmem>>
      %dma_wait3A_188 = arith.constant 0 : i32
      %dma_wait3A_189 = arith.constant 0 : i32
      %dma_wait3A_190 = tpu.memref_slice %arg5[%select_n3A_96, %dma_wait3A_188, %dma_wait3A_189] : memref<2x40x128xi32, #tpu.memory_space<vmem>> -> memref<1x40x128xi32, #tpu.memory_space<vmem>>
      %dma_wait3A_191 = tpu.memref_squeeze %dma_wait3A_190 : memref<1x40x128xi32, #tpu.memory_space<vmem>> -> memref<40x128xi32, #tpu.memory_space<vmem>>
      %dma_wait3A_192 = arith.constant 0 : i32
      %dma_wait3A_193 = tpu.memref_slice %dma_wait3A_191[%dma_wait3A_182, %dma_wait3A_192] : memref<40x128xi32, #tpu.memory_space<vmem>> -> memref<1x128xi32, #tpu.memory_space<vmem>>
      %dma_wait3A_194 = tpu.memref_squeeze %dma_wait3A_193 : memref<1x128xi32, #tpu.memory_space<vmem>> -> memref<128xi32, #tpu.memory_space<vmem>>
      %dma_wait3A_195 = arith.constant 0 : i32
      %dma_wait3A_196 = arith.constant 0 : i32
      %dma_wait3A_197 = tpu.memref_slice %arg7[%dma_wait3A_195, %dma_wait3A_196] : memref<10240x128xf32, #tpu.memory_space<vmem_shared>> -> memref<10240x128xf32, #tpu.memory_space<vmem_shared>>
      %dma_wait3A_198 = tpu.memref_slice %arg10[%dma_wait3A_183] : memref<2x!tpu.dma_semaphore, #tpu.memory_space<semaphore_mem>> -> memref<1x!tpu.dma_semaphore, #tpu.memory_space<semaphore_mem>>
      %dma_wait3A_199 = tpu.memref_squeeze %dma_wait3A_198 : memref<1x!tpu.dma_semaphore, #tpu.memory_space<semaphore_mem>> -> memref<!tpu.dma_semaphore, #tpu.memory_space<semaphore_mem>>
      tpu.wait_indirect_dma semaphore(%dma_wait3A_199 : memref<!tpu.dma_semaphore, #tpu.memory_space<semaphore_mem>>) src(%dma_wait3A_187 : memref<128x128xf32, #tpu.memory_space<vmem>>) dst(%dma_wait3A_197 : memref<10240x128xf32, #tpu.memory_space<vmem_shared>>)
      %add3A_200 = arith.constant 2 : i32
      %add3A_201 = arith.addi %scan3A_86, %add3A_200 : i32
      %lt3A_202 = arith.constant 8 : i32
      %lt3A_203 = arith.cmpi slt, %add3A_201, %lt3A_202 : i32
      %convert_element_type3A = arith.extui %lt3A_203 : i1 to i32
      %cond3A = arith.constant 0 : i32
      %cond3A_204 = arith.cmpi ne, %convert_element_type3A, %cond3A : i32
      scf.if %cond3A_204 {
        %add3A_206 = arith.constant 2 : i32
        %add3A_207 = arith.addi %scan3A_86, %add3A_206 : i32
        %mul3A_208 = arith.constant 2 : i32
        %mul3A_209 = arith.muli %add3A_207, %mul3A_208 : i32
        %mul3A_210 = arith.constant 20 : i32
        %mul3A_211 = arith.muli %mul3A_209, %mul3A_210 : i32
        %add3A_212 = arith.addi %mul3A_34, %mul3A_211 : i32
        %dma_start3A_213 = arith.constant 0 : i32
        %dma_start3A_214 = arith.constant 0 : i32
        %dma_start3A_215 = tpu.memref_slice %arg5[%select_n3A_96, %dma_start3A_213, %dma_start3A_214] : memref<2x40x128xi32, #tpu.memory_space<vmem>> -> memref<1x40x128xi32, #tpu.memory_space<vmem>>
        %dma_start3A_216 = tpu.memref_squeeze %dma_start3A_215 : memref<1x40x128xi32, #tpu.memory_space<vmem>> -> memref<40x128xi32, #tpu.memory_space<vmem>>
        %dma_start3A_217 = arith.constant 0 : i32
        %dma_start3A_218 = tpu.memref_slice %arg3[%arg0, %add3A_212, %dma_start3A_217] : memref<2x5120x128xi32, #tpu.memory_space<hbm>> -> memref<1x40x128xi32, #tpu.memory_space<hbm>>
        %dma_start3A_219 = tpu.memref_squeeze %dma_start3A_218 : memref<1x40x128xi32, #tpu.memory_space<hbm>> -> memref<40x128xi32, #tpu.memory_space<hbm>>
        %dma_start3A_220 = tpu.memref_slice %arg8[%select_n3A_96] : memref<2x!tpu.dma_semaphore, #tpu.memory_space<semaphore_mem>> -> memref<1x!tpu.dma_semaphore, #tpu.memory_space<semaphore_mem>>
        %dma_start3A_221 = tpu.memref_squeeze %dma_start3A_220 : memref<1x!tpu.dma_semaphore, #tpu.memory_space<semaphore_mem>> -> memref<!tpu.dma_semaphore, #tpu.memory_space<semaphore_mem>>
        %dma_start3A_222 = arith.constant 0 : i32
        %dma_start3A_223 = arith.constant 0 : i32
        %dma_start3A_224 = tpu.memref_slice %arg5[%select_n3A_96, %dma_start3A_222, %dma_start3A_223] : memref<2x40x128xi32, #tpu.memory_space<vmem>> -> memref<1x40x128xi32, #tpu.memory_space<vmem>>
        %dma_start3A_225 = tpu.memref_squeeze %dma_start3A_224 : memref<1x40x128xi32, #tpu.memory_space<vmem>> -> memref<40x128xi32, #tpu.memory_space<vmem>>
        %dma_start3A_226 = arith.constant 0 : i32
        %dma_start3A_227 = tpu.memref_slice %arg3[%arg0, %add3A_212, %dma_start3A_226] : memref<2x5120x128xi32, #tpu.memory_space<hbm>> -> memref<1x40x128xi32, #tpu.memory_space<hbm>>
        %dma_start3A_228 = tpu.memref_squeeze %dma_start3A_227 : memref<1x40x128xi32, #tpu.memory_space<hbm>> -> memref<40x128xi32, #tpu.memory_space<hbm>>
        tpu.enqueue_dma source(%dma_start3A_228 : memref<40x128xi32, #tpu.memory_space<hbm>>) target(%dma_start3A_225 : memref<40x128xi32, #tpu.memory_space<vmem>>) target_semaphore(%dma_start3A_221 : memref<!tpu.dma_semaphore, #tpu.memory_space<semaphore_mem>>)
      } else {
      }
      %scan3A_205 = arith.constant 0 : i32
      scf.yield %scan3A_205 : i32
    }
    %scan3A_80 = arith.constant 8 : i32
    %barrier3A_81 = arith.constant 0 : index
    tpu.barrier barrier_id(%barrier3A_81)
    %mul3A_82 = arith.constant 640 : i32
    %mul3A_83 = arith.muli %arg1, %mul3A_82 : i32
    %mul3A_84 = arith.constant 640 : i32
    %mul3A_85 = arith.muli %arg1, %mul3A_84 : i32
    "tpu.region"() ({
      %run_scoped3A_86 = tpu.sem_alloc : memref<!tpu.dma_semaphore, #tpu.memory_space<semaphore_mem>>
      %dma_start3A_87 = arith.constant 0 : i32
      %dma_start3A_88 = tpu.memref_slice %arg4[%arg0, %mul3A_85, %dma_start3A_87] : memref<2x10240x128xf32, #tpu.memory_space<hbm>> -> memref<1x640x128xf32, #tpu.memory_space<hbm>>
      %dma_start3A_89 = tpu.memref_squeeze %dma_start3A_88 : memref<1x640x128xf32, #tpu.memory_space<hbm>> -> memref<640x128xf32, #tpu.memory_space<hbm>>
      %dma_start3A_90 = arith.constant 0 : i32
      %dma_start3A_91 = tpu.memref_slice %arg7[%mul3A_83, %dma_start3A_90] : memref<10240x128xf32, #tpu.memory_space<vmem_shared>> -> memref<640x128xf32, #tpu.memory_space<vmem_shared>>
      tpu.enqueue_dma source(%dma_start3A_91 : memref<640x128xf32, #tpu.memory_space<vmem_shared>>) target(%dma_start3A_89 : memref<640x128xf32, #tpu.memory_space<hbm>>) target_semaphore(%run_scoped3A_86 : memref<!tpu.dma_semaphore, #tpu.memory_space<semaphore_mem>>)
      %dma_wait3A = arith.constant 0 : i32
      %dma_wait3A_92 = tpu.memref_slice %arg4[%arg0, %mul3A_85, %dma_wait3A] : memref<2x10240x128xf32, #tpu.memory_space<hbm>> -> memref<1x640x128xf32, #tpu.memory_space<hbm>>
      %dma_wait3A_93 = tpu.memref_squeeze %dma_wait3A_92 : memref<1x640x128xf32, #tpu.memory_space<hbm>> -> memref<640x128xf32, #tpu.memory_space<hbm>>
      %dma_wait3A_94 = arith.constant 0 : i32
      %dma_wait3A_95 = tpu.memref_slice %arg7[%mul3A_83, %dma_wait3A_94] : memref<10240x128xf32, #tpu.memory_space<vmem_shared>> -> memref<640x128xf32, #tpu.memory_space<vmem_shared>>
      tpu.wait_dma2 semaphore(%run_scoped3A_86 : memref<!tpu.dma_semaphore, #tpu.memory_space<semaphore_mem>>) src(%dma_wait3A_95 : memref<640x128xf32, #tpu.memory_space<vmem_shared>>) dst(%dma_wait3A_93 : memref<640x128xf32, #tpu.memory_space<hbm>>)
      tpu.yield
    }) : () -> ()
    return
  }
}

#map = affine_map<(d0, d1) -> (0, 0)>
#map1 = affine_map<(d0, d1) -> (0, 0, 0)>
module attributes {stable_mosaic.version = 14 : i64} {
  func.func @agg(%arg0: i32, %arg1: i32, %arg2: memref<10000x128xf32, #tpu.memory_space<hbm>>, %arg3: memref<2x2560x128xi32, #tpu.memory_space<hbm>>, %arg4: memref<2x10240x128xf32, #tpu.memory_space<hbm>>, %arg5: memref<2x40x128xi32, #tpu.memory_space<vmem>>, %arg6: memref<2x128x128xf32, #tpu.memory_space<vmem>>, %arg7: memref<10240x128xf32, #tpu.memory_space<vmem_shared>>, %arg8: memref<2x!tpu.dma_semaphore, #tpu.memory_space<semaphore_mem>>, %arg9: memref<2x!tpu.dma_semaphore, #tpu.memory_space<semaphore_mem>>, %arg10: memref<2x!tpu.dma_semaphore, #tpu.memory_space<semaphore_mem>>) attributes {dimension_semantics = [#tpu.dimension_semantics<core_parallel>, #tpu.dimension_semantics<subcore_parallel>], iteration_bounds = array<i64: 2, 16>, scalar_prefetch = 0 : i64, scratch_operands = 6 : i64, tpu.core_type = #tpu.core_type<sc_vector_subcore>, window_params = [{transform_indices = #map}, {transform_indices = #map1}, {transform_indices = #map1}]} {
    %broadcast_in_dim3A = arith.constant 0.000000e+00 : f32
    %broadcast_in_dim3A_0 = vector.broadcast %broadcast_in_dim3A : f32 to vector<16xf32>
    %scan3A = arith.constant 0 : i32
    %scan3A_1 = arith.constant 0 : i32
    %scan3A_2 = arith.constant 128 : i32
    %scan3A_3 = arith.addi %scan3A_1, %scan3A_2 : i32
    %scan3A_4 = arith.constant 1 : i32
    %scan3A_5 = scf.for %scan3A_86 = %scan3A_1 to %scan3A_3 step %scan3A_4 iter_args(%scan3A_87 = %scan3A) -> (i32)  : i32 {
      %swap3A = arith.constant 0 : i32
      %swap3A_88 = arith.index_cast %swap3A : i32 to index
      %swap3A_89 = arith.index_cast %scan3A_86 : i32 to index
      %swap3A_90 = arith.constant 0 : index
      %swap3A_91 = tpu.vector_load %arg6[%swap3A_88, %swap3A_89, %swap3A_90] {strides = array<i32>} : memref<2x128x128xf32, #tpu.memory_space<vmem>>, vector<1x1x16xf32>,
      %swap3A_92 = vector.shape_cast %swap3A_91 : vector<1x1x16xf32> to vector<16xf32>
      %swap3A_93 = vector.shape_cast %broadcast_in_dim3A_0 : vector<16xf32> to vector<1x1x16xf32>
      tpu.vector_store %arg6[%swap3A_88, %swap3A_89, %swap3A_90], %swap3A_93 {strides = array<i32>} : memref<2x128x128xf32, #tpu.memory_space<vmem>>, vector<1x1x16xf32>,
      %swap3A_94 = arith.constant 0 : i32
      %swap3A_95 = arith.index_cast %swap3A_94 : i32 to index
      %swap3A_96 = arith.index_cast %scan3A_86 : i32 to index
      %swap3A_97 = arith.constant 16 : index
      %swap3A_98 = tpu.vector_load %arg6[%swap3A_95, %swap3A_96, %swap3A_97] {strides = array<i32>} : memref<2x128x128xf32, #tpu.memory_space<vmem>>, vector<1x1x16xf32>,
      %swap3A_99 = vector.shape_cast %swap3A_98 : vector<1x1x16xf32> to vector<16xf32>
      %swap3A_100 = vector.shape_cast %broadcast_in_dim3A_0 : vector<16xf32> to vector<1x1x16xf32>
      tpu.vector_store %arg6[%swap3A_95, %swap3A_96, %swap3A_97], %swap3A_100 {strides = array<i32>} : memref<2x128x128xf32, #tpu.memory_space<vmem>>, vector<1x1x16xf32>,
      %swap3A_101 = arith.constant 0 : i32
      %swap3A_102 = arith.index_cast %swap3A_101 : i32 to index
      %swap3A_103 = arith.index_cast %scan3A_86 : i32 to index
      %swap3A_104 = arith.constant 32 : index
      %swap3A_105 = tpu.vector_load %arg6[%swap3A_102, %swap3A_103, %swap3A_104] {strides = array<i32>} : memref<2x128x128xf32, #tpu.memory_space<vmem>>, vector<1x1x16xf32>,
      %swap3A_106 = vector.shape_cast %swap3A_105 : vector<1x1x16xf32> to vector<16xf32>
      %swap3A_107 = vector.shape_cast %broadcast_in_dim3A_0 : vector<16xf32> to vector<1x1x16xf32>
      tpu.vector_store %arg6[%swap3A_102, %swap3A_103, %swap3A_104], %swap3A_107 {strides = array<i32>} : memref<2x128x128xf32, #tpu.memory_space<vmem>>, vector<1x1x16xf32>,
      %swap3A_108 = arith.constant 0 : i32
      %swap3A_109 = arith.index_cast %swap3A_108 : i32 to index
      %swap3A_110 = arith.index_cast %scan3A_86 : i32 to index
      %swap3A_111 = arith.constant 48 : index
      %swap3A_112 = tpu.vector_load %arg6[%swap3A_109, %swap3A_110, %swap3A_111] {strides = array<i32>} : memref<2x128x128xf32, #tpu.memory_space<vmem>>, vector<1x1x16xf32>,
      %swap3A_113 = vector.shape_cast %swap3A_112 : vector<1x1x16xf32> to vector<16xf32>
      %swap3A_114 = vector.shape_cast %broadcast_in_dim3A_0 : vector<16xf32> to vector<1x1x16xf32>
      tpu.vector_store %arg6[%swap3A_109, %swap3A_110, %swap3A_111], %swap3A_114 {strides = array<i32>} : memref<2x128x128xf32, #tpu.memory_space<vmem>>, vector<1x1x16xf32>,
      %swap3A_115 = arith.constant 0 : i32
      %swap3A_116 = arith.index_cast %swap3A_115 : i32 to index
      %swap3A_117 = arith.index_cast %scan3A_86 : i32 to index
      %swap3A_118 = arith.constant 64 : index
      %swap3A_119 = tpu.vector_load %arg6[%swap3A_116, %swap3A_117, %swap3A_118] {strides = array<i32>} : memref<2x128x128xf32, #tpu.memory_space<vmem>>, vector<1x1x16xf32>,
      %swap3A_120 = vector.shape_cast %swap3A_119 : vector<1x1x16xf32> to vector<16xf32>
      %swap3A_121 = vector.shape_cast %broadcast_in_dim3A_0 : vector<16xf32> to vector<1x1x16xf32>
      tpu.vector_store %arg6[%swap3A_116, %swap3A_117, %swap3A_118], %swap3A_121 {strides = array<i32>} : memref<2x128x128xf32, #tpu.memory_space<vmem>>, vector<1x1x16xf32>,
      %swap3A_122 = arith.constant 0 : i32
      %swap3A_123 = arith.index_cast %swap3A_122 : i32 to index
      %swap3A_124 = arith.index_cast %scan3A_86 : i32 to index
      %swap3A_125 = arith.constant 80 : index
      %swap3A_126 = tpu.vector_load %arg6[%swap3A_123, %swap3A_124, %swap3A_125] {strides = array<i32>} : memref<2x128x128xf32, #tpu.memory_space<vmem>>, vector<1x1x16xf32>,
      %swap3A_127 = vector.shape_cast %swap3A_126 : vector<1x1x16xf32> to vector<16xf32>
      %swap3A_128 = vector.shape_cast %broadcast_in_dim3A_0 : vector<16xf32> to vector<1x1x16xf32>
      tpu.vector_store %arg6[%swap3A_123, %swap3A_124, %swap3A_125], %swap3A_128 {strides = array<i32>} : memref<2x128x128xf32, #tpu.memory_space<vmem>>, vector<1x1x16xf32>,
      %swap3A_129 = arith.constant 0 : i32
      %swap3A_130 = arith.index_cast %swap3A_129 : i32 to index
      %swap3A_131 = arith.index_cast %scan3A_86 : i32 to index
      %swap3A_132 = arith.constant 96 : index
      %swap3A_133 = tpu.vector_load %arg6[%swap3A_130, %swap3A_131, %swap3A_132] {strides = array<i32>} : memref<2x128x128xf32, #tpu.memory_space<vmem>>, vector<1x1x16xf32>,
      %swap3A_134 = vector.shape_cast %swap3A_133 : vector<1x1x16xf32> to vector<16xf32>
      %swap3A_135 = vector.shape_cast %broadcast_in_dim3A_0 : vector<16xf32> to vector<1x1x16xf32>
      tpu.vector_store %arg6[%swap3A_130, %swap3A_131, %swap3A_132], %swap3A_135 {strides = array<i32>} : memref<2x128x128xf32, #tpu.memory_space<vmem>>, vector<1x1x16xf32>,
      %swap3A_136 = arith.constant 0 : i32
      %swap3A_137 = arith.index_cast %swap3A_136 : i32 to index
      %swap3A_138 = arith.index_cast %scan3A_86 : i32 to index
      %swap3A_139 = arith.constant 112 : index
      %swap3A_140 = tpu.vector_load %arg6[%swap3A_137, %swap3A_138, %swap3A_139] {strides = array<i32>} : memref<2x128x128xf32, #tpu.memory_space<vmem>>, vector<1x1x16xf32>,
      %swap3A_141 = vector.shape_cast %swap3A_140 : vector<1x1x16xf32> to vector<16xf32>
      %swap3A_142 = vector.shape_cast %broadcast_in_dim3A_0 : vector<16xf32> to vector<1x1x16xf32>
      tpu.vector_store %arg6[%swap3A_137, %swap3A_138, %swap3A_139], %swap3A_142 {strides = array<i32>} : memref<2x128x128xf32, #tpu.memory_space<vmem>>, vector<1x1x16xf32>,
      %scan3A_143 = arith.constant 0 : i32
      scf.yield %scan3A_143 : i32
    }
    %scan3A_6 = arith.constant 128 : i32
    %mul3A = arith.constant 640 : i32
    %mul3A_7 = arith.muli %arg1, %mul3A : i32
    %add3A = arith.constant 0 : i32
    %add3A_8 = arith.addi %mul3A_7, %add3A : i32
    %run_scoped3A = arith.constant 0 : i32
    "tpu.region"() ({
      %run_scoped3A_86 = tpu.sem_alloc : memref<!tpu.dma_semaphore, #tpu.memory_space<semaphore_mem>>
      %dma_start3A_87 = arith.constant 0 : i32
      %dma_start3A_88 = arith.constant 0 : i32
      %dma_start3A_89 = tpu.memref_slice %arg6[%run_scoped3A, %dma_start3A_87, %dma_start3A_88] : memref<2x128x128xf32, #tpu.memory_space<vmem>> -> memref<1x128x128xf32, #tpu.memory_space<vmem>>
      %dma_start3A_90 = tpu.memref_squeeze %dma_start3A_89 : memref<1x128x128xf32, #tpu.memory_space<vmem>> -> memref<128x128xf32, #tpu.memory_space<vmem>>
      %dma_start3A_91 = arith.constant 0 : i32
      %dma_start3A_92 = tpu.memref_slice %arg7[%add3A_8, %dma_start3A_91] : memref<10240x128xf32, #tpu.memory_space<vmem_shared>> -> memref<128x128xf32, #tpu.memory_space<vmem_shared>>
      %dma_start3A_93 = arith.constant 0 : i32
      %dma_start3A_94 = tpu.memref_slice %arg7[%add3A_8, %dma_start3A_93] : memref<10240x128xf32, #tpu.memory_space<vmem_shared>> -> memref<128x128xf32, #tpu.memory_space<vmem_shared>>
      %dma_start3A_95 = arith.constant 0 : i32
      %dma_start3A_96 = arith.constant 0 : i32
      %dma_start3A_97 = tpu.memref_slice %arg6[%run_scoped3A, %dma_start3A_95, %dma_start3A_96] : memref<2x128x128xf32, #tpu.memory_space<vmem>> -> memref<1x128x128xf32, #tpu.memory_space<vmem>>
      %dma_start3A_98 = tpu.memref_squeeze %dma_start3A_97 : memref<1x128x128xf32, #tpu.memory_space<vmem>> -> memref<128x128xf32, #tpu.memory_space<vmem>>
      tpu.enqueue_dma source(%dma_start3A_98 : memref<128x128xf32, #tpu.memory_space<vmem>>) target(%dma_start3A_94 : memref<128x128xf32, #tpu.memory_space<vmem_shared>>) target_semaphore(%run_scoped3A_86 : memref<!tpu.dma_semaphore, #tpu.memory_space<semaphore_mem>>)
      %dma_wait3A = arith.constant 0 : i32
      %dma_wait3A_99 = arith.constant 0 : i32
      %dma_wait3A_100 = tpu.memref_slice %arg6[%run_scoped3A, %dma_wait3A, %dma_wait3A_99] : memref<2x128x128xf32, #tpu.memory_space<vmem>> -> memref<1x128x128xf32, #tpu.memory_space<vmem>>
      %dma_wait3A_101 = tpu.memref_squeeze %dma_wait3A_100 : memref<1x128x128xf32, #tpu.memory_space<vmem>> -> memref<128x128xf32, #tpu.memory_space<vmem>>
      %dma_wait3A_102 = arith.constant 0 : i32
      %dma_wait3A_103 = tpu.memref_slice %arg7[%add3A_8, %dma_wait3A_102] : memref<10240x128xf32, #tpu.memory_space<vmem_shared>> -> memref<128x128xf32, #tpu.memory_space<vmem_shared>>
      %dma_wait3A_104 = arith.constant 0 : i32
      %dma_wait3A_105 = tpu.memref_slice %arg7[%add3A_8, %dma_wait3A_104] : memref<10240x128xf32, #tpu.memory_space<vmem_shared>> -> memref<128x128xf32, #tpu.memory_space<vmem_shared>>
      %dma_wait3A_106 = arith.constant 0 : i32
      %dma_wait3A_107 = arith.constant 0 : i32
      %dma_wait3A_108 = tpu.memref_slice %arg6[%run_scoped3A, %dma_wait3A_106, %dma_wait3A_107] : memref<2x128x128xf32, #tpu.memory_space<vmem>> -> memref<1x128x128xf32, #tpu.memory_space<vmem>>
      %dma_wait3A_109 = tpu.memref_squeeze %dma_wait3A_108 : memref<1x128x128xf32, #tpu.memory_space<vmem>> -> memref<128x128xf32, #tpu.memory_space<vmem>>
      tpu.wait_dma2 semaphore(%run_scoped3A_86 : memref<!tpu.dma_semaphore, #tpu.memory_space<semaphore_mem>>) src(%dma_wait3A_109 : memref<128x128xf32, #tpu.memory_space<vmem>>) dst(%dma_wait3A_105 : memref<128x128xf32, #tpu.memory_space<vmem_shared>>)
      tpu.yield
    }) : () -> ()
    %mul3A_9 = arith.constant 640 : i32
    %mul3A_10 = arith.muli %arg1, %mul3A_9 : i32
    %add3A_11 = arith.constant 128 : i32
    %add3A_12 = arith.addi %mul3A_10, %add3A_11 : i32
    %run_scoped3A_13 = arith.constant 0 : i32
    "tpu.region"() ({
      %run_scoped3A_86 = tpu.sem_alloc : memref<!tpu.dma_semaphore, #tpu.memory_space<semaphore_mem>>
      %dma_start3A_87 = arith.constant 0 : i32
      %dma_start3A_88 = arith.constant 0 : i32
      %dma_start3A_89 = tpu.memref_slice %arg6[%run_scoped3A_13, %dma_start3A_87, %dma_start3A_88] : memref<2x128x128xf32, #tpu.memory_space<vmem>> -> memref<1x128x128xf32, #tpu.memory_space<vmem>>
      %dma_start3A_90 = tpu.memref_squeeze %dma_start3A_89 : memref<1x128x128xf32, #tpu.memory_space<vmem>> -> memref<128x128xf32, #tpu.memory_space<vmem>>
      %dma_start3A_91 = arith.constant 0 : i32
      %dma_start3A_92 = tpu.memref_slice %arg7[%add3A_12, %dma_start3A_91] : memref<10240x128xf32, #tpu.memory_space<vmem_shared>> -> memref<128x128xf32, #tpu.memory_space<vmem_shared>>
      %dma_start3A_93 = arith.constant 0 : i32
      %dma_start3A_94 = tpu.memref_slice %arg7[%add3A_12, %dma_start3A_93] : memref<10240x128xf32, #tpu.memory_space<vmem_shared>> -> memref<128x128xf32, #tpu.memory_space<vmem_shared>>
      %dma_start3A_95 = arith.constant 0 : i32
      %dma_start3A_96 = arith.constant 0 : i32
      %dma_start3A_97 = tpu.memref_slice %arg6[%run_scoped3A_13, %dma_start3A_95, %dma_start3A_96] : memref<2x128x128xf32, #tpu.memory_space<vmem>> -> memref<1x128x128xf32, #tpu.memory_space<vmem>>
      %dma_start3A_98 = tpu.memref_squeeze %dma_start3A_97 : memref<1x128x128xf32, #tpu.memory_space<vmem>> -> memref<128x128xf32, #tpu.memory_space<vmem>>
      tpu.enqueue_dma source(%dma_start3A_98 : memref<128x128xf32, #tpu.memory_space<vmem>>) target(%dma_start3A_94 : memref<128x128xf32, #tpu.memory_space<vmem_shared>>) target_semaphore(%run_scoped3A_86 : memref<!tpu.dma_semaphore, #tpu.memory_space<semaphore_mem>>)
      %dma_wait3A = arith.constant 0 : i32
      %dma_wait3A_99 = arith.constant 0 : i32
      %dma_wait3A_100 = tpu.memref_slice %arg6[%run_scoped3A_13, %dma_wait3A, %dma_wait3A_99] : memref<2x128x128xf32, #tpu.memory_space<vmem>> -> memref<1x128x128xf32, #tpu.memory_space<vmem>>
      %dma_wait3A_101 = tpu.memref_squeeze %dma_wait3A_100 : memref<1x128x128xf32, #tpu.memory_space<vmem>> -> memref<128x128xf32, #tpu.memory_space<vmem>>
      %dma_wait3A_102 = arith.constant 0 : i32
      %dma_wait3A_103 = tpu.memref_slice %arg7[%add3A_12, %dma_wait3A_102] : memref<10240x128xf32, #tpu.memory_space<vmem_shared>> -> memref<128x128xf32, #tpu.memory_space<vmem_shared>>
      %dma_wait3A_104 = arith.constant 0 : i32
      %dma_wait3A_105 = tpu.memref_slice %arg7[%add3A_12, %dma_wait3A_104] : memref<10240x128xf32, #tpu.memory_space<vmem_shared>> -> memref<128x128xf32, #tpu.memory_space<vmem_shared>>
      %dma_wait3A_106 = arith.constant 0 : i32
      %dma_wait3A_107 = arith.constant 0 : i32
      %dma_wait3A_108 = tpu.memref_slice %arg6[%run_scoped3A_13, %dma_wait3A_106, %dma_wait3A_107] : memref<2x128x128xf32, #tpu.memory_space<vmem>> -> memref<1x128x128xf32, #tpu.memory_space<vmem>>
      %dma_wait3A_109 = tpu.memref_squeeze %dma_wait3A_108 : memref<1x128x128xf32, #tpu.memory_space<vmem>> -> memref<128x128xf32, #tpu.memory_space<vmem>>
      tpu.wait_dma2 semaphore(%run_scoped3A_86 : memref<!tpu.dma_semaphore, #tpu.memory_space<semaphore_mem>>) src(%dma_wait3A_109 : memref<128x128xf32, #tpu.memory_space<vmem>>) dst(%dma_wait3A_105 : memref<128x128xf32, #tpu.memory_space<vmem_shared>>)
      tpu.yield
    }) : () -> ()
    %mul3A_14 = arith.constant 640 : i32
    %mul3A_15 = arith.muli %arg1, %mul3A_14 : i32
    %add3A_16 = arith.constant 256 : i32
    %add3A_17 = arith.addi %mul3A_15, %add3A_16 : i32
    %run_scoped3A_18 = arith.constant 0 : i32
    "tpu.region"() ({
      %run_scoped3A_86 = tpu.sem_alloc : memref<!tpu.dma_semaphore, #tpu.memory_space<semaphore_mem>>
      %dma_start3A_87 = arith.constant 0 : i32
      %dma_start3A_88 = arith.constant 0 : i32
      %dma_start3A_89 = tpu.memref_slice %arg6[%run_scoped3A_18, %dma_start3A_87, %dma_start3A_88] : memref<2x128x128xf32, #tpu.memory_space<vmem>> -> memref<1x128x128xf32, #tpu.memory_space<vmem>>
      %dma_start3A_90 = tpu.memref_squeeze %dma_start3A_89 : memref<1x128x128xf32, #tpu.memory_space<vmem>> -> memref<128x128xf32, #tpu.memory_space<vmem>>
      %dma_start3A_91 = arith.constant 0 : i32
      %dma_start3A_92 = tpu.memref_slice %arg7[%add3A_17, %dma_start3A_91] : memref<10240x128xf32, #tpu.memory_space<vmem_shared>> -> memref<128x128xf32, #tpu.memory_space<vmem_shared>>
      %dma_start3A_93 = arith.constant 0 : i32
      %dma_start3A_94 = tpu.memref_slice %arg7[%add3A_17, %dma_start3A_93] : memref<10240x128xf32, #tpu.memory_space<vmem_shared>> -> memref<128x128xf32, #tpu.memory_space<vmem_shared>>
      %dma_start3A_95 = arith.constant 0 : i32
      %dma_start3A_96 = arith.constant 0 : i32
      %dma_start3A_97 = tpu.memref_slice %arg6[%run_scoped3A_18, %dma_start3A_95, %dma_start3A_96] : memref<2x128x128xf32, #tpu.memory_space<vmem>> -> memref<1x128x128xf32, #tpu.memory_space<vmem>>
      %dma_start3A_98 = tpu.memref_squeeze %dma_start3A_97 : memref<1x128x128xf32, #tpu.memory_space<vmem>> -> memref<128x128xf32, #tpu.memory_space<vmem>>
      tpu.enqueue_dma source(%dma_start3A_98 : memref<128x128xf32, #tpu.memory_space<vmem>>) target(%dma_start3A_94 : memref<128x128xf32, #tpu.memory_space<vmem_shared>>) target_semaphore(%run_scoped3A_86 : memref<!tpu.dma_semaphore, #tpu.memory_space<semaphore_mem>>)
      %dma_wait3A = arith.constant 0 : i32
      %dma_wait3A_99 = arith.constant 0 : i32
      %dma_wait3A_100 = tpu.memref_slice %arg6[%run_scoped3A_18, %dma_wait3A, %dma_wait3A_99] : memref<2x128x128xf32, #tpu.memory_space<vmem>> -> memref<1x128x128xf32, #tpu.memory_space<vmem>>
      %dma_wait3A_101 = tpu.memref_squeeze %dma_wait3A_100 : memref<1x128x128xf32, #tpu.memory_space<vmem>> -> memref<128x128xf32, #tpu.memory_space<vmem>>
      %dma_wait3A_102 = arith.constant 0 : i32
      %dma_wait3A_103 = tpu.memref_slice %arg7[%add3A_17, %dma_wait3A_102] : memref<10240x128xf32, #tpu.memory_space<vmem_shared>> -> memref<128x128xf32, #tpu.memory_space<vmem_shared>>
      %dma_wait3A_104 = arith.constant 0 : i32
      %dma_wait3A_105 = tpu.memref_slice %arg7[%add3A_17, %dma_wait3A_104] : memref<10240x128xf32, #tpu.memory_space<vmem_shared>> -> memref<128x128xf32, #tpu.memory_space<vmem_shared>>
      %dma_wait3A_106 = arith.constant 0 : i32
      %dma_wait3A_107 = arith.constant 0 : i32
      %dma_wait3A_108 = tpu.memref_slice %arg6[%run_scoped3A_18, %dma_wait3A_106, %dma_wait3A_107] : memref<2x128x128xf32, #tpu.memory_space<vmem>> -> memref<1x128x128xf32, #tpu.memory_space<vmem>>
      %dma_wait3A_109 = tpu.memref_squeeze %dma_wait3A_108 : memref<1x128x128xf32, #tpu.memory_space<vmem>> -> memref<128x128xf32, #tpu.memory_space<vmem>>
      tpu.wait_dma2 semaphore(%run_scoped3A_86 : memref<!tpu.dma_semaphore, #tpu.memory_space<semaphore_mem>>) src(%dma_wait3A_109 : memref<128x128xf32, #tpu.memory_space<vmem>>) dst(%dma_wait3A_105 : memref<128x128xf32, #tpu.memory_space<vmem_shared>>)
      tpu.yield
    }) : () -> ()
    %mul3A_19 = arith.constant 640 : i32
    %mul3A_20 = arith.muli %arg1, %mul3A_19 : i32
    %add3A_21 = arith.constant 384 : i32
    %add3A_22 = arith.addi %mul3A_20, %add3A_21 : i32
    %run_scoped3A_23 = arith.constant 0 : i32
    "tpu.region"() ({
      %run_scoped3A_86 = tpu.sem_alloc : memref<!tpu.dma_semaphore, #tpu.memory_space<semaphore_mem>>
      %dma_start3A_87 = arith.constant 0 : i32
      %dma_start3A_88 = arith.constant 0 : i32
      %dma_start3A_89 = tpu.memref_slice %arg6[%run_scoped3A_23, %dma_start3A_87, %dma_start3A_88] : memref<2x128x128xf32, #tpu.memory_space<vmem>> -> memref<1x128x128xf32, #tpu.memory_space<vmem>>
      %dma_start3A_90 = tpu.memref_squeeze %dma_start3A_89 : memref<1x128x128xf32, #tpu.memory_space<vmem>> -> memref<128x128xf32, #tpu.memory_space<vmem>>
      %dma_start3A_91 = arith.constant 0 : i32
      %dma_start3A_92 = tpu.memref_slice %arg7[%add3A_22, %dma_start3A_91] : memref<10240x128xf32, #tpu.memory_space<vmem_shared>> -> memref<128x128xf32, #tpu.memory_space<vmem_shared>>
      %dma_start3A_93 = arith.constant 0 : i32
      %dma_start3A_94 = tpu.memref_slice %arg7[%add3A_22, %dma_start3A_93] : memref<10240x128xf32, #tpu.memory_space<vmem_shared>> -> memref<128x128xf32, #tpu.memory_space<vmem_shared>>
      %dma_start3A_95 = arith.constant 0 : i32
      %dma_start3A_96 = arith.constant 0 : i32
      %dma_start3A_97 = tpu.memref_slice %arg6[%run_scoped3A_23, %dma_start3A_95, %dma_start3A_96] : memref<2x128x128xf32, #tpu.memory_space<vmem>> -> memref<1x128x128xf32, #tpu.memory_space<vmem>>
      %dma_start3A_98 = tpu.memref_squeeze %dma_start3A_97 : memref<1x128x128xf32, #tpu.memory_space<vmem>> -> memref<128x128xf32, #tpu.memory_space<vmem>>
      tpu.enqueue_dma source(%dma_start3A_98 : memref<128x128xf32, #tpu.memory_space<vmem>>) target(%dma_start3A_94 : memref<128x128xf32, #tpu.memory_space<vmem_shared>>) target_semaphore(%run_scoped3A_86 : memref<!tpu.dma_semaphore, #tpu.memory_space<semaphore_mem>>)
      %dma_wait3A = arith.constant 0 : i32
      %dma_wait3A_99 = arith.constant 0 : i32
      %dma_wait3A_100 = tpu.memref_slice %arg6[%run_scoped3A_23, %dma_wait3A, %dma_wait3A_99] : memref<2x128x128xf32, #tpu.memory_space<vmem>> -> memref<1x128x128xf32, #tpu.memory_space<vmem>>
      %dma_wait3A_101 = tpu.memref_squeeze %dma_wait3A_100 : memref<1x128x128xf32, #tpu.memory_space<vmem>> -> memref<128x128xf32, #tpu.memory_space<vmem>>
      %dma_wait3A_102 = arith.constant 0 : i32
      %dma_wait3A_103 = tpu.memref_slice %arg7[%add3A_22, %dma_wait3A_102] : memref<10240x128xf32, #tpu.memory_space<vmem_shared>> -> memref<128x128xf32, #tpu.memory_space<vmem_shared>>
      %dma_wait3A_104 = arith.constant 0 : i32
      %dma_wait3A_105 = tpu.memref_slice %arg7[%add3A_22, %dma_wait3A_104] : memref<10240x128xf32, #tpu.memory_space<vmem_shared>> -> memref<128x128xf32, #tpu.memory_space<vmem_shared>>
      %dma_wait3A_106 = arith.constant 0 : i32
      %dma_wait3A_107 = arith.constant 0 : i32
      %dma_wait3A_108 = tpu.memref_slice %arg6[%run_scoped3A_23, %dma_wait3A_106, %dma_wait3A_107] : memref<2x128x128xf32, #tpu.memory_space<vmem>> -> memref<1x128x128xf32, #tpu.memory_space<vmem>>
      %dma_wait3A_109 = tpu.memref_squeeze %dma_wait3A_108 : memref<1x128x128xf32, #tpu.memory_space<vmem>> -> memref<128x128xf32, #tpu.memory_space<vmem>>
      tpu.wait_dma2 semaphore(%run_scoped3A_86 : memref<!tpu.dma_semaphore, #tpu.memory_space<semaphore_mem>>) src(%dma_wait3A_109 : memref<128x128xf32, #tpu.memory_space<vmem>>) dst(%dma_wait3A_105 : memref<128x128xf32, #tpu.memory_space<vmem_shared>>)
      tpu.yield
    }) : () -> ()
    %mul3A_24 = arith.constant 640 : i32
    %mul3A_25 = arith.muli %arg1, %mul3A_24 : i32
    %add3A_26 = arith.constant 512 : i32
    %add3A_27 = arith.addi %mul3A_25, %add3A_26 : i32
    %run_scoped3A_28 = arith.constant 0 : i32
    "tpu.region"() ({
      %run_scoped3A_86 = tpu.sem_alloc : memref<!tpu.dma_semaphore, #tpu.memory_space<semaphore_mem>>
      %dma_start3A_87 = arith.constant 0 : i32
      %dma_start3A_88 = arith.constant 0 : i32
      %dma_start3A_89 = tpu.memref_slice %arg6[%run_scoped3A_28, %dma_start3A_87, %dma_start3A_88] : memref<2x128x128xf32, #tpu.memory_space<vmem>> -> memref<1x128x128xf32, #tpu.memory_space<vmem>>
      %dma_start3A_90 = tpu.memref_squeeze %dma_start3A_89 : memref<1x128x128xf32, #tpu.memory_space<vmem>> -> memref<128x128xf32, #tpu.memory_space<vmem>>
      %dma_start3A_91 = arith.constant 0 : i32
      %dma_start3A_92 = tpu.memref_slice %arg7[%add3A_27, %dma_start3A_91] : memref<10240x128xf32, #tpu.memory_space<vmem_shared>> -> memref<128x128xf32, #tpu.memory_space<vmem_shared>>
      %dma_start3A_93 = arith.constant 0 : i32
      %dma_start3A_94 = tpu.memref_slice %arg7[%add3A_27, %dma_start3A_93] : memref<10240x128xf32, #tpu.memory_space<vmem_shared>> -> memref<128x128xf32, #tpu.memory_space<vmem_shared>>
      %dma_start3A_95 = arith.constant 0 : i32
      %dma_start3A_96 = arith.constant 0 : i32
      %dma_start3A_97 = tpu.memref_slice %arg6[%run_scoped3A_28, %dma_start3A_95, %dma_start3A_96] : memref<2x128x128xf32, #tpu.memory_space<vmem>> -> memref<1x128x128xf32, #tpu.memory_space<vmem>>
      %dma_start3A_98 = tpu.memref_squeeze %dma_start3A_97 : memref<1x128x128xf32, #tpu.memory_space<vmem>> -> memref<128x128xf32, #tpu.memory_space<vmem>>
      tpu.enqueue_dma source(%dma_start3A_98 : memref<128x128xf32, #tpu.memory_space<vmem>>) target(%dma_start3A_94 : memref<128x128xf32, #tpu.memory_space<vmem_shared>>) target_semaphore(%run_scoped3A_86 : memref<!tpu.dma_semaphore, #tpu.memory_space<semaphore_mem>>)
      %dma_wait3A = arith.constant 0 : i32
      %dma_wait3A_99 = arith.constant 0 : i32
      %dma_wait3A_100 = tpu.memref_slice %arg6[%run_scoped3A_28, %dma_wait3A, %dma_wait3A_99] : memref<2x128x128xf32, #tpu.memory_space<vmem>> -> memref<1x128x128xf32, #tpu.memory_space<vmem>>
      %dma_wait3A_101 = tpu.memref_squeeze %dma_wait3A_100 : memref<1x128x128xf32, #tpu.memory_space<vmem>> -> memref<128x128xf32, #tpu.memory_space<vmem>>
      %dma_wait3A_102 = arith.constant 0 : i32
      %dma_wait3A_103 = tpu.memref_slice %arg7[%add3A_27, %dma_wait3A_102] : memref<10240x128xf32, #tpu.memory_space<vmem_shared>> -> memref<128x128xf32, #tpu.memory_space<vmem_shared>>
      %dma_wait3A_104 = arith.constant 0 : i32
      %dma_wait3A_105 = tpu.memref_slice %arg7[%add3A_27, %dma_wait3A_104] : memref<10240x128xf32, #tpu.memory_space<vmem_shared>> -> memref<128x128xf32, #tpu.memory_space<vmem_shared>>
      %dma_wait3A_106 = arith.constant 0 : i32
      %dma_wait3A_107 = arith.constant 0 : i32
      %dma_wait3A_108 = tpu.memref_slice %arg6[%run_scoped3A_28, %dma_wait3A_106, %dma_wait3A_107] : memref<2x128x128xf32, #tpu.memory_space<vmem>> -> memref<1x128x128xf32, #tpu.memory_space<vmem>>
      %dma_wait3A_109 = tpu.memref_squeeze %dma_wait3A_108 : memref<1x128x128xf32, #tpu.memory_space<vmem>> -> memref<128x128xf32, #tpu.memory_space<vmem>>
      tpu.wait_dma2 semaphore(%run_scoped3A_86 : memref<!tpu.dma_semaphore, #tpu.memory_space<semaphore_mem>>) src(%dma_wait3A_109 : memref<128x128xf32, #tpu.memory_space<vmem>>) dst(%dma_wait3A_105 : memref<128x128xf32, #tpu.memory_space<vmem_shared>>)
      tpu.yield
    }) : () -> ()
    %barrier3A = arith.constant 0 : index
    tpu.barrier barrier_id(%barrier3A)
    %mul3A_29 = arith.constant 4 : i32
    %mul3A_30 = arith.muli %arg1, %mul3A_29 : i32
    %mul3A_31 = arith.constant 2 : i32
    %mul3A_32 = arith.muli %mul3A_30, %mul3A_31 : i32
    %mul3A_33 = arith.constant 20 : i32
    %mul3A_34 = arith.muli %mul3A_32, %mul3A_33 : i32
    %add3A_35 = arith.constant 0 : i32
    %add3A_36 = arith.addi %mul3A_34, %add3A_35 : i32
    %dma_start3A = arith.constant 0 : i32
    %dma_start3A_37 = arith.constant 0 : i32
    %dma_start3A_38 = arith.constant 0 : i32
    %dma_start3A_39 = arith.constant 0 : i32
    %dma_start3A_40 = tpu.memref_slice %arg5[%dma_start3A, %dma_start3A_38, %dma_start3A_39] : memref<2x40x128xi32, #tpu.memory_space<vmem>> -> memref<1x40x128xi32, #tpu.memory_space<vmem>>
    %dma_start3A_41 = tpu.memref_squeeze %dma_start3A_40 : memref<1x40x128xi32, #tpu.memory_space<vmem>> -> memref<40x128xi32, #tpu.memory_space<vmem>>
    %dma_start3A_42 = arith.constant 0 : i32
    %dma_start3A_43 = tpu.memref_slice %arg3[%arg0, %add3A_36, %dma_start3A_42] : memref<2x2560x128xi32, #tpu.memory_space<hbm>> -> memref<1x40x128xi32, #tpu.memory_space<hbm>>
    %dma_start3A_44 = tpu.memref_squeeze %dma_start3A_43 : memref<1x40x128xi32, #tpu.memory_space<hbm>> -> memref<40x128xi32, #tpu.memory_space<hbm>>
    %dma_start3A_45 = tpu.memref_slice %arg8[%dma_start3A_37] : memref<2x!tpu.dma_semaphore, #tpu.memory_space<semaphore_mem>> -> memref<1x!tpu.dma_semaphore, #tpu.memory_space<semaphore_mem>>
    %dma_start3A_46 = tpu.memref_squeeze %dma_start3A_45 : memref<1x!tpu.dma_semaphore, #tpu.memory_space<semaphore_mem>> -> memref<!tpu.dma_semaphore, #tpu.memory_space<semaphore_mem>>
    %dma_start3A_47 = arith.constant 0 : i32
    %dma_start3A_48 = arith.constant 0 : i32
    %dma_start3A_49 = tpu.memref_slice %arg5[%dma_start3A, %dma_start3A_47, %dma_start3A_48] : memref<2x40x128xi32, #tpu.memory_space<vmem>> -> memref<1x40x128xi32, #tpu.memory_space<vmem>>
    %dma_start3A_50 = tpu.memref_squeeze %dma_start3A_49 : memref<1x40x128xi32, #tpu.memory_space<vmem>> -> memref<40x128xi32, #tpu.memory_space<vmem>>
    %dma_start3A_51 = arith.constant 0 : i32
    %dma_start3A_52 = tpu.memref_slice %arg3[%arg0, %add3A_36, %dma_start3A_51] : memref<2x2560x128xi32, #tpu.memory_space<hbm>> -> memref<1x40x128xi32, #tpu.memory_space<hbm>>
    %dma_start3A_53 = tpu.memref_squeeze %dma_start3A_52 : memref<1x40x128xi32, #tpu.memory_space<hbm>> -> memref<40x128xi32, #tpu.memory_space<hbm>>
    tpu.enqueue_dma source(%dma_start3A_53 : memref<40x128xi32, #tpu.memory_space<hbm>>) target(%dma_start3A_50 : memref<40x128xi32, #tpu.memory_space<vmem>>) target_semaphore(%dma_start3A_46 : memref<!tpu.dma_semaphore, #tpu.memory_space<semaphore_mem>>)
    %add3A_54 = arith.constant 40 : i32
    %add3A_55 = arith.addi %mul3A_34, %add3A_54 : i32
    %dma_start3A_56 = arith.constant 1 : i32
    %dma_start3A_57 = arith.constant 1 : i32
    %dma_start3A_58 = arith.constant 0 : i32
    %dma_start3A_59 = arith.constant 0 : i32
    %dma_start3A_60 = tpu.memref_slice %arg5[%dma_start3A_56, %dma_start3A_58, %dma_start3A_59] : memref<2x40x128xi32, #tpu.memory_space<vmem>> -> memref<1x40x128xi32, #tpu.memory_space<vmem>>
    %dma_start3A_61 = tpu.memref_squeeze %dma_start3A_60 : memref<1x40x128xi32, #tpu.memory_space<vmem>> -> memref<40x128xi32, #tpu.memory_space<vmem>>
    %dma_start3A_62 = arith.constant 0 : i32
    %dma_start3A_63 = tpu.memref_slice %arg3[%arg0, %add3A_55, %dma_start3A_62] : memref<2x2560x128xi32, #tpu.memory_space<hbm>> -> memref<1x40x128xi32, #tpu.memory_space<hbm>>
    %dma_start3A_64 = tpu.memref_squeeze %dma_start3A_63 : memref<1x40x128xi32, #tpu.memory_space<hbm>> -> memref<40x128xi32, #tpu.memory_space<hbm>>
    %dma_start3A_65 = tpu.memref_slice %arg8[%dma_start3A_57] : memref<2x!tpu.dma_semaphore, #tpu.memory_space<semaphore_mem>> -> memref<1x!tpu.dma_semaphore, #tpu.memory_space<semaphore_mem>>
    %dma_start3A_66 = tpu.memref_squeeze %dma_start3A_65 : memref<1x!tpu.dma_semaphore, #tpu.memory_space<semaphore_mem>> -> memref<!tpu.dma_semaphore, #tpu.memory_space<semaphore_mem>>
    %dma_start3A_67 = arith.constant 0 : i32
    %dma_start3A_68 = arith.constant 0 : i32
    %dma_start3A_69 = tpu.memref_slice %arg5[%dma_start3A_56, %dma_start3A_67, %dma_start3A_68] : memref<2x40x128xi32, #tpu.memory_space<vmem>> -> memref<1x40x128xi32, #tpu.memory_space<vmem>>
    %dma_start3A_70 = tpu.memref_squeeze %dma_start3A_69 : memref<1x40x128xi32, #tpu.memory_space<vmem>> -> memref<40x128xi32, #tpu.memory_space<vmem>>
    %dma_start3A_71 = arith.constant 0 : i32
    %dma_start3A_72 = tpu.memref_slice %arg3[%arg0, %add3A_55, %dma_start3A_71] : memref<2x2560x128xi32, #tpu.memory_space<hbm>> -> memref<1x40x128xi32, #tpu.memory_space<hbm>>
    %dma_start3A_73 = tpu.memref_squeeze %dma_start3A_72 : memref<1x40x128xi32, #tpu.memory_space<hbm>> -> memref<40x128xi32, #tpu.memory_space<hbm>>
    tpu.enqueue_dma source(%dma_start3A_73 : memref<40x128xi32, #tpu.memory_space<hbm>>) target(%dma_start3A_70 : memref<40x128xi32, #tpu.memory_space<vmem>>) target_semaphore(%dma_start3A_66 : memref<!tpu.dma_semaphore, #tpu.memory_space<semaphore_mem>>)
    %scan3A_74 = arith.constant 0 : i32
    %scan3A_75 = arith.constant 0 : i32
    %scan3A_76 = arith.constant 4 : i32
    %scan3A_77 = arith.addi %scan3A_75, %scan3A_76 : i32
    %scan3A_78 = arith.constant 1 : i32
    %scan3A_79 = scf.for %scan3A_86 = %scan3A_75 to %scan3A_77 step %scan3A_78 iter_args(%scan3A_87 = %scan3A_74) -> (i32)  : i32 {
      %jit3A = arith.constant 2 : i32
      %eq3A = arith.constant 0 : i32
      %eq3A_88 = arith.cmpi eq, %jit3A, %eq3A : i32
      %jit3A_89 = arith.constant 1 : i32
      %select_n3A = arith.select %eq3A_88, %jit3A_89, %jit3A : i32
      %rem3A = arith.remsi %scan3A_86, %select_n3A : i32
      %ne3A = arith.constant 0 : i32
      %ne3A_90 = arith.cmpi ne, %rem3A, %ne3A : i32
      %lt3A = arith.constant 0 : i32
      %lt3A_91 = arith.cmpi slt, %rem3A, %lt3A : i32
      %lt3A_92 = arith.constant 0 : i32
      %lt3A_93 = arith.cmpi slt, %select_n3A, %lt3A_92 : i32
      %ne3A_94 = arith.xori %lt3A_91, %lt3A_93 : i1
      %and3A = arith.andi %ne3A_94, %ne3A_90 : i1
      %add3A_95 = arith.addi %rem3A, %select_n3A : i32
      %select_n3A_96 = arith.select %and3A, %add3A_95, %rem3A : i32
      %mul3A_97 = arith.constant 2 : i32
      %mul3A_98 = arith.muli %scan3A_86, %mul3A_97 : i32
      %mul3A_99 = arith.constant 20 : i32
      %mul3A_100 = arith.muli %mul3A_98, %mul3A_99 : i32
      %add3A_101 = arith.addi %mul3A_34, %mul3A_100 : i32
      %dma_wait3A = arith.constant 0 : i32
      %dma_wait3A_102 = arith.constant 0 : i32
      %dma_wait3A_103 = tpu.memref_slice %arg5[%select_n3A_96, %dma_wait3A, %dma_wait3A_102] : memref<2x40x128xi32, #tpu.memory_space<vmem>> -> memref<1x40x128xi32, #tpu.memory_space<vmem>>
      %dma_wait3A_104 = tpu.memref_squeeze %dma_wait3A_103 : memref<1x40x128xi32, #tpu.memory_space<vmem>> -> memref<40x128xi32, #tpu.memory_space<vmem>>
      %dma_wait3A_105 = arith.constant 0 : i32
      %dma_wait3A_106 = tpu.memref_slice %arg3[%arg0, %add3A_101, %dma_wait3A_105] : memref<2x2560x128xi32, #tpu.memory_space<hbm>> -> memref<1x40x128xi32, #tpu.memory_space<hbm>>
      %dma_wait3A_107 = tpu.memref_squeeze %dma_wait3A_106 : memref<1x40x128xi32, #tpu.memory_space<hbm>> -> memref<40x128xi32, #tpu.memory_space<hbm>>
      %dma_wait3A_108 = tpu.memref_slice %arg8[%select_n3A_96] : memref<2x!tpu.dma_semaphore, #tpu.memory_space<semaphore_mem>> -> memref<1x!tpu.dma_semaphore, #tpu.memory_space<semaphore_mem>>
      %dma_wait3A_109 = tpu.memref_squeeze %dma_wait3A_108 : memref<1x!tpu.dma_semaphore, #tpu.memory_space<semaphore_mem>> -> memref<!tpu.dma_semaphore, #tpu.memory_space<semaphore_mem>>
      %dma_wait3A_110 = arith.constant 0 : i32
      %dma_wait3A_111 = arith.constant 0 : i32
      %dma_wait3A_112 = tpu.memref_slice %arg5[%select_n3A_96, %dma_wait3A_110, %dma_wait3A_111] : memref<2x40x128xi32, #tpu.memory_space<vmem>> -> memref<1x40x128xi32, #tpu.memory_space<vmem>>
      %dma_wait3A_113 = tpu.memref_squeeze %dma_wait3A_112 : memref<1x40x128xi32, #tpu.memory_space<vmem>> -> memref<40x128xi32, #tpu.memory_space<vmem>>
      %dma_wait3A_114 = arith.constant 0 : i32
      %dma_wait3A_115 = tpu.memref_slice %arg3[%arg0, %add3A_101, %dma_wait3A_114] : memref<2x2560x128xi32, #tpu.memory_space<hbm>> -> memref<1x40x128xi32, #tpu.memory_space<hbm>>
      %dma_wait3A_116 = tpu.memref_squeeze %dma_wait3A_115 : memref<1x40x128xi32, #tpu.memory_space<hbm>> -> memref<40x128xi32, #tpu.memory_space<hbm>>
      tpu.wait_dma2 semaphore(%dma_wait3A_109 : memref<!tpu.dma_semaphore, #tpu.memory_space<semaphore_mem>>) src(%dma_wait3A_116 : memref<40x128xi32, #tpu.memory_space<hbm>>) dst(%dma_wait3A_113 : memref<40x128xi32, #tpu.memory_space<vmem>>)
      %dma_start3A_117 = arith.constant 0 : i32
      %dma_start3A_118 = arith.constant 0 : i32
      %dma_start3A_119 = arith.constant 0 : i32
      %dma_start3A_120 = arith.constant 0 : i32
      %dma_start3A_121 = arith.constant 0 : i32
      %dma_start3A_122 = tpu.memref_slice %arg6[%dma_start3A_118, %dma_start3A_120, %dma_start3A_121] : memref<2x128x128xf32, #tpu.memory_space<vmem>> -> memref<1x128x128xf32, #tpu.memory_space<vmem>>
      %dma_start3A_123 = tpu.memref_squeeze %dma_start3A_122 : memref<1x128x128xf32, #tpu.memory_space<vmem>> -> memref<128x128xf32, #tpu.memory_space<vmem>>
      %dma_start3A_124 = arith.constant 0 : i32
      %dma_start3A_125 = arith.constant 0 : i32
      %dma_start3A_126 = tpu.memref_slice %arg5[%select_n3A_96, %dma_start3A_124, %dma_start3A_125] : memref<2x40x128xi32, #tpu.memory_space<vmem>> -> memref<1x40x128xi32, #tpu.memory_space<vmem>>
      %dma_start3A_127 = tpu.memref_squeeze %dma_start3A_126 : memref<1x40x128xi32, #tpu.memory_space<vmem>> -> memref<40x128xi32, #tpu.memory_space<vmem>>
      %dma_start3A_128 = arith.constant 0 : i32
      %dma_start3A_129 = tpu.memref_slice %dma_start3A_127[%dma_start3A_117, %dma_start3A_128] : memref<40x128xi32, #tpu.memory_space<vmem>> -> memref<1x128xi32, #tpu.memory_space<vmem>>
      %dma_start3A_130 = tpu.memref_squeeze %dma_start3A_129 : memref<1x128xi32, #tpu.memory_space<vmem>> -> memref<128xi32, #tpu.memory_space<vmem>>
      %dma_start3A_131 = arith.constant 0 : i32
      %dma_start3A_132 = arith.constant 0 : i32
      %dma_start3A_133 = tpu.memref_slice %arg2[%dma_start3A_131, %dma_start3A_132] : memref<10000x128xf32, #tpu.memory_space<hbm>> -> memref<10000x128xf32, #tpu.memory_space<hbm>>
      %dma_start3A_134 = tpu.memref_slice %arg9[%dma_start3A_119] : memref<2x!tpu.dma_semaphore, #tpu.memory_space<semaphore_mem>> -> memref<1x!tpu.dma_semaphore, #tpu.memory_space<semaphore_mem>>
      %dma_start3A_135 = tpu.memref_squeeze %dma_start3A_134 : memref<1x!tpu.dma_semaphore, #tpu.memory_space<semaphore_mem>> -> memref<!tpu.dma_semaphore, #tpu.memory_space<semaphore_mem>>
      tpu.enqueue_indirect_dma source(%dma_start3A_133 : memref<10000x128xf32, #tpu.memory_space<hbm>>) target(%dma_start3A_123 : memref<128x128xf32, #tpu.memory_space<vmem>>) offsets(%dma_start3A_130 : memref<128xi32, #tpu.memory_space<vmem>>) semaphore(%dma_start3A_135 : memref<!tpu.dma_semaphore, #tpu.memory_space<semaphore_mem>>)
      %dma_start3A_136 = arith.constant 1 : i32
      %dma_start3A_137 = arith.constant 1 : i32
      %dma_start3A_138 = arith.constant 1 : i32
      %dma_start3A_139 = arith.constant 0 : i32
      %dma_start3A_140 = arith.constant 0 : i32
      %dma_start3A_141 = tpu.memref_slice %arg6[%dma_start3A_137, %dma_start3A_139, %dma_start3A_140] : memref<2x128x128xf32, #tpu.memory_space<vmem>> -> memref<1x128x128xf32, #tpu.memory_space<vmem>>
      %dma_start3A_142 = tpu.memref_squeeze %dma_start3A_141 : memref<1x128x128xf32, #tpu.memory_space<vmem>> -> memref<128x128xf32, #tpu.memory_space<vmem>>
      %dma_start3A_143 = arith.constant 0 : i32
      %dma_start3A_144 = arith.constant 0 : i32
      %dma_start3A_145 = tpu.memref_slice %arg5[%select_n3A_96, %dma_start3A_143, %dma_start3A_144] : memref<2x40x128xi32, #tpu.memory_space<vmem>> -> memref<1x40x128xi32, #tpu.memory_space<vmem>>
      %dma_start3A_146 = tpu.memref_squeeze %dma_start3A_145 : memref<1x40x128xi32, #tpu.memory_space<vmem>> -> memref<40x128xi32, #tpu.memory_space<vmem>>
      %dma_start3A_147 = arith.constant 0 : i32
      %dma_start3A_148 = tpu.memref_slice %dma_start3A_146[%dma_start3A_136, %dma_start3A_147] : memref<40x128xi32, #tpu.memory_space<vmem>> -> memref<1x128xi32, #tpu.memory_space<vmem>>
      %dma_start3A_149 = tpu.memref_squeeze %dma_start3A_148 : memref<1x128xi32, #tpu.memory_space<vmem>> -> memref<128xi32, #tpu.memory_space<vmem>>
      %dma_start3A_150 = arith.constant 0 : i32
      %dma_start3A_151 = arith.constant 0 : i32
      %dma_start3A_152 = tpu.memref_slice %arg2[%dma_start3A_150, %dma_start3A_151] : memref<10000x128xf32, #tpu.memory_space<hbm>> -> memref<10000x128xf32, #tpu.memory_space<hbm>>
      %dma_start3A_153 = tpu.memref_slice %arg9[%dma_start3A_138] : memref<2x!tpu.dma_semaphore, #tpu.memory_space<semaphore_mem>> -> memref<1x!tpu.dma_semaphore, #tpu.memory_space<semaphore_mem>>
      %dma_start3A_154 = tpu.memref_squeeze %dma_start3A_153 : memref<1x!tpu.dma_semaphore, #tpu.memory_space<semaphore_mem>> -> memref<!tpu.dma_semaphore, #tpu.memory_space<semaphore_mem>>
      tpu.enqueue_indirect_dma source(%dma_start3A_152 : memref<10000x128xf32, #tpu.memory_space<hbm>>) target(%dma_start3A_142 : memref<128x128xf32, #tpu.memory_space<vmem>>) offsets(%dma_start3A_149 : memref<128xi32, #tpu.memory_space<vmem>>) semaphore(%dma_start3A_154 : memref<!tpu.dma_semaphore, #tpu.memory_space<semaphore_mem>>)
      %scan3A_155 = arith.constant 0 : i32
      %scan3A_156 = arith.constant 0 : i32
      %scan3A_157 = arith.constant 20 : i32
      %scan3A_158 = arith.addi %scan3A_156, %scan3A_157 : i32
      %scan3A_159 = arith.constant 1 : i32
      %scan3A_160 = scf.for %scan3A_206 = %scan3A_156 to %scan3A_158 step %scan3A_159 iter_args(%scan3A_207 = %scan3A_155) -> (i32)  : i32 {
        %jit3A_208 = arith.constant 2 : i32
        %eq3A_209 = arith.constant 0 : i32
        %eq3A_210 = arith.cmpi eq, %jit3A_208, %eq3A_209 : i32
        %jit3A_211 = arith.constant 1 : i32
        %select_n3A_212 = arith.select %eq3A_210, %jit3A_211, %jit3A_208 : i32
        %rem3A_213 = arith.remsi %scan3A_206, %select_n3A_212 : i32
        %ne3A_214 = arith.constant 0 : i32
        %ne3A_215 = arith.cmpi ne, %rem3A_213, %ne3A_214 : i32
        %lt3A_216 = arith.constant 0 : i32
        %lt3A_217 = arith.cmpi slt, %rem3A_213, %lt3A_216 : i32
        %lt3A_218 = arith.constant 0 : i32
        %lt3A_219 = arith.cmpi slt, %select_n3A_212, %lt3A_218 : i32
        %ne3A_220 = arith.xori %lt3A_217, %lt3A_219 : i1
        %and3A_221 = arith.andi %ne3A_220, %ne3A_215 : i1
        %add3A_222 = arith.addi %rem3A_213, %select_n3A_212 : i32
        %select_n3A_223 = arith.select %and3A_221, %add3A_222, %rem3A_213 : i32
        %dma_wait3A_224 = arith.constant 0 : i32
        %dma_wait3A_225 = arith.constant 0 : i32
        %dma_wait3A_226 = tpu.memref_slice %arg6[%select_n3A_223, %dma_wait3A_224, %dma_wait3A_225] : memref<2x128x128xf32, #tpu.memory_space<vmem>> -> memref<1x128x128xf32, #tpu.memory_space<vmem>>
        %dma_wait3A_227 = tpu.memref_squeeze %dma_wait3A_226 : memref<1x128x128xf32, #tpu.memory_space<vmem>> -> memref<128x128xf32, #tpu.memory_space<vmem>>
        %dma_wait3A_228 = arith.constant 0 : i32
        %dma_wait3A_229 = arith.constant 0 : i32
        %dma_wait3A_230 = tpu.memref_slice %arg5[%select_n3A_96, %dma_wait3A_228, %dma_wait3A_229] : memref<2x40x128xi32, #tpu.memory_space<vmem>> -> memref<1x40x128xi32, #tpu.memory_space<vmem>>
        %dma_wait3A_231 = tpu.memref_squeeze %dma_wait3A_230 : memref<1x40x128xi32, #tpu.memory_space<vmem>> -> memref<40x128xi32, #tpu.memory_space<vmem>>
        %dma_wait3A_232 = arith.constant 0 : i32
        %dma_wait3A_233 = tpu.memref_slice %dma_wait3A_231[%scan3A_206, %dma_wait3A_232] : memref<40x128xi32, #tpu.memory_space<vmem>> -> memref<1x128xi32, #tpu.memory_space<vmem>>
        %dma_wait3A_234 = tpu.memref_squeeze %dma_wait3A_233 : memref<1x128xi32, #tpu.memory_space<vmem>> -> memref<128xi32, #tpu.memory_space<vmem>>
        %dma_wait3A_235 = arith.constant 0 : i32
        %dma_wait3A_236 = arith.constant 0 : i32
        %dma_wait3A_237 = tpu.memref_slice %arg2[%dma_wait3A_235, %dma_wait3A_236] : memref<10000x128xf32, #tpu.memory_space<hbm>> -> memref<10000x128xf32, #tpu.memory_space<hbm>>
        %dma_wait3A_238 = tpu.memref_slice %arg9[%select_n3A_223] : memref<2x!tpu.dma_semaphore, #tpu.memory_space<semaphore_mem>> -> memref<1x!tpu.dma_semaphore, #tpu.memory_space<semaphore_mem>>
        %dma_wait3A_239 = tpu.memref_squeeze %dma_wait3A_238 : memref<1x!tpu.dma_semaphore, #tpu.memory_space<semaphore_mem>> -> memref<!tpu.dma_semaphore, #tpu.memory_space<semaphore_mem>>
        tpu.wait_indirect_dma semaphore(%dma_wait3A_239 : memref<!tpu.dma_semaphore, #tpu.memory_space<semaphore_mem>>) src(%dma_wait3A_237 : memref<10000x128xf32, #tpu.memory_space<hbm>>) dst(%dma_wait3A_227 : memref<128x128xf32, #tpu.memory_space<vmem>>)
        %add3A_240 = arith.constant 20 : i32
        %add3A_241 = arith.addi %add3A_240, %scan3A_206 : i32
        %dma_start3A_242 = arith.constant 0 : i32
        %dma_start3A_243 = arith.constant 0 : i32
        %dma_start3A_244 = tpu.memref_slice %arg6[%select_n3A_223, %dma_start3A_242, %dma_start3A_243] : memref<2x128x128xf32, #tpu.memory_space<vmem>> -> memref<1x128x128xf32, #tpu.memory_space<vmem>>
        %dma_start3A_245 = tpu.memref_squeeze %dma_start3A_244 : memref<1x128x128xf32, #tpu.memory_space<vmem>> -> memref<128x128xf32, #tpu.memory_space<vmem>>
        %dma_start3A_246 = arith.constant 0 : i32
        %dma_start3A_247 = arith.constant 0 : i32
        %dma_start3A_248 = tpu.memref_slice %arg5[%select_n3A_96, %dma_start3A_246, %dma_start3A_247] : memref<2x40x128xi32, #tpu.memory_space<vmem>> -> memref<1x40x128xi32, #tpu.memory_space<vmem>>
        %dma_start3A_249 = tpu.memref_squeeze %dma_start3A_248 : memref<1x40x128xi32, #tpu.memory_space<vmem>> -> memref<40x128xi32, #tpu.memory_space<vmem>>
        %dma_start3A_250 = arith.constant 0 : i32
        %dma_start3A_251 = tpu.memref_slice %dma_start3A_249[%add3A_241, %dma_start3A_250] : memref<40x128xi32, #tpu.memory_space<vmem>> -> memref<1x128xi32, #tpu.memory_space<vmem>>
        %dma_start3A_252 = tpu.memref_squeeze %dma_start3A_251 : memref<1x128xi32, #tpu.memory_space<vmem>> -> memref<128xi32, #tpu.memory_space<vmem>>
        %dma_start3A_253 = arith.constant 0 : i32
        %dma_start3A_254 = arith.constant 0 : i32
        %dma_start3A_255 = tpu.memref_slice %arg7[%dma_start3A_253, %dma_start3A_254] : memref<10240x128xf32, #tpu.memory_space<vmem_shared>> -> memref<10240x128xf32, #tpu.memory_space<vmem_shared>>
        %dma_start3A_256 = tpu.memref_slice %arg10[%select_n3A_223] : memref<2x!tpu.dma_semaphore, #tpu.memory_space<semaphore_mem>> -> memref<1x!tpu.dma_semaphore, #tpu.memory_space<semaphore_mem>>
        %dma_start3A_257 = tpu.memref_squeeze %dma_start3A_256 : memref<1x!tpu.dma_semaphore, #tpu.memory_space<semaphore_mem>> -> memref<!tpu.dma_semaphore, #tpu.memory_space<semaphore_mem>>
        tpu.enqueue_indirect_dma source(%dma_start3A_245 : memref<128x128xf32, #tpu.memory_space<vmem>>) target(%dma_start3A_255 : memref<10240x128xf32, #tpu.memory_space<vmem_shared>>) offsets(%dma_start3A_252 : memref<128xi32, #tpu.memory_space<vmem>>) semaphore(%dma_start3A_257 : memref<!tpu.dma_semaphore, #tpu.memory_space<semaphore_mem>>) {add = true}
        %add3A_258 = arith.constant 2 : i32
        %add3A_259 = arith.addi %scan3A_206, %add3A_258 : i32
        %lt3A_260 = arith.constant 20 : i32
        %lt3A_261 = arith.cmpi slt, %add3A_259, %lt3A_260 : i32
        %convert_element_type3A_262 = arith.extui %lt3A_261 : i1 to i32
        %cond3A_263 = arith.constant 0 : i32
        %cond3A_264 = arith.cmpi ne, %convert_element_type3A_262, %cond3A_263 : i32
        scf.if %cond3A_264 {
          %dma_wait3A_266 = arith.constant 0 : i32
          %dma_wait3A_267 = arith.constant 0 : i32
          %dma_wait3A_268 = tpu.memref_slice %arg6[%select_n3A_223, %dma_wait3A_266, %dma_wait3A_267] : memref<2x128x128xf32, #tpu.memory_space<vmem>> -> memref<1x128x128xf32, #tpu.memory_space<vmem>>
          %dma_wait3A_269 = tpu.memref_squeeze %dma_wait3A_268 : memref<1x128x128xf32, #tpu.memory_space<vmem>> -> memref<128x128xf32, #tpu.memory_space<vmem>>
          %dma_wait3A_270 = arith.constant 0 : i32
          %dma_wait3A_271 = arith.constant 0 : i32
          %dma_wait3A_272 = tpu.memref_slice %arg5[%select_n3A_96, %dma_wait3A_270, %dma_wait3A_271] : memref<2x40x128xi32, #tpu.memory_space<vmem>> -> memref<1x40x128xi32, #tpu.memory_space<vmem>>
          %dma_wait3A_273 = tpu.memref_squeeze %dma_wait3A_272 : memref<1x40x128xi32, #tpu.memory_space<vmem>> -> memref<40x128xi32, #tpu.memory_space<vmem>>
          %dma_wait3A_274 = arith.constant 0 : i32
          %dma_wait3A_275 = tpu.memref_slice %dma_wait3A_273[%add3A_241, %dma_wait3A_274] : memref<40x128xi32, #tpu.memory_space<vmem>> -> memref<1x128xi32, #tpu.memory_space<vmem>>
          %dma_wait3A_276 = tpu.memref_squeeze %dma_wait3A_275 : memref<1x128xi32, #tpu.memory_space<vmem>> -> memref<128xi32, #tpu.memory_space<vmem>>
          %dma_wait3A_277 = arith.constant 0 : i32
          %dma_wait3A_278 = arith.constant 0 : i32
          %dma_wait3A_279 = tpu.memref_slice %arg7[%dma_wait3A_277, %dma_wait3A_278] : memref<10240x128xf32, #tpu.memory_space<vmem_shared>> -> memref<10240x128xf32, #tpu.memory_space<vmem_shared>>
          %dma_wait3A_280 = tpu.memref_slice %arg10[%select_n3A_223] : memref<2x!tpu.dma_semaphore, #tpu.memory_space<semaphore_mem>> -> memref<1x!tpu.dma_semaphore, #tpu.memory_space<semaphore_mem>>
          %dma_wait3A_281 = tpu.memref_squeeze %dma_wait3A_280 : memref<1x!tpu.dma_semaphore, #tpu.memory_space<semaphore_mem>> -> memref<!tpu.dma_semaphore, #tpu.memory_space<semaphore_mem>>
          tpu.wait_indirect_dma semaphore(%dma_wait3A_281 : memref<!tpu.dma_semaphore, #tpu.memory_space<semaphore_mem>>) src(%dma_wait3A_269 : memref<128x128xf32, #tpu.memory_space<vmem>>) dst(%dma_wait3A_279 : memref<10240x128xf32, #tpu.memory_space<vmem_shared>>)
          %add3A_282 = arith.constant 2 : i32
          %add3A_283 = arith.addi %scan3A_206, %add3A_282 : i32
          %dma_start3A_284 = arith.constant 0 : i32
          %dma_start3A_285 = arith.constant 0 : i32
          %dma_start3A_286 = tpu.memref_slice %arg6[%select_n3A_223, %dma_start3A_284, %dma_start3A_285] : memref<2x128x128xf32, #tpu.memory_space<vmem>> -> memref<1x128x128xf32, #tpu.memory_space<vmem>>
          %dma_start3A_287 = tpu.memref_squeeze %dma_start3A_286 : memref<1x128x128xf32, #tpu.memory_space<vmem>> -> memref<128x128xf32, #tpu.memory_space<vmem>>
          %dma_start3A_288 = arith.constant 0 : i32
          %dma_start3A_289 = arith.constant 0 : i32
          %dma_start3A_290 = tpu.memref_slice %arg5[%select_n3A_96, %dma_start3A_288, %dma_start3A_289] : memref<2x40x128xi32, #tpu.memory_space<vmem>> -> memref<1x40x128xi32, #tpu.memory_space<vmem>>
          %dma_start3A_291 = tpu.memref_squeeze %dma_start3A_290 : memref<1x40x128xi32, #tpu.memory_space<vmem>> -> memref<40x128xi32, #tpu.memory_space<vmem>>
          %dma_start3A_292 = arith.constant 0 : i32
          %dma_start3A_293 = tpu.memref_slice %dma_start3A_291[%add3A_283, %dma_start3A_292] : memref<40x128xi32, #tpu.memory_space<vmem>> -> memref<1x128xi32, #tpu.memory_space<vmem>>
          %dma_start3A_294 = tpu.memref_squeeze %dma_start3A_293 : memref<1x128xi32, #tpu.memory_space<vmem>> -> memref<128xi32, #tpu.memory_space<vmem>>
          %dma_start3A_295 = arith.constant 0 : i32
          %dma_start3A_296 = arith.constant 0 : i32
          %dma_start3A_297 = tpu.memref_slice %arg2[%dma_start3A_295, %dma_start3A_296] : memref<10000x128xf32, #tpu.memory_space<hbm>> -> memref<10000x128xf32, #tpu.memory_space<hbm>>
          %dma_start3A_298 = tpu.memref_slice %arg9[%select_n3A_223] : memref<2x!tpu.dma_semaphore, #tpu.memory_space<semaphore_mem>> -> memref<1x!tpu.dma_semaphore, #tpu.memory_space<semaphore_mem>>
          %dma_start3A_299 = tpu.memref_squeeze %dma_start3A_298 : memref<1x!tpu.dma_semaphore, #tpu.memory_space<semaphore_mem>> -> memref<!tpu.dma_semaphore, #tpu.memory_space<semaphore_mem>>
          tpu.enqueue_indirect_dma source(%dma_start3A_297 : memref<10000x128xf32, #tpu.memory_space<hbm>>) target(%dma_start3A_287 : memref<128x128xf32, #tpu.memory_space<vmem>>) offsets(%dma_start3A_294 : memref<128xi32, #tpu.memory_space<vmem>>) semaphore(%dma_start3A_299 : memref<!tpu.dma_semaphore, #tpu.memory_space<semaphore_mem>>)
        } else {
        }
        %scan3A_265 = arith.constant 0 : i32
        scf.yield %scan3A_265 : i32
      }
      %scan3A_161 = arith.constant 20 : i32
      %dma_wait3A_162 = arith.constant 0 : i32
      %dma_wait3A_163 = arith.constant 38 : i32
      %dma_wait3A_164 = arith.constant 0 : i32
      %dma_wait3A_165 = arith.constant 0 : i32
      %dma_wait3A_166 = arith.constant 0 : i32
      %dma_wait3A_167 = tpu.memref_slice %arg6[%dma_wait3A_162, %dma_wait3A_165, %dma_wait3A_166] : memref<2x128x128xf32, #tpu.memory_space<vmem>> -> memref<1x128x128xf32, #tpu.memory_space<vmem>>
      %dma_wait3A_168 = tpu.memref_squeeze %dma_wait3A_167 : memref<1x128x128xf32, #tpu.memory_space<vmem>> -> memref<128x128xf32, #tpu.memory_space<vmem>>
      %dma_wait3A_169 = arith.constant 0 : i32
      %dma_wait3A_170 = arith.constant 0 : i32
      %dma_wait3A_171 = tpu.memref_slice %arg5[%select_n3A_96, %dma_wait3A_169, %dma_wait3A_170] : memref<2x40x128xi32, #tpu.memory_space<vmem>> -> memref<1x40x128xi32, #tpu.memory_space<vmem>>
      %dma_wait3A_172 = tpu.memref_squeeze %dma_wait3A_171 : memref<1x40x128xi32, #tpu.memory_space<vmem>> -> memref<40x128xi32, #tpu.memory_space<vmem>>
      %dma_wait3A_173 = arith.constant 0 : i32
      %dma_wait3A_174 = tpu.memref_slice %dma_wait3A_172[%dma_wait3A_163, %dma_wait3A_173] : memref<40x128xi32, #tpu.memory_space<vmem>> -> memref<1x128xi32, #tpu.memory_space<vmem>>
      %dma_wait3A_175 = tpu.memref_squeeze %dma_wait3A_174 : memref<1x128xi32, #tpu.memory_space<vmem>> -> memref<128xi32, #tpu.memory_space<vmem>>
      %dma_wait3A_176 = arith.constant 0 : i32
      %dma_wait3A_177 = arith.constant 0 : i32
      %dma_wait3A_178 = tpu.memref_slice %arg7[%dma_wait3A_176, %dma_wait3A_177] : memref<10240x128xf32, #tpu.memory_space<vmem_shared>> -> memref<10240x128xf32, #tpu.memory_space<vmem_shared>>
      %dma_wait3A_179 = tpu.memref_slice %arg10[%dma_wait3A_164] : memref<2x!tpu.dma_semaphore, #tpu.memory_space<semaphore_mem>> -> memref<1x!tpu.dma_semaphore, #tpu.memory_space<semaphore_mem>>
      %dma_wait3A_180 = tpu.memref_squeeze %dma_wait3A_179 : memref<1x!tpu.dma_semaphore, #tpu.memory_space<semaphore_mem>> -> memref<!tpu.dma_semaphore, #tpu.memory_space<semaphore_mem>>
      tpu.wait_indirect_dma semaphore(%dma_wait3A_180 : memref<!tpu.dma_semaphore, #tpu.memory_space<semaphore_mem>>) src(%dma_wait3A_168 : memref<128x128xf32, #tpu.memory_space<vmem>>) dst(%dma_wait3A_178 : memref<10240x128xf32, #tpu.memory_space<vmem_shared>>)
      %dma_wait3A_181 = arith.constant 1 : i32
      %dma_wait3A_182 = arith.constant 39 : i32
      %dma_wait3A_183 = arith.constant 1 : i32
      %dma_wait3A_184 = arith.constant 0 : i32
      %dma_wait3A_185 = arith.constant 0 : i32
      %dma_wait3A_186 = tpu.memref_slice %arg6[%dma_wait3A_181, %dma_wait3A_184, %dma_wait3A_185] : memref<2x128x128xf32, #tpu.memory_space<vmem>> -> memref<1x128x128xf32, #tpu.memory_space<vmem>>
      %dma_wait3A_187 = tpu.memref_squeeze %dma_wait3A_186 : memref<1x128x128xf32, #tpu.memory_space<vmem>> -> memref<128x128xf32, #tpu.memory_space<vmem>>
      %dma_wait3A_188 = arith.constant 0 : i32
      %dma_wait3A_189 = arith.constant 0 : i32
      %dma_wait3A_190 = tpu.memref_slice %arg5[%select_n3A_96, %dma_wait3A_188, %dma_wait3A_189] : memref<2x40x128xi32, #tpu.memory_space<vmem>> -> memref<1x40x128xi32, #tpu.memory_space<vmem>>
      %dma_wait3A_191 = tpu.memref_squeeze %dma_wait3A_190 : memref<1x40x128xi32, #tpu.memory_space<vmem>> -> memref<40x128xi32, #tpu.memory_space<vmem>>
      %dma_wait3A_192 = arith.constant 0 : i32
      %dma_wait3A_193 = tpu.memref_slice %dma_wait3A_191[%dma_wait3A_182, %dma_wait3A_192] : memref<40x128xi32, #tpu.memory_space<vmem>> -> memref<1x128xi32, #tpu.memory_space<vmem>>
      %dma_wait3A_194 = tpu.memref_squeeze %dma_wait3A_193 : memref<1x128xi32, #tpu.memory_space<vmem>> -> memref<128xi32, #tpu.memory_space<vmem>>
      %dma_wait3A_195 = arith.constant 0 : i32
      %dma_wait3A_196 = arith.constant 0 : i32
      %dma_wait3A_197 = tpu.memref_slice %arg7[%dma_wait3A_195, %dma_wait3A_196] : memref<10240x128xf32, #tpu.memory_space<vmem_shared>> -> memref<10240x128xf32, #tpu.memory_space<vmem_shared>>
      %dma_wait3A_198 = tpu.memref_slice %arg10[%dma_wait3A_183] : memref<2x!tpu.dma_semaphore, #tpu.memory_space<semaphore_mem>> -> memref<1x!tpu.dma_semaphore, #tpu.memory_space<semaphore_mem>>
      %dma_wait3A_199 = tpu.memref_squeeze %dma_wait3A_198 : memref<1x!tpu.dma_semaphore, #tpu.memory_space<semaphore_mem>> -> memref<!tpu.dma_semaphore, #tpu.memory_space<semaphore_mem>>
      tpu.wait_indirect_dma semaphore(%dma_wait3A_199 : memref<!tpu.dma_semaphore, #tpu.memory_space<semaphore_mem>>) src(%dma_wait3A_187 : memref<128x128xf32, #tpu.memory_space<vmem>>) dst(%dma_wait3A_197 : memref<10240x128xf32, #tpu.memory_space<vmem_shared>>)
      %add3A_200 = arith.constant 2 : i32
      %add3A_201 = arith.addi %scan3A_86, %add3A_200 : i32
      %lt3A_202 = arith.constant 4 : i32
      %lt3A_203 = arith.cmpi slt, %add3A_201, %lt3A_202 : i32
      %convert_element_type3A = arith.extui %lt3A_203 : i1 to i32
      %cond3A = arith.constant 0 : i32
      %cond3A_204 = arith.cmpi ne, %convert_element_type3A, %cond3A : i32
      scf.if %cond3A_204 {
        %add3A_206 = arith.constant 2 : i32
        %add3A_207 = arith.addi %scan3A_86, %add3A_206 : i32
        %mul3A_208 = arith.constant 2 : i32
        %mul3A_209 = arith.muli %add3A_207, %mul3A_208 : i32
        %mul3A_210 = arith.constant 20 : i32
        %mul3A_211 = arith.muli %mul3A_209, %mul3A_210 : i32
        %add3A_212 = arith.addi %mul3A_34, %mul3A_211 : i32
        %dma_start3A_213 = arith.constant 0 : i32
        %dma_start3A_214 = arith.constant 0 : i32
        %dma_start3A_215 = tpu.memref_slice %arg5[%select_n3A_96, %dma_start3A_213, %dma_start3A_214] : memref<2x40x128xi32, #tpu.memory_space<vmem>> -> memref<1x40x128xi32, #tpu.memory_space<vmem>>
        %dma_start3A_216 = tpu.memref_squeeze %dma_start3A_215 : memref<1x40x128xi32, #tpu.memory_space<vmem>> -> memref<40x128xi32, #tpu.memory_space<vmem>>
        %dma_start3A_217 = arith.constant 0 : i32
        %dma_start3A_218 = tpu.memref_slice %arg3[%arg0, %add3A_212, %dma_start3A_217] : memref<2x2560x128xi32, #tpu.memory_space<hbm>> -> memref<1x40x128xi32, #tpu.memory_space<hbm>>
        %dma_start3A_219 = tpu.memref_squeeze %dma_start3A_218 : memref<1x40x128xi32, #tpu.memory_space<hbm>> -> memref<40x128xi32, #tpu.memory_space<hbm>>
        %dma_start3A_220 = tpu.memref_slice %arg8[%select_n3A_96] : memref<2x!tpu.dma_semaphore, #tpu.memory_space<semaphore_mem>> -> memref<1x!tpu.dma_semaphore, #tpu.memory_space<semaphore_mem>>
        %dma_start3A_221 = tpu.memref_squeeze %dma_start3A_220 : memref<1x!tpu.dma_semaphore, #tpu.memory_space<semaphore_mem>> -> memref<!tpu.dma_semaphore, #tpu.memory_space<semaphore_mem>>
        %dma_start3A_222 = arith.constant 0 : i32
        %dma_start3A_223 = arith.constant 0 : i32
        %dma_start3A_224 = tpu.memref_slice %arg5[%select_n3A_96, %dma_start3A_222, %dma_start3A_223] : memref<2x40x128xi32, #tpu.memory_space<vmem>> -> memref<1x40x128xi32, #tpu.memory_space<vmem>>
        %dma_start3A_225 = tpu.memref_squeeze %dma_start3A_224 : memref<1x40x128xi32, #tpu.memory_space<vmem>> -> memref<40x128xi32, #tpu.memory_space<vmem>>
        %dma_start3A_226 = arith.constant 0 : i32
        %dma_start3A_227 = tpu.memref_slice %arg3[%arg0, %add3A_212, %dma_start3A_226] : memref<2x2560x128xi32, #tpu.memory_space<hbm>> -> memref<1x40x128xi32, #tpu.memory_space<hbm>>
        %dma_start3A_228 = tpu.memref_squeeze %dma_start3A_227 : memref<1x40x128xi32, #tpu.memory_space<hbm>> -> memref<40x128xi32, #tpu.memory_space<hbm>>
        tpu.enqueue_dma source(%dma_start3A_228 : memref<40x128xi32, #tpu.memory_space<hbm>>) target(%dma_start3A_225 : memref<40x128xi32, #tpu.memory_space<vmem>>) target_semaphore(%dma_start3A_221 : memref<!tpu.dma_semaphore, #tpu.memory_space<semaphore_mem>>)
      } else {
      }
      %scan3A_205 = arith.constant 0 : i32
      scf.yield %scan3A_205 : i32
    }
    %scan3A_80 = arith.constant 4 : i32
    %barrier3A_81 = arith.constant 0 : index
    tpu.barrier barrier_id(%barrier3A_81)
    %mul3A_82 = arith.constant 640 : i32
    %mul3A_83 = arith.muli %arg1, %mul3A_82 : i32
    %mul3A_84 = arith.constant 640 : i32
    %mul3A_85 = arith.muli %arg1, %mul3A_84 : i32
    "tpu.region"() ({
      %run_scoped3A_86 = tpu.sem_alloc : memref<!tpu.dma_semaphore, #tpu.memory_space<semaphore_mem>>
      %dma_start3A_87 = arith.constant 0 : i32
      %dma_start3A_88 = tpu.memref_slice %arg4[%arg0, %mul3A_85, %dma_start3A_87] : memref<2x10240x128xf32, #tpu.memory_space<hbm>> -> memref<1x640x128xf32, #tpu.memory_space<hbm>>
      %dma_start3A_89 = tpu.memref_squeeze %dma_start3A_88 : memref<1x640x128xf32, #tpu.memory_space<hbm>> -> memref<640x128xf32, #tpu.memory_space<hbm>>
      %dma_start3A_90 = arith.constant 0 : i32
      %dma_start3A_91 = tpu.memref_slice %arg7[%mul3A_83, %dma_start3A_90] : memref<10240x128xf32, #tpu.memory_space<vmem_shared>> -> memref<640x128xf32, #tpu.memory_space<vmem_shared>>
      tpu.enqueue_dma source(%dma_start3A_91 : memref<640x128xf32, #tpu.memory_space<vmem_shared>>) target(%dma_start3A_89 : memref<640x128xf32, #tpu.memory_space<hbm>>) target_semaphore(%run_scoped3A_86 : memref<!tpu.dma_semaphore, #tpu.memory_space<semaphore_mem>>)
      %dma_wait3A = arith.constant 0 : i32
      %dma_wait3A_92 = tpu.memref_slice %arg4[%arg0, %mul3A_85, %dma_wait3A] : memref<2x10240x128xf32, #tpu.memory_space<hbm>> -> memref<1x640x128xf32, #tpu.memory_space<hbm>>
      %dma_wait3A_93 = tpu.memref_squeeze %dma_wait3A_92 : memref<1x640x128xf32, #tpu.memory_space<hbm>> -> memref<640x128xf32, #tpu.memory_space<hbm>>
      %dma_wait3A_94 = arith.constant 0 : i32
      %dma_wait3A_95 = tpu.memref_slice %arg7[%mul3A_83, %dma_wait3A_94] : memref<10240x128xf32, #tpu.memory_space<vmem_shared>> -> memref<640x128xf32, #tpu.memory_space<vmem_shared>>
      tpu.wait_dma2 semaphore(%run_scoped3A_86 : memref<!tpu.dma_semaphore, #tpu.memory_space<semaphore_mem>>) src(%dma_wait3A_95 : memref<640x128xf32, #tpu.memory_space<vmem_shared>>) dst(%dma_wait3A_93 : memref<640x128xf32, #tpu.memory_space<hbm>>)
      tpu.yield
    }) : () -> ()
    return
  }
}

module attributes {stable_mosaic.version = 14 : i64} {
  func.func @_tc_pre_body(%arg0: i32, %arg1: memref<400x128xf32, #tpu.memory_space<vmem>>, %arg2: memref<128x256xf32, #tpu.memory_space<vmem>>, %arg3: memref<400x1xf32, #tpu.memory_space<vmem>>, %arg4: memref<400x1xf32, #tpu.memory_space<vmem>>, %arg5: memref<2x400x128xf32, #tpu.memory_space<vmem>>) attributes {dimension_semantics = [#tpu.dimension_semantics<arbitrary>], iteration_bounds = array<i64: 25>, scalar_prefetch = 0 : i64, scratch_operands = 0 : i64, tpu.core_type = #tpu.core_type<tc>, window_params = [{transform_indices = @transform_0, window_bounds = array<i64: 400, 128>}, {pipeline_mode = #tpu.pipeline_mode<synchronous>, transform_indices = @transform_1, window_bounds = array<i64: 128, 256>}, {transform_indices = @transform_2, window_bounds = array<i64: 400, 1>}, {transform_indices = @transform_3, window_bounds = array<i64: 400, 1>}, {transform_indices = @transform_4, window_bounds = array<i64: 2, 400, 128>}]} {
    %get3A = arith.constant 0 : index
    %get3A_0 = arith.constant 0 : index
    %get3A_1 = vector.load %arg3[%get3A, %get3A_0] : memref<400x1xf32, #tpu.memory_space<vmem>>, vector<400x1xf32>
    %rsqrt3A = math.rsqrt %get3A_1 : vector<400x1xf32>
    %swap3A = arith.constant 0 : index
    %swap3A_2 = arith.constant 0 : index
    %swap3A_3 = vector.load %arg4[%swap3A, %swap3A_2] : memref<400x1xf32, #tpu.memory_space<vmem>>, vector<400x1xf32>
    tpu.vector_store %arg4[%swap3A, %swap3A_2], %rsqrt3A {strides = array<i32>} : memref<400x1xf32, #tpu.memory_space<vmem>>, vector<400x1xf32>,
    %get3A_4 = arith.constant 0 : index
    %get3A_5 = arith.constant 0 : index
    %get3A_6 = vector.load %arg1[%get3A_4, %get3A_5] : memref<400x128xf32, #tpu.memory_space<vmem>>, vector<400x128xf32>
    %get3A_7 = arith.constant 0 : index
    %get3A_8 = arith.constant 0 : index
    %get3A_9 = vector.load %arg2[%get3A_7, %get3A_8] : memref<128x256xf32, #tpu.memory_space<vmem>>, vector<128x256xf32>
    %dot_general3A = arith.constant dense<0.000000e+00> : vector<400x256xf32>
    %dot_general3A_10 = tpu.matmul %get3A_6, %get3A_9, %dot_general3A {dimension_numbers = #tpu.dot_dimension_numbers<[1], [0], [0], [1], [0, 0, 1, 1], [], []>, transpose_lhs_hint = false} : vector<400x128xf32>, vector<128x256xf32>, vector<400x256xf32> -> vector<400x256xf32>
    %mul3A = vector.broadcast %rsqrt3A : vector<400x1xf32> to vector<400x256xf32>
    %mul3A_11 = arith.mulf %dot_general3A_10, %mul3A : vector<400x256xf32>
    %slice3A = vector.extract_strided_slice %mul3A_11 {offsets = [0, 0], sizes = [400, 128], strides = [1, 1]} : vector<400x256xf32> to vector<400x128xf32>
    %swap3A_12 = arith.constant 0 : index
    %swap3A_13 = arith.constant 0 : index
    %swap3A_14 = arith.constant 0 : index
    %swap3A_15 = vector.load %arg5[%swap3A_12, %swap3A_13, %swap3A_14] : memref<2x400x128xf32, #tpu.memory_space<vmem>>, vector<1x400x128xf32>
    %swap3A_16 = vector.shape_cast %swap3A_15 : vector<1x400x128xf32> to vector<400x128xf32>
    %swap3A_17 = vector.shape_cast %slice3A : vector<400x128xf32> to vector<1x400x128xf32>
    tpu.vector_store %arg5[%swap3A_12, %swap3A_13, %swap3A_14], %swap3A_17 {strides = array<i32>} : memref<2x400x128xf32, #tpu.memory_space<vmem>>, vector<1x400x128xf32>,
    %slice3A_18 = vector.extract_strided_slice %mul3A_11 {offsets = [0, 128], sizes = [400, 128], strides = [1, 1]} : vector<400x256xf32> to vector<400x128xf32>
    %swap3A_19 = arith.constant 1 : index
    %swap3A_20 = arith.constant 0 : index
    %swap3A_21 = arith.constant 0 : index
    %swap3A_22 = vector.load %arg5[%swap3A_19, %swap3A_20, %swap3A_21] : memref<2x400x128xf32, #tpu.memory_space<vmem>>, vector<1x400x128xf32>
    %swap3A_23 = vector.shape_cast %swap3A_22 : vector<1x400x128xf32> to vector<400x128xf32>
    %swap3A_24 = vector.shape_cast %slice3A_18 : vector<400x128xf32> to vector<1x400x128xf32>
    tpu.vector_store %arg5[%swap3A_19, %swap3A_20, %swap3A_21], %swap3A_24 {strides = array<i32>} : memref<2x400x128xf32, #tpu.memory_space<vmem>>, vector<1x400x128xf32>,
    return
  }
  func.func @transform_0(%arg0: i32) -> (i32, i32) {
    %c0_i32 = arith.constant 0 : i32
    %c0_i32_0 = arith.constant 0 : i32
    return %arg0, %c0_i32 : i32, i32
  }
  func.func @transform_1(%arg0: i32) -> (i32, i32) {
    %c0_i32 = arith.constant 0 : i32
    %c0_i32_0 = arith.constant 0 : i32
    %c0_i32_1 = arith.constant 0 : i32
    return %c0_i32, %c0_i32_0 : i32, i32
  }
  func.func @transform_2(%arg0: i32) -> (i32, i32) {
    %c0_i32 = arith.constant 0 : i32
    %c0_i32_0 = arith.constant 0 : i32
    return %arg0, %c0_i32 : i32, i32
  }
  func.func @transform_3(%arg0: i32) -> (i32, i32) {
    %c0_i32 = arith.constant 0 : i32
    %c0_i32_0 = arith.constant 0 : i32
    return %arg0, %c0_i32 : i32, i32
  }
  func.func @transform_4(%arg0: i32) -> (i32, i32, i32) {
    %c0_i32 = arith.constant 0 : i32
    %c0_i32_0 = arith.constant 0 : i32
    %c0_i32_1 = arith.constant 0 : i32
    return %c0_i32, %arg0, %c0_i32_0 : i32, i32, i32
  }
}

module attributes {stable_mosaic.version = 14 : i64} {
  func.func @_tc_layer_body(%arg0: i32, %arg1: memref<2x400x128xf32, #tpu.memory_space<vmem>>, %arg2: memref<2x400x128xf32, #tpu.memory_space<vmem>>, %arg3: memref<400x1xf32, #tpu.memory_space<vmem>>, %arg4: memref<1x256xf32, #tpu.memory_space<vmem>>, %arg5: memref<256x256xf32, #tpu.memory_space<vmem>>, %arg6: memref<4xf32, #tpu.memory_space<smem>>, %arg7: memref<400x256xf32, #tpu.memory_space<vmem>>, %arg8: memref<2x400x128xf32, #tpu.memory_space<vmem>>, %arg9: memref<400x256xf32, #tpu.memory_space<vmem>>) attributes {dimension_semantics = [#tpu.dimension_semantics<arbitrary>], iteration_bounds = array<i64: 25>, scalar_prefetch = 0 : i64, scratch_operands = 0 : i64, tpu.core_type = #tpu.core_type<tc>, window_params = [{transform_indices = @transform_0, window_bounds = array<i64: 2, 400, 128>}, {transform_indices = @transform_1, window_bounds = array<i64: 2, 400, 128>}, {transform_indices = @transform_2, window_bounds = array<i64: 400, 1>}, {pipeline_mode = #tpu.pipeline_mode<synchronous>, transform_indices = @transform_3, window_bounds = array<i64: 1, 256>}, {pipeline_mode = #tpu.pipeline_mode<synchronous>, transform_indices = @transform_4, window_bounds = array<i64: 256, 256>}, {transform_indices = @transform_5, window_bounds = array<i64: 4>}, {transform_indices = @transform_6, window_bounds = array<i64: 400, 256>}, {transform_indices = @transform_7, window_bounds = array<i64: 2, 400, 128>}, {transform_indices = @transform_8, window_bounds = array<i64: 400, 256>}]} {
    %get3A = arith.constant 0 : index
    %get3A_0 = arith.constant 0 : index
    %get3A_1 = vector.load %arg3[%get3A, %get3A_0] : memref<400x1xf32, #tpu.memory_space<vmem>>, vector<400x1xf32>
    %get3A_2 = arith.constant 0 : index
    %get3A_3 = arith.constant 0 : index
    %get3A_4 = arith.constant 0 : index
    %get3A_5 = vector.load %arg1[%get3A_2, %get3A_3, %get3A_4] : memref<2x400x128xf32, #tpu.memory_space<vmem>>, vector<1x400x128xf32>
    %get3A_6 = vector.shape_cast %get3A_5 : vector<1x400x128xf32> to vector<400x128xf32>
    %get3A_7 = arith.constant 0 : index
    %get3A_8 = arith.constant 0 : index
    %get3A_9 = arith.constant 0 : index
    %get3A_10 = vector.load %arg2[%get3A_7, %get3A_8, %get3A_9] : memref<2x400x128xf32, #tpu.memory_space<vmem>>, vector<1x400x128xf32>
    %get3A_11 = vector.shape_cast %get3A_10 : vector<1x400x128xf32> to vector<400x128xf32>
    %add3A = arith.addf %get3A_6, %get3A_11 : vector<400x128xf32>
    %get3A_12 = arith.constant 1 : index
    %get3A_13 = arith.constant 0 : index
    %get3A_14 = arith.constant 0 : index
    %get3A_15 = vector.load %arg1[%get3A_12, %get3A_13, %get3A_14] : memref<2x400x128xf32, #tpu.memory_space<vmem>>, vector<1x400x128xf32>
    %get3A_16 = vector.shape_cast %get3A_15 : vector<1x400x128xf32> to vector<400x128xf32>
    %get3A_17 = arith.constant 1 : index
    %get3A_18 = arith.constant 0 : index
    %get3A_19 = arith.constant 0 : index
    %get3A_20 = vector.load %arg2[%get3A_17, %get3A_18, %get3A_19] : memref<2x400x128xf32, #tpu.memory_space<vmem>>, vector<1x400x128xf32>
    %get3A_21 = vector.shape_cast %get3A_20 : vector<1x400x128xf32> to vector<400x128xf32>
    %add3A_22 = arith.addf %get3A_16, %get3A_21 : vector<400x128xf32>
    %concatenate3A = tpu.concatenate %add3A, %add3A_22 in 1 : vector<400x128xf32>, vector<400x128xf32> -> vector<400x256xf32>
    %mul3A = vector.broadcast %get3A_1 : vector<400x1xf32> to vector<400x256xf32>
    %mul3A_23 = arith.mulf %concatenate3A, %mul3A : vector<400x256xf32>
    %get3A_24 = arith.constant 0 : index
    %get3A_25 = arith.constant 0 : index
    %get3A_26 = vector.load %arg4[%get3A_24, %get3A_25] : memref<1x256xf32, #tpu.memory_space<vmem>>, vector<1x256xf32>
    %add3A_27 = vector.broadcast %get3A_26 : vector<1x256xf32> to vector<400x256xf32>
    %add3A_28 = arith.addf %mul3A_23, %add3A_27 : vector<400x256xf32>
    %max3A = arith.constant 0.000000e+00 : f32
    %max3A_29 = vector.broadcast %max3A : f32 to vector<400x256xf32>
    %max3A_30 = arith.maximumf %add3A_28, %max3A_29 : vector<400x256xf32>
    %get3A_31 = arith.constant 0 : index
    %get3A_32 = arith.constant 0 : index
    %get3A_33 = vector.load %arg7[%get3A_31, %get3A_32] : memref<400x256xf32, #tpu.memory_space<vmem>>, vector<400x256xf32>
    %get3A_34 = arith.constant 0 : index
    %get3A_35 = memref.load %arg6[%get3A_34] : memref<4xf32, #tpu.memory_space<smem>>
    %mul3A_36 = vector.broadcast %get3A_35 : f32 to vector<400x256xf32>
    %mul3A_37 = arith.mulf %mul3A_36, %max3A_30 : vector<400x256xf32>
    %add3A_38 = arith.addf %get3A_33, %mul3A_37 : vector<400x256xf32>
    %swap3A = arith.constant 0 : index
    %swap3A_39 = arith.constant 0 : index
    %swap3A_40 = vector.load %arg9[%swap3A, %swap3A_39] : memref<400x256xf32, #tpu.memory_space<vmem>>, vector<400x256xf32>
    tpu.vector_store %arg9[%swap3A, %swap3A_39], %add3A_38 {strides = array<i32>} : memref<400x256xf32, #tpu.memory_space<vmem>>, vector<400x256xf32>,
    %get3A_41 = arith.constant 0 : index
    %get3A_42 = arith.constant 0 : index
    %get3A_43 = vector.load %arg5[%get3A_41, %get3A_42] : memref<256x256xf32, #tpu.memory_space<vmem>>, vector<256x256xf32>
    %dot_general3A = arith.constant dense<0.000000e+00> : vector<400x256xf32>
    %dot_general3A_44 = tpu.matmul %max3A_30, %get3A_43, %dot_general3A {dimension_numbers = #tpu.dot_dimension_numbers<[1], [0], [0], [1], [0, 0, 1, 1], [], []>, transpose_lhs_hint = false} : vector<400x256xf32>, vector<256x256xf32>, vector<400x256xf32> -> vector<400x256xf32>
    %mul3A_45 = vector.broadcast %get3A_1 : vector<400x1xf32> to vector<400x256xf32>
    %mul3A_46 = arith.mulf %dot_general3A_44, %mul3A_45 : vector<400x256xf32>
    %slice3A = vector.extract_strided_slice %mul3A_46 {offsets = [0, 0], sizes = [400, 128], strides = [1, 1]} : vector<400x256xf32> to vector<400x128xf32>
    %swap3A_47 = arith.constant 0 : index
    %swap3A_48 = arith.constant 0 : index
    %swap3A_49 = arith.constant 0 : index
    %swap3A_50 = vector.load %arg8[%swap3A_47, %swap3A_48, %swap3A_49] : memref<2x400x128xf32, #tpu.memory_space<vmem>>, vector<1x400x128xf32>
    %swap3A_51 = vector.shape_cast %swap3A_50 : vector<1x400x128xf32> to vector<400x128xf32>
    %swap3A_52 = vector.shape_cast %slice3A : vector<400x128xf32> to vector<1x400x128xf32>
    tpu.vector_store %arg8[%swap3A_47, %swap3A_48, %swap3A_49], %swap3A_52 {strides = array<i32>} : memref<2x400x128xf32, #tpu.memory_space<vmem>>, vector<1x400x128xf32>,
    %slice3A_53 = vector.extract_strided_slice %mul3A_46 {offsets = [0, 128], sizes = [400, 128], strides = [1, 1]} : vector<400x256xf32> to vector<400x128xf32>
    %swap3A_54 = arith.constant 1 : index
    %swap3A_55 = arith.constant 0 : index
    %swap3A_56 = arith.constant 0 : index
    %swap3A_57 = vector.load %arg8[%swap3A_54, %swap3A_55, %swap3A_56] : memref<2x400x128xf32, #tpu.memory_space<vmem>>, vector<1x400x128xf32>
    %swap3A_58 = vector.shape_cast %swap3A_57 : vector<1x400x128xf32> to vector<400x128xf32>
    %swap3A_59 = vector.shape_cast %slice3A_53 : vector<400x128xf32> to vector<1x400x128xf32>
    tpu.vector_store %arg8[%swap3A_54, %swap3A_55, %swap3A_56], %swap3A_59 {strides = array<i32>} : memref<2x400x128xf32, #tpu.memory_space<vmem>>, vector<1x400x128xf32>,
    return
  }
  func.func @transform_0(%arg0: i32) -> (i32, i32, i32) {
    %c0_i32 = arith.constant 0 : i32
    %c0_i32_0 = arith.constant 0 : i32
    %c0_i32_1 = arith.constant 0 : i32
    return %c0_i32, %arg0, %c0_i32_0 : i32, i32, i32
  }
  func.func @transform_1(%arg0: i32) -> (i32, i32, i32) {
    %c0_i32 = arith.constant 0 : i32
    %c0_i32_0 = arith.constant 0 : i32
    %c0_i32_1 = arith.constant 0 : i32
    return %c0_i32, %arg0, %c0_i32_0 : i32, i32, i32
  }
  func.func @transform_2(%arg0: i32) -> (i32, i32) {
    %c0_i32 = arith.constant 0 : i32
    %c0_i32_0 = arith.constant 0 : i32
    return %arg0, %c0_i32 : i32, i32
  }
  func.func @transform_3(%arg0: i32) -> (i32, i32) {
    %c0_i32 = arith.constant 0 : i32
    %c0_i32_0 = arith.constant 0 : i32
    %c0_i32_1 = arith.constant 0 : i32
    return %c0_i32, %c0_i32_0 : i32, i32
  }
  func.func @transform_4(%arg0: i32) -> (i32, i32) {
    %c0_i32 = arith.constant 0 : i32
    %c0_i32_0 = arith.constant 0 : i32
    %c0_i32_1 = arith.constant 0 : i32
    return %c0_i32, %c0_i32_0 : i32, i32
  }
  func.func @transform_5(%arg0: i32) -> i32 {
    %c0_i32 = arith.constant 0 : i32
    %c0_i32_0 = arith.constant 0 : i32
    return %c0_i32 : i32
  }
  func.func @transform_6(%arg0: i32) -> (i32, i32) {
    %c0_i32 = arith.constant 0 : i32
    %c0_i32_0 = arith.constant 0 : i32
    return %arg0, %c0_i32 : i32, i32
  }
  func.func @transform_7(%arg0: i32) -> (i32, i32, i32) {
    %c0_i32 = arith.constant 0 : i32
    %c0_i32_0 = arith.constant 0 : i32
    %c0_i32_1 = arith.constant 0 : i32
    return %c0_i32, %arg0, %c0_i32_0 : i32, i32, i32
  }
  func.func @transform_8(%arg0: i32) -> (i32, i32) {
    %c0_i32 = arith.constant 0 : i32
    %c0_i32_0 = arith.constant 0 : i32
    return %arg0, %c0_i32 : i32, i32
  }
}

module attributes {stable_mosaic.version = 14 : i64} {
  func.func @_tc_layer_body(%arg0: i32, %arg1: memref<2x400x128xf32, #tpu.memory_space<vmem>>, %arg2: memref<2x400x128xf32, #tpu.memory_space<vmem>>, %arg3: memref<400x1xf32, #tpu.memory_space<vmem>>, %arg4: memref<1x256xf32, #tpu.memory_space<vmem>>, %arg5: memref<256x256xf32, #tpu.memory_space<vmem>>, %arg6: memref<4xf32, #tpu.memory_space<smem>>, %arg7: memref<400x256xf32, #tpu.memory_space<vmem>>, %arg8: memref<2x400x128xf32, #tpu.memory_space<vmem>>, %arg9: memref<400x256xf32, #tpu.memory_space<vmem>>) attributes {dimension_semantics = [#tpu.dimension_semantics<arbitrary>], iteration_bounds = array<i64: 25>, scalar_prefetch = 0 : i64, scratch_operands = 0 : i64, tpu.core_type = #tpu.core_type<tc>, window_params = [{transform_indices = @transform_0, window_bounds = array<i64: 2, 400, 128>}, {transform_indices = @transform_1, window_bounds = array<i64: 2, 400, 128>}, {transform_indices = @transform_2, window_bounds = array<i64: 400, 1>}, {pipeline_mode = #tpu.pipeline_mode<synchronous>, transform_indices = @transform_3, window_bounds = array<i64: 1, 256>}, {pipeline_mode = #tpu.pipeline_mode<synchronous>, transform_indices = @transform_4, window_bounds = array<i64: 256, 256>}, {transform_indices = @transform_5, window_bounds = array<i64: 4>}, {transform_indices = @transform_6, window_bounds = array<i64: 400, 256>}, {transform_indices = @transform_7, window_bounds = array<i64: 2, 400, 128>}, {transform_indices = @transform_8, window_bounds = array<i64: 400, 256>}]} {
    %get3A = arith.constant 0 : index
    %get3A_0 = arith.constant 0 : index
    %get3A_1 = vector.load %arg3[%get3A, %get3A_0] : memref<400x1xf32, #tpu.memory_space<vmem>>, vector<400x1xf32>
    %get3A_2 = arith.constant 0 : index
    %get3A_3 = arith.constant 0 : index
    %get3A_4 = arith.constant 0 : index
    %get3A_5 = vector.load %arg1[%get3A_2, %get3A_3, %get3A_4] : memref<2x400x128xf32, #tpu.memory_space<vmem>>, vector<1x400x128xf32>
    %get3A_6 = vector.shape_cast %get3A_5 : vector<1x400x128xf32> to vector<400x128xf32>
    %get3A_7 = arith.constant 0 : index
    %get3A_8 = arith.constant 0 : index
    %get3A_9 = arith.constant 0 : index
    %get3A_10 = vector.load %arg2[%get3A_7, %get3A_8, %get3A_9] : memref<2x400x128xf32, #tpu.memory_space<vmem>>, vector<1x400x128xf32>
    %get3A_11 = vector.shape_cast %get3A_10 : vector<1x400x128xf32> to vector<400x128xf32>
    %add3A = arith.addf %get3A_6, %get3A_11 : vector<400x128xf32>
    %get3A_12 = arith.constant 1 : index
    %get3A_13 = arith.constant 0 : index
    %get3A_14 = arith.constant 0 : index
    %get3A_15 = vector.load %arg1[%get3A_12, %get3A_13, %get3A_14] : memref<2x400x128xf32, #tpu.memory_space<vmem>>, vector<1x400x128xf32>
    %get3A_16 = vector.shape_cast %get3A_15 : vector<1x400x128xf32> to vector<400x128xf32>
    %get3A_17 = arith.constant 1 : index
    %get3A_18 = arith.constant 0 : index
    %get3A_19 = arith.constant 0 : index
    %get3A_20 = vector.load %arg2[%get3A_17, %get3A_18, %get3A_19] : memref<2x400x128xf32, #tpu.memory_space<vmem>>, vector<1x400x128xf32>
    %get3A_21 = vector.shape_cast %get3A_20 : vector<1x400x128xf32> to vector<400x128xf32>
    %add3A_22 = arith.addf %get3A_16, %get3A_21 : vector<400x128xf32>
    %concatenate3A = tpu.concatenate %add3A, %add3A_22 in 1 : vector<400x128xf32>, vector<400x128xf32> -> vector<400x256xf32>
    %mul3A = vector.broadcast %get3A_1 : vector<400x1xf32> to vector<400x256xf32>
    %mul3A_23 = arith.mulf %concatenate3A, %mul3A : vector<400x256xf32>
    %get3A_24 = arith.constant 0 : index
    %get3A_25 = arith.constant 0 : index
    %get3A_26 = vector.load %arg4[%get3A_24, %get3A_25] : memref<1x256xf32, #tpu.memory_space<vmem>>, vector<1x256xf32>
    %add3A_27 = vector.broadcast %get3A_26 : vector<1x256xf32> to vector<400x256xf32>
    %add3A_28 = arith.addf %mul3A_23, %add3A_27 : vector<400x256xf32>
    %max3A = arith.constant 0.000000e+00 : f32
    %max3A_29 = vector.broadcast %max3A : f32 to vector<400x256xf32>
    %max3A_30 = arith.maximumf %add3A_28, %max3A_29 : vector<400x256xf32>
    %get3A_31 = arith.constant 0 : index
    %get3A_32 = arith.constant 0 : index
    %get3A_33 = vector.load %arg7[%get3A_31, %get3A_32] : memref<400x256xf32, #tpu.memory_space<vmem>>, vector<400x256xf32>
    %get3A_34 = arith.constant 1 : index
    %get3A_35 = memref.load %arg6[%get3A_34] : memref<4xf32, #tpu.memory_space<smem>>
    %mul3A_36 = vector.broadcast %get3A_35 : f32 to vector<400x256xf32>
    %mul3A_37 = arith.mulf %mul3A_36, %max3A_30 : vector<400x256xf32>
    %add3A_38 = arith.addf %get3A_33, %mul3A_37 : vector<400x256xf32>
    %swap3A = arith.constant 0 : index
    %swap3A_39 = arith.constant 0 : index
    %swap3A_40 = vector.load %arg9[%swap3A, %swap3A_39] : memref<400x256xf32, #tpu.memory_space<vmem>>, vector<400x256xf32>
    tpu.vector_store %arg9[%swap3A, %swap3A_39], %add3A_38 {strides = array<i32>} : memref<400x256xf32, #tpu.memory_space<vmem>>, vector<400x256xf32>,
    %get3A_41 = arith.constant 0 : index
    %get3A_42 = arith.constant 0 : index
    %get3A_43 = vector.load %arg5[%get3A_41, %get3A_42] : memref<256x256xf32, #tpu.memory_space<vmem>>, vector<256x256xf32>
    %dot_general3A = arith.constant dense<0.000000e+00> : vector<400x256xf32>
    %dot_general3A_44 = tpu.matmul %max3A_30, %get3A_43, %dot_general3A {dimension_numbers = #tpu.dot_dimension_numbers<[1], [0], [0], [1], [0, 0, 1, 1], [], []>, transpose_lhs_hint = false} : vector<400x256xf32>, vector<256x256xf32>, vector<400x256xf32> -> vector<400x256xf32>
    %mul3A_45 = vector.broadcast %get3A_1 : vector<400x1xf32> to vector<400x256xf32>
    %mul3A_46 = arith.mulf %dot_general3A_44, %mul3A_45 : vector<400x256xf32>
    %slice3A = vector.extract_strided_slice %mul3A_46 {offsets = [0, 0], sizes = [400, 128], strides = [1, 1]} : vector<400x256xf32> to vector<400x128xf32>
    %swap3A_47 = arith.constant 0 : index
    %swap3A_48 = arith.constant 0 : index
    %swap3A_49 = arith.constant 0 : index
    %swap3A_50 = vector.load %arg8[%swap3A_47, %swap3A_48, %swap3A_49] : memref<2x400x128xf32, #tpu.memory_space<vmem>>, vector<1x400x128xf32>
    %swap3A_51 = vector.shape_cast %swap3A_50 : vector<1x400x128xf32> to vector<400x128xf32>
    %swap3A_52 = vector.shape_cast %slice3A : vector<400x128xf32> to vector<1x400x128xf32>
    tpu.vector_store %arg8[%swap3A_47, %swap3A_48, %swap3A_49], %swap3A_52 {strides = array<i32>} : memref<2x400x128xf32, #tpu.memory_space<vmem>>, vector<1x400x128xf32>,
    %slice3A_53 = vector.extract_strided_slice %mul3A_46 {offsets = [0, 128], sizes = [400, 128], strides = [1, 1]} : vector<400x256xf32> to vector<400x128xf32>
    %swap3A_54 = arith.constant 1 : index
    %swap3A_55 = arith.constant 0 : index
    %swap3A_56 = arith.constant 0 : index
    %swap3A_57 = vector.load %arg8[%swap3A_54, %swap3A_55, %swap3A_56] : memref<2x400x128xf32, #tpu.memory_space<vmem>>, vector<1x400x128xf32>
    %swap3A_58 = vector.shape_cast %swap3A_57 : vector<1x400x128xf32> to vector<400x128xf32>
    %swap3A_59 = vector.shape_cast %slice3A_53 : vector<400x128xf32> to vector<1x400x128xf32>
    tpu.vector_store %arg8[%swap3A_54, %swap3A_55, %swap3A_56], %swap3A_59 {strides = array<i32>} : memref<2x400x128xf32, #tpu.memory_space<vmem>>, vector<1x400x128xf32>,
    return
  }
  func.func @transform_0(%arg0: i32) -> (i32, i32, i32) {
    %c0_i32 = arith.constant 0 : i32
    %c0_i32_0 = arith.constant 0 : i32
    %c0_i32_1 = arith.constant 0 : i32
    return %c0_i32, %arg0, %c0_i32_0 : i32, i32, i32
  }
  func.func @transform_1(%arg0: i32) -> (i32, i32, i32) {
    %c0_i32 = arith.constant 0 : i32
    %c0_i32_0 = arith.constant 0 : i32
    %c0_i32_1 = arith.constant 0 : i32
    return %c0_i32, %arg0, %c0_i32_0 : i32, i32, i32
  }
  func.func @transform_2(%arg0: i32) -> (i32, i32) {
    %c0_i32 = arith.constant 0 : i32
    %c0_i32_0 = arith.constant 0 : i32
    return %arg0, %c0_i32 : i32, i32
  }
  func.func @transform_3(%arg0: i32) -> (i32, i32) {
    %c0_i32 = arith.constant 0 : i32
    %c0_i32_0 = arith.constant 0 : i32
    %c0_i32_1 = arith.constant 0 : i32
    return %c0_i32, %c0_i32_0 : i32, i32
  }
  func.func @transform_4(%arg0: i32) -> (i32, i32) {
    %c0_i32 = arith.constant 0 : i32
    %c0_i32_0 = arith.constant 0 : i32
    %c0_i32_1 = arith.constant 0 : i32
    return %c0_i32, %c0_i32_0 : i32, i32
  }
  func.func @transform_5(%arg0: i32) -> i32 {
    %c0_i32 = arith.constant 0 : i32
    %c0_i32_0 = arith.constant 0 : i32
    return %c0_i32 : i32
  }
  func.func @transform_6(%arg0: i32) -> (i32, i32) {
    %c0_i32 = arith.constant 0 : i32
    %c0_i32_0 = arith.constant 0 : i32
    return %arg0, %c0_i32 : i32, i32
  }
  func.func @transform_7(%arg0: i32) -> (i32, i32, i32) {
    %c0_i32 = arith.constant 0 : i32
    %c0_i32_0 = arith.constant 0 : i32
    %c0_i32_1 = arith.constant 0 : i32
    return %c0_i32, %arg0, %c0_i32_0 : i32, i32, i32
  }
  func.func @transform_8(%arg0: i32) -> (i32, i32) {
    %c0_i32 = arith.constant 0 : i32
    %c0_i32_0 = arith.constant 0 : i32
    return %arg0, %c0_i32 : i32, i32
  }
}

module attributes {stable_mosaic.version = 14 : i64} {
  func.func @_tc_layer_body(%arg0: i32, %arg1: memref<2x400x128xf32, #tpu.memory_space<vmem>>, %arg2: memref<2x400x128xf32, #tpu.memory_space<vmem>>, %arg3: memref<400x1xf32, #tpu.memory_space<vmem>>, %arg4: memref<1x256xf32, #tpu.memory_space<vmem>>, %arg5: memref<256x256xf32, #tpu.memory_space<vmem>>, %arg6: memref<4xf32, #tpu.memory_space<smem>>, %arg7: memref<400x256xf32, #tpu.memory_space<vmem>>, %arg8: memref<2x400x128xf32, #tpu.memory_space<vmem>>, %arg9: memref<400x256xf32, #tpu.memory_space<vmem>>) attributes {dimension_semantics = [#tpu.dimension_semantics<arbitrary>], iteration_bounds = array<i64: 25>, scalar_prefetch = 0 : i64, scratch_operands = 0 : i64, tpu.core_type = #tpu.core_type<tc>, window_params = [{transform_indices = @transform_0, window_bounds = array<i64: 2, 400, 128>}, {transform_indices = @transform_1, window_bounds = array<i64: 2, 400, 128>}, {transform_indices = @transform_2, window_bounds = array<i64: 400, 1>}, {pipeline_mode = #tpu.pipeline_mode<synchronous>, transform_indices = @transform_3, window_bounds = array<i64: 1, 256>}, {pipeline_mode = #tpu.pipeline_mode<synchronous>, transform_indices = @transform_4, window_bounds = array<i64: 256, 256>}, {transform_indices = @transform_5, window_bounds = array<i64: 4>}, {transform_indices = @transform_6, window_bounds = array<i64: 400, 256>}, {transform_indices = @transform_7, window_bounds = array<i64: 2, 400, 128>}, {transform_indices = @transform_8, window_bounds = array<i64: 400, 256>}]} {
    %get3A = arith.constant 0 : index
    %get3A_0 = arith.constant 0 : index
    %get3A_1 = vector.load %arg3[%get3A, %get3A_0] : memref<400x1xf32, #tpu.memory_space<vmem>>, vector<400x1xf32>
    %get3A_2 = arith.constant 0 : index
    %get3A_3 = arith.constant 0 : index
    %get3A_4 = arith.constant 0 : index
    %get3A_5 = vector.load %arg1[%get3A_2, %get3A_3, %get3A_4] : memref<2x400x128xf32, #tpu.memory_space<vmem>>, vector<1x400x128xf32>
    %get3A_6 = vector.shape_cast %get3A_5 : vector<1x400x128xf32> to vector<400x128xf32>
    %get3A_7 = arith.constant 0 : index
    %get3A_8 = arith.constant 0 : index
    %get3A_9 = arith.constant 0 : index
    %get3A_10 = vector.load %arg2[%get3A_7, %get3A_8, %get3A_9] : memref<2x400x128xf32, #tpu.memory_space<vmem>>, vector<1x400x128xf32>
    %get3A_11 = vector.shape_cast %get3A_10 : vector<1x400x128xf32> to vector<400x128xf32>
    %add3A = arith.addf %get3A_6, %get3A_11 : vector<400x128xf32>
    %get3A_12 = arith.constant 1 : index
    %get3A_13 = arith.constant 0 : index
    %get3A_14 = arith.constant 0 : index
    %get3A_15 = vector.load %arg1[%get3A_12, %get3A_13, %get3A_14] : memref<2x400x128xf32, #tpu.memory_space<vmem>>, vector<1x400x128xf32>
    %get3A_16 = vector.shape_cast %get3A_15 : vector<1x400x128xf32> to vector<400x128xf32>
    %get3A_17 = arith.constant 1 : index
    %get3A_18 = arith.constant 0 : index
    %get3A_19 = arith.constant 0 : index
    %get3A_20 = vector.load %arg2[%get3A_17, %get3A_18, %get3A_19] : memref<2x400x128xf32, #tpu.memory_space<vmem>>, vector<1x400x128xf32>
    %get3A_21 = vector.shape_cast %get3A_20 : vector<1x400x128xf32> to vector<400x128xf32>
    %add3A_22 = arith.addf %get3A_16, %get3A_21 : vector<400x128xf32>
    %concatenate3A = tpu.concatenate %add3A, %add3A_22 in 1 : vector<400x128xf32>, vector<400x128xf32> -> vector<400x256xf32>
    %mul3A = vector.broadcast %get3A_1 : vector<400x1xf32> to vector<400x256xf32>
    %mul3A_23 = arith.mulf %concatenate3A, %mul3A : vector<400x256xf32>
    %get3A_24 = arith.constant 0 : index
    %get3A_25 = arith.constant 0 : index
    %get3A_26 = vector.load %arg4[%get3A_24, %get3A_25] : memref<1x256xf32, #tpu.memory_space<vmem>>, vector<1x256xf32>
    %add3A_27 = vector.broadcast %get3A_26 : vector<1x256xf32> to vector<400x256xf32>
    %add3A_28 = arith.addf %mul3A_23, %add3A_27 : vector<400x256xf32>
    %max3A = arith.constant 0.000000e+00 : f32
    %max3A_29 = vector.broadcast %max3A : f32 to vector<400x256xf32>
    %max3A_30 = arith.maximumf %add3A_28, %max3A_29 : vector<400x256xf32>
    %get3A_31 = arith.constant 0 : index
    %get3A_32 = arith.constant 0 : index
    %get3A_33 = vector.load %arg7[%get3A_31, %get3A_32] : memref<400x256xf32, #tpu.memory_space<vmem>>, vector<400x256xf32>
    %get3A_34 = arith.constant 2 : index
    %get3A_35 = memref.load %arg6[%get3A_34] : memref<4xf32, #tpu.memory_space<smem>>
    %mul3A_36 = vector.broadcast %get3A_35 : f32 to vector<400x256xf32>
    %mul3A_37 = arith.mulf %mul3A_36, %max3A_30 : vector<400x256xf32>
    %add3A_38 = arith.addf %get3A_33, %mul3A_37 : vector<400x256xf32>
    %swap3A = arith.constant 0 : index
    %swap3A_39 = arith.constant 0 : index
    %swap3A_40 = vector.load %arg9[%swap3A, %swap3A_39] : memref<400x256xf32, #tpu.memory_space<vmem>>, vector<400x256xf32>
    tpu.vector_store %arg9[%swap3A, %swap3A_39], %add3A_38 {strides = array<i32>} : memref<400x256xf32, #tpu.memory_space<vmem>>, vector<400x256xf32>,
    %get3A_41 = arith.constant 0 : index
    %get3A_42 = arith.constant 0 : index
    %get3A_43 = vector.load %arg5[%get3A_41, %get3A_42] : memref<256x256xf32, #tpu.memory_space<vmem>>, vector<256x256xf32>
    %dot_general3A = arith.constant dense<0.000000e+00> : vector<400x256xf32>
    %dot_general3A_44 = tpu.matmul %max3A_30, %get3A_43, %dot_general3A {dimension_numbers = #tpu.dot_dimension_numbers<[1], [0], [0], [1], [0, 0, 1, 1], [], []>, transpose_lhs_hint = false} : vector<400x256xf32>, vector<256x256xf32>, vector<400x256xf32> -> vector<400x256xf32>
    %mul3A_45 = vector.broadcast %get3A_1 : vector<400x1xf32> to vector<400x256xf32>
    %mul3A_46 = arith.mulf %dot_general3A_44, %mul3A_45 : vector<400x256xf32>
    %slice3A = vector.extract_strided_slice %mul3A_46 {offsets = [0, 0], sizes = [400, 128], strides = [1, 1]} : vector<400x256xf32> to vector<400x128xf32>
    %swap3A_47 = arith.constant 0 : index
    %swap3A_48 = arith.constant 0 : index
    %swap3A_49 = arith.constant 0 : index
    %swap3A_50 = vector.load %arg8[%swap3A_47, %swap3A_48, %swap3A_49] : memref<2x400x128xf32, #tpu.memory_space<vmem>>, vector<1x400x128xf32>
    %swap3A_51 = vector.shape_cast %swap3A_50 : vector<1x400x128xf32> to vector<400x128xf32>
    %swap3A_52 = vector.shape_cast %slice3A : vector<400x128xf32> to vector<1x400x128xf32>
    tpu.vector_store %arg8[%swap3A_47, %swap3A_48, %swap3A_49], %swap3A_52 {strides = array<i32>} : memref<2x400x128xf32, #tpu.memory_space<vmem>>, vector<1x400x128xf32>,
    %slice3A_53 = vector.extract_strided_slice %mul3A_46 {offsets = [0, 128], sizes = [400, 128], strides = [1, 1]} : vector<400x256xf32> to vector<400x128xf32>
    %swap3A_54 = arith.constant 1 : index
    %swap3A_55 = arith.constant 0 : index
    %swap3A_56 = arith.constant 0 : index
    %swap3A_57 = vector.load %arg8[%swap3A_54, %swap3A_55, %swap3A_56] : memref<2x400x128xf32, #tpu.memory_space<vmem>>, vector<1x400x128xf32>
    %swap3A_58 = vector.shape_cast %swap3A_57 : vector<1x400x128xf32> to vector<400x128xf32>
    %swap3A_59 = vector.shape_cast %slice3A_53 : vector<400x128xf32> to vector<1x400x128xf32>
    tpu.vector_store %arg8[%swap3A_54, %swap3A_55, %swap3A_56], %swap3A_59 {strides = array<i32>} : memref<2x400x128xf32, #tpu.memory_space<vmem>>, vector<1x400x128xf32>,
    return
  }
  func.func @transform_0(%arg0: i32) -> (i32, i32, i32) {
    %c0_i32 = arith.constant 0 : i32
    %c0_i32_0 = arith.constant 0 : i32
    %c0_i32_1 = arith.constant 0 : i32
    return %c0_i32, %arg0, %c0_i32_0 : i32, i32, i32
  }
  func.func @transform_1(%arg0: i32) -> (i32, i32, i32) {
    %c0_i32 = arith.constant 0 : i32
    %c0_i32_0 = arith.constant 0 : i32
    %c0_i32_1 = arith.constant 0 : i32
    return %c0_i32, %arg0, %c0_i32_0 : i32, i32, i32
  }
  func.func @transform_2(%arg0: i32) -> (i32, i32) {
    %c0_i32 = arith.constant 0 : i32
    %c0_i32_0 = arith.constant 0 : i32
    return %arg0, %c0_i32 : i32, i32
  }
  func.func @transform_3(%arg0: i32) -> (i32, i32) {
    %c0_i32 = arith.constant 0 : i32
    %c0_i32_0 = arith.constant 0 : i32
    %c0_i32_1 = arith.constant 0 : i32
    return %c0_i32, %c0_i32_0 : i32, i32
  }
  func.func @transform_4(%arg0: i32) -> (i32, i32) {
    %c0_i32 = arith.constant 0 : i32
    %c0_i32_0 = arith.constant 0 : i32
    %c0_i32_1 = arith.constant 0 : i32
    return %c0_i32, %c0_i32_0 : i32, i32
  }
  func.func @transform_5(%arg0: i32) -> i32 {
    %c0_i32 = arith.constant 0 : i32
    %c0_i32_0 = arith.constant 0 : i32
    return %c0_i32 : i32
  }
  func.func @transform_6(%arg0: i32) -> (i32, i32) {
    %c0_i32 = arith.constant 0 : i32
    %c0_i32_0 = arith.constant 0 : i32
    return %arg0, %c0_i32 : i32, i32
  }
  func.func @transform_7(%arg0: i32) -> (i32, i32, i32) {
    %c0_i32 = arith.constant 0 : i32
    %c0_i32_0 = arith.constant 0 : i32
    %c0_i32_1 = arith.constant 0 : i32
    return %c0_i32, %arg0, %c0_i32_0 : i32, i32, i32
  }
  func.func @transform_8(%arg0: i32) -> (i32, i32) {
    %c0_i32 = arith.constant 0 : i32
    %c0_i32_0 = arith.constant 0 : i32
    return %arg0, %c0_i32 : i32, i32
  }
}

module attributes {stable_mosaic.version = 14 : i64} {
  func.func @_tc_layer4_body(%arg0: i32, %arg1: memref<2x400x128xf32, #tpu.memory_space<vmem>>, %arg2: memref<2x400x128xf32, #tpu.memory_space<vmem>>, %arg3: memref<400x1xf32, #tpu.memory_space<vmem>>, %arg4: memref<1x256xf32, #tpu.memory_space<vmem>>, %arg5: memref<256x128xf32, #tpu.memory_space<vmem>>, %arg6: memref<4xf32, #tpu.memory_space<smem>>, %arg7: memref<400x256xf32, #tpu.memory_space<vmem>>, %arg8: memref<400x128xf32, #tpu.memory_space<vmem>>) attributes {dimension_semantics = [#tpu.dimension_semantics<arbitrary>], iteration_bounds = array<i64: 25>, scalar_prefetch = 0 : i64, scratch_operands = 0 : i64, tpu.core_type = #tpu.core_type<tc>, window_params = [{transform_indices = @transform_0, window_bounds = array<i64: 2, 400, 128>}, {transform_indices = @transform_1, window_bounds = array<i64: 2, 400, 128>}, {transform_indices = @transform_2, window_bounds = array<i64: 400, 1>}, {pipeline_mode = #tpu.pipeline_mode<synchronous>, transform_indices = @transform_3, window_bounds = array<i64: 1, 256>}, {pipeline_mode = #tpu.pipeline_mode<synchronous>, transform_indices = @transform_4, window_bounds = array<i64: 256, 128>}, {transform_indices = @transform_5, window_bounds = array<i64: 4>}, {transform_indices = @transform_6, window_bounds = array<i64: 400, 256>}, {transform_indices = @transform_7, window_bounds = array<i64: 400, 128>}]} {
    %get3A = arith.constant 0 : index
    %get3A_0 = arith.constant 0 : index
    %get3A_1 = vector.load %arg3[%get3A, %get3A_0] : memref<400x1xf32, #tpu.memory_space<vmem>>, vector<400x1xf32>
    %get3A_2 = arith.constant 0 : index
    %get3A_3 = arith.constant 0 : index
    %get3A_4 = arith.constant 0 : index
    %get3A_5 = vector.load %arg1[%get3A_2, %get3A_3, %get3A_4] : memref<2x400x128xf32, #tpu.memory_space<vmem>>, vector<1x400x128xf32>
    %get3A_6 = vector.shape_cast %get3A_5 : vector<1x400x128xf32> to vector<400x128xf32>
    %get3A_7 = arith.constant 0 : index
    %get3A_8 = arith.constant 0 : index
    %get3A_9 = arith.constant 0 : index
    %get3A_10 = vector.load %arg2[%get3A_7, %get3A_8, %get3A_9] : memref<2x400x128xf32, #tpu.memory_space<vmem>>, vector<1x400x128xf32>
    %get3A_11 = vector.shape_cast %get3A_10 : vector<1x400x128xf32> to vector<400x128xf32>
    %add3A = arith.addf %get3A_6, %get3A_11 : vector<400x128xf32>
    %get3A_12 = arith.constant 1 : index
    %get3A_13 = arith.constant 0 : index
    %get3A_14 = arith.constant 0 : index
    %get3A_15 = vector.load %arg1[%get3A_12, %get3A_13, %get3A_14] : memref<2x400x128xf32, #tpu.memory_space<vmem>>, vector<1x400x128xf32>
    %get3A_16 = vector.shape_cast %get3A_15 : vector<1x400x128xf32> to vector<400x128xf32>
    %get3A_17 = arith.constant 1 : index
    %get3A_18 = arith.constant 0 : index
    %get3A_19 = arith.constant 0 : index
    %get3A_20 = vector.load %arg2[%get3A_17, %get3A_18, %get3A_19] : memref<2x400x128xf32, #tpu.memory_space<vmem>>, vector<1x400x128xf32>
    %get3A_21 = vector.shape_cast %get3A_20 : vector<1x400x128xf32> to vector<400x128xf32>
    %add3A_22 = arith.addf %get3A_16, %get3A_21 : vector<400x128xf32>
    %concatenate3A = tpu.concatenate %add3A, %add3A_22 in 1 : vector<400x128xf32>, vector<400x128xf32> -> vector<400x256xf32>
    %mul3A = vector.broadcast %get3A_1 : vector<400x1xf32> to vector<400x256xf32>
    %mul3A_23 = arith.mulf %concatenate3A, %mul3A : vector<400x256xf32>
    %get3A_24 = arith.constant 0 : index
    %get3A_25 = arith.constant 0 : index
    %get3A_26 = vector.load %arg4[%get3A_24, %get3A_25] : memref<1x256xf32, #tpu.memory_space<vmem>>, vector<1x256xf32>
    %add3A_27 = vector.broadcast %get3A_26 : vector<1x256xf32> to vector<400x256xf32>
    %add3A_28 = arith.addf %mul3A_23, %add3A_27 : vector<400x256xf32>
    %max3A = arith.constant 0.000000e+00 : f32
    %max3A_29 = vector.broadcast %max3A : f32 to vector<400x256xf32>
    %max3A_30 = arith.maximumf %add3A_28, %max3A_29 : vector<400x256xf32>
    %get3A_31 = arith.constant 0 : index
    %get3A_32 = arith.constant 0 : index
    %get3A_33 = vector.load %arg7[%get3A_31, %get3A_32] : memref<400x256xf32, #tpu.memory_space<vmem>>, vector<400x256xf32>
    %get3A_34 = arith.constant 3 : index
    %get3A_35 = memref.load %arg6[%get3A_34] : memref<4xf32, #tpu.memory_space<smem>>
    %mul3A_36 = vector.broadcast %get3A_35 : f32 to vector<400x256xf32>
    %mul3A_37 = arith.mulf %mul3A_36, %max3A_30 : vector<400x256xf32>
    %add3A_38 = arith.addf %get3A_33, %mul3A_37 : vector<400x256xf32>
    %get3A_39 = arith.constant 0 : index
    %get3A_40 = arith.constant 0 : index
    %get3A_41 = vector.load %arg5[%get3A_39, %get3A_40] : memref<256x128xf32, #tpu.memory_space<vmem>>, vector<256x128xf32>
    %dot_general3A = arith.constant dense<0.000000e+00> : vector<400x128xf32>
    %dot_general3A_42 = tpu.matmul %add3A_38, %get3A_41, %dot_general3A {dimension_numbers = #tpu.dot_dimension_numbers<[1], [0], [0], [1], [0, 0, 1, 1], [], []>, transpose_lhs_hint = false} : vector<400x256xf32>, vector<256x128xf32>, vector<400x128xf32> -> vector<400x128xf32>
    %mul3A_43 = vector.broadcast %get3A_1 : vector<400x1xf32> to vector<400x128xf32>
    %mul3A_44 = arith.mulf %dot_general3A_42, %mul3A_43 : vector<400x128xf32>
    %swap3A = arith.constant 0 : index
    %swap3A_45 = arith.constant 0 : index
    %swap3A_46 = vector.load %arg8[%swap3A, %swap3A_45] : memref<400x128xf32, #tpu.memory_space<vmem>>, vector<400x128xf32>
    tpu.vector_store %arg8[%swap3A, %swap3A_45], %mul3A_44 {strides = array<i32>} : memref<400x128xf32, #tpu.memory_space<vmem>>, vector<400x128xf32>,
    return
  }
  func.func @transform_0(%arg0: i32) -> (i32, i32, i32) {
    %c0_i32 = arith.constant 0 : i32
    %c0_i32_0 = arith.constant 0 : i32
    %c0_i32_1 = arith.constant 0 : i32
    return %c0_i32, %arg0, %c0_i32_0 : i32, i32, i32
  }
  func.func @transform_1(%arg0: i32) -> (i32, i32, i32) {
    %c0_i32 = arith.constant 0 : i32
    %c0_i32_0 = arith.constant 0 : i32
    %c0_i32_1 = arith.constant 0 : i32
    return %c0_i32, %arg0, %c0_i32_0 : i32, i32, i32
  }
  func.func @transform_2(%arg0: i32) -> (i32, i32) {
    %c0_i32 = arith.constant 0 : i32
    %c0_i32_0 = arith.constant 0 : i32
    return %arg0, %c0_i32 : i32, i32
  }
  func.func @transform_3(%arg0: i32) -> (i32, i32) {
    %c0_i32 = arith.constant 0 : i32
    %c0_i32_0 = arith.constant 0 : i32
    %c0_i32_1 = arith.constant 0 : i32
    return %c0_i32, %c0_i32_0 : i32, i32
  }
  func.func @transform_4(%arg0: i32) -> (i32, i32) {
    %c0_i32 = arith.constant 0 : i32
    %c0_i32_0 = arith.constant 0 : i32
    %c0_i32_1 = arith.constant 0 : i32
    return %c0_i32, %c0_i32_0 : i32, i32
  }
  func.func @transform_5(%arg0: i32) -> i32 {
    %c0_i32 = arith.constant 0 : i32
    %c0_i32_0 = arith.constant 0 : i32
    return %c0_i32 : i32
  }
  func.func @transform_6(%arg0: i32) -> (i32, i32) {
    %c0_i32 = arith.constant 0 : i32
    %c0_i32_0 = arith.constant 0 : i32
    return %arg0, %c0_i32 : i32, i32
  }
  func.func @transform_7(%arg0: i32) -> (i32, i32) {
    %c0_i32 = arith.constant 0 : i32
    %c0_i32_0 = arith.constant 0 : i32
    return %arg0, %c0_i32 : i32, i32
  }
}

module attributes {stable_mosaic.version = 14 : i64} {
  func.func @_tc_final_body(%arg0: i32, %arg1: memref<2x400x128xf32, #tpu.memory_space<vmem>>, %arg2: memref<400x128xf32, #tpu.memory_space<vmem>>, %arg3: memref<400x1xf32, #tpu.memory_space<vmem>>, %arg4: memref<1x128xf32, #tpu.memory_space<vmem>>, %arg5: memref<400x128xf32, #tpu.memory_space<vmem>>) attributes {dimension_semantics = [#tpu.dimension_semantics<arbitrary>], iteration_bounds = array<i64: 25>, scalar_prefetch = 0 : i64, scratch_operands = 0 : i64, tpu.core_type = #tpu.core_type<tc>, window_params = [{transform_indices = @transform_0, window_bounds = array<i64: 2, 400, 128>}, {transform_indices = @transform_1, window_bounds = array<i64: 400, 128>}, {transform_indices = @transform_2, window_bounds = array<i64: 400, 1>}, {pipeline_mode = #tpu.pipeline_mode<synchronous>, transform_indices = @transform_3, window_bounds = array<i64: 1, 128>}, {transform_indices = @transform_4, window_bounds = array<i64: 400, 128>}]} {
    %get3A = arith.constant 0 : index
    %get3A_0 = arith.constant 0 : index
    %get3A_1 = arith.constant 0 : index
    %get3A_2 = vector.load %arg1[%get3A, %get3A_0, %get3A_1] : memref<2x400x128xf32, #tpu.memory_space<vmem>>, vector<1x400x128xf32>
    %get3A_3 = vector.shape_cast %get3A_2 : vector<1x400x128xf32> to vector<400x128xf32>
    %get3A_4 = arith.constant 1 : index
    %get3A_5 = arith.constant 0 : index
    %get3A_6 = arith.constant 0 : index
    %get3A_7 = vector.load %arg1[%get3A_4, %get3A_5, %get3A_6] : memref<2x400x128xf32, #tpu.memory_space<vmem>>, vector<1x400x128xf32>
    %get3A_8 = vector.shape_cast %get3A_7 : vector<1x400x128xf32> to vector<400x128xf32>
    %add3A = arith.addf %get3A_3, %get3A_8 : vector<400x128xf32>
    %get3A_9 = arith.constant 0 : index
    %get3A_10 = arith.constant 0 : index
    %get3A_11 = vector.load %arg2[%get3A_9, %get3A_10] : memref<400x128xf32, #tpu.memory_space<vmem>>, vector<400x128xf32>
    %add3A_12 = arith.addf %add3A, %get3A_11 : vector<400x128xf32>
    %get3A_13 = arith.constant 0 : index
    %get3A_14 = arith.constant 0 : index
    %get3A_15 = vector.load %arg3[%get3A_13, %get3A_14] : memref<400x1xf32, #tpu.memory_space<vmem>>, vector<400x1xf32>
    %mul3A = vector.broadcast %get3A_15 : vector<400x1xf32> to vector<400x128xf32>
    %mul3A_16 = arith.mulf %add3A_12, %mul3A : vector<400x128xf32>
    %get3A_17 = arith.constant 0 : index
    %get3A_18 = arith.constant 0 : index
    %get3A_19 = vector.load %arg4[%get3A_17, %get3A_18] : memref<1x128xf32, #tpu.memory_space<vmem>>, vector<1x128xf32>
    %add3A_20 = vector.broadcast %get3A_19 : vector<1x128xf32> to vector<400x128xf32>
    %add3A_21 = arith.addf %mul3A_16, %add3A_20 : vector<400x128xf32>
    %swap3A = arith.constant 0 : index
    %swap3A_22 = arith.constant 0 : index
    %swap3A_23 = vector.load %arg5[%swap3A, %swap3A_22] : memref<400x128xf32, #tpu.memory_space<vmem>>, vector<400x128xf32>
    tpu.vector_store %arg5[%swap3A, %swap3A_22], %add3A_21 {strides = array<i32>} : memref<400x128xf32, #tpu.memory_space<vmem>>, vector<400x128xf32>,
    return
  }
  func.func @transform_0(%arg0: i32) -> (i32, i32, i32) {
    %c0_i32 = arith.constant 0 : i32
    %c0_i32_0 = arith.constant 0 : i32
    %c0_i32_1 = arith.constant 0 : i32
    return %c0_i32, %arg0, %c0_i32_0 : i32, i32, i32
  }
  func.func @transform_1(%arg0: i32) -> (i32, i32) {
    %c0_i32 = arith.constant 0 : i32
    %c0_i32_0 = arith.constant 0 : i32
    return %arg0, %c0_i32 : i32, i32
  }
  func.func @transform_2(%arg0: i32) -> (i32, i32) {
    %c0_i32 = arith.constant 0 : i32
    %c0_i32_0 = arith.constant 0 : i32
    return %arg0, %c0_i32 : i32, i32
  }
  func.func @transform_3(%arg0: i32) -> (i32, i32) {
    %c0_i32 = arith.constant 0 : i32
    %c0_i32_0 = arith.constant 0 : i32
    %c0_i32_1 = arith.constant 0 : i32
    return %c0_i32, %c0_i32_0 : i32, i32
  }
  func.func @transform_4(%arg0: i32) -> (i32, i32) {
    %c0_i32 = arith.constant 0 : i32
    %c0_i32_0 = arith.constant 0 : i32
    return %arg0, %c0_i32 : i32, i32
  }
}

</mosaic_0001>

<sc_bundles>
// kernel: kernel.14.cloned.1.call-start
scs
__scs_entry_jumppad:
0x0: {  	(pc) =	sbr.rel $0x88, $3  }
0x1: {  	(tag) =	ssettag $0x0;
	lr =	simm.s32 $0x1  }
0x2: {  	[smem:$0x3F94] =	sst lr;
	_ =	strace $0xD0000000  }
0x3: {  	_ = 	snop  }
0x4: {  	_ = 	snop  }
0x5: {  	_ = 	snop  }
0x6: {  	_ = 	snop  }
0x7: {  	_ = 	snop  }
__scs_overlays_trampoline_lowered:
0x8: {  	[smem:$0x3FA3] =	sst s0  }
0x9: {  	[smem:$0x3FA4] =	sst s1  }
0xa: {  	[smem:$0x3FA5] =	sst s2  }
0xb: {  	[smem:$0x3FA6] =	sst s3  }
0xc: {  	[smem:$0x3FA7] =	sst s4  }
0xd: {  	[smem:$0x3FA8] =	sst s5  }
0xe: {  	[smem:$0x3FA9] =	sst s6  }
0xf: {  	[smem:$0x3FAA] =	sst s7  }
0x10: {  	[smem:$0x3FAB] =	sst s8  }
0x11: {  	[smem:$0x3FAC] =	sst s9;
	s0 =	simm.s32 @!p0 $0x0  }
0x12: {  	s1 =	sld [smem:$0x3F92];
	s0 =	simm.s32 @p0 $0x1  }
0x13: {  	[smem:$0x3FAD] =	sst s0;
	s0 =	simm.s32 @!p1 $0x0  }
0x14: {  	s2 =	sld [smem:$0x3F91];
	s0 =	simm.s32 @p1 $0x1  }
0x15: {  	[smem:$0x3FAE] =	sst s0;
	s0 =	simm.s32 @!p2 $0x0  }
0x16: {  	s3 =	sld [smem:$0x3FDB];
	s0 =	simm.s32 @p2 $0x1  }
0x17: {  	s4 =	simm.s32 $0x1BF5;
	[smem:$0x3FB0] =	sst s0  }
0x18: {  	s0 =	sld [smem:$0x3F93];
	_ =	swait.ge [sflag:s4], $0x0  }
0x19: {  	s7 =	sld [smem:$0x3F94]  }
0x1a: {  	s8 =	sadd.s32 $0xFFFFE003, lr  }
0x1b: {  	s9 =	sadd.s32 $0xFFFFFEF7, lr;
	s5 =	simm.s32 $0xFFFFFFFF;
	p2 =	slt.u32 s8, $0xFFFFF086  }
0x1c: {  	p1 =	slt.u32 s9, $0xF7A;
	s5 =	simm.s32 @!p2 $0x0  }
0x1d: {  	s5 =	simm.s32 @p1 $0x1;
	p0 =	seq.s32 s7, s2  }
0x1e: {  	s7 =	smul.u32 @!p0 $0xF7A, s2;
	p2 =	seq.s32 @!p0 s5, $0x0  }
0x1f: {  	s9 =	smul.u32 $0xF7A, s1;
	s8 =	simm.s32 @!p0 $0x1BF5;
	p2 =	por !p2, p0  }
0x20: {  	[sflag:s8] =	ssyncset.s32 @!p0 $0xFFFFF086;
	s6 =	sadd.s32 @!p0 s3, s7;
	s7 =	simm.s32 @!p0 $0x108  }
0x21: {  	s3 =	sadd.s32 s3, s9;
	s6 =	sadd.s32 @!p0 $0x88, s6;
	s7 =	simm.s32 @p2 $0x1082  }
0x22: {  	[simem:s7], [sflag:s8] =	dma.local @!p0 [hbm:s6], $0xF7A  }
0x23: {  	s9 =	sor.u32 $0xD0000000, s2;
	s6 =	simm.s32 $0x108;
	_ =	swait.ge @!p0 [sflag:s8], $0x0  }
0x24: {  	s3 =	sadd.s32 $0x88, s3;
	s6 =	simm.s32 @!p1 $0x1082;
	[sflag:s4] =	ssyncset.s32 $0xFFFFF086  }
0x25: {  	[simem:s6], [sflag:s4] =	dma.local [hbm:s3], $0xF7A  }
0x26: {  	[smem:$0x3F94] =	sst s1;
	(tag) =	ssettag s2;
	_ =	strace s9  }
0x27: {  	s1 =	sld [smem:$0x3FA4]  }
0x28: {  	s2 =	sld [smem:$0x3FA5]  }
0x29: {  	s4 =	sld [smem:$0x3FA7]  }
0x2a: {  	p0 =	seq.s32 s5, $0x0;
	s5 =	sld [smem:$0x3FA8]  }
0x2b: {  	s6 =	sld [smem:$0x3FA9]  }
0x2c: {  	s7 =	sld [smem:$0x3FAA]  }
0x2d: {  	s3 =	simm.s32 $0x108;
	s8 =	sld [smem:$0x3FAB]  }
0x2e: {  	s3 =	simm.s32 @!p0 $0x1082;
	s9 =	sld [smem:$0x3FAC]  }
0x2f: {  	lr =	sadd.s32 s0, s3;
	s0 =	sld [smem:$0x3FA3]  }
0x30: {  	s3 =	sld [smem:$0x3FA6]  }
0x31: {  	[smem:$0x3FAF] =	sst s10  }
0x32: {  	s10 =	sld [smem:$0x3FAD];
	_ =	sdelay $0x3  }
0x33: {  	p0 =	seq.s32 s10, $0x1;
	s10 =	sld [smem:$0x3FAF];
	_ =	sdelay $0x3  }
0x34: {  	[smem:$0x3FAF] =	sst s10  }
0x35: {  	s10 =	sld [smem:$0x3FAE];
	_ =	sdelay $0x3  }
0x36: {  	p1 =	seq.s32 s10, $0x1;
	s10 =	sld [smem:$0x3FAF];
	_ =	sdelay $0x3  }
0x37: {  	[smem:$0x3FAF] =	sst s10  }
0x38: {  	s10 =	sld [smem:$0x3FB0]  }
0x39: {  	_ = 	snop;
	(pc) =	sbr.ind lr, $3  }
0x3a: {  	_ = 	snop  }
0x3b: {  	_ = 	snop  }
0x3c: {  	p2 =	seq.s32 s10, $0x1;
	s10 =	sld [smem:$0x3FAF]  }
0x3d: {  	_ =	shalt  }
0x3e: {  	_ =	shalt  }
0x3f: {  	_ =	shalt  }
0x40: {  	_ =	shalt  }
0x41: {  	_ =	shalt  }
0x42: {  	_ =	shalt  }
0x43: {  	_ =	shalt  }
0x44: {  	_ =	shalt  }
0x45: {  	_ =	shalt  }
0x46: {  	_ =	shalt  }
0x47: {  	_ =	shalt  }
0x48: {  	_ =	shalt  }
0x49: {  	_ =	shalt  }
0x4a: {  	_ =	shalt  }
0x4b: {  	_ =	shalt  }
0x4c: {  	_ =	shalt  }
0x4d: {  	_ =	shalt  }
0x4e: {  	_ =	shalt  }
0x4f: {  	_ =	shalt  }
0x50: {  	_ =	shalt  }
0x51: {  	_ =	shalt  }
0x52: {  	_ =	shalt  }
0x53: {  	_ =	shalt  }
0x54: {  	_ =	shalt  }
0x55: {  	_ =	shalt  }
0x56: {  	_ =	shalt  }
0x57: {  	_ =	shalt  }
0x58: {  	_ =	shalt  }
0x59: {  	_ =	shalt  }
0x5a: {  	_ =	shalt  }
0x5b: {  	_ =	shalt  }
0x5c: {  	_ =	shalt  }
0x5d: {  	_ =	shalt  }
0x5e: {  	_ =	shalt  }
0x5f: {  	_ =	shalt  }
0x60: {  	_ =	shalt  }
0x61: {  	_ =	shalt  }
0x62: {  	_ =	shalt  }
0x63: {  	_ =	shalt  }
0x64: {  	_ =	shalt  }
0x65: {  	_ =	shalt  }
0x66: {  	_ =	shalt  }
0x67: {  	_ =	shalt  }
0x68: {  	_ =	shalt  }
0x69: {  	_ =	shalt  }
0x6a: {  	_ =	shalt  }
0x6b: {  	_ =	shalt  }
0x6c: {  	_ =	shalt  }
0x6d: {  	_ =	shalt  }
0x6e: {  	_ =	shalt  }
0x6f: {  	_ =	shalt  }
0x70: {  	_ =	shalt  }
0x71: {  	_ =	shalt  }
0x72: {  	_ =	shalt  }
0x73: {  	_ =	shalt  }
0x74: {  	_ =	shalt  }
0x75: {  	_ =	shalt  }
0x76: {  	_ =	shalt  }
0x77: {  	_ =	shalt  }
0x78: {  	_ =	shalt  }
0x79: {  	_ =	shalt  }
0x7a: {  	_ =	shalt  }
0x7b: {  	_ =	shalt  }
0x7c: {  	_ =	shalt  }
0x7d: {  	_ =	shalt  }
0x7e: {  	_ =	shalt  }
0x7f: {  	_ =	shalt  }
0x80: {  	_ =	shalt  }
0x81: {  	_ =	shalt  }
0x82: {  	_ =	shalt  }
0x83: {  	_ =	shalt  }
0x84: {  	_ =	shalt  }
0x85: {  	_ =	shalt  }
0x86: {  	_ =	shalt  }
0x87: {  	_ =	shalt  }
.Lfunc_end0:
.L_simem_size_0:
called_computation_lowered:
.L_overlay_start_0:
0x88: {  	s2 =	sld [smem:$0x3FD9]  }
0x89: {  	s3 =	sld [smem:$0x3FFE];
	_ =	sdelay $0x1  }
0x8a: {  	s1 =	srdreg.scid  }
0x8b: {  	s0 =	sand.u32 $0x1, s1  }
0x8c: {  	s17 =	sshll.u32 s0, $0xA;
	s2 =	sadd.s32 s3, s2  }
0x8d: {  	s2 =	sadd.s32 s2, s17  }
0x8e: {  	[smem:$0x3FBB] =	sst s2  }
0x8f: {  	_ = 	snop  }
0x90: {  	s2 =	sld [smem:$0x3FD0];
	(tm) =	ssettm $0x1  }
0x91: {  	s18 =	sld [smem:$0x3FFB];
	_ =	sdelay $0x3  }
0x92: {  	_ =	strace s18  }
0x93: {  	s3 =	sld [smem:$0x3FFC];
	_ =	sdelay $0x3  }
0x94: {  	_ =	strace s3  }
0x95: {  	s3 =	sld [smem:$0x3FFD];
	_ =	sdelay $0x3  }
0x96: {  	_ =	strace s3  }
0x97: {  	_ =	strace $0x8FFFFFFF  }
0x98: {  	s19 =	sld [smem:$0x3FDB];
	_ =	sdelay $0x1  }
0x99: {  	s4 =	simm.s32 $_scs_section_size  }
0x9a: {  	s5 =	simm.s32 $_size__tile_overlayer_lowered;
	s6 =	simm.s32 $_tile_overlayer_lowered  }
0x9b: {  	s22 =	simm.s32 $0x1BFF;
	s21 =	sshll.u32 s6, $0x1;
	s3 =	sadd.s32 s4, s19  }
0x9c: {  	s7 =	simm.s32 $0x0;
	s20 =	sshll.u32 s5, $0x1;
	s5 =	sadd.s32 s21, s3  }
0x9d: {  	[timem:s7], [sflag:s22] =	dma.local [hbm:s5], s20  }
0x9e: {  	_ =	swait.ge [sflag:s22], s20  }
0x9f: {  	s4 =	ssub.s32 $0x0, s20;
	[sflag:s22] =	ssyncset.done $0x0  }
0xa0: {  	[sflag:s22] =	ssyncadd.s32 s4;
	_ =	sdelay $0x1  }
0xa1: {  	s23 =	simm.s32 $0x1B8B  }
0xa2: {  	_ =	swait.ge [sflag:s23], $0x1  }
0xa3: {  	[sflag:s23] =	ssyncset.done $0x0  }
0xa4: {  	s25 =	simm.s32 $0x1B8E;
	s24 =	sld [smem:$0x3FFE];
	[sflag:s23] =	ssyncadd.s32 $0xFFFFFFFF  }
0xa5: {  	s26 =	simm.s32 $execute0_lowered;
	[smem:$0x3FD2] =	sst s25  }
0xa6: {  	s5 =	sshll.u32 s26, $0x1;
	_ =	strace $0x80000046;
	[dreg:$0x1] =	wrdreg $0xFFFFFFFF  }
0xa7: {  	s28 =	simm.s32 $_size_execute0_lowered;
	s3 =	sadd.s32 s3, s5;
	[dreg:$0x0] =	wrdreg $0x0  }
0xa8: {  	s5 =	sshll.u32 s28, $0x1;
	[dreg:$0x2] =	wrdreg s3  }
0xa9: {  	[dreg:$0x3] =	wrdreg s5  }
0xaa: {  	[dreg:$0x4] =	wrdreg $0xC0  }
0xab: {  	_ =	task [dreg:s7], $0x5FFFF  }
0xac: {  	[dreg:$0x1] =	wrdreg $0xFFFFFFFF  }
0xad: {  	[dreg:$0x0] =	wrdreg $0x60  }
0xae: {  	[dreg:$0x2] =	wrdreg s2  }
0xaf: {  	[dreg:$0x3] =	wrdreg s24  }
0xb0: {  	[dreg:$0x4] =	wrdreg $0x9  }
0xb1: {  	_ =	task.clear_ibuf [dreg:s7], $0x5FFFF;
	_ =	strace $0x90000046  }
0xb2: {  	s29 =	simm.s32 $0x9;
	_ =	strace $0x80000048  }
0xb3: {  	_ =	swait.ge [sflag:s29], $0x1  }
0xb4: {  	[sflag:s29] =	ssyncadd.s32 $0xFFFFFFFF  }
0xb5: {  	_ =	strace $0x90000048  }
0xb6: {  	_ =	sfence  }
0xb7: {  	s30 =	sld [smem:$0x0];
	_ =	sdelay $0x2  }
0xb8: {  	s31 =	sshll.u32 s1, $0xD;
	s1 =	sshrl.u32 s1, $0x2  }
0xb9: {  	s3 =	sand.u32 $0x4000, s31;
	s1 =	sadd.s32 s1, s30  }
0xba: {  	s0 =	sor.u32 s3, s0;
	s1 =	sshll.u32 s1, $0x11  }
0xbb: {  	s0 =	sor.u32 s1, s0  }
0xbc: {  	s0 =	sadd.s32 $0x8F2B, s0  }
0xbd: {  	[sflag:s0] =	ssyncadd.remote.s32 $0x1  }
0xbe: {  	_ =	sfence.sel $0xFFFF  }
0xbf: {  	[dreg:$0x0] =	wrdreg $0xFFFFFFFF;
	(pc) =	sbr.abs _section_cstart, $3  }
0xc0: {  	[dreg:$0x1] =	wrdreg $0xFFFFFFFF  }
0xc1: {  	_ =	task.clear_ibuf [dreg:s7], $0x2FFFF;
	_ =	strace $0x9FFFFFFF  }
0xc2: {  	(tm) =	ssettm $0x7FFFFFFF  }
0xc3: {  	_ =	shalt  }
tec
execute0_lowered:
.L_overlay_start_1:
0x0: {  	(tag) =	ssettag $0x1  }
0x1: {  	s1 =	srdreg.scid  }
0x2: {  	s3 =	rddreg [dreg:$0x0];
	s0 =	stileid.u32  }
0x3: {  	s5 =	rddreg [dreg:$0x1];
	s4 =	sand.u32 $0x1, s1;
	s29 =	smul.u32 $0x2800, s0  }
0x4: {  	s2 =	simm.s32 $0x0;
	s7 =	sshrl.u32 s0, $0x3;
	s6 =	smul.u32 $0x27800, s4  }
0x5: {  	s10 =	simm.s32 $0x0;
	s1 =	rddreg [dreg:$0x2];
	s7 =	smul.u32 $0x13C00, s7  }
0x6: {  	[smem:$0x7FF] =	sst s2;
	s8 =	sshll.u32 s0, $0x7;
	s9 =	smul.u32 $0x28000, s4  }
0x7: {  	s28 =	sand.u32 $0x380, s8;
	_ =	strace $0x80000047;
	s4 =	ssub.s32 $0x2, s4  }
0x8: {  	s8 =	simm.s32 $0x80;
	s6 =	sadd.s32 s6, s7;
	s30 =	sadd.s32 s29, s9  }
0x9: {  	s31 =	sshrl.u32 s4, $0x1;
	s6 =	sor.u32 s28, s6;
	s7 =	sshrl.u32 s30, $0x3  }
0xa: {  	s9 =	simm.s32 $0x400;
	s6 =	sshrl.u32 s6, $0x3;
	s3 =	sadd.s32 s3, s7  }
0xb: {  	s7 =	simm.s32 $0x2800;
	s5 =	sadd.s32 s6, s5;
	s6 =	ssub.s32 s4, s31  }
0xc: {  	v0 =	vimm.f32 $0.0e+00;
	v1 =	vimm.f32 $1.000000000e+00;
	s4 =	sadd.s32 $0xDE00, s5;
	s5 =	smax.u32 s6, $0x1;
	s6 =	simm.s32 $0x1  }
.LBB2_1:
0xd: {  	[tilespmem:s2], [sflag:$0x1] =	stream.linear.gather [hbm4b:s3+s2], $0x2800, $0x38;
	[tilespmem:$0x4F80] =	vst v63  }
0xe: {  	_ =	swait.ge [sflag:s6], $0x2800  }
0xf: {  	[sflag:s6] =	ssyncset.done $0x0  }
0x10: {  	s11 =	simm.s32 $0x0;
	[sflag:s6] =	ssyncadd.s32 $0xFFFFD800  }
.LBB2_2:
0x11: {  	p0 =	sne.s32 s11, $0x9DC0  }
.Ltmp0:
0x12: {  	_ = 	snop;
	(pc) =	sbr.rel @p0 .LBB2_2-.Ltmp0, $3  }
0x13: {  	_ =	sdelay $0x1  }
0x14: {  	s12 =	sshra.s32 s11, $0x2  }
0x15: {  	s11 =	sadd.s32 $0x40, s11;
	[tilespmem:s12+$0x2800] =	vst v0  }
0x16: {  	s11 =	simm.s32 $0x0  }
0x17: {  	s12 =	sand.u32 $0xFE00, s11  }
0x18: {  	s11 =	sand.u32 $0x70, s11;
	s12 =	sshrl.u32 s12, $0x2  }
0x19: {  	s11 =	sor.u32 s11, s12  }
0x1a: {  	v2 =	vld [tilespmem:s11+$0x0];
	_ =	sdelay $0x4  }
0x1b: {  	s13 =	simm.s32 $0x40  }
0x1c: {  	s13 =	sand.u32 $0xFE00, s13;
	s12 =	simm.s32 $0x80;
	s11 =	simm.s32 $0x10  }
.LBB2_4:
0x1d: {  	p0 =	sne.s32 s12, $0x9FC0;
	s14 =	sand.u32 $0x70, s11;
	s13 =	sshrl.u32 s13, $0x2  }
0x1e: {  	s13 =	sor.u32 s14, s13;
	[tilespmem:v2+s7+$0x0] =	vst.idx.add.f32.msk $0xffff, v1  }
0x1f: {  	v2 =	vld [tilespmem:s13+$0x0];
	_ =	sdelay $0x1  }
.Ltmp1:
0x20: {  	(pc) =	sbr.rel @p0 .LBB2_4-.Ltmp1, $2  }
0x21: {  	_ =	sdelay $0x2  }
0x22: {  	s11 =	sadd.s32 $0x10, s11;
	s13 =	sand.u32 $0xFE00, s12;
	s12 =	sadd.s32 $0x40, s12  }
0x23: {  	_ =	sdelay $0x2  }
0x24: {  	s11 =	sand.u32 $0x70, s11;
	s12 =	sshrl.u32 s13, $0x2  }
0x25: {  	[tilespmem:v2+s7+$0x0] =	vst.idx.add.f32.msk $0xffff, v1;
	s11 =	sor.u32 s11, s12  }
0x26: {  	v2 =	vld [tilespmem:s11+$0x0];
	_ =	sdelay $0x5  }
0x27: {  	s10 =	sadd.s32 $0x1, s10  }
0x28: {  	p0 =	sne.s32 s10, s5  }
.Ltmp2:
0x29: {  	[tilespmem:v2+s7+$0x0] =	vst.idx.add.f32.msk $0xffff, v1;
	(pc) =	sbr.rel @p0 .LBB2_1-.Ltmp2, $4  }
0x2a: {  	[hbm4b:s4+s8] =	stream.strided.scatter [tilespmem:s7], [sflag:$0x1], $0x2780, s9, s8, $0x38;
	[tilespmem:$0x4F80] =	vst v63  }
0x2b: {  	_ =	swait.ge [sflag:s6], $0x2780  }
0x2c: {  	[sflag:s6] =	ssyncset.done $0x0  }
0x2d: {  	[sflag:s6] =	ssyncadd.s32 $0xFFFFD880  }
0x2e: {  	_ =	sfence.sel $0x180000  }
0x2f: {  	[bflag:$0x0] =	sbarrier.arrive $0xFFFF  }
0x30: {  	p0 =	sne.s32 s0, $0x0;
	_ =	strace $0x90000047  }
0x31: {  	s0 =	sadd.s32 @!p0 $0x100000, s1;
	[bflag:$0x2] =	sbarrier.arrive $0xFFFF  }
0x32: {  	[sflag:s0] =	ssyncadd.tile.s32 @!p0 $0x1;
	_ =	shalt  }
.Lfunc_end2:
_tile_overlayer_lowered:
.L_overlay_start_2:
0x33: {  	(tag) =	ssettag $0x2  }
0x34: {  	s0 =	rddreg [dreg:$0x0];
	s2 =	stileid.u32  }
0x35: {  	s1 =	rddreg [dreg:$0x1];
	p0 =	sne.s32 s2, $0x0  }
0x36: {  	s3 =	rddreg [dreg:$0x2];
	[bflag:$0x3] =	sbarrier.arrive $0xFFFF;
	s2 =	simm.s32 @!p0 $0x1C01  }
0x37: {  	[timem:s3], [sflag:s2] =	dma.local @!p0 [hbm:s0], s1  }
0x38: {  	s0 =	simm.s32 @!p0 $0x1  }
0x39: {  	_ =	swait.ge @!p0 [sflag:s0], s1  }
0x3a: {  	s1 =	ssub.s32 @!p0 $0x0, s1;
	[sflag:s0] =	ssyncset.done @!p0 $0x0  }
0x3b: {  	[sflag:s0] =	ssyncadd.s32 @!p0 s1  }
0x3c: {  	[bflag:$0x3] =	sbarrier.arrive $0xFFFF  }
0x3d: {  	_ =	shalt  }

// kernel: kernel.17.cloned.1.call-start
scs
__scs_entry_jumppad:
0x0: {  	(pc) =	sbr.rel $0x88, $3  }
0x1: {  	(tag) =	ssettag $0x0;
	lr =	simm.s32 $0x1  }
0x2: {  	[smem:$0x3F94] =	sst lr;
	_ =	strace $0xD0000000  }
0x3: {  	_ = 	snop  }
0x4: {  	_ = 	snop  }
0x5: {  	_ = 	snop  }
0x6: {  	_ = 	snop  }
0x7: {  	_ = 	snop  }
__scs_overlays_trampoline_lowered:
0x8: {  	[smem:$0x3FA3] =	sst s0  }
0x9: {  	[smem:$0x3FA4] =	sst s1  }
0xa: {  	[smem:$0x3FA5] =	sst s2  }
0xb: {  	[smem:$0x3FA6] =	sst s3  }
0xc: {  	[smem:$0x3FA7] =	sst s4  }
0xd: {  	[smem:$0x3FA8] =	sst s5  }
0xe: {  	[smem:$0x3FA9] =	sst s6  }
0xf: {  	[smem:$0x3FAA] =	sst s7  }
0x10: {  	[smem:$0x3FAB] =	sst s8  }
0x11: {  	[smem:$0x3FAC] =	sst s9;
	s0 =	simm.s32 @!p0 $0x0  }
0x12: {  	s1 =	sld [smem:$0x3F92];
	s0 =	simm.s32 @p0 $0x1  }
0x13: {  	[smem:$0x3FAD] =	sst s0;
	s0 =	simm.s32 @!p1 $0x0  }
0x14: {  	s2 =	sld [smem:$0x3F91];
	s0 =	simm.s32 @p1 $0x1  }
0x15: {  	[smem:$0x3FAE] =	sst s0;
	s0 =	simm.s32 @!p2 $0x0  }
0x16: {  	s3 =	sld [smem:$0x3FDB];
	s0 =	simm.s32 @p2 $0x1  }
0x17: {  	s4 =	simm.s32 $0x1BF5;
	[smem:$0x3FB0] =	sst s0  }
0x18: {  	s0 =	sld [smem:$0x3F93];
	_ =	swait.ge [sflag:s4], $0x0  }
0x19: {  	s7 =	sld [smem:$0x3F94]  }
0x1a: {  	s8 =	sadd.s32 $0xFFFFE003, lr  }
0x1b: {  	s9 =	sadd.s32 $0xFFFFFEF7, lr;
	s5 =	simm.s32 $0xFFFFFFFF;
	p2 =	slt.u32 s8, $0xFFFFF086  }
0x1c: {  	p1 =	slt.u32 s9, $0xF7A;
	s5 =	simm.s32 @!p2 $0x0  }
0x1d: {  	s5 =	simm.s32 @p1 $0x1;
	p0 =	seq.s32 s7, s2  }
0x1e: {  	s7 =	smul.u32 @!p0 $0xF7A, s2;
	p2 =	seq.s32 @!p0 s5, $0x0  }
0x1f: {  	s9 =	smul.u32 $0xF7A, s1;
	s8 =	simm.s32 @!p0 $0x1BF5;
	p2 =	por !p2, p0  }
0x20: {  	[sflag:s8] =	ssyncset.s32 @!p0 $0xFFFFF086;
	s6 =	sadd.s32 @!p0 s3, s7;
	s7 =	simm.s32 @!p0 $0x108  }
0x21: {  	s3 =	sadd.s32 s3, s9;
	s6 =	sadd.s32 @!p0 $0x88, s6;
	s7 =	simm.s32 @p2 $0x1082  }
0x22: {  	[simem:s7], [sflag:s8] =	dma.local @!p0 [hbm:s6], $0xF7A  }
0x23: {  	s9 =	sor.u32 $0xD0000000, s2;
	s6 =	simm.s32 $0x108;
	_ =	swait.ge @!p0 [sflag:s8], $0x0  }
0x24: {  	s3 =	sadd.s32 $0x88, s3;
	s6 =	simm.s32 @!p1 $0x1082;
	[sflag:s4] =	ssyncset.s32 $0xFFFFF086  }
0x25: {  	[simem:s6], [sflag:s4] =	dma.local [hbm:s3], $0xF7A  }
0x26: {  	[smem:$0x3F94] =	sst s1;
	(tag) =	ssettag s2;
	_ =	strace s9  }
0x27: {  	s1 =	sld [smem:$0x3FA4]  }
0x28: {  	s2 =	sld [smem:$0x3FA5]  }
0x29: {  	s4 =	sld [smem:$0x3FA7]  }
0x2a: {  	p0 =	seq.s32 s5, $0x0;
	s5 =	sld [smem:$0x3FA8]  }
0x2b: {  	s6 =	sld [smem:$0x3FA9]  }
0x2c: {  	s7 =	sld [smem:$0x3FAA]  }
0x2d: {  	s3 =	simm.s32 $0x108;
	s8 =	sld [smem:$0x3FAB]  }
0x2e: {  	s3 =	simm.s32 @!p0 $0x1082;
	s9 =	sld [smem:$0x3FAC]  }
0x2f: {  	lr =	sadd.s32 s0, s3;
	s0 =	sld [smem:$0x3FA3]  }
0x30: {  	s3 =	sld [smem:$0x3FA6]  }
0x31: {  	[smem:$0x3FAF] =	sst s10  }
0x32: {  	s10 =	sld [smem:$0x3FAD];
	_ =	sdelay $0x3  }
0x33: {  	p0 =	seq.s32 s10, $0x1;
	s10 =	sld [smem:$0x3FAF];
	_ =	sdelay $0x3  }
0x34: {  	[smem:$0x3FAF] =	sst s10  }
0x35: {  	s10 =	sld [smem:$0x3FAE];
	_ =	sdelay $0x3  }
0x36: {  	p1 =	seq.s32 s10, $0x1;
	s10 =	sld [smem:$0x3FAF];
	_ =	sdelay $0x3  }
0x37: {  	[smem:$0x3FAF] =	sst s10  }
0x38: {  	s10 =	sld [smem:$0x3FB0]  }
0x39: {  	_ = 	snop;
	(pc) =	sbr.ind lr, $3  }
0x3a: {  	_ = 	snop  }
0x3b: {  	_ = 	snop  }
0x3c: {  	p2 =	seq.s32 s10, $0x1;
	s10 =	sld [smem:$0x3FAF]  }
0x3d: {  	_ =	shalt  }
0x3e: {  	_ =	shalt  }
0x3f: {  	_ =	shalt  }
0x40: {  	_ =	shalt  }
0x41: {  	_ =	shalt  }
0x42: {  	_ =	shalt  }
0x43: {  	_ =	shalt  }
0x44: {  	_ =	shalt  }
0x45: {  	_ =	shalt  }
0x46: {  	_ =	shalt  }
0x47: {  	_ =	shalt  }
0x48: {  	_ =	shalt  }
0x49: {  	_ =	shalt  }
0x4a: {  	_ =	shalt  }
0x4b: {  	_ =	shalt  }
0x4c: {  	_ =	shalt  }
0x4d: {  	_ =	shalt  }
0x4e: {  	_ =	shalt  }
0x4f: {  	_ =	shalt  }
0x50: {  	_ =	shalt  }
0x51: {  	_ =	shalt  }
0x52: {  	_ =	shalt  }
0x53: {  	_ =	shalt  }
0x54: {  	_ =	shalt  }
0x55: {  	_ =	shalt  }
0x56: {  	_ =	shalt  }
0x57: {  	_ =	shalt  }
0x58: {  	_ =	shalt  }
0x59: {  	_ =	shalt  }
0x5a: {  	_ =	shalt  }
0x5b: {  	_ =	shalt  }
0x5c: {  	_ =	shalt  }
0x5d: {  	_ =	shalt  }
0x5e: {  	_ =	shalt  }
0x5f: {  	_ =	shalt  }
0x60: {  	_ =	shalt  }
0x61: {  	_ =	shalt  }
0x62: {  	_ =	shalt  }
0x63: {  	_ =	shalt  }
0x64: {  	_ =	shalt  }
0x65: {  	_ =	shalt  }
0x66: {  	_ =	shalt  }
0x67: {  	_ =	shalt  }
0x68: {  	_ =	shalt  }
0x69: {  	_ =	shalt  }
0x6a: {  	_ =	shalt  }
0x6b: {  	_ =	shalt  }
0x6c: {  	_ =	shalt  }
0x6d: {  	_ =	shalt  }
0x6e: {  	_ =	shalt  }
0x6f: {  	_ =	shalt  }
0x70: {  	_ =	shalt  }
0x71: {  	_ =	shalt  }
0x72: {  	_ =	shalt  }
0x73: {  	_ =	shalt  }
0x74: {  	_ =	shalt  }
0x75: {  	_ =	shalt  }
0x76: {  	_ =	shalt  }
0x77: {  	_ =	shalt  }
0x78: {  	_ =	shalt  }
0x79: {  	_ =	shalt  }
0x7a: {  	_ =	shalt  }
0x7b: {  	_ =	shalt  }
0x7c: {  	_ =	shalt  }
0x7d: {  	_ =	shalt  }
0x7e: {  	_ =	shalt  }
0x7f: {  	_ =	shalt  }
0x80: {  	_ =	shalt  }
0x81: {  	_ =	shalt  }
0x82: {  	_ =	shalt  }
0x83: {  	_ =	shalt  }
0x84: {  	_ =	shalt  }
0x85: {  	_ =	shalt  }
0x86: {  	_ =	shalt  }
0x87: {  	_ =	shalt  }
.Lfunc_end0:
.L_simem_size_0:
called_computation.1_lowered:
.L_overlay_start_0:
0x88: {  	s2 =	sld [smem:$0x3FD9]  }
0x89: {  	s3 =	sld [smem:$0x3FFE];
	_ =	sdelay $0x1  }
0x8a: {  	s1 =	srdreg.scid  }
0x8b: {  	s0 =	sand.u32 $0x1, s1  }
0x8c: {  	s16 =	sshll.u32 s0, $0xA;
	s2 =	sadd.s32 s3, s2  }
0x8d: {  	s2 =	sadd.s32 s2, s16  }
0x8e: {  	[smem:$0x3FBB] =	sst s2  }
0x8f: {  	_ = 	snop  }
0x90: {  	(tm) =	ssettm $0x1  }
0x91: {  	s17 =	sld [smem:$0x3FFB];
	_ =	sdelay $0x3  }
0x92: {  	_ =	strace s17  }
0x93: {  	s2 =	sld [smem:$0x3FFC];
	_ =	sdelay $0x3  }
0x94: {  	_ =	strace s2  }
0x95: {  	s2 =	sld [smem:$0x3FFD];
	_ =	sdelay $0x3  }
0x96: {  	_ =	strace s2  }
0x97: {  	_ =	strace $0x8FFFFFFF  }
0x98: {  	s18 =	sld [smem:$0x3FDB];
	_ =	sdelay $0x1  }
0x99: {  	s19 =	simm.s32 $_scs_section_size  }
0x9a: {  	s4 =	simm.s32 $_size__tile_overlayer_lowered;
	s5 =	simm.s32 $_tile_overlayer_lowered  }
0x9b: {  	s22 =	simm.s32 $0x1BFF;
	s21 =	sshll.u32 s5, $0x1;
	s2 =	sadd.s32 s19, s18  }
0x9c: {  	s6 =	simm.s32 $0x0;
	s20 =	sshll.u32 s4, $0x1;
	s4 =	sadd.s32 s21, s2  }
0x9d: {  	[timem:s6], [sflag:s22] =	dma.local [hbm:s4], s20  }
0x9e: {  	_ =	swait.ge [sflag:s22], s20  }
0x9f: {  	s3 =	ssub.s32 $0x0, s20;
	[sflag:s22] =	ssyncset.done $0x0  }
0xa0: {  	[sflag:s22] =	ssyncadd.s32 s3;
	_ =	sdelay $0x1  }
0xa1: {  	s23 =	simm.s32 $0x1B8B  }
0xa2: {  	_ =	swait.ge [sflag:s23], $0x1  }
0xa3: {  	[sflag:s23] =	ssyncset.done $0x0  }
0xa4: {  	s25 =	simm.s32 $0x1B8E;
	s24 =	sld [smem:$0x3FFE];
	[sflag:s23] =	ssyncadd.s32 $0xFFFFFFFF  }
0xa5: {  	s26 =	simm.s32 $execute0_lowered;
	[smem:$0x3FD2] =	sst s25  }
0xa6: {  	s4 =	sshll.u32 s26, $0x1;
	_ =	strace $0x80000049;
	[dreg:$0x1] =	wrdreg $0xFFFFFFFF  }
0xa7: {  	s28 =	simm.s32 $_size_execute0_lowered;
	s2 =	sadd.s32 s2, s4;
	[dreg:$0x0] =	wrdreg $0x0  }
0xa8: {  	s4 =	sshll.u32 s28, $0x1;
	[dreg:$0x2] =	wrdreg s2  }
0xa9: {  	[dreg:$0x3] =	wrdreg s4  }
0xaa: {  	[dreg:$0x4] =	wrdreg $0xC0  }
0xab: {  	_ =	task [dreg:s6], $0x5FFFF  }
0xac: {  	[dreg:$0x1] =	wrdreg $0xFFFFFFFF  }
0xad: {  	[dreg:$0x0] =	wrdreg $0x60  }
0xae: {  	[dreg:$0x2] =	wrdreg s24  }
0xaf: {  	[dreg:$0x3] =	wrdreg $0xA8000  }
0xb0: {  	[dreg:$0x4] =	wrdreg $0x9  }
0xb1: {  	_ =	task.clear_ibuf [dreg:s6], $0x5FFFF;
	_ =	strace $0x90000049  }
0xb2: {  	s29 =	simm.s32 $0x9;
	_ =	strace $0x8000004B  }
0xb3: {  	_ =	swait.ge [sflag:s29], $0x1  }
0xb4: {  	[sflag:s29] =	ssyncadd.s32 $0xFFFFFFFF  }
0xb5: {  	_ =	strace $0x9000004B  }
0xb6: {  	_ =	sfence  }
0xb7: {  	s30 =	sld [smem:$0x0];
	_ =	sdelay $0x2  }
0xb8: {  	s31 =	sshll.u32 s1, $0xD;
	s1 =	sshrl.u32 s1, $0x2  }
0xb9: {  	s3 =	sand.u32 $0x4000, s31;
	s1 =	sadd.s32 s1, s30  }
0xba: {  	s0 =	sor.u32 s3, s0;
	s1 =	sshll.u32 s1, $0x11  }
0xbb: {  	s0 =	sor.u32 s1, s0  }
0xbc: {  	s0 =	sadd.s32 $0x8F2B, s0  }
0xbd: {  	[sflag:s0] =	ssyncadd.remote.s32 $0x1  }
0xbe: {  	_ =	sfence.sel $0xFFFF  }
0xbf: {  	[dreg:$0x0] =	wrdreg $0xFFFFFFFF;
	(pc) =	sbr.abs _section_cstart, $3  }
0xc0: {  	[dreg:$0x1] =	wrdreg $0xFFFFFFFF  }
0xc1: {  	_ =	task.clear_ibuf [dreg:s6], $0x2FFFF;
	_ =	strace $0x9FFFFFFF  }
0xc2: {  	(tm) =	ssettm $0x7FFFFFFF  }
0xc3: {  	_ =	shalt  }
tec
execute0_lowered:
.L_overlay_start_1:
0x0: {  	(tag) =	ssettag $0x1  }
0x1: {  	s0 =	rddreg [dreg:$0x0]  }
0x2: {  	s1 =	rddreg [dreg:$0x1]  }
0x3: {  	s2 =	srdreg.scid;
	s3 =	simm.s32 $0x0;
	s11 =	stileid.u32  }
0x4: {  	s17 =	simm.s32 $0x2800;
	s18 =	simm.s32 $0x7;
	s7 =	smul.u32 $0x14000, s11  }
0x5: {  	s20 =	simm.s32 $0x80;
	s21 =	simm.s32 $0x6800;
	s22 =	smul.u32 $0x50000, s11  }
0x6: {  	s2 =	sand.u32 $0x1, s2;
	[smem:$0x7FF] =	sst s3;
	s29 =	smul.u32 $0x140, s11  }
0x7: {  	s4 =	sadd.s32 $0x3FC00, s0;
	s5 =	sadd.s32 $0x17C00, s0;
	s6 =	smul.u32 $0x140000, s2  }
0x8: {  	s10 =	smul.u32 $0xA000, s11;
	_ =	strace $0x8000004A;
	s9 =	ssub.s32 $0x2, s2  }
0x9: {  	s23 =	sshrl.u32 s9, $0x1;
	s14 =	sadd.s32 $0x50, s29;
	s6 =	sadd.s32 s7, s6  }
0xa: {  	s7 =	sshrl.u32 s22, $0x2;
	s22 =	simm.s32 $0x5;
	s8 =	sshrl.u32 s6, $0x3  }
0xb: {  	s6 =	smul.u32 $0xA0000, s2;
	s2 =	ssub.s32 s9, s23;
	s7 =	sadd.s32 s7, s1  }
0xc: {  	s23 =	simm.s32 $0x6;
	s0 =	sadd.s32 s8, s0;
	s24 =	sadd.s32 $0x4000, s7  }
0xd: {  	s25 =	sadd.s32 $0x8000, s7;
	s28 =	sadd.s32 $0xC000, s7;
	[dreg:$0x3] =	wrdreg s24  }
0xe: {  	s30 =	sadd.s32 $0x10000, s7;
	[dreg:$0x4] =	wrdreg s25;
	s26 =	sadd.s32 s10, s6  }
0xf: {  	[dreg:$0x5] =	wrdreg s28;
	s10 =	sor.u32 $0x1400, s26;
	s8 =	sshrl.u32 s26, $0x3  }
0x10: {  	[dreg:$0x6] =	wrdreg s30;
	s10 =	sshrl.u32 s10, $0x3;
	s8 =	sadd.s32 s5, s8  }
0x11: {  	s16 =	smax.u32 s2, $0x1;
	[dreg:$0x7] =	wrdreg s8;
	s31 =	sadd.s32 s5, s10  }
0x12: {  	v0 =	vimm.f32 $0.0e+00;
	s15 =	sadd.s32 $0x8DE00, s0;
	s24 =	simm.s32 $0x0;
	[dreg:$0x8] =	wrdreg s31  }
.LBB2_1:
0x13: {  	s0 =	simm.s32 $0x0;
	s2 =	simm.s32 $0x200  }
.LBB2_2:
0x14: {  	p0 =	sne.s32 s2, $0xFE00;
	[tilespmem:s0+$0x2870] =	vst v0  }
0x15: {  	[tilespmem:s0+$0x2800] =	vst v0  }
0x16: {  	[tilespmem:s0+$0x2810] =	vst v0  }
.Ltmp0:
0x17: {  	[tilespmem:s0+$0x2820] =	vst v0;
	(pc) =	sbr.rel @p0 .LBB2_2-.Ltmp0, $4  }
0x18: {  	[tilespmem:s0+$0x2830] =	vst v0  }
0x19: {  	[tilespmem:s0+$0x2840] =	vst v0  }
0x1a: {  	[tilespmem:s0+$0x2850] =	vst v0  }
0x1b: {  	[tilespmem:s0+$0x2860] =	vst v0;
	s0 =	sshra.s32 s2, $0x2;
	s2 =	sadd.s32 $0x200, s2  }
0x1c: {  	[tilespmem:s0+$0x2870] =	vst v0  }
0x1d: {  	[tilespmem:s0+$0x2800] =	vst v0  }
0x1e: {  	[tilespmem:s0+$0x2810] =	vst v0  }
0x1f: {  	[tilespmem:s0+$0x2820] =	vst v0  }
0x20: {  	[tilespmem:s0+$0x2830] =	vst v0  }
0x21: {  	[tilespmem:s0+$0x2840] =	vst v0  }
0x22: {  	[tilespmem:s0+$0x2850] =	vst v0  }
0x23: {  	[tilespmem:s0+$0x2860] =	vst v0  }
0x24: {  	[spmem:s7] =	stream.linear.scatter [tilespmem:s17], [sflag:$0x7], $0x4000, $0x38;
	[tilespmem:$0x1E800] =	vst v63  }
0x25: {  	_ =	swait.ge [sflag:s18], $0x4000  }
0x26: {  	[sflag:s18] =	ssyncset.done $0x0  }
0x27: {  	s25 =	rddreg [dreg:$0x3];
	[sflag:s18] =	ssyncadd.s32 $0xFFFFC000  }
0x28: {  	[spmem:s25] =	stream.linear.scatter [tilespmem:s17], [sflag:$0x7], $0x4000, $0x38;
	[tilespmem:$0x1E800] =	vst v63  }
0x29: {  	_ =	swait.ge [sflag:s18], $0x4000  }
0x2a: {  	[sflag:s18] =	ssyncset.done $0x0  }
0x2b: {  	s26 =	rddreg [dreg:$0x4];
	[sflag:s18] =	ssyncadd.s32 $0xFFFFC000  }
0x2c: {  	[spmem:s26] =	stream.linear.scatter [tilespmem:s17], [sflag:$0x7], $0x4000, $0x38;
	[tilespmem:$0x1E800] =	vst v63  }
0x2d: {  	_ =	swait.ge [sflag:s18], $0x4000  }
0x2e: {  	[sflag:s18] =	ssyncset.done $0x0  }
0x2f: {  	s28 =	rddreg [dreg:$0x5];
	[sflag:s18] =	ssyncadd.s32 $0xFFFFC000  }
0x30: {  	[spmem:s28] =	stream.linear.scatter [tilespmem:s17], [sflag:$0x7], $0x4000, $0x38;
	[tilespmem:$0x1E800] =	vst v63  }
0x31: {  	_ =	swait.ge [sflag:s18], $0x4000  }
0x32: {  	[sflag:s18] =	ssyncset.done $0x0  }
0x33: {  	s29 =	rddreg [dreg:$0x6];
	[sflag:s18] =	ssyncadd.s32 $0xFFFFC000  }
0x34: {  	[spmem:s29] =	stream.linear.scatter [tilespmem:s17], [sflag:$0x7], $0x4000, $0x38;
	[tilespmem:$0x1E800] =	vst v63  }
0x35: {  	_ =	swait.ge [sflag:s18], $0x4000  }
0x36: {  	[sflag:s18] =	ssyncset.done $0x0  }
0x37: {  	[sflag:s18] =	ssyncadd.s32 $0xFFFFC000  }
0x38: {  	[bflag:$0x0] =	sbarrier.arrive $0xFFFF  }
0x39: {  	s2 =	simm.s32 $0x1400;
	s30 =	rddreg [dreg:$0x7]  }
0x3a: {  	[tilespmem:s24], [sflag:$0x1] =	stream.linear.gather [hbm4b:s30+s24], $0x1400, $0x38;
	[tilespmem:$0x1E800] =	vst v63  }
0x3b: {  	p0 =	por $0x0, $0x0;
	s25 =	simm.s32 $0x0;
	s31 =	rddreg [dreg:$0x8]  }
0x3c: {  	[tilespmem:s2], [sflag:$0x2] =	stream.linear.gather [hbm4b:s31+s24], $0x1400, $0x38;
	[tilespmem:$0x1E800] =	vst v63  }
.LBB2_4:
0x3d: {  	s0 =	sand.u32 $0x1, s25  }
0x3e: {  	s2 =	simm.s32 $0x1;
	s26 =	sadd.s32 $0x1, s0  }
0x3f: {  	s13 =	sand.u32 $0x1, s24;
	s0 =	smul.u32 $0x5000, s0;
	_ =	swait.ge [sflag:s26], $0x1400  }
0x40: {  	s30 =	simm.s32 $0x1;
	p1 =	por $0x0, $0x0;
	[sflag:s26] =	ssyncset.done $0x0  }
0x41: {  	s2 =	simm.s32 @!p0 $0x0;
	s28 =	sshrl.u32 s0, $0x2;
	[sflag:s26] =	ssyncadd.s32 $0xFFFFEC00  }
0x42: {  	[tilespmem:s17], [sflag:$0x3] =	stream.indirect.gather [hbm4b:s4+s20], $0x80, s28, s20, $0xb8;
	[tilespmem:$0x1E800] =	vst v63  }
0x43: {  	s31 =	sadd.s32 $0x3, s13;
	s11 =	smul.u32 $0x5000, s2;
	s12 =	sor.u32 $0x80, s28  }
0x44: {  	[tilespmem:s21], [sflag:$0x4] =	stream.indirect.gather [hbm4b:s4+s20], $0x80, s12, s20, $0xb8;
	[tilespmem:$0x1E800] =	vst v63  }
0x45: {  	s19 =	sshll.u32 s13, $0xE;
	s10 =	sadd.s32 $0x5, s13;
	_ =	swait.ge [sflag:s31], $0x4000  }
0x46: {  	s8 =	sor.u32 $0x2800, s19;
	s0 =	sshrl.u32 s11, $0x2;
	[sflag:s31] =	ssyncset.done $0x0  }
0x47: {  	s2 =	sand.u32 $0x1, s30;
	s9 =	sadd.s32 $0xA00, s0;
	[sflag:s31] =	ssyncadd.s32 $0xFFFFC000  }
0x48: {  	[spmem:s1] =	stream.indirect.scatter.add.f32 [tilespmem:s8], [sflag:s10], $0x80, s9, s20, $0xb8;
	[tilespmem:$0x1E800] =	vst v63  }
0x49: {  	s19 =	sshll.u32 s2, $0xE;
	_ =	swait.ge @!p1 [sflag:s10], $0x4000  }
0x4a: {  	s0 =	simm.s32 $0x2;
	s29 =	sadd.s32 $0x80, s9;
	[sflag:s10] =	ssyncset.done @!p1 $0x0  }
0x4b: {  	s9 =	sadd.s32 @!p1 $0xFFFFF700, s9;
	[sflag:s10] =	ssyncadd.s32 @!p1 $0xFFFFC000;
	s10 =	simm.s32 @!p1 $0x80  }
.LBB2_5:
0x4c: {  	[tilespmem:s8], [sflag:s31] =	stream.indirect.gather @!p1 [hbm4b:s4+s10], $0x80, s9, s10, $0xb8;
	[tilespmem:$0x1E800] =	vst v63  }
0x4d: {  	s9 =	smov.u32 s0;
	s10 =	smov.u32 s29  }
0x4e: {  	s0 =	sadd.s32 $0x1, s0;
	s31 =	sadd.s32 $0x3, s2;
	s11 =	sand.u32 $0x1, s9  }
0x4f: {  	p2 =	sne.s32 s0, $0x14;
	s12 =	sshll.u32 s11, $0xE;
	_ =	swait.ge [sflag:s31], $0x4000  }
0x50: {  	s13 =	sadd.s32 $0x5, s2;
	p1 =	sgt.u32 s30, $0x11;
	[sflag:s31] =	ssyncset.done $0x0  }
.Ltmp1:
0x51: {  	s8 =	sor.u32 $0x2800, s19;
	[sflag:s31] =	ssyncadd.s32 $0xFFFFC000;
	(pc) =	sbr.rel @p2 .LBB2_5-.Ltmp1, $4  }
0x52: {  	[spmem:s1] =	stream.indirect.scatter.add.f32 [tilespmem:s8], [sflag:s13], $0x80, s29, s20, $0xb8;
	[tilespmem:$0x1E800] =	vst v63  }
0x53: {  	s30 =	smov.u32 s9;
	s2 =	smov.u32 s11;
	_ =	swait.ge @!p1 [sflag:s13], $0x4000  }
0x54: {  	s19 =	smov.u32 s12;
	s29 =	sadd.s32 $0x80, s29;
	[sflag:s13] =	ssyncset.done @!p1 $0x0  }
0x55: {  	s9 =	sadd.s32 @!p1 $0xFFFFF700, s10;
	s10 =	simm.s32 @!p1 $0x80;
	[sflag:s13] =	ssyncadd.s32 @!p1 $0xFFFFC000  }
0x56: {  	[tilespmem:s8], [sflag:s31] =	stream.indirect.gather @!p1 [hbm4b:s4+s10], $0x80, s9, s10, $0xb8;
	[tilespmem:$0x1E800] =	vst v63  }
0x57: {  	s0 =	sadd.s32 $0x3, s2  }
0x58: {  	_ =	swait.ge [sflag:s0], $0x4000  }
0x59: {  	s2 =	sadd.s32 $0x5, s2;
	[sflag:s0] =	ssyncset.done $0x0  }
0x5a: {  	p1 =	sgt.u32 s30, $0x11;
	s8 =	sor.u32 $0x2800, s19;
	[sflag:s0] =	ssyncadd.s32 $0xFFFFC000  }
0x5b: {  	[spmem:s1] =	stream.indirect.scatter.add.f32 [tilespmem:s8], [sflag:s2], $0x80, s29, s20, $0xb8;
	[tilespmem:$0x1E800] =	vst v63  }
0x5c: {  	_ =	swait.ge @!p1 [sflag:s2], $0x4000  }
0x5d: {  	[sflag:s2] =	ssyncset.done @!p1 $0x0  }
0x5e: {  	s9 =	simm.s32 @!p1 $0x80;
	[sflag:s2] =	ssyncadd.s32 @!p1 $0xFFFFC000;
	s2 =	sadd.s32 @!p1 $0xFFFFF700, s29  }
0x5f: {  	[tilespmem:s8], [sflag:s0] =	stream.indirect.gather @!p1 [hbm4b:s4+s9], $0x80, s2, s9, $0xb8;
	[tilespmem:$0x1E800] =	vst v63  }
0x60: {  	p1 =	sgt.u32 s25, $0x5  }
0x61: {  	s0 =	smul.u32 @!p1 $0x28, s25  }
0x62: {  	_ =	swait.ge [sflag:s22], $0x4000  }
0x63: {  	[sflag:s22] =	ssyncset.done $0x0;
	s0 =	sadd.s32 @!p1 s0, s14  }
0x64: {  	[sflag:s22] =	ssyncadd.s32 $0xFFFFC000;
	s0 =	sshll.u32 @!p1 s0, $0x7  }
0x65: {  	_ =	swait.ge [sflag:s23], $0x4000;
	s0 =	sadd.s32 @!p1 s6, s0  }
0x66: {  	s2 =	simm.s32 @!p1 $0x0;
	[sflag:s23] =	ssyncset.done $0x0;
	s0 =	sshrl.u32 @!p1 s0, $0x3  }
0x67: {  	s25 =	sadd.s32 $0x1, s25;
	[sflag:s23] =	ssyncadd.s32 $0xFFFFC000;
	s0 =	sadd.s32 @!p1 s5, s0  }
0x68: {  	[tilespmem:s28], [sflag:s26] =	stream.linear.gather @!p1 [hbm4b:s0+s2], $0x1400, $0x38;
	[tilespmem:$0x1E800] =	vst v63  }
0x69: {  	p1 =	sne.s32 s25, $0x8  }
.Ltmp2:
0x6a: {  	_ = 	snop;
	(pc) =	sbr.rel @p1 .LBB2_4-.Ltmp2, $2  }
0x6b: {  	_ =	sdelay $0x2  }
0x6c: {  	p0 =	por !p0, !p0  }
0x6d: {  	s0 =	stileid.u32;
	s3 =	sadd.s32 $0x1, s3  }
0x6e: {  	[bflag:$0x0] =	sbarrier.arrive $0xFFFF;
	s0 =	sshll.u32 s0, $0x6;
	p0 =	sne.s32 s3, s16  }
.Ltmp3:
0x6f: {  	s2 =	sshrl.u32 s7, $0x3;
	s0 =	sor.u32 $0x1C07, s0;
	(pc) =	sbr.rel @p0 .LBB2_1-.Ltmp3, $4  }
0x70: {  	[hbm:s15], [sflag:s0] =	dma.local [spmem:s2], $0x2800  }
0x71: {  	_ =	swait.ge [sflag:s18], $0x2800  }
0x72: {  	[sflag:s18] =	ssyncset.done $0x0  }
0x73: {  	[sflag:s18] =	ssyncadd.s32 $0xFFFFD800  }
0x74: {  	_ =	sfence.sel $0x180000  }
0x75: {  	[bflag:$0x0] =	sbarrier.arrive $0xFFFF  }
0x76: {  	_ =	strace $0x9000004A  }
0x77: {  	s0 =	stileid.u32;
	[bflag:$0x2] =	sbarrier.arrive $0xFFFF  }
0x78: {  	p0 =	sne.s32 s0, $0x0;
	s0 =	rddreg [dreg:$0x2]  }
0x79: {  	s0 =	sadd.s32 @!p0 $0x100000, s0  }
0x7a: {  	[sflag:s0] =	ssyncadd.tile.s32 @!p0 $0x1;
	_ =	shalt  }
.Lfunc_end2:
_tile_overlayer_lowered:
.L_overlay_start_2:
0x7b: {  	(tag) =	ssettag $0x2  }
0x7c: {  	s0 =	rddreg [dreg:$0x0];
	s2 =	stileid.u32  }
0x7d: {  	s1 =	rddreg [dreg:$0x1];
	p0 =	sne.s32 s2, $0x0  }
0x7e: {  	s3 =	rddreg [dreg:$0x2];
	[bflag:$0x3] =	sbarrier.arrive $0xFFFF;
	s2 =	simm.s32 @!p0 $0x1C07  }
0x7f: {  	[timem:s3], [sflag:s2] =	dma.local @!p0 [hbm:s0], s1  }
0x80: {  	s0 =	simm.s32 @!p0 $0x7  }
0x81: {  	_ =	swait.ge @!p0 [sflag:s0], s1  }
0x82: {  	s1 =	ssub.s32 @!p0 $0x0, s1;
	[sflag:s0] =	ssyncset.done @!p0 $0x0  }
0x83: {  	[sflag:s0] =	ssyncadd.s32 @!p0 s1  }
0x84: {  	[bflag:$0x3] =	sbarrier.arrive $0xFFFF  }
0x85: {  	_ =	shalt  }

// kernel: kernel.20.cloned.1.call-start
scs
__scs_entry_jumppad:
0x0: {  	(pc) =	sbr.rel $0x88, $3  }
0x1: {  	(tag) =	ssettag $0x0;
	lr =	simm.s32 $0x1  }
0x2: {  	[smem:$0x3F94] =	sst lr;
	_ =	strace $0xD0000000  }
0x3: {  	_ = 	snop  }
0x4: {  	_ = 	snop  }
0x5: {  	_ = 	snop  }
0x6: {  	_ = 	snop  }
0x7: {  	_ = 	snop  }
__scs_overlays_trampoline_lowered:
0x8: {  	[smem:$0x3FA3] =	sst s0  }
0x9: {  	[smem:$0x3FA4] =	sst s1  }
0xa: {  	[smem:$0x3FA5] =	sst s2  }
0xb: {  	[smem:$0x3FA6] =	sst s3  }
0xc: {  	[smem:$0x3FA7] =	sst s4  }
0xd: {  	[smem:$0x3FA8] =	sst s5  }
0xe: {  	[smem:$0x3FA9] =	sst s6  }
0xf: {  	[smem:$0x3FAA] =	sst s7  }
0x10: {  	[smem:$0x3FAB] =	sst s8  }
0x11: {  	[smem:$0x3FAC] =	sst s9;
	s0 =	simm.s32 @!p0 $0x0  }
0x12: {  	s1 =	sld [smem:$0x3F92];
	s0 =	simm.s32 @p0 $0x1  }
0x13: {  	[smem:$0x3FAD] =	sst s0;
	s0 =	simm.s32 @!p1 $0x0  }
0x14: {  	s2 =	sld [smem:$0x3F91];
	s0 =	simm.s32 @p1 $0x1  }
0x15: {  	[smem:$0x3FAE] =	sst s0;
	s0 =	simm.s32 @!p2 $0x0  }
0x16: {  	s3 =	sld [smem:$0x3FDB];
	s0 =	simm.s32 @p2 $0x1  }
0x17: {  	s4 =	simm.s32 $0x1BF5;
	[smem:$0x3FB0] =	sst s0  }
0x18: {  	s0 =	sld [smem:$0x3F93];
	_ =	swait.ge [sflag:s4], $0x0  }
0x19: {  	s7 =	sld [smem:$0x3F94]  }
0x1a: {  	s8 =	sadd.s32 $0xFFFFE003, lr  }
0x1b: {  	s9 =	sadd.s32 $0xFFFFFEF7, lr;
	s5 =	simm.s32 $0xFFFFFFFF;
	p2 =	slt.u32 s8, $0xFFFFF086  }
0x1c: {  	p1 =	slt.u32 s9, $0xF7A;
	s5 =	simm.s32 @!p2 $0x0  }
0x1d: {  	s5 =	simm.s32 @p1 $0x1;
	p0 =	seq.s32 s7, s2  }
0x1e: {  	s7 =	smul.u32 @!p0 $0xF7A, s2;
	p2 =	seq.s32 @!p0 s5, $0x0  }
0x1f: {  	s9 =	smul.u32 $0xF7A, s1;
	s8 =	simm.s32 @!p0 $0x1BF5;
	p2 =	por !p2, p0  }
0x20: {  	[sflag:s8] =	ssyncset.s32 @!p0 $0xFFFFF086;
	s6 =	sadd.s32 @!p0 s3, s7;
	s7 =	simm.s32 @!p0 $0x108  }
0x21: {  	s3 =	sadd.s32 s3, s9;
	s6 =	sadd.s32 @!p0 $0x88, s6;
	s7 =	simm.s32 @p2 $0x1082  }
0x22: {  	[simem:s7], [sflag:s8] =	dma.local @!p0 [hbm:s6], $0xF7A  }
0x23: {  	s9 =	sor.u32 $0xD0000000, s2;
	s6 =	simm.s32 $0x108;
	_ =	swait.ge @!p0 [sflag:s8], $0x0  }
0x24: {  	s3 =	sadd.s32 $0x88, s3;
	s6 =	simm.s32 @!p1 $0x1082;
	[sflag:s4] =	ssyncset.s32 $0xFFFFF086  }
0x25: {  	[simem:s6], [sflag:s4] =	dma.local [hbm:s3], $0xF7A  }
0x26: {  	[smem:$0x3F94] =	sst s1;
	(tag) =	ssettag s2;
	_ =	strace s9  }
0x27: {  	s1 =	sld [smem:$0x3FA4]  }
0x28: {  	s2 =	sld [smem:$0x3FA5]  }
0x29: {  	s4 =	sld [smem:$0x3FA7]  }
0x2a: {  	p0 =	seq.s32 s5, $0x0;
	s5 =	sld [smem:$0x3FA8]  }
0x2b: {  	s6 =	sld [smem:$0x3FA9]  }
0x2c: {  	s7 =	sld [smem:$0x3FAA]  }
0x2d: {  	s3 =	simm.s32 $0x108;
	s8 =	sld [smem:$0x3FAB]  }
0x2e: {  	s3 =	simm.s32 @!p0 $0x1082;
	s9 =	sld [smem:$0x3FAC]  }
0x2f: {  	lr =	sadd.s32 s0, s3;
	s0 =	sld [smem:$0x3FA3]  }
0x30: {  	s3 =	sld [smem:$0x3FA6]  }
0x31: {  	[smem:$0x3FAF] =	sst s10  }
0x32: {  	s10 =	sld [smem:$0x3FAD];
	_ =	sdelay $0x3  }
0x33: {  	p0 =	seq.s32 s10, $0x1;
	s10 =	sld [smem:$0x3FAF];
	_ =	sdelay $0x3  }
0x34: {  	[smem:$0x3FAF] =	sst s10  }
0x35: {  	s10 =	sld [smem:$0x3FAE];
	_ =	sdelay $0x3  }
0x36: {  	p1 =	seq.s32 s10, $0x1;
	s10 =	sld [smem:$0x3FAF];
	_ =	sdelay $0x3  }
0x37: {  	[smem:$0x3FAF] =	sst s10  }
0x38: {  	s10 =	sld [smem:$0x3FB0]  }
0x39: {  	_ = 	snop;
	(pc) =	sbr.ind lr, $3  }
0x3a: {  	_ = 	snop  }
0x3b: {  	_ = 	snop  }
0x3c: {  	p2 =	seq.s32 s10, $0x1;
	s10 =	sld [smem:$0x3FAF]  }
0x3d: {  	_ =	shalt  }
0x3e: {  	_ =	shalt  }
0x3f: {  	_ =	shalt  }
0x40: {  	_ =	shalt  }
0x41: {  	_ =	shalt  }
0x42: {  	_ =	shalt  }
0x43: {  	_ =	shalt  }
0x44: {  	_ =	shalt  }
0x45: {  	_ =	shalt  }
0x46: {  	_ =	shalt  }
0x47: {  	_ =	shalt  }
0x48: {  	_ =	shalt  }
0x49: {  	_ =	shalt  }
0x4a: {  	_ =	shalt  }
0x4b: {  	_ =	shalt  }
0x4c: {  	_ =	shalt  }
0x4d: {  	_ =	shalt  }
0x4e: {  	_ =	shalt  }
0x4f: {  	_ =	shalt  }
0x50: {  	_ =	shalt  }
0x51: {  	_ =	shalt  }
0x52: {  	_ =	shalt  }
0x53: {  	_ =	shalt  }
0x54: {  	_ =	shalt  }
0x55: {  	_ =	shalt  }
0x56: {  	_ =	shalt  }
0x57: {  	_ =	shalt  }
0x58: {  	_ =	shalt  }
0x59: {  	_ =	shalt  }
0x5a: {  	_ =	shalt  }
0x5b: {  	_ =	shalt  }
0x5c: {  	_ =	shalt  }
0x5d: {  	_ =	shalt  }
0x5e: {  	_ =	shalt  }
0x5f: {  	_ =	shalt  }
0x60: {  	_ =	shalt  }
0x61: {  	_ =	shalt  }
0x62: {  	_ =	shalt  }
0x63: {  	_ =	shalt  }
0x64: {  	_ =	shalt  }
0x65: {  	_ =	shalt  }
0x66: {  	_ =	shalt  }
0x67: {  	_ =	shalt  }
0x68: {  	_ =	shalt  }
0x69: {  	_ =	shalt  }
0x6a: {  	_ =	shalt  }
0x6b: {  	_ =	shalt  }
0x6c: {  	_ =	shalt  }
0x6d: {  	_ =	shalt  }
0x6e: {  	_ =	shalt  }
0x6f: {  	_ =	shalt  }
0x70: {  	_ =	shalt  }
0x71: {  	_ =	shalt  }
0x72: {  	_ =	shalt  }
0x73: {  	_ =	shalt  }
0x74: {  	_ =	shalt  }
0x75: {  	_ =	shalt  }
0x76: {  	_ =	shalt  }
0x77: {  	_ =	shalt  }
0x78: {  	_ =	shalt  }
0x79: {  	_ =	shalt  }
0x7a: {  	_ =	shalt  }
0x7b: {  	_ =	shalt  }
0x7c: {  	_ =	shalt  }
0x7d: {  	_ =	shalt  }
0x7e: {  	_ =	shalt  }
0x7f: {  	_ =	shalt  }
0x80: {  	_ =	shalt  }
0x81: {  	_ =	shalt  }
0x82: {  	_ =	shalt  }
0x83: {  	_ =	shalt  }
0x84: {  	_ =	shalt  }
0x85: {  	_ =	shalt  }
0x86: {  	_ =	shalt  }
0x87: {  	_ =	shalt  }
.Lfunc_end0:
.L_simem_size_0:
called_computation.2_lowered:
.L_overlay_start_0:
0x88: {  	s2 =	sld [smem:$0x3FD9]  }
0x89: {  	s3 =	sld [smem:$0x3FFE];
	_ =	sdelay $0x1  }
0x8a: {  	s1 =	srdreg.scid  }
0x8b: {  	s0 =	sand.u32 $0x1, s1  }
0x8c: {  	s16 =	sshll.u32 s0, $0xA;
	s2 =	sadd.s32 s3, s2  }
0x8d: {  	s2 =	sadd.s32 s2, s16  }
0x8e: {  	[smem:$0x3FBB] =	sst s2  }
0x8f: {  	_ = 	snop  }
0x90: {  	(tm) =	ssettm $0x1  }
0x91: {  	s17 =	sld [smem:$0x3FFB];
	_ =	sdelay $0x3  }
0x92: {  	_ =	strace s17  }
0x93: {  	s2 =	sld [smem:$0x3FFC];
	_ =	sdelay $0x3  }
0x94: {  	_ =	strace s2  }
0x95: {  	s2 =	sld [smem:$0x3FFD];
	_ =	sdelay $0x3  }
0x96: {  	_ =	strace s2  }
0x97: {  	_ =	strace $0x8FFFFFFF  }
0x98: {  	s18 =	sld [smem:$0x3FDB];
	_ =	sdelay $0x1  }
0x99: {  	s19 =	simm.s32 $_scs_section_size  }
0x9a: {  	s4 =	simm.s32 $_size__tile_overlayer_lowered;
	s5 =	simm.s32 $_tile_overlayer_lowered  }
0x9b: {  	s22 =	simm.s32 $0x1BFF;
	s21 =	sshll.u32 s5, $0x1;
	s2 =	sadd.s32 s19, s18  }
0x9c: {  	s6 =	simm.s32 $0x0;
	s20 =	sshll.u32 s4, $0x1;
	s4 =	sadd.s32 s21, s2  }
0x9d: {  	[timem:s6], [sflag:s22] =	dma.local [hbm:s4], s20  }
0x9e: {  	_ =	swait.ge [sflag:s22], s20  }
0x9f: {  	s3 =	ssub.s32 $0x0, s20;
	[sflag:s22] =	ssyncset.done $0x0  }
0xa0: {  	[sflag:s22] =	ssyncadd.s32 s3;
	_ =	sdelay $0x1  }
0xa1: {  	s23 =	simm.s32 $0x1B8B  }
0xa2: {  	_ =	swait.ge [sflag:s23], $0x1  }
0xa3: {  	[sflag:s23] =	ssyncset.done $0x0  }
0xa4: {  	s25 =	simm.s32 $0x1B8E;
	s24 =	sld [smem:$0x3FFE];
	[sflag:s23] =	ssyncadd.s32 $0xFFFFFFFF  }
0xa5: {  	s26 =	simm.s32 $execute0_lowered;
	[smem:$0x3FD2] =	sst s25  }
0xa6: {  	s4 =	sshll.u32 s26, $0x1;
	_ =	strace $0x8000004C;
	[dreg:$0x1] =	wrdreg $0xFFFFFFFF  }
0xa7: {  	s28 =	simm.s32 $_size_execute0_lowered;
	s2 =	sadd.s32 s2, s4;
	[dreg:$0x0] =	wrdreg $0x0  }
0xa8: {  	s4 =	sshll.u32 s28, $0x1;
	[dreg:$0x2] =	wrdreg s2  }
0xa9: {  	[dreg:$0x3] =	wrdreg s4  }
0xaa: {  	[dreg:$0x4] =	wrdreg $0xC0  }
0xab: {  	_ =	task [dreg:s6], $0x5FFFF  }
0xac: {  	[dreg:$0x1] =	wrdreg $0xFFFFFFFF  }
0xad: {  	[dreg:$0x0] =	wrdreg $0x60  }
0xae: {  	[dreg:$0x2] =	wrdreg s24  }
0xaf: {  	[dreg:$0x3] =	wrdreg $0xA8000  }
0xb0: {  	[dreg:$0x4] =	wrdreg $0x9  }
0xb1: {  	_ =	task.clear_ibuf [dreg:s6], $0x5FFFF;
	_ =	strace $0x9000004C  }
0xb2: {  	s29 =	simm.s32 $0x9;
	_ =	strace $0x8000004E  }
0xb3: {  	_ =	swait.ge [sflag:s29], $0x1  }
0xb4: {  	[sflag:s29] =	ssyncadd.s32 $0xFFFFFFFF  }
0xb5: {  	_ =	strace $0x9000004E  }
0xb6: {  	_ =	sfence  }
0xb7: {  	s30 =	sld [smem:$0x0];
	_ =	sdelay $0x2  }
0xb8: {  	s31 =	sshll.u32 s1, $0xD;
	s1 =	sshrl.u32 s1, $0x2  }
0xb9: {  	s3 =	sand.u32 $0x4000, s31;
	s1 =	sadd.s32 s1, s30  }
0xba: {  	s0 =	sor.u32 s3, s0;
	s1 =	sshll.u32 s1, $0x11  }
0xbb: {  	s0 =	sor.u32 s1, s0  }
0xbc: {  	s0 =	sadd.s32 $0x8F2B, s0  }
0xbd: {  	[sflag:s0] =	ssyncadd.remote.s32 $0x1  }
0xbe: {  	_ =	sfence.sel $0xFFFF  }
0xbf: {  	[dreg:$0x0] =	wrdreg $0xFFFFFFFF;
	(pc) =	sbr.abs _section_cstart, $3  }
0xc0: {  	[dreg:$0x1] =	wrdreg $0xFFFFFFFF  }
0xc1: {  	_ =	task.clear_ibuf [dreg:s6], $0x2FFFF;
	_ =	strace $0x9FFFFFFF  }
0xc2: {  	(tm) =	ssettm $0x7FFFFFFF  }
0xc3: {  	_ =	shalt  }
tec
execute0_lowered:
.L_overlay_start_1:
0x0: {  	(tag) =	ssettag $0x1  }
0x1: {  	s0 =	rddreg [dreg:$0x0]  }
0x2: {  	s1 =	rddreg [dreg:$0x1]  }
0x3: {  	s2 =	srdreg.scid;
	s3 =	simm.s32 $0x0;
	s11 =	stileid.u32  }
0x4: {  	s17 =	simm.s32 $0x2800;
	s18 =	simm.s32 $0x7;
	s7 =	smul.u32 $0x14000, s11  }
0x5: {  	s20 =	simm.s32 $0x80;
	s21 =	simm.s32 $0x6800;
	s22 =	smul.u32 $0x50000, s11  }
0x6: {  	s2 =	sand.u32 $0x1, s2;
	[smem:$0x7FF] =	sst s3;
	s29 =	smul.u32 $0x140, s11  }
0x7: {  	s4 =	sadd.s32 $0x3FC00, s0;
	s5 =	sadd.s32 $0x17C00, s0;
	s6 =	smul.u32 $0x140000, s2  }
0x8: {  	s10 =	smul.u32 $0xA000, s11;
	_ =	strace $0x8000004D;
	s9 =	ssub.s32 $0x2, s2  }
0x9: {  	s23 =	sshrl.u32 s9, $0x1;
	s14 =	sadd.s32 $0x50, s29;
	s6 =	sadd.s32 s7, s6  }
0xa: {  	s7 =	sshrl.u32 s22, $0x2;
	s22 =	simm.s32 $0x5;
	s8 =	sshrl.u32 s6, $0x3  }
0xb: {  	s6 =	smul.u32 $0xA0000, s2;
	s2 =	ssub.s32 s9, s23;
	s7 =	sadd.s32 s7, s1  }
0xc: {  	s23 =	simm.s32 $0x6;
	s0 =	sadd.s32 s8, s0;
	s24 =	sadd.s32 $0x4000, s7  }
0xd: {  	s25 =	sadd.s32 $0x8000, s7;
	s28 =	sadd.s32 $0xC000, s7;
	[dreg:$0x3] =	wrdreg s24  }
0xe: {  	s30 =	sadd.s32 $0x10000, s7;
	[dreg:$0x4] =	wrdreg s25;
	s26 =	sadd.s32 s10, s6  }
0xf: {  	[dreg:$0x5] =	wrdreg s28;
	s10 =	sor.u32 $0x1400, s26;
	s8 =	sshrl.u32 s26, $0x3  }
0x10: {  	[dreg:$0x6] =	wrdreg s30;
	s10 =	sshrl.u32 s10, $0x3;
	s8 =	sadd.s32 s5, s8  }
0x11: {  	s16 =	smax.u32 s2, $0x1;
	[dreg:$0x7] =	wrdreg s8;
	s31 =	sadd.s32 s5, s10  }
0x12: {  	v0 =	vimm.f32 $0.0e+00;
	s15 =	sadd.s32 $0x8DE00, s0;
	s24 =	simm.s32 $0x0;
	[dreg:$0x8] =	wrdreg s31  }
.LBB2_1:
0x13: {  	s0 =	simm.s32 $0x0;
	s2 =	simm.s32 $0x200  }
.LBB2_2:
0x14: {  	p0 =	sne.s32 s2, $0xFE00;
	[tilespmem:s0+$0x2870] =	vst v0  }
0x15: {  	[tilespmem:s0+$0x2800] =	vst v0  }
0x16: {  	[tilespmem:s0+$0x2810] =	vst v0  }
.Ltmp0:
0x17: {  	[tilespmem:s0+$0x2820] =	vst v0;
	(pc) =	sbr.rel @p0 .LBB2_2-.Ltmp0, $4  }
0x18: {  	[tilespmem:s0+$0x2830] =	vst v0  }
0x19: {  	[tilespmem:s0+$0x2840] =	vst v0  }
0x1a: {  	[tilespmem:s0+$0x2850] =	vst v0  }
0x1b: {  	[tilespmem:s0+$0x2860] =	vst v0;
	s0 =	sshra.s32 s2, $0x2;
	s2 =	sadd.s32 $0x200, s2  }
0x1c: {  	[tilespmem:s0+$0x2870] =	vst v0  }
0x1d: {  	[tilespmem:s0+$0x2800] =	vst v0  }
0x1e: {  	[tilespmem:s0+$0x2810] =	vst v0  }
0x1f: {  	[tilespmem:s0+$0x2820] =	vst v0  }
0x20: {  	[tilespmem:s0+$0x2830] =	vst v0  }
0x21: {  	[tilespmem:s0+$0x2840] =	vst v0  }
0x22: {  	[tilespmem:s0+$0x2850] =	vst v0  }
0x23: {  	[tilespmem:s0+$0x2860] =	vst v0  }
0x24: {  	[spmem:s7] =	stream.linear.scatter [tilespmem:s17], [sflag:$0x7], $0x4000, $0x38;
	[tilespmem:$0x1E800] =	vst v63  }
0x25: {  	_ =	swait.ge [sflag:s18], $0x4000  }
0x26: {  	[sflag:s18] =	ssyncset.done $0x0  }
0x27: {  	s25 =	rddreg [dreg:$0x3];
	[sflag:s18] =	ssyncadd.s32 $0xFFFFC000  }
0x28: {  	[spmem:s25] =	stream.linear.scatter [tilespmem:s17], [sflag:$0x7], $0x4000, $0x38;
	[tilespmem:$0x1E800] =	vst v63  }
0x29: {  	_ =	swait.ge [sflag:s18], $0x4000  }
0x2a: {  	[sflag:s18] =	ssyncset.done $0x0  }
0x2b: {  	s26 =	rddreg [dreg:$0x4];
	[sflag:s18] =	ssyncadd.s32 $0xFFFFC000  }
0x2c: {  	[spmem:s26] =	stream.linear.scatter [tilespmem:s17], [sflag:$0x7], $0x4000, $0x38;
	[tilespmem:$0x1E800] =	vst v63  }
0x2d: {  	_ =	swait.ge [sflag:s18], $0x4000  }
0x2e: {  	[sflag:s18] =	ssyncset.done $0x0  }
0x2f: {  	s28 =	rddreg [dreg:$0x5];
	[sflag:s18] =	ssyncadd.s32 $0xFFFFC000  }
0x30: {  	[spmem:s28] =	stream.linear.scatter [tilespmem:s17], [sflag:$0x7], $0x4000, $0x38;
	[tilespmem:$0x1E800] =	vst v63  }
0x31: {  	_ =	swait.ge [sflag:s18], $0x4000  }
0x32: {  	[sflag:s18] =	ssyncset.done $0x0  }
0x33: {  	s29 =	rddreg [dreg:$0x6];
	[sflag:s18] =	ssyncadd.s32 $0xFFFFC000  }
0x34: {  	[spmem:s29] =	stream.linear.scatter [tilespmem:s17], [sflag:$0x7], $0x4000, $0x38;
	[tilespmem:$0x1E800] =	vst v63  }
0x35: {  	_ =	swait.ge [sflag:s18], $0x4000  }
0x36: {  	[sflag:s18] =	ssyncset.done $0x0  }
0x37: {  	[sflag:s18] =	ssyncadd.s32 $0xFFFFC000  }
0x38: {  	[bflag:$0x0] =	sbarrier.arrive $0xFFFF  }
0x39: {  	s2 =	simm.s32 $0x1400;
	s30 =	rddreg [dreg:$0x7]  }
0x3a: {  	[tilespmem:s24], [sflag:$0x1] =	stream.linear.gather [hbm4b:s30+s24], $0x1400, $0x38;
	[tilespmem:$0x1E800] =	vst v63  }
0x3b: {  	p0 =	por $0x0, $0x0;
	s25 =	simm.s32 $0x0;
	s31 =	rddreg [dreg:$0x8]  }
0x3c: {  	[tilespmem:s2], [sflag:$0x2] =	stream.linear.gather [hbm4b:s31+s24], $0x1400, $0x38;
	[tilespmem:$0x1E800] =	vst v63  }
.LBB2_4:
0x3d: {  	s0 =	sand.u32 $0x1, s25  }
0x3e: {  	s2 =	simm.s32 $0x1;
	s26 =	sadd.s32 $0x1, s0  }
0x3f: {  	s13 =	sand.u32 $0x1, s24;
	s0 =	smul.u32 $0x5000, s0;
	_ =	swait.ge [sflag:s26], $0x1400  }
0x40: {  	s30 =	simm.s32 $0x1;
	p1 =	por $0x0, $0x0;
	[sflag:s26] =	ssyncset.done $0x0  }
0x41: {  	s2 =	simm.s32 @!p0 $0x0;
	s28 =	sshrl.u32 s0, $0x2;
	[sflag:s26] =	ssyncadd.s32 $0xFFFFEC00  }
0x42: {  	[tilespmem:s17], [sflag:$0x3] =	stream.indirect.gather [hbm4b:s4+s20], $0x80, s28, s20, $0xb8;
	[tilespmem:$0x1E800] =	vst v63  }
0x43: {  	s31 =	sadd.s32 $0x3, s13;
	s11 =	smul.u32 $0x5000, s2;
	s12 =	sor.u32 $0x80, s28  }
0x44: {  	[tilespmem:s21], [sflag:$0x4] =	stream.indirect.gather [hbm4b:s4+s20], $0x80, s12, s20, $0xb8;
	[tilespmem:$0x1E800] =	vst v63  }
0x45: {  	s19 =	sshll.u32 s13, $0xE;
	s10 =	sadd.s32 $0x5, s13;
	_ =	swait.ge [sflag:s31], $0x4000  }
0x46: {  	s8 =	sor.u32 $0x2800, s19;
	s0 =	sshrl.u32 s11, $0x2;
	[sflag:s31] =	ssyncset.done $0x0  }
0x47: {  	s2 =	sand.u32 $0x1, s30;
	s9 =	sadd.s32 $0xA00, s0;
	[sflag:s31] =	ssyncadd.s32 $0xFFFFC000  }
0x48: {  	[spmem:s1] =	stream.indirect.scatter.add.f32 [tilespmem:s8], [sflag:s10], $0x80, s9, s20, $0xb8;
	[tilespmem:$0x1E800] =	vst v63  }
0x49: {  	s19 =	sshll.u32 s2, $0xE;
	_ =	swait.ge @!p1 [sflag:s10], $0x4000  }
0x4a: {  	s0 =	simm.s32 $0x2;
	s29 =	sadd.s32 $0x80, s9;
	[sflag:s10] =	ssyncset.done @!p1 $0x0  }
0x4b: {  	s9 =	sadd.s32 @!p1 $0xFFFFF700, s9;
	[sflag:s10] =	ssyncadd.s32 @!p1 $0xFFFFC000;
	s10 =	simm.s32 @!p1 $0x80  }
.LBB2_5:
0x4c: {  	[tilespmem:s8], [sflag:s31] =	stream.indirect.gather @!p1 [hbm4b:s4+s10], $0x80, s9, s10, $0xb8;
	[tilespmem:$0x1E800] =	vst v63  }
0x4d: {  	s9 =	smov.u32 s0;
	s10 =	smov.u32 s29  }
0x4e: {  	s0 =	sadd.s32 $0x1, s0;
	s31 =	sadd.s32 $0x3, s2;
	s11 =	sand.u32 $0x1, s9  }
0x4f: {  	p2 =	sne.s32 s0, $0x14;
	s12 =	sshll.u32 s11, $0xE;
	_ =	swait.ge [sflag:s31], $0x4000  }
0x50: {  	s13 =	sadd.s32 $0x5, s2;
	p1 =	sgt.u32 s30, $0x11;
	[sflag:s31] =	ssyncset.done $0x0  }
.Ltmp1:
0x51: {  	s8 =	sor.u32 $0x2800, s19;
	[sflag:s31] =	ssyncadd.s32 $0xFFFFC000;
	(pc) =	sbr.rel @p2 .LBB2_5-.Ltmp1, $4  }
0x52: {  	[spmem:s1] =	stream.indirect.scatter.add.f32 [tilespmem:s8], [sflag:s13], $0x80, s29, s20, $0xb8;
	[tilespmem:$0x1E800] =	vst v63  }
0x53: {  	s30 =	smov.u32 s9;
	s2 =	smov.u32 s11;
	_ =	swait.ge @!p1 [sflag:s13], $0x4000  }
0x54: {  	s19 =	smov.u32 s12;
	s29 =	sadd.s32 $0x80, s29;
	[sflag:s13] =	ssyncset.done @!p1 $0x0  }
0x55: {  	s9 =	sadd.s32 @!p1 $0xFFFFF700, s10;
	s10 =	simm.s32 @!p1 $0x80;
	[sflag:s13] =	ssyncadd.s32 @!p1 $0xFFFFC000  }
0x56: {  	[tilespmem:s8], [sflag:s31] =	stream.indirect.gather @!p1 [hbm4b:s4+s10], $0x80, s9, s10, $0xb8;
	[tilespmem:$0x1E800] =	vst v63  }
0x57: {  	s0 =	sadd.s32 $0x3, s2  }
0x58: {  	_ =	swait.ge [sflag:s0], $0x4000  }
0x59: {  	s2 =	sadd.s32 $0x5, s2;
	[sflag:s0] =	ssyncset.done $0x0  }
0x5a: {  	p1 =	sgt.u32 s30, $0x11;
	s8 =	sor.u32 $0x2800, s19;
	[sflag:s0] =	ssyncadd.s32 $0xFFFFC000  }
0x5b: {  	[spmem:s1] =	stream.indirect.scatter.add.f32 [tilespmem:s8], [sflag:s2], $0x80, s29, s20, $0xb8;
	[tilespmem:$0x1E800] =	vst v63  }
0x5c: {  	_ =	swait.ge @!p1 [sflag:s2], $0x4000  }
0x5d: {  	[sflag:s2] =	ssyncset.done @!p1 $0x0  }
0x5e: {  	s9 =	simm.s32 @!p1 $0x80;
	[sflag:s2] =	ssyncadd.s32 @!p1 $0xFFFFC000;
	s2 =	sadd.s32 @!p1 $0xFFFFF700, s29  }
0x5f: {  	[tilespmem:s8], [sflag:s0] =	stream.indirect.gather @!p1 [hbm4b:s4+s9], $0x80, s2, s9, $0xb8;
	[tilespmem:$0x1E800] =	vst v63  }
0x60: {  	p1 =	sgt.u32 s25, $0x5  }
0x61: {  	s0 =	smul.u32 @!p1 $0x28, s25  }
0x62: {  	_ =	swait.ge [sflag:s22], $0x4000  }
0x63: {  	[sflag:s22] =	ssyncset.done $0x0;
	s0 =	sadd.s32 @!p1 s0, s14  }
0x64: {  	[sflag:s22] =	ssyncadd.s32 $0xFFFFC000;
	s0 =	sshll.u32 @!p1 s0, $0x7  }
0x65: {  	_ =	swait.ge [sflag:s23], $0x4000;
	s0 =	sadd.s32 @!p1 s6, s0  }
0x66: {  	s2 =	simm.s32 @!p1 $0x0;
	[sflag:s23] =	ssyncset.done $0x0;
	s0 =	sshrl.u32 @!p1 s0, $0x3  }
0x67: {  	s25 =	sadd.s32 $0x1, s25;
	[sflag:s23] =	ssyncadd.s32 $0xFFFFC000;
	s0 =	sadd.s32 @!p1 s5, s0  }
0x68: {  	[tilespmem:s28], [sflag:s26] =	stream.linear.gather @!p1 [hbm4b:s0+s2], $0x1400, $0x38;
	[tilespmem:$0x1E800] =	vst v63  }
0x69: {  	p1 =	sne.s32 s25, $0x8  }
.Ltmp2:
0x6a: {  	_ = 	snop;
	(pc) =	sbr.rel @p1 .LBB2_4-.Ltmp2, $2  }
0x6b: {  	_ =	sdelay $0x2  }
0x6c: {  	p0 =	por !p0, !p0  }
0x6d: {  	s0 =	stileid.u32;
	s3 =	sadd.s32 $0x1, s3  }
0x6e: {  	[bflag:$0x0] =	sbarrier.arrive $0xFFFF;
	s0 =	sshll.u32 s0, $0x6;
	p0 =	sne.s32 s3, s16  }
.Ltmp3:
0x6f: {  	s2 =	sshrl.u32 s7, $0x3;
	s0 =	sor.u32 $0x1C07, s0;
	(pc) =	sbr.rel @p0 .LBB2_1-.Ltmp3, $4  }
0x70: {  	[hbm:s15], [sflag:s0] =	dma.local [spmem:s2], $0x2800  }
0x71: {  	_ =	swait.ge [sflag:s18], $0x2800  }
0x72: {  	[sflag:s18] =	ssyncset.done $0x0  }
0x73: {  	[sflag:s18] =	ssyncadd.s32 $0xFFFFD800  }
0x74: {  	_ =	sfence.sel $0x180000  }
0x75: {  	[bflag:$0x0] =	sbarrier.arrive $0xFFFF  }
0x76: {  	_ =	strace $0x9000004D  }
0x77: {  	s0 =	stileid.u32;
	[bflag:$0x2] =	sbarrier.arrive $0xFFFF  }
0x78: {  	p0 =	sne.s32 s0, $0x0;
	s0 =	rddreg [dreg:$0x2]  }
0x79: {  	s0 =	sadd.s32 @!p0 $0x100000, s0  }
0x7a: {  	[sflag:s0] =	ssyncadd.tile.s32 @!p0 $0x1;
	_ =	shalt  }
.Lfunc_end2:
_tile_overlayer_lowered:
.L_overlay_start_2:
0x7b: {  	(tag) =	ssettag $0x2  }
0x7c: {  	s0 =	rddreg [dreg:$0x0];
	s2 =	stileid.u32  }
0x7d: {  	s1 =	rddreg [dreg:$0x1];
	p0 =	sne.s32 s2, $0x0  }
0x7e: {  	s3 =	rddreg [dreg:$0x2];
	[bflag:$0x3] =	sbarrier.arrive $0xFFFF;
	s2 =	simm.s32 @!p0 $0x1C07  }
0x7f: {  	[timem:s3], [sflag:s2] =	dma.local @!p0 [hbm:s0], s1  }
0x80: {  	s0 =	simm.s32 @!p0 $0x7  }
0x81: {  	_ =	swait.ge @!p0 [sflag:s0], s1  }
0x82: {  	s1 =	ssub.s32 @!p0 $0x0, s1;
	[sflag:s0] =	ssyncset.done @!p0 $0x0  }
0x83: {  	[sflag:s0] =	ssyncadd.s32 @!p0 s1  }
0x84: {  	[bflag:$0x3] =	sbarrier.arrive $0xFFFF  }
0x85: {  	_ =	shalt  }

// kernel: kernel.23.cloned.1.call-start
scs
__scs_entry_jumppad:
0x0: {  	(pc) =	sbr.rel $0x88, $3  }
0x1: {  	(tag) =	ssettag $0x0;
	lr =	simm.s32 $0x1  }
0x2: {  	[smem:$0x3F94] =	sst lr;
	_ =	strace $0xD0000000  }
0x3: {  	_ = 	snop  }
0x4: {  	_ = 	snop  }
0x5: {  	_ = 	snop  }
0x6: {  	_ = 	snop  }
0x7: {  	_ = 	snop  }
__scs_overlays_trampoline_lowered:
0x8: {  	[smem:$0x3FA3] =	sst s0  }
0x9: {  	[smem:$0x3FA4] =	sst s1  }
0xa: {  	[smem:$0x3FA5] =	sst s2  }
0xb: {  	[smem:$0x3FA6] =	sst s3  }
0xc: {  	[smem:$0x3FA7] =	sst s4  }
0xd: {  	[smem:$0x3FA8] =	sst s5  }
0xe: {  	[smem:$0x3FA9] =	sst s6  }
0xf: {  	[smem:$0x3FAA] =	sst s7  }
0x10: {  	[smem:$0x3FAB] =	sst s8  }
0x11: {  	[smem:$0x3FAC] =	sst s9;
	s0 =	simm.s32 @!p0 $0x0  }
0x12: {  	s1 =	sld [smem:$0x3F92];
	s0 =	simm.s32 @p0 $0x1  }
0x13: {  	[smem:$0x3FAD] =	sst s0;
	s0 =	simm.s32 @!p1 $0x0  }
0x14: {  	s2 =	sld [smem:$0x3F91];
	s0 =	simm.s32 @p1 $0x1  }
0x15: {  	[smem:$0x3FAE] =	sst s0;
	s0 =	simm.s32 @!p2 $0x0  }
0x16: {  	s3 =	sld [smem:$0x3FDB];
	s0 =	simm.s32 @p2 $0x1  }
0x17: {  	s4 =	simm.s32 $0x1BF5;
	[smem:$0x3FB0] =	sst s0  }
0x18: {  	s0 =	sld [smem:$0x3F93];
	_ =	swait.ge [sflag:s4], $0x0  }
0x19: {  	s7 =	sld [smem:$0x3F94]  }
0x1a: {  	s8 =	sadd.s32 $0xFFFFE003, lr  }
0x1b: {  	s9 =	sadd.s32 $0xFFFFFEF7, lr;
	s5 =	simm.s32 $0xFFFFFFFF;
	p2 =	slt.u32 s8, $0xFFFFF086  }
0x1c: {  	p1 =	slt.u32 s9, $0xF7A;
	s5 =	simm.s32 @!p2 $0x0  }
0x1d: {  	s5 =	simm.s32 @p1 $0x1;
	p0 =	seq.s32 s7, s2  }
0x1e: {  	s7 =	smul.u32 @!p0 $0xF7A, s2;
	p2 =	seq.s32 @!p0 s5, $0x0  }
0x1f: {  	s9 =	smul.u32 $0xF7A, s1;
	s8 =	simm.s32 @!p0 $0x1BF5;
	p2 =	por !p2, p0  }
0x20: {  	[sflag:s8] =	ssyncset.s32 @!p0 $0xFFFFF086;
	s6 =	sadd.s32 @!p0 s3, s7;
	s7 =	simm.s32 @!p0 $0x108  }
0x21: {  	s3 =	sadd.s32 s3, s9;
	s6 =	sadd.s32 @!p0 $0x88, s6;
	s7 =	simm.s32 @p2 $0x1082  }
0x22: {  	[simem:s7], [sflag:s8] =	dma.local @!p0 [hbm:s6], $0xF7A  }
0x23: {  	s9 =	sor.u32 $0xD0000000, s2;
	s6 =	simm.s32 $0x108;
	_ =	swait.ge @!p0 [sflag:s8], $0x0  }
0x24: {  	s3 =	sadd.s32 $0x88, s3;
	s6 =	simm.s32 @!p1 $0x1082;
	[sflag:s4] =	ssyncset.s32 $0xFFFFF086  }
0x25: {  	[simem:s6], [sflag:s4] =	dma.local [hbm:s3], $0xF7A  }
0x26: {  	[smem:$0x3F94] =	sst s1;
	(tag) =	ssettag s2;
	_ =	strace s9  }
0x27: {  	s1 =	sld [smem:$0x3FA4]  }
0x28: {  	s2 =	sld [smem:$0x3FA5]  }
0x29: {  	s4 =	sld [smem:$0x3FA7]  }
0x2a: {  	p0 =	seq.s32 s5, $0x0;
	s5 =	sld [smem:$0x3FA8]  }
0x2b: {  	s6 =	sld [smem:$0x3FA9]  }
0x2c: {  	s7 =	sld [smem:$0x3FAA]  }
0x2d: {  	s3 =	simm.s32 $0x108;
	s8 =	sld [smem:$0x3FAB]  }
0x2e: {  	s3 =	simm.s32 @!p0 $0x1082;
	s9 =	sld [smem:$0x3FAC]  }
0x2f: {  	lr =	sadd.s32 s0, s3;
	s0 =	sld [smem:$0x3FA3]  }
0x30: {  	s3 =	sld [smem:$0x3FA6]  }
0x31: {  	[smem:$0x3FAF] =	sst s10  }
0x32: {  	s10 =	sld [smem:$0x3FAD];
	_ =	sdelay $0x3  }
0x33: {  	p0 =	seq.s32 s10, $0x1;
	s10 =	sld [smem:$0x3FAF];
	_ =	sdelay $0x3  }
0x34: {  	[smem:$0x3FAF] =	sst s10  }
0x35: {  	s10 =	sld [smem:$0x3FAE];
	_ =	sdelay $0x3  }
0x36: {  	p1 =	seq.s32 s10, $0x1;
	s10 =	sld [smem:$0x3FAF];
	_ =	sdelay $0x3  }
0x37: {  	[smem:$0x3FAF] =	sst s10  }
0x38: {  	s10 =	sld [smem:$0x3FB0]  }
0x39: {  	_ = 	snop;
	(pc) =	sbr.ind lr, $3  }
0x3a: {  	_ = 	snop  }
0x3b: {  	_ = 	snop  }
0x3c: {  	p2 =	seq.s32 s10, $0x1;
	s10 =	sld [smem:$0x3FAF]  }
0x3d: {  	_ =	shalt  }
0x3e: {  	_ =	shalt  }
0x3f: {  	_ =	shalt  }
0x40: {  	_ =	shalt  }
0x41: {  	_ =	shalt  }
0x42: {  	_ =	shalt  }
0x43: {  	_ =	shalt  }
0x44: {  	_ =	shalt  }
0x45: {  	_ =	shalt  }
0x46: {  	_ =	shalt  }
0x47: {  	_ =	shalt  }
0x48: {  	_ =	shalt  }
0x49: {  	_ =	shalt  }
0x4a: {  	_ =	shalt  }
0x4b: {  	_ =	shalt  }
0x4c: {  	_ =	shalt  }
0x4d: {  	_ =	shalt  }
0x4e: {  	_ =	shalt  }
0x4f: {  	_ =	shalt  }
0x50: {  	_ =	shalt  }
0x51: {  	_ =	shalt  }
0x52: {  	_ =	shalt  }
0x53: {  	_ =	shalt  }
0x54: {  	_ =	shalt  }
0x55: {  	_ =	shalt  }
0x56: {  	_ =	shalt  }
0x57: {  	_ =	shalt  }
0x58: {  	_ =	shalt  }
0x59: {  	_ =	shalt  }
0x5a: {  	_ =	shalt  }
0x5b: {  	_ =	shalt  }
0x5c: {  	_ =	shalt  }
0x5d: {  	_ =	shalt  }
0x5e: {  	_ =	shalt  }
0x5f: {  	_ =	shalt  }
0x60: {  	_ =	shalt  }
0x61: {  	_ =	shalt  }
0x62: {  	_ =	shalt  }
0x63: {  	_ =	shalt  }
0x64: {  	_ =	shalt  }
0x65: {  	_ =	shalt  }
0x66: {  	_ =	shalt  }
0x67: {  	_ =	shalt  }
0x68: {  	_ =	shalt  }
0x69: {  	_ =	shalt  }
0x6a: {  	_ =	shalt  }
0x6b: {  	_ =	shalt  }
0x6c: {  	_ =	shalt  }
0x6d: {  	_ =	shalt  }
0x6e: {  	_ =	shalt  }
0x6f: {  	_ =	shalt  }
0x70: {  	_ =	shalt  }
0x71: {  	_ =	shalt  }
0x72: {  	_ =	shalt  }
0x73: {  	_ =	shalt  }
0x74: {  	_ =	shalt  }
0x75: {  	_ =	shalt  }
0x76: {  	_ =	shalt  }
0x77: {  	_ =	shalt  }
0x78: {  	_ =	shalt  }
0x79: {  	_ =	shalt  }
0x7a: {  	_ =	shalt  }
0x7b: {  	_ =	shalt  }
0x7c: {  	_ =	shalt  }
0x7d: {  	_ =	shalt  }
0x7e: {  	_ =	shalt  }
0x7f: {  	_ =	shalt  }
0x80: {  	_ =	shalt  }
0x81: {  	_ =	shalt  }
0x82: {  	_ =	shalt  }
0x83: {  	_ =	shalt  }
0x84: {  	_ =	shalt  }
0x85: {  	_ =	shalt  }
0x86: {  	_ =	shalt  }
0x87: {  	_ =	shalt  }
.Lfunc_end0:
.L_simem_size_0:
called_computation.3_lowered:
.L_overlay_start_0:
0x88: {  	s2 =	sld [smem:$0x3FD9]  }
0x89: {  	s3 =	sld [smem:$0x3FFE];
	_ =	sdelay $0x1  }
0x8a: {  	s1 =	srdreg.scid  }
0x8b: {  	s0 =	sand.u32 $0x1, s1  }
0x8c: {  	s16 =	sshll.u32 s0, $0xA;
	s2 =	sadd.s32 s3, s2  }
0x8d: {  	s2 =	sadd.s32 s2, s16  }
0x8e: {  	[smem:$0x3FBB] =	sst s2  }
0x8f: {  	_ = 	snop  }
0x90: {  	(tm) =	ssettm $0x1  }
0x91: {  	s17 =	sld [smem:$0x3FFB];
	_ =	sdelay $0x3  }
0x92: {  	_ =	strace s17  }
0x93: {  	s2 =	sld [smem:$0x3FFC];
	_ =	sdelay $0x3  }
0x94: {  	_ =	strace s2  }
0x95: {  	s2 =	sld [smem:$0x3FFD];
	_ =	sdelay $0x3  }
0x96: {  	_ =	strace s2  }
0x97: {  	_ =	strace $0x8FFFFFFF  }
0x98: {  	s18 =	sld [smem:$0x3FDB];
	_ =	sdelay $0x1  }
0x99: {  	s19 =	simm.s32 $_scs_section_size  }
0x9a: {  	s4 =	simm.s32 $_size__tile_overlayer_lowered;
	s5 =	simm.s32 $_tile_overlayer_lowered  }
0x9b: {  	s22 =	simm.s32 $0x1BFF;
	s21 =	sshll.u32 s5, $0x1;
	s2 =	sadd.s32 s19, s18  }
0x9c: {  	s6 =	simm.s32 $0x0;
	s20 =	sshll.u32 s4, $0x1;
	s4 =	sadd.s32 s21, s2  }
0x9d: {  	[timem:s6], [sflag:s22] =	dma.local [hbm:s4], s20  }
0x9e: {  	_ =	swait.ge [sflag:s22], s20  }
0x9f: {  	s3 =	ssub.s32 $0x0, s20;
	[sflag:s22] =	ssyncset.done $0x0  }
0xa0: {  	[sflag:s22] =	ssyncadd.s32 s3;
	_ =	sdelay $0x1  }
0xa1: {  	s23 =	simm.s32 $0x1B8B  }
0xa2: {  	_ =	swait.ge [sflag:s23], $0x1  }
0xa3: {  	[sflag:s23] =	ssyncset.done $0x0  }
0xa4: {  	s25 =	simm.s32 $0x1B8E;
	s24 =	sld [smem:$0x3FFE];
	[sflag:s23] =	ssyncadd.s32 $0xFFFFFFFF  }
0xa5: {  	s26 =	simm.s32 $execute0_lowered;
	[smem:$0x3FD2] =	sst s25  }
0xa6: {  	s4 =	sshll.u32 s26, $0x1;
	_ =	strace $0x8000004F;
	[dreg:$0x1] =	wrdreg $0xFFFFFFFF  }
0xa7: {  	s28 =	simm.s32 $_size_execute0_lowered;
	s2 =	sadd.s32 s2, s4;
	[dreg:$0x0] =	wrdreg $0x0  }
0xa8: {  	s4 =	sshll.u32 s28, $0x1;
	[dreg:$0x2] =	wrdreg s2  }
0xa9: {  	[dreg:$0x3] =	wrdreg s4  }
0xaa: {  	[dreg:$0x4] =	wrdreg $0xC0  }
0xab: {  	_ =	task [dreg:s6], $0x5FFFF  }
0xac: {  	[dreg:$0x1] =	wrdreg $0xFFFFFFFF  }
0xad: {  	[dreg:$0x0] =	wrdreg $0x60  }
0xae: {  	[dreg:$0x2] =	wrdreg s24  }
0xaf: {  	[dreg:$0x3] =	wrdreg $0xA8000  }
0xb0: {  	[dreg:$0x4] =	wrdreg $0x9  }
0xb1: {  	_ =	task.clear_ibuf [dreg:s6], $0x5FFFF;
	_ =	strace $0x9000004F  }
0xb2: {  	s29 =	simm.s32 $0x9;
	_ =	strace $0x80000051  }
0xb3: {  	_ =	swait.ge [sflag:s29], $0x1  }
0xb4: {  	[sflag:s29] =	ssyncadd.s32 $0xFFFFFFFF  }
0xb5: {  	_ =	strace $0x90000051  }
0xb6: {  	_ =	sfence  }
0xb7: {  	s30 =	sld [smem:$0x0];
	_ =	sdelay $0x2  }
0xb8: {  	s31 =	sshll.u32 s1, $0xD;
	s1 =	sshrl.u32 s1, $0x2  }
0xb9: {  	s3 =	sand.u32 $0x4000, s31;
	s1 =	sadd.s32 s1, s30  }
0xba: {  	s0 =	sor.u32 s3, s0;
	s1 =	sshll.u32 s1, $0x11  }
0xbb: {  	s0 =	sor.u32 s1, s0  }
0xbc: {  	s0 =	sadd.s32 $0x8F2B, s0  }
0xbd: {  	[sflag:s0] =	ssyncadd.remote.s32 $0x1  }
0xbe: {  	_ =	sfence.sel $0xFFFF  }
0xbf: {  	[dreg:$0x0] =	wrdreg $0xFFFFFFFF;
	(pc) =	sbr.abs _section_cstart, $3  }
0xc0: {  	[dreg:$0x1] =	wrdreg $0xFFFFFFFF  }
0xc1: {  	_ =	task.clear_ibuf [dreg:s6], $0x2FFFF;
	_ =	strace $0x9FFFFFFF  }
0xc2: {  	(tm) =	ssettm $0x7FFFFFFF  }
0xc3: {  	_ =	shalt  }
tec
execute0_lowered:
.L_overlay_start_1:
0x0: {  	(tag) =	ssettag $0x1  }
0x1: {  	s0 =	rddreg [dreg:$0x0]  }
0x2: {  	s1 =	rddreg [dreg:$0x1]  }
0x3: {  	s2 =	srdreg.scid;
	s3 =	simm.s32 $0x0;
	s11 =	stileid.u32  }
0x4: {  	s17 =	simm.s32 $0x2800;
	s18 =	simm.s32 $0x7;
	s7 =	smul.u32 $0x14000, s11  }
0x5: {  	s20 =	simm.s32 $0x80;
	s21 =	simm.s32 $0x6800;
	s22 =	smul.u32 $0x50000, s11  }
0x6: {  	s2 =	sand.u32 $0x1, s2;
	[smem:$0x7FF] =	sst s3;
	s29 =	smul.u32 $0x140, s11  }
0x7: {  	s4 =	sadd.s32 $0x3FC00, s0;
	s5 =	sadd.s32 $0x17C00, s0;
	s6 =	smul.u32 $0x140000, s2  }
0x8: {  	s10 =	smul.u32 $0xA000, s11;
	_ =	strace $0x80000050;
	s9 =	ssub.s32 $0x2, s2  }
0x9: {  	s23 =	sshrl.u32 s9, $0x1;
	s14 =	sadd.s32 $0x50, s29;
	s6 =	sadd.s32 s7, s6  }
0xa: {  	s7 =	sshrl.u32 s22, $0x2;
	s22 =	simm.s32 $0x5;
	s8 =	sshrl.u32 s6, $0x3  }
0xb: {  	s6 =	smul.u32 $0xA0000, s2;
	s2 =	ssub.s32 s9, s23;
	s7 =	sadd.s32 s7, s1  }
0xc: {  	s23 =	simm.s32 $0x6;
	s0 =	sadd.s32 s8, s0;
	s24 =	sadd.s32 $0x4000, s7  }
0xd: {  	s25 =	sadd.s32 $0x8000, s7;
	s28 =	sadd.s32 $0xC000, s7;
	[dreg:$0x3] =	wrdreg s24  }
0xe: {  	s30 =	sadd.s32 $0x10000, s7;
	[dreg:$0x4] =	wrdreg s25;
	s26 =	sadd.s32 s10, s6  }
0xf: {  	[dreg:$0x5] =	wrdreg s28;
	s10 =	sor.u32 $0x1400, s26;
	s8 =	sshrl.u32 s26, $0x3  }
0x10: {  	[dreg:$0x6] =	wrdreg s30;
	s10 =	sshrl.u32 s10, $0x3;
	s8 =	sadd.s32 s5, s8  }
0x11: {  	s16 =	smax.u32 s2, $0x1;
	[dreg:$0x7] =	wrdreg s8;
	s31 =	sadd.s32 s5, s10  }
0x12: {  	v0 =	vimm.f32 $0.0e+00;
	s15 =	sadd.s32 $0x8DE00, s0;
	s24 =	simm.s32 $0x0;
	[dreg:$0x8] =	wrdreg s31  }
.LBB2_1:
0x13: {  	s0 =	simm.s32 $0x0;
	s2 =	simm.s32 $0x200  }
.LBB2_2:
0x14: {  	p0 =	sne.s32 s2, $0xFE00;
	[tilespmem:s0+$0x2870] =	vst v0  }
0x15: {  	[tilespmem:s0+$0x2800] =	vst v0  }
0x16: {  	[tilespmem:s0+$0x2810] =	vst v0  }
.Ltmp0:
0x17: {  	[tilespmem:s0+$0x2820] =	vst v0;
	(pc) =	sbr.rel @p0 .LBB2_2-.Ltmp0, $4  }
0x18: {  	[tilespmem:s0+$0x2830] =	vst v0  }
0x19: {  	[tilespmem:s0+$0x2840] =	vst v0  }
0x1a: {  	[tilespmem:s0+$0x2850] =	vst v0  }
0x1b: {  	[tilespmem:s0+$0x2860] =	vst v0;
	s0 =	sshra.s32 s2, $0x2;
	s2 =	sadd.s32 $0x200, s2  }
0x1c: {  	[tilespmem:s0+$0x2870] =	vst v0  }
0x1d: {  	[tilespmem:s0+$0x2800] =	vst v0  }
0x1e: {  	[tilespmem:s0+$0x2810] =	vst v0  }
0x1f: {  	[tilespmem:s0+$0x2820] =	vst v0  }
0x20: {  	[tilespmem:s0+$0x2830] =	vst v0  }
0x21: {  	[tilespmem:s0+$0x2840] =	vst v0  }
0x22: {  	[tilespmem:s0+$0x2850] =	vst v0  }
0x23: {  	[tilespmem:s0+$0x2860] =	vst v0  }
0x24: {  	[spmem:s7] =	stream.linear.scatter [tilespmem:s17], [sflag:$0x7], $0x4000, $0x38;
	[tilespmem:$0x1E800] =	vst v63  }
0x25: {  	_ =	swait.ge [sflag:s18], $0x4000  }
0x26: {  	[sflag:s18] =	ssyncset.done $0x0  }
0x27: {  	s25 =	rddreg [dreg:$0x3];
	[sflag:s18] =	ssyncadd.s32 $0xFFFFC000  }
0x28: {  	[spmem:s25] =	stream.linear.scatter [tilespmem:s17], [sflag:$0x7], $0x4000, $0x38;
	[tilespmem:$0x1E800] =	vst v63  }
0x29: {  	_ =	swait.ge [sflag:s18], $0x4000  }
0x2a: {  	[sflag:s18] =	ssyncset.done $0x0  }
0x2b: {  	s26 =	rddreg [dreg:$0x4];
	[sflag:s18] =	ssyncadd.s32 $0xFFFFC000  }
0x2c: {  	[spmem:s26] =	stream.linear.scatter [tilespmem:s17], [sflag:$0x7], $0x4000, $0x38;
	[tilespmem:$0x1E800] =	vst v63  }
0x2d: {  	_ =	swait.ge [sflag:s18], $0x4000  }
0x2e: {  	[sflag:s18] =	ssyncset.done $0x0  }
0x2f: {  	s28 =	rddreg [dreg:$0x5];
	[sflag:s18] =	ssyncadd.s32 $0xFFFFC000  }
0x30: {  	[spmem:s28] =	stream.linear.scatter [tilespmem:s17], [sflag:$0x7], $0x4000, $0x38;
	[tilespmem:$0x1E800] =	vst v63  }
0x31: {  	_ =	swait.ge [sflag:s18], $0x4000  }
0x32: {  	[sflag:s18] =	ssyncset.done $0x0  }
0x33: {  	s29 =	rddreg [dreg:$0x6];
	[sflag:s18] =	ssyncadd.s32 $0xFFFFC000  }
0x34: {  	[spmem:s29] =	stream.linear.scatter [tilespmem:s17], [sflag:$0x7], $0x4000, $0x38;
	[tilespmem:$0x1E800] =	vst v63  }
0x35: {  	_ =	swait.ge [sflag:s18], $0x4000  }
0x36: {  	[sflag:s18] =	ssyncset.done $0x0  }
0x37: {  	[sflag:s18] =	ssyncadd.s32 $0xFFFFC000  }
0x38: {  	[bflag:$0x0] =	sbarrier.arrive $0xFFFF  }
0x39: {  	s2 =	simm.s32 $0x1400;
	s30 =	rddreg [dreg:$0x7]  }
0x3a: {  	[tilespmem:s24], [sflag:$0x1] =	stream.linear.gather [hbm4b:s30+s24], $0x1400, $0x38;
	[tilespmem:$0x1E800] =	vst v63  }
0x3b: {  	p0 =	por $0x0, $0x0;
	s25 =	simm.s32 $0x0;
	s31 =	rddreg [dreg:$0x8]  }
0x3c: {  	[tilespmem:s2], [sflag:$0x2] =	stream.linear.gather [hbm4b:s31+s24], $0x1400, $0x38;
	[tilespmem:$0x1E800] =	vst v63  }
.LBB2_4:
0x3d: {  	s0 =	sand.u32 $0x1, s25  }
0x3e: {  	s2 =	simm.s32 $0x1;
	s26 =	sadd.s32 $0x1, s0  }
0x3f: {  	s13 =	sand.u32 $0x1, s24;
	s0 =	smul.u32 $0x5000, s0;
	_ =	swait.ge [sflag:s26], $0x1400  }
0x40: {  	s30 =	simm.s32 $0x1;
	p1 =	por $0x0, $0x0;
	[sflag:s26] =	ssyncset.done $0x0  }
0x41: {  	s2 =	simm.s32 @!p0 $0x0;
	s28 =	sshrl.u32 s0, $0x2;
	[sflag:s26] =	ssyncadd.s32 $0xFFFFEC00  }
0x42: {  	[tilespmem:s17], [sflag:$0x3] =	stream.indirect.gather [hbm4b:s4+s20], $0x80, s28, s20, $0xb8;
	[tilespmem:$0x1E800] =	vst v63  }
0x43: {  	s31 =	sadd.s32 $0x3, s13;
	s11 =	smul.u32 $0x5000, s2;
	s12 =	sor.u32 $0x80, s28  }
0x44: {  	[tilespmem:s21], [sflag:$0x4] =	stream.indirect.gather [hbm4b:s4+s20], $0x80, s12, s20, $0xb8;
	[tilespmem:$0x1E800] =	vst v63  }
0x45: {  	s19 =	sshll.u32 s13, $0xE;
	s10 =	sadd.s32 $0x5, s13;
	_ =	swait.ge [sflag:s31], $0x4000  }
0x46: {  	s8 =	sor.u32 $0x2800, s19;
	s0 =	sshrl.u32 s11, $0x2;
	[sflag:s31] =	ssyncset.done $0x0  }
0x47: {  	s2 =	sand.u32 $0x1, s30;
	s9 =	sadd.s32 $0xA00, s0;
	[sflag:s31] =	ssyncadd.s32 $0xFFFFC000  }
0x48: {  	[spmem:s1] =	stream.indirect.scatter.add.f32 [tilespmem:s8], [sflag:s10], $0x80, s9, s20, $0xb8;
	[tilespmem:$0x1E800] =	vst v63  }
0x49: {  	s19 =	sshll.u32 s2, $0xE;
	_ =	swait.ge @!p1 [sflag:s10], $0x4000  }
0x4a: {  	s0 =	simm.s32 $0x2;
	s29 =	sadd.s32 $0x80, s9;
	[sflag:s10] =	ssyncset.done @!p1 $0x0  }
0x4b: {  	s9 =	sadd.s32 @!p1 $0xFFFFF700, s9;
	[sflag:s10] =	ssyncadd.s32 @!p1 $0xFFFFC000;
	s10 =	simm.s32 @!p1 $0x80  }
.LBB2_5:
0x4c: {  	[tilespmem:s8], [sflag:s31] =	stream.indirect.gather @!p1 [hbm4b:s4+s10], $0x80, s9, s10, $0xb8;
	[tilespmem:$0x1E800] =	vst v63  }
0x4d: {  	s9 =	smov.u32 s0;
	s10 =	smov.u32 s29  }
0x4e: {  	s0 =	sadd.s32 $0x1, s0;
	s31 =	sadd.s32 $0x3, s2;
	s11 =	sand.u32 $0x1, s9  }
0x4f: {  	p2 =	sne.s32 s0, $0x14;
	s12 =	sshll.u32 s11, $0xE;
	_ =	swait.ge [sflag:s31], $0x4000  }
0x50: {  	s13 =	sadd.s32 $0x5, s2;
	p1 =	sgt.u32 s30, $0x11;
	[sflag:s31] =	ssyncset.done $0x0  }
.Ltmp1:
0x51: {  	s8 =	sor.u32 $0x2800, s19;
	[sflag:s31] =	ssyncadd.s32 $0xFFFFC000;
	(pc) =	sbr.rel @p2 .LBB2_5-.Ltmp1, $4  }
0x52: {  	[spmem:s1] =	stream.indirect.scatter.add.f32 [tilespmem:s8], [sflag:s13], $0x80, s29, s20, $0xb8;
	[tilespmem:$0x1E800] =	vst v63  }
0x53: {  	s30 =	smov.u32 s9;
	s2 =	smov.u32 s11;
	_ =	swait.ge @!p1 [sflag:s13], $0x4000  }
0x54: {  	s19 =	smov.u32 s12;
	s29 =	sadd.s32 $0x80, s29;
	[sflag:s13] =	ssyncset.done @!p1 $0x0  }
0x55: {  	s9 =	sadd.s32 @!p1 $0xFFFFF700, s10;
	s10 =	simm.s32 @!p1 $0x80;
	[sflag:s13] =	ssyncadd.s32 @!p1 $0xFFFFC000  }
0x56: {  	[tilespmem:s8], [sflag:s31] =	stream.indirect.gather @!p1 [hbm4b:s4+s10], $0x80, s9, s10, $0xb8;
	[tilespmem:$0x1E800] =	vst v63  }
0x57: {  	s0 =	sadd.s32 $0x3, s2  }
0x58: {  	_ =	swait.ge [sflag:s0], $0x4000  }
0x59: {  	s2 =	sadd.s32 $0x5, s2;
	[sflag:s0] =	ssyncset.done $0x0  }
0x5a: {  	p1 =	sgt.u32 s30, $0x11;
	s8 =	sor.u32 $0x2800, s19;
	[sflag:s0] =	ssyncadd.s32 $0xFFFFC000  }
0x5b: {  	[spmem:s1] =	stream.indirect.scatter.add.f32 [tilespmem:s8], [sflag:s2], $0x80, s29, s20, $0xb8;
	[tilespmem:$0x1E800] =	vst v63  }
0x5c: {  	_ =	swait.ge @!p1 [sflag:s2], $0x4000  }
0x5d: {  	[sflag:s2] =	ssyncset.done @!p1 $0x0  }
0x5e: {  	s9 =	simm.s32 @!p1 $0x80;
	[sflag:s2] =	ssyncadd.s32 @!p1 $0xFFFFC000;
	s2 =	sadd.s32 @!p1 $0xFFFFF700, s29  }
0x5f: {  	[tilespmem:s8], [sflag:s0] =	stream.indirect.gather @!p1 [hbm4b:s4+s9], $0x80, s2, s9, $0xb8;
	[tilespmem:$0x1E800] =	vst v63  }
0x60: {  	p1 =	sgt.u32 s25, $0x5  }
0x61: {  	s0 =	smul.u32 @!p1 $0x28, s25  }
0x62: {  	_ =	swait.ge [sflag:s22], $0x4000  }
0x63: {  	[sflag:s22] =	ssyncset.done $0x0;
	s0 =	sadd.s32 @!p1 s0, s14  }
0x64: {  	[sflag:s22] =	ssyncadd.s32 $0xFFFFC000;
	s0 =	sshll.u32 @!p1 s0, $0x7  }
0x65: {  	_ =	swait.ge [sflag:s23], $0x4000;
	s0 =	sadd.s32 @!p1 s6, s0  }
0x66: {  	s2 =	simm.s32 @!p1 $0x0;
	[sflag:s23] =	ssyncset.done $0x0;
	s0 =	sshrl.u32 @!p1 s0, $0x3  }
0x67: {  	s25 =	sadd.s32 $0x1, s25;
	[sflag:s23] =	ssyncadd.s32 $0xFFFFC000;
	s0 =	sadd.s32 @!p1 s5, s0  }
0x68: {  	[tilespmem:s28], [sflag:s26] =	stream.linear.gather @!p1 [hbm4b:s0+s2], $0x1400, $0x38;
	[tilespmem:$0x1E800] =	vst v63  }
0x69: {  	p1 =	sne.s32 s25, $0x8  }
.Ltmp2:
0x6a: {  	_ = 	snop;
	(pc) =	sbr.rel @p1 .LBB2_4-.Ltmp2, $2  }
0x6b: {  	_ =	sdelay $0x2  }
0x6c: {  	p0 =	por !p0, !p0  }
0x6d: {  	s0 =	stileid.u32;
	s3 =	sadd.s32 $0x1, s3  }
0x6e: {  	[bflag:$0x0] =	sbarrier.arrive $0xFFFF;
	s0 =	sshll.u32 s0, $0x6;
	p0 =	sne.s32 s3, s16  }
.Ltmp3:
0x6f: {  	s2 =	sshrl.u32 s7, $0x3;
	s0 =	sor.u32 $0x1C07, s0;
	(pc) =	sbr.rel @p0 .LBB2_1-.Ltmp3, $4  }
0x70: {  	[hbm:s15], [sflag:s0] =	dma.local [spmem:s2], $0x2800  }
0x71: {  	_ =	swait.ge [sflag:s18], $0x2800  }
0x72: {  	[sflag:s18] =	ssyncset.done $0x0  }
0x73: {  	[sflag:s18] =	ssyncadd.s32 $0xFFFFD800  }
0x74: {  	_ =	sfence.sel $0x180000  }
0x75: {  	[bflag:$0x0] =	sbarrier.arrive $0xFFFF  }
0x76: {  	_ =	strace $0x90000050  }
0x77: {  	s0 =	stileid.u32;
	[bflag:$0x2] =	sbarrier.arrive $0xFFFF  }
0x78: {  	p0 =	sne.s32 s0, $0x0;
	s0 =	rddreg [dreg:$0x2]  }
0x79: {  	s0 =	sadd.s32 @!p0 $0x100000, s0  }
0x7a: {  	[sflag:s0] =	ssyncadd.tile.s32 @!p0 $0x1;
	_ =	shalt  }
.Lfunc_end2:
_tile_overlayer_lowered:
.L_overlay_start_2:
0x7b: {  	(tag) =	ssettag $0x2  }
0x7c: {  	s0 =	rddreg [dreg:$0x0];
	s2 =	stileid.u32  }
0x7d: {  	s1 =	rddreg [dreg:$0x1];
	p0 =	sne.s32 s2, $0x0  }
0x7e: {  	s3 =	rddreg [dreg:$0x2];
	[bflag:$0x3] =	sbarrier.arrive $0xFFFF;
	s2 =	simm.s32 @!p0 $0x1C07  }
0x7f: {  	[timem:s3], [sflag:s2] =	dma.local @!p0 [hbm:s0], s1  }
0x80: {  	s0 =	simm.s32 @!p0 $0x7  }
0x81: {  	_ =	swait.ge @!p0 [sflag:s0], s1  }
0x82: {  	s1 =	ssub.s32 @!p0 $0x0, s1;
	[sflag:s0] =	ssyncset.done @!p0 $0x0  }
0x83: {  	[sflag:s0] =	ssyncadd.s32 @!p0 s1  }
0x84: {  	[bflag:$0x3] =	sbarrier.arrive $0xFFFF  }
0x85: {  	_ =	shalt  }

// kernel: kernel.26.cloned.1.call-start
scs
__scs_entry_jumppad:
0x0: {  	(pc) =	sbr.rel $0x88, $3  }
0x1: {  	(tag) =	ssettag $0x0;
	lr =	simm.s32 $0x1  }
0x2: {  	[smem:$0x3F94] =	sst lr;
	_ =	strace $0xD0000000  }
0x3: {  	_ = 	snop  }
0x4: {  	_ = 	snop  }
0x5: {  	_ = 	snop  }
0x6: {  	_ = 	snop  }
0x7: {  	_ = 	snop  }
__scs_overlays_trampoline_lowered:
0x8: {  	[smem:$0x3FA3] =	sst s0  }
0x9: {  	[smem:$0x3FA4] =	sst s1  }
0xa: {  	[smem:$0x3FA5] =	sst s2  }
0xb: {  	[smem:$0x3FA6] =	sst s3  }
0xc: {  	[smem:$0x3FA7] =	sst s4  }
0xd: {  	[smem:$0x3FA8] =	sst s5  }
0xe: {  	[smem:$0x3FA9] =	sst s6  }
0xf: {  	[smem:$0x3FAA] =	sst s7  }
0x10: {  	[smem:$0x3FAB] =	sst s8  }
0x11: {  	[smem:$0x3FAC] =	sst s9;
	s0 =	simm.s32 @!p0 $0x0  }
0x12: {  	s1 =	sld [smem:$0x3F92];
	s0 =	simm.s32 @p0 $0x1  }
0x13: {  	[smem:$0x3FAD] =	sst s0;
	s0 =	simm.s32 @!p1 $0x0  }
0x14: {  	s2 =	sld [smem:$0x3F91];
	s0 =	simm.s32 @p1 $0x1  }
0x15: {  	[smem:$0x3FAE] =	sst s0;
	s0 =	simm.s32 @!p2 $0x0  }
0x16: {  	s3 =	sld [smem:$0x3FDB];
	s0 =	simm.s32 @p2 $0x1  }
0x17: {  	s4 =	simm.s32 $0x1BF5;
	[smem:$0x3FB0] =	sst s0  }
0x18: {  	s0 =	sld [smem:$0x3F93];
	_ =	swait.ge [sflag:s4], $0x0  }
0x19: {  	s7 =	sld [smem:$0x3F94]  }
0x1a: {  	s8 =	sadd.s32 $0xFFFFE003, lr  }
0x1b: {  	s9 =	sadd.s32 $0xFFFFFEF7, lr;
	s5 =	simm.s32 $0xFFFFFFFF;
	p2 =	slt.u32 s8, $0xFFFFF086  }
0x1c: {  	p1 =	slt.u32 s9, $0xF7A;
	s5 =	simm.s32 @!p2 $0x0  }
0x1d: {  	s5 =	simm.s32 @p1 $0x1;
	p0 =	seq.s32 s7, s2  }
0x1e: {  	s7 =	smul.u32 @!p0 $0xF7A, s2;
	p2 =	seq.s32 @!p0 s5, $0x0  }
0x1f: {  	s9 =	smul.u32 $0xF7A, s1;
	s8 =	simm.s32 @!p0 $0x1BF5;
	p2 =	por !p2, p0  }
0x20: {  	[sflag:s8] =	ssyncset.s32 @!p0 $0xFFFFF086;
	s6 =	sadd.s32 @!p0 s3, s7;
	s7 =	simm.s32 @!p0 $0x108  }
0x21: {  	s3 =	sadd.s32 s3, s9;
	s6 =	sadd.s32 @!p0 $0x88, s6;
	s7 =	simm.s32 @p2 $0x1082  }
0x22: {  	[simem:s7], [sflag:s8] =	dma.local @!p0 [hbm:s6], $0xF7A  }
0x23: {  	s9 =	sor.u32 $0xD0000000, s2;
	s6 =	simm.s32 $0x108;
	_ =	swait.ge @!p0 [sflag:s8], $0x0  }
0x24: {  	s3 =	sadd.s32 $0x88, s3;
	s6 =	simm.s32 @!p1 $0x1082;
	[sflag:s4] =	ssyncset.s32 $0xFFFFF086  }
0x25: {  	[simem:s6], [sflag:s4] =	dma.local [hbm:s3], $0xF7A  }
0x26: {  	[smem:$0x3F94] =	sst s1;
	(tag) =	ssettag s2;
	_ =	strace s9  }
0x27: {  	s1 =	sld [smem:$0x3FA4]  }
0x28: {  	s2 =	sld [smem:$0x3FA5]  }
0x29: {  	s4 =	sld [smem:$0x3FA7]  }
0x2a: {  	p0 =	seq.s32 s5, $0x0;
	s5 =	sld [smem:$0x3FA8]  }
0x2b: {  	s6 =	sld [smem:$0x3FA9]  }
0x2c: {  	s7 =	sld [smem:$0x3FAA]  }
0x2d: {  	s3 =	simm.s32 $0x108;
	s8 =	sld [smem:$0x3FAB]  }
0x2e: {  	s3 =	simm.s32 @!p0 $0x1082;
	s9 =	sld [smem:$0x3FAC]  }
0x2f: {  	lr =	sadd.s32 s0, s3;
	s0 =	sld [smem:$0x3FA3]  }
0x30: {  	s3 =	sld [smem:$0x3FA6]  }
0x31: {  	[smem:$0x3FAF] =	sst s10  }
0x32: {  	s10 =	sld [smem:$0x3FAD];
	_ =	sdelay $0x3  }
0x33: {  	p0 =	seq.s32 s10, $0x1;
	s10 =	sld [smem:$0x3FAF];
	_ =	sdelay $0x3  }
0x34: {  	[smem:$0x3FAF] =	sst s10  }
0x35: {  	s10 =	sld [smem:$0x3FAE];
	_ =	sdelay $0x3  }
0x36: {  	p1 =	seq.s32 s10, $0x1;
	s10 =	sld [smem:$0x3FAF];
	_ =	sdelay $0x3  }
0x37: {  	[smem:$0x3FAF] =	sst s10  }
0x38: {  	s10 =	sld [smem:$0x3FB0]  }
0x39: {  	_ = 	snop;
	(pc) =	sbr.ind lr, $3  }
0x3a: {  	_ = 	snop  }
0x3b: {  	_ = 	snop  }
0x3c: {  	p2 =	seq.s32 s10, $0x1;
	s10 =	sld [smem:$0x3FAF]  }
0x3d: {  	_ =	shalt  }
0x3e: {  	_ =	shalt  }
0x3f: {  	_ =	shalt  }
0x40: {  	_ =	shalt  }
0x41: {  	_ =	shalt  }
0x42: {  	_ =	shalt  }
0x43: {  	_ =	shalt  }
0x44: {  	_ =	shalt  }
0x45: {  	_ =	shalt  }
0x46: {  	_ =	shalt  }
0x47: {  	_ =	shalt  }
0x48: {  	_ =	shalt  }
0x49: {  	_ =	shalt  }
0x4a: {  	_ =	shalt  }
0x4b: {  	_ =	shalt  }
0x4c: {  	_ =	shalt  }
0x4d: {  	_ =	shalt  }
0x4e: {  	_ =	shalt  }
0x4f: {  	_ =	shalt  }
0x50: {  	_ =	shalt  }
0x51: {  	_ =	shalt  }
0x52: {  	_ =	shalt  }
0x53: {  	_ =	shalt  }
0x54: {  	_ =	shalt  }
0x55: {  	_ =	shalt  }
0x56: {  	_ =	shalt  }
0x57: {  	_ =	shalt  }
0x58: {  	_ =	shalt  }
0x59: {  	_ =	shalt  }
0x5a: {  	_ =	shalt  }
0x5b: {  	_ =	shalt  }
0x5c: {  	_ =	shalt  }
0x5d: {  	_ =	shalt  }
0x5e: {  	_ =	shalt  }
0x5f: {  	_ =	shalt  }
0x60: {  	_ =	shalt  }
0x61: {  	_ =	shalt  }
0x62: {  	_ =	shalt  }
0x63: {  	_ =	shalt  }
0x64: {  	_ =	shalt  }
0x65: {  	_ =	shalt  }
0x66: {  	_ =	shalt  }
0x67: {  	_ =	shalt  }
0x68: {  	_ =	shalt  }
0x69: {  	_ =	shalt  }
0x6a: {  	_ =	shalt  }
0x6b: {  	_ =	shalt  }
0x6c: {  	_ =	shalt  }
0x6d: {  	_ =	shalt  }
0x6e: {  	_ =	shalt  }
0x6f: {  	_ =	shalt  }
0x70: {  	_ =	shalt  }
0x71: {  	_ =	shalt  }
0x72: {  	_ =	shalt  }
0x73: {  	_ =	shalt  }
0x74: {  	_ =	shalt  }
0x75: {  	_ =	shalt  }
0x76: {  	_ =	shalt  }
0x77: {  	_ =	shalt  }
0x78: {  	_ =	shalt  }
0x79: {  	_ =	shalt  }
0x7a: {  	_ =	shalt  }
0x7b: {  	_ =	shalt  }
0x7c: {  	_ =	shalt  }
0x7d: {  	_ =	shalt  }
0x7e: {  	_ =	shalt  }
0x7f: {  	_ =	shalt  }
0x80: {  	_ =	shalt  }
0x81: {  	_ =	shalt  }
0x82: {  	_ =	shalt  }
0x83: {  	_ =	shalt  }
0x84: {  	_ =	shalt  }
0x85: {  	_ =	shalt  }
0x86: {  	_ =	shalt  }
0x87: {  	_ =	shalt  }
.Lfunc_end0:
.L_simem_size_0:
called_computation.4_lowered:
.L_overlay_start_0:
0x88: {  	s2 =	sld [smem:$0x3FD9]  }
0x89: {  	s3 =	sld [smem:$0x3FFE];
	_ =	sdelay $0x1  }
0x8a: {  	s1 =	srdreg.scid  }
0x8b: {  	s0 =	sand.u32 $0x1, s1  }
0x8c: {  	s16 =	sshll.u32 s0, $0xA;
	s2 =	sadd.s32 s3, s2  }
0x8d: {  	s2 =	sadd.s32 s2, s16  }
0x8e: {  	[smem:$0x3FBB] =	sst s2  }
0x8f: {  	_ = 	snop  }
0x90: {  	(tm) =	ssettm $0x1  }
0x91: {  	s17 =	sld [smem:$0x3FFB];
	_ =	sdelay $0x3  }
0x92: {  	_ =	strace s17  }
0x93: {  	s2 =	sld [smem:$0x3FFC];
	_ =	sdelay $0x3  }
0x94: {  	_ =	strace s2  }
0x95: {  	s2 =	sld [smem:$0x3FFD];
	_ =	sdelay $0x3  }
0x96: {  	_ =	strace s2  }
0x97: {  	_ =	strace $0x8FFFFFFF  }
0x98: {  	s18 =	sld [smem:$0x3FDB];
	_ =	sdelay $0x1  }
0x99: {  	s19 =	simm.s32 $_scs_section_size  }
0x9a: {  	s4 =	simm.s32 $_size__tile_overlayer_lowered;
	s5 =	simm.s32 $_tile_overlayer_lowered  }
0x9b: {  	s22 =	simm.s32 $0x1BFF;
	s21 =	sshll.u32 s5, $0x1;
	s2 =	sadd.s32 s19, s18  }
0x9c: {  	s6 =	simm.s32 $0x0;
	s20 =	sshll.u32 s4, $0x1;
	s4 =	sadd.s32 s21, s2  }
0x9d: {  	[timem:s6], [sflag:s22] =	dma.local [hbm:s4], s20  }
0x9e: {  	_ =	swait.ge [sflag:s22], s20  }
0x9f: {  	s3 =	ssub.s32 $0x0, s20;
	[sflag:s22] =	ssyncset.done $0x0  }
0xa0: {  	[sflag:s22] =	ssyncadd.s32 s3;
	_ =	sdelay $0x1  }
0xa1: {  	s23 =	simm.s32 $0x1B8B  }
0xa2: {  	_ =	swait.ge [sflag:s23], $0x1  }
0xa3: {  	[sflag:s23] =	ssyncset.done $0x0  }
0xa4: {  	s25 =	simm.s32 $0x1B8E;
	s24 =	sld [smem:$0x3FFE];
	[sflag:s23] =	ssyncadd.s32 $0xFFFFFFFF  }
0xa5: {  	s26 =	simm.s32 $execute0_lowered;
	[smem:$0x3FD2] =	sst s25  }
0xa6: {  	s4 =	sshll.u32 s26, $0x1;
	_ =	strace $0x80000052;
	[dreg:$0x1] =	wrdreg $0xFFFFFFFF  }
0xa7: {  	s28 =	simm.s32 $_size_execute0_lowered;
	s2 =	sadd.s32 s2, s4;
	[dreg:$0x0] =	wrdreg $0x0  }
0xa8: {  	s4 =	sshll.u32 s28, $0x1;
	[dreg:$0x2] =	wrdreg s2  }
0xa9: {  	[dreg:$0x3] =	wrdreg s4  }
0xaa: {  	[dreg:$0x4] =	wrdreg $0xC0  }
0xab: {  	_ =	task [dreg:s6], $0x5FFFF  }
0xac: {  	[dreg:$0x1] =	wrdreg $0xFFFFFFFF  }
0xad: {  	[dreg:$0x0] =	wrdreg $0x60  }
0xae: {  	[dreg:$0x2] =	wrdreg s24  }
0xaf: {  	[dreg:$0x3] =	wrdreg $0xA8000  }
0xb0: {  	[dreg:$0x4] =	wrdreg $0x9  }
0xb1: {  	_ =	task.clear_ibuf [dreg:s6], $0x5FFFF;
	_ =	strace $0x90000052  }
0xb2: {  	s29 =	simm.s32 $0x9;
	_ =	strace $0x80000054  }
0xb3: {  	_ =	swait.ge [sflag:s29], $0x1  }
0xb4: {  	[sflag:s29] =	ssyncadd.s32 $0xFFFFFFFF  }
0xb5: {  	_ =	strace $0x90000054  }
0xb6: {  	_ =	sfence  }
0xb7: {  	s30 =	sld [smem:$0x0];
	_ =	sdelay $0x2  }
0xb8: {  	s31 =	sshll.u32 s1, $0xD;
	s1 =	sshrl.u32 s1, $0x2  }
0xb9: {  	s3 =	sand.u32 $0x4000, s31;
	s1 =	sadd.s32 s1, s30  }
0xba: {  	s0 =	sor.u32 s3, s0;
	s1 =	sshll.u32 s1, $0x11  }
0xbb: {  	s0 =	sor.u32 s1, s0  }
0xbc: {  	s0 =	sadd.s32 $0x8F2B, s0  }
0xbd: {  	[sflag:s0] =	ssyncadd.remote.s32 $0x1  }
0xbe: {  	_ =	sfence.sel $0xFFFF  }
0xbf: {  	[dreg:$0x0] =	wrdreg $0xFFFFFFFF;
	(pc) =	sbr.abs _section_cstart, $3  }
0xc0: {  	[dreg:$0x1] =	wrdreg $0xFFFFFFFF  }
0xc1: {  	_ =	task.clear_ibuf [dreg:s6], $0x2FFFF;
	_ =	strace $0x9FFFFFFF  }
0xc2: {  	(tm) =	ssettm $0x7FFFFFFF  }
0xc3: {  	_ =	shalt  }
tec
execute0_lowered:
.L_overlay_start_1:
0x0: {  	(tag) =	ssettag $0x1  }
0x1: {  	s0 =	rddreg [dreg:$0x0]  }
0x2: {  	s1 =	rddreg [dreg:$0x1]  }
0x3: {  	s2 =	srdreg.scid;
	s3 =	simm.s32 $0x0;
	s11 =	stileid.u32  }
0x4: {  	s17 =	simm.s32 $0x2800;
	s18 =	simm.s32 $0x7;
	s7 =	smul.u32 $0x14000, s11  }
0x5: {  	s20 =	simm.s32 $0x80;
	s21 =	simm.s32 $0x6800;
	s22 =	smul.u32 $0x50000, s11  }
0x6: {  	s2 =	sand.u32 $0x1, s2;
	[smem:$0x7FF] =	sst s3;
	s29 =	smul.u32 $0x140, s11  }
0x7: {  	s4 =	sadd.s32 $0x3FC00, s0;
	s5 =	sadd.s32 $0x17C00, s0;
	s6 =	smul.u32 $0x140000, s2  }
0x8: {  	s10 =	smul.u32 $0xA000, s11;
	_ =	strace $0x80000053;
	s9 =	ssub.s32 $0x2, s2  }
0x9: {  	s23 =	sshrl.u32 s9, $0x1;
	s14 =	sadd.s32 $0x50, s29;
	s6 =	sadd.s32 s7, s6  }
0xa: {  	s7 =	sshrl.u32 s22, $0x2;
	s22 =	simm.s32 $0x5;
	s8 =	sshrl.u32 s6, $0x3  }
0xb: {  	s6 =	smul.u32 $0xA0000, s2;
	s2 =	ssub.s32 s9, s23;
	s7 =	sadd.s32 s7, s1  }
0xc: {  	s23 =	simm.s32 $0x6;
	s0 =	sadd.s32 s8, s0;
	s24 =	sadd.s32 $0x4000, s7  }
0xd: {  	s25 =	sadd.s32 $0x8000, s7;
	s28 =	sadd.s32 $0xC000, s7;
	[dreg:$0x3] =	wrdreg s24  }
0xe: {  	s30 =	sadd.s32 $0x10000, s7;
	[dreg:$0x4] =	wrdreg s25;
	s26 =	sadd.s32 s10, s6  }
0xf: {  	[dreg:$0x5] =	wrdreg s28;
	s10 =	sor.u32 $0x1400, s26;
	s8 =	sshrl.u32 s26, $0x3  }
0x10: {  	[dreg:$0x6] =	wrdreg s30;
	s10 =	sshrl.u32 s10, $0x3;
	s8 =	sadd.s32 s5, s8  }
0x11: {  	s16 =	smax.u32 s2, $0x1;
	[dreg:$0x7] =	wrdreg s8;
	s31 =	sadd.s32 s5, s10  }
0x12: {  	v0 =	vimm.f32 $0.0e+00;
	s15 =	sadd.s32 $0x8DE00, s0;
	s24 =	simm.s32 $0x0;
	[dreg:$0x8] =	wrdreg s31  }
.LBB2_1:
0x13: {  	s0 =	simm.s32 $0x0;
	s2 =	simm.s32 $0x200  }
.LBB2_2:
0x14: {  	p0 =	sne.s32 s2, $0xFE00;
	[tilespmem:s0+$0x2870] =	vst v0  }
0x15: {  	[tilespmem:s0+$0x2800] =	vst v0  }
0x16: {  	[tilespmem:s0+$0x2810] =	vst v0  }
.Ltmp0:
0x17: {  	[tilespmem:s0+$0x2820] =	vst v0;
	(pc) =	sbr.rel @p0 .LBB2_2-.Ltmp0, $4  }
0x18: {  	[tilespmem:s0+$0x2830] =	vst v0  }
0x19: {  	[tilespmem:s0+$0x2840] =	vst v0  }
0x1a: {  	[tilespmem:s0+$0x2850] =	vst v0  }
0x1b: {  	[tilespmem:s0+$0x2860] =	vst v0;
	s0 =	sshra.s32 s2, $0x2;
	s2 =	sadd.s32 $0x200, s2  }
0x1c: {  	[tilespmem:s0+$0x2870] =	vst v0  }
0x1d: {  	[tilespmem:s0+$0x2800] =	vst v0  }
0x1e: {  	[tilespmem:s0+$0x2810] =	vst v0  }
0x1f: {  	[tilespmem:s0+$0x2820] =	vst v0  }
0x20: {  	[tilespmem:s0+$0x2830] =	vst v0  }
0x21: {  	[tilespmem:s0+$0x2840] =	vst v0  }
0x22: {  	[tilespmem:s0+$0x2850] =	vst v0  }
0x23: {  	[tilespmem:s0+$0x2860] =	vst v0  }
0x24: {  	[spmem:s7] =	stream.linear.scatter [tilespmem:s17], [sflag:$0x7], $0x4000, $0x38;
	[tilespmem:$0x1E800] =	vst v63  }
0x25: {  	_ =	swait.ge [sflag:s18], $0x4000  }
0x26: {  	[sflag:s18] =	ssyncset.done $0x0  }
0x27: {  	s25 =	rddreg [dreg:$0x3];
	[sflag:s18] =	ssyncadd.s32 $0xFFFFC000  }
0x28: {  	[spmem:s25] =	stream.linear.scatter [tilespmem:s17], [sflag:$0x7], $0x4000, $0x38;
	[tilespmem:$0x1E800] =	vst v63  }
0x29: {  	_ =	swait.ge [sflag:s18], $0x4000  }
0x2a: {  	[sflag:s18] =	ssyncset.done $0x0  }
0x2b: {  	s26 =	rddreg [dreg:$0x4];
	[sflag:s18] =	ssyncadd.s32 $0xFFFFC000  }
0x2c: {  	[spmem:s26] =	stream.linear.scatter [tilespmem:s17], [sflag:$0x7], $0x4000, $0x38;
	[tilespmem:$0x1E800] =	vst v63  }
0x2d: {  	_ =	swait.ge [sflag:s18], $0x4000  }
0x2e: {  	[sflag:s18] =	ssyncset.done $0x0  }
0x2f: {  	s28 =	rddreg [dreg:$0x5];
	[sflag:s18] =	ssyncadd.s32 $0xFFFFC000  }
0x30: {  	[spmem:s28] =	stream.linear.scatter [tilespmem:s17], [sflag:$0x7], $0x4000, $0x38;
	[tilespmem:$0x1E800] =	vst v63  }
0x31: {  	_ =	swait.ge [sflag:s18], $0x4000  }
0x32: {  	[sflag:s18] =	ssyncset.done $0x0  }
0x33: {  	s29 =	rddreg [dreg:$0x6];
	[sflag:s18] =	ssyncadd.s32 $0xFFFFC000  }
0x34: {  	[spmem:s29] =	stream.linear.scatter [tilespmem:s17], [sflag:$0x7], $0x4000, $0x38;
	[tilespmem:$0x1E800] =	vst v63  }
0x35: {  	_ =	swait.ge [sflag:s18], $0x4000  }
0x36: {  	[sflag:s18] =	ssyncset.done $0x0  }
0x37: {  	[sflag:s18] =	ssyncadd.s32 $0xFFFFC000  }
0x38: {  	[bflag:$0x0] =	sbarrier.arrive $0xFFFF  }
0x39: {  	s2 =	simm.s32 $0x1400;
	s30 =	rddreg [dreg:$0x7]  }
0x3a: {  	[tilespmem:s24], [sflag:$0x1] =	stream.linear.gather [hbm4b:s30+s24], $0x1400, $0x38;
	[tilespmem:$0x1E800] =	vst v63  }
0x3b: {  	p0 =	por $0x0, $0x0;
	s25 =	simm.s32 $0x0;
	s31 =	rddreg [dreg:$0x8]  }
0x3c: {  	[tilespmem:s2], [sflag:$0x2] =	stream.linear.gather [hbm4b:s31+s24], $0x1400, $0x38;
	[tilespmem:$0x1E800] =	vst v63  }
.LBB2_4:
0x3d: {  	s0 =	sand.u32 $0x1, s25  }
0x3e: {  	s2 =	simm.s32 $0x1;
	s26 =	sadd.s32 $0x1, s0  }
0x3f: {  	s13 =	sand.u32 $0x1, s24;
	s0 =	smul.u32 $0x5000, s0;
	_ =	swait.ge [sflag:s26], $0x1400  }
0x40: {  	s30 =	simm.s32 $0x1;
	p1 =	por $0x0, $0x0;
	[sflag:s26] =	ssyncset.done $0x0  }
0x41: {  	s2 =	simm.s32 @!p0 $0x0;
	s28 =	sshrl.u32 s0, $0x2;
	[sflag:s26] =	ssyncadd.s32 $0xFFFFEC00  }
0x42: {  	[tilespmem:s17], [sflag:$0x3] =	stream.indirect.gather [hbm4b:s4+s20], $0x80, s28, s20, $0xb8;
	[tilespmem:$0x1E800] =	vst v63  }
0x43: {  	s31 =	sadd.s32 $0x3, s13;
	s11 =	smul.u32 $0x5000, s2;
	s12 =	sor.u32 $0x80, s28  }
0x44: {  	[tilespmem:s21], [sflag:$0x4] =	stream.indirect.gather [hbm4b:s4+s20], $0x80, s12, s20, $0xb8;
	[tilespmem:$0x1E800] =	vst v63  }
0x45: {  	s19 =	sshll.u32 s13, $0xE;
	s10 =	sadd.s32 $0x5, s13;
	_ =	swait.ge [sflag:s31], $0x4000  }
0x46: {  	s8 =	sor.u32 $0x2800, s19;
	s0 =	sshrl.u32 s11, $0x2;
	[sflag:s31] =	ssyncset.done $0x0  }
0x47: {  	s2 =	sand.u32 $0x1, s30;
	s9 =	sadd.s32 $0xA00, s0;
	[sflag:s31] =	ssyncadd.s32 $0xFFFFC000  }
0x48: {  	[spmem:s1] =	stream.indirect.scatter.add.f32 [tilespmem:s8], [sflag:s10], $0x80, s9, s20, $0xb8;
	[tilespmem:$0x1E800] =	vst v63  }
0x49: {  	s19 =	sshll.u32 s2, $0xE;
	_ =	swait.ge @!p1 [sflag:s10], $0x4000  }
0x4a: {  	s0 =	simm.s32 $0x2;
	s29 =	sadd.s32 $0x80, s9;
	[sflag:s10] =	ssyncset.done @!p1 $0x0  }
0x4b: {  	s9 =	sadd.s32 @!p1 $0xFFFFF700, s9;
	[sflag:s10] =	ssyncadd.s32 @!p1 $0xFFFFC000;
	s10 =	simm.s32 @!p1 $0x80  }
.LBB2_5:
0x4c: {  	[tilespmem:s8], [sflag:s31] =	stream.indirect.gather @!p1 [hbm4b:s4+s10], $0x80, s9, s10, $0xb8;
	[tilespmem:$0x1E800] =	vst v63  }
0x4d: {  	s9 =	smov.u32 s0;
	s10 =	smov.u32 s29  }
0x4e: {  	s0 =	sadd.s32 $0x1, s0;
	s31 =	sadd.s32 $0x3, s2;
	s11 =	sand.u32 $0x1, s9  }
0x4f: {  	p2 =	sne.s32 s0, $0x14;
	s12 =	sshll.u32 s11, $0xE;
	_ =	swait.ge [sflag:s31], $0x4000  }
0x50: {  	s13 =	sadd.s32 $0x5, s2;
	p1 =	sgt.u32 s30, $0x11;
	[sflag:s31] =	ssyncset.done $0x0  }
.Ltmp1:
0x51: {  	s8 =	sor.u32 $0x2800, s19;
	[sflag:s31] =	ssyncadd.s32 $0xFFFFC000;
	(pc) =	sbr.rel @p2 .LBB2_5-.Ltmp1, $4  }
0x52: {  	[spmem:s1] =	stream.indirect.scatter.add.f32 [tilespmem:s8], [sflag:s13], $0x80, s29, s20, $0xb8;
	[tilespmem:$0x1E800] =	vst v63  }
0x53: {  	s30 =	smov.u32 s9;
	s2 =	smov.u32 s11;
	_ =	swait.ge @!p1 [sflag:s13], $0x4000  }
0x54: {  	s19 =	smov.u32 s12;
	s29 =	sadd.s32 $0x80, s29;
	[sflag:s13] =	ssyncset.done @!p1 $0x0  }
0x55: {  	s9 =	sadd.s32 @!p1 $0xFFFFF700, s10;
	s10 =	simm.s32 @!p1 $0x80;
	[sflag:s13] =	ssyncadd.s32 @!p1 $0xFFFFC000  }
0x56: {  	[tilespmem:s8], [sflag:s31] =	stream.indirect.gather @!p1 [hbm4b:s4+s10], $0x80, s9, s10, $0xb8;
	[tilespmem:$0x1E800] =	vst v63  }
0x57: {  	s0 =	sadd.s32 $0x3, s2  }
0x58: {  	_ =	swait.ge [sflag:s0], $0x4000  }
0x59: {  	s2 =	sadd.s32 $0x5, s2;
	[sflag:s0] =	ssyncset.done $0x0  }
0x5a: {  	p1 =	sgt.u32 s30, $0x11;
	s8 =	sor.u32 $0x2800, s19;
	[sflag:s0] =	ssyncadd.s32 $0xFFFFC000  }
0x5b: {  	[spmem:s1] =	stream.indirect.scatter.add.f32 [tilespmem:s8], [sflag:s2], $0x80, s29, s20, $0xb8;
	[tilespmem:$0x1E800] =	vst v63  }
0x5c: {  	_ =	swait.ge @!p1 [sflag:s2], $0x4000  }
0x5d: {  	[sflag:s2] =	ssyncset.done @!p1 $0x0  }
0x5e: {  	s9 =	simm.s32 @!p1 $0x80;
	[sflag:s2] =	ssyncadd.s32 @!p1 $0xFFFFC000;
	s2 =	sadd.s32 @!p1 $0xFFFFF700, s29  }
0x5f: {  	[tilespmem:s8], [sflag:s0] =	stream.indirect.gather @!p1 [hbm4b:s4+s9], $0x80, s2, s9, $0xb8;
	[tilespmem:$0x1E800] =	vst v63  }
0x60: {  	p1 =	sgt.u32 s25, $0x5  }
0x61: {  	s0 =	smul.u32 @!p1 $0x28, s25  }
0x62: {  	_ =	swait.ge [sflag:s22], $0x4000  }
0x63: {  	[sflag:s22] =	ssyncset.done $0x0;
	s0 =	sadd.s32 @!p1 s0, s14  }
0x64: {  	[sflag:s22] =	ssyncadd.s32 $0xFFFFC000;
	s0 =	sshll.u32 @!p1 s0, $0x7  }
0x65: {  	_ =	swait.ge [sflag:s23], $0x4000;
	s0 =	sadd.s32 @!p1 s6, s0  }
0x66: {  	s2 =	simm.s32 @!p1 $0x0;
	[sflag:s23] =	ssyncset.done $0x0;
	s0 =	sshrl.u32 @!p1 s0, $0x3  }
0x67: {  	s25 =	sadd.s32 $0x1, s25;
	[sflag:s23] =	ssyncadd.s32 $0xFFFFC000;
	s0 =	sadd.s32 @!p1 s5, s0  }
0x68: {  	[tilespmem:s28], [sflag:s26] =	stream.linear.gather @!p1 [hbm4b:s0+s2], $0x1400, $0x38;
	[tilespmem:$0x1E800] =	vst v63  }
0x69: {  	p1 =	sne.s32 s25, $0x8  }
.Ltmp2:
0x6a: {  	_ = 	snop;
	(pc) =	sbr.rel @p1 .LBB2_4-.Ltmp2, $2  }
0x6b: {  	_ =	sdelay $0x2  }
0x6c: {  	p0 =	por !p0, !p0  }
0x6d: {  	s0 =	stileid.u32;
	s3 =	sadd.s32 $0x1, s3  }
0x6e: {  	[bflag:$0x0] =	sbarrier.arrive $0xFFFF;
	s0 =	sshll.u32 s0, $0x6;
	p0 =	sne.s32 s3, s16  }
.Ltmp3:
0x6f: {  	s2 =	sshrl.u32 s7, $0x3;
	s0 =	sor.u32 $0x1C07, s0;
	(pc) =	sbr.rel @p0 .LBB2_1-.Ltmp3, $4  }
0x70: {  	[hbm:s15], [sflag:s0] =	dma.local [spmem:s2], $0x2800  }
0x71: {  	_ =	swait.ge [sflag:s18], $0x2800  }
0x72: {  	[sflag:s18] =	ssyncset.done $0x0  }
0x73: {  	[sflag:s18] =	ssyncadd.s32 $0xFFFFD800  }
0x74: {  	_ =	sfence.sel $0x180000  }
0x75: {  	[bflag:$0x0] =	sbarrier.arrive $0xFFFF  }
0x76: {  	_ =	strace $0x90000053  }
0x77: {  	s0 =	stileid.u32;
	[bflag:$0x2] =	sbarrier.arrive $0xFFFF  }
0x78: {  	p0 =	sne.s32 s0, $0x0;
	s0 =	rddreg [dreg:$0x2]  }
0x79: {  	s0 =	sadd.s32 @!p0 $0x100000, s0  }
0x7a: {  	[sflag:s0] =	ssyncadd.tile.s32 @!p0 $0x1;
	_ =	shalt  }
.Lfunc_end2:
_tile_overlayer_lowered:
.L_overlay_start_2:
0x7b: {  	(tag) =	ssettag $0x2  }
0x7c: {  	s0 =	rddreg [dreg:$0x0];
	s2 =	stileid.u32  }
0x7d: {  	s1 =	rddreg [dreg:$0x1];
	p0 =	sne.s32 s2, $0x0  }
0x7e: {  	s3 =	rddreg [dreg:$0x2];
	[bflag:$0x3] =	sbarrier.arrive $0xFFFF;
	s2 =	simm.s32 @!p0 $0x1C07  }
0x7f: {  	[timem:s3], [sflag:s2] =	dma.local @!p0 [hbm:s0], s1  }
0x80: {  	s0 =	simm.s32 @!p0 $0x7  }
0x81: {  	_ =	swait.ge @!p0 [sflag:s0], s1  }
0x82: {  	s1 =	ssub.s32 @!p0 $0x0, s1;
	[sflag:s0] =	ssyncset.done @!p0 $0x0  }
0x83: {  	[sflag:s0] =	ssyncadd.s32 @!p0 s1  }
0x84: {  	[bflag:$0x3] =	sbarrier.arrive $0xFFFF  }
0x85: {  	_ =	shalt  }

// kernel: kernel.29.cloned.1.call-start
scs
__scs_entry_jumppad:
0x0: {  	(pc) =	sbr.rel $0x88, $3  }
0x1: {  	(tag) =	ssettag $0x0;
	lr =	simm.s32 $0x1  }
0x2: {  	[smem:$0x3F94] =	sst lr;
	_ =	strace $0xD0000000  }
0x3: {  	_ = 	snop  }
0x4: {  	_ = 	snop  }
0x5: {  	_ = 	snop  }
0x6: {  	_ = 	snop  }
0x7: {  	_ = 	snop  }
__scs_overlays_trampoline_lowered:
0x8: {  	[smem:$0x3FA3] =	sst s0  }
0x9: {  	[smem:$0x3FA4] =	sst s1  }
0xa: {  	[smem:$0x3FA5] =	sst s2  }
0xb: {  	[smem:$0x3FA6] =	sst s3  }
0xc: {  	[smem:$0x3FA7] =	sst s4  }
0xd: {  	[smem:$0x3FA8] =	sst s5  }
0xe: {  	[smem:$0x3FA9] =	sst s6  }
0xf: {  	[smem:$0x3FAA] =	sst s7  }
0x10: {  	[smem:$0x3FAB] =	sst s8  }
0x11: {  	[smem:$0x3FAC] =	sst s9;
	s0 =	simm.s32 @!p0 $0x0  }
0x12: {  	s1 =	sld [smem:$0x3F92];
	s0 =	simm.s32 @p0 $0x1  }
0x13: {  	[smem:$0x3FAD] =	sst s0;
	s0 =	simm.s32 @!p1 $0x0  }
0x14: {  	s2 =	sld [smem:$0x3F91];
	s0 =	simm.s32 @p1 $0x1  }
0x15: {  	[smem:$0x3FAE] =	sst s0;
	s0 =	simm.s32 @!p2 $0x0  }
0x16: {  	s3 =	sld [smem:$0x3FDB];
	s0 =	simm.s32 @p2 $0x1  }
0x17: {  	s4 =	simm.s32 $0x1BF5;
	[smem:$0x3FB0] =	sst s0  }
0x18: {  	s0 =	sld [smem:$0x3F93];
	_ =	swait.ge [sflag:s4], $0x0  }
0x19: {  	s7 =	sld [smem:$0x3F94]  }
0x1a: {  	s8 =	sadd.s32 $0xFFFFE003, lr  }
0x1b: {  	s9 =	sadd.s32 $0xFFFFFEF7, lr;
	s5 =	simm.s32 $0xFFFFFFFF;
	p2 =	slt.u32 s8, $0xFFFFF086  }
0x1c: {  	p1 =	slt.u32 s9, $0xF7A;
	s5 =	simm.s32 @!p2 $0x0  }
0x1d: {  	s5 =	simm.s32 @p1 $0x1;
	p0 =	seq.s32 s7, s2  }
0x1e: {  	s7 =	smul.u32 @!p0 $0xF7A, s2;
	p2 =	seq.s32 @!p0 s5, $0x0  }
0x1f: {  	s9 =	smul.u32 $0xF7A, s1;
	s8 =	simm.s32 @!p0 $0x1BF5;
	p2 =	por !p2, p0  }
0x20: {  	[sflag:s8] =	ssyncset.s32 @!p0 $0xFFFFF086;
	s6 =	sadd.s32 @!p0 s3, s7;
	s7 =	simm.s32 @!p0 $0x108  }
0x21: {  	s3 =	sadd.s32 s3, s9;
	s6 =	sadd.s32 @!p0 $0x88, s6;
	s7 =	simm.s32 @p2 $0x1082  }
0x22: {  	[simem:s7], [sflag:s8] =	dma.local @!p0 [hbm:s6], $0xF7A  }
0x23: {  	s9 =	sor.u32 $0xD0000000, s2;
	s6 =	simm.s32 $0x108;
	_ =	swait.ge @!p0 [sflag:s8], $0x0  }
0x24: {  	s3 =	sadd.s32 $0x88, s3;
	s6 =	simm.s32 @!p1 $0x1082;
	[sflag:s4] =	ssyncset.s32 $0xFFFFF086  }
0x25: {  	[simem:s6], [sflag:s4] =	dma.local [hbm:s3], $0xF7A  }
0x26: {  	[smem:$0x3F94] =	sst s1;
	(tag) =	ssettag s2;
	_ =	strace s9  }
0x27: {  	s1 =	sld [smem:$0x3FA4]  }
0x28: {  	s2 =	sld [smem:$0x3FA5]  }
0x29: {  	s4 =	sld [smem:$0x3FA7]  }
0x2a: {  	p0 =	seq.s32 s5, $0x0;
	s5 =	sld [smem:$0x3FA8]  }
0x2b: {  	s6 =	sld [smem:$0x3FA9]  }
0x2c: {  	s7 =	sld [smem:$0x3FAA]  }
0x2d: {  	s3 =	simm.s32 $0x108;
	s8 =	sld [smem:$0x3FAB]  }
0x2e: {  	s3 =	simm.s32 @!p0 $0x1082;
	s9 =	sld [smem:$0x3FAC]  }
0x2f: {  	lr =	sadd.s32 s0, s3;
	s0 =	sld [smem:$0x3FA3]  }
0x30: {  	s3 =	sld [smem:$0x3FA6]  }
0x31: {  	[smem:$0x3FAF] =	sst s10  }
0x32: {  	s10 =	sld [smem:$0x3FAD];
	_ =	sdelay $0x3  }
0x33: {  	p0 =	seq.s32 s10, $0x1;
	s10 =	sld [smem:$0x3FAF];
	_ =	sdelay $0x3  }
0x34: {  	[smem:$0x3FAF] =	sst s10  }
0x35: {  	s10 =	sld [smem:$0x3FAE];
	_ =	sdelay $0x3  }
0x36: {  	p1 =	seq.s32 s10, $0x1;
	s10 =	sld [smem:$0x3FAF];
	_ =	sdelay $0x3  }
0x37: {  	[smem:$0x3FAF] =	sst s10  }
0x38: {  	s10 =	sld [smem:$0x3FB0]  }
0x39: {  	_ = 	snop;
	(pc) =	sbr.ind lr, $3  }
0x3a: {  	_ = 	snop  }
0x3b: {  	_ = 	snop  }
0x3c: {  	p2 =	seq.s32 s10, $0x1;
	s10 =	sld [smem:$0x3FAF]  }
0x3d: {  	_ =	shalt  }
0x3e: {  	_ =	shalt  }
0x3f: {  	_ =	shalt  }
0x40: {  	_ =	shalt  }
0x41: {  	_ =	shalt  }
0x42: {  	_ =	shalt  }
0x43: {  	_ =	shalt  }
0x44: {  	_ =	shalt  }
0x45: {  	_ =	shalt  }
0x46: {  	_ =	shalt  }
0x47: {  	_ =	shalt  }
0x48: {  	_ =	shalt  }
0x49: {  	_ =	shalt  }
0x4a: {  	_ =	shalt  }
0x4b: {  	_ =	shalt  }
0x4c: {  	_ =	shalt  }
0x4d: {  	_ =	shalt  }
0x4e: {  	_ =	shalt  }
0x4f: {  	_ =	shalt  }
0x50: {  	_ =	shalt  }
0x51: {  	_ =	shalt  }
0x52: {  	_ =	shalt  }
0x53: {  	_ =	shalt  }
0x54: {  	_ =	shalt  }
0x55: {  	_ =	shalt  }
0x56: {  	_ =	shalt  }
0x57: {  	_ =	shalt  }
0x58: {  	_ =	shalt  }
0x59: {  	_ =	shalt  }
0x5a: {  	_ =	shalt  }
0x5b: {  	_ =	shalt  }
0x5c: {  	_ =	shalt  }
0x5d: {  	_ =	shalt  }
0x5e: {  	_ =	shalt  }
0x5f: {  	_ =	shalt  }
0x60: {  	_ =	shalt  }
0x61: {  	_ =	shalt  }
0x62: {  	_ =	shalt  }
0x63: {  	_ =	shalt  }
0x64: {  	_ =	shalt  }
0x65: {  	_ =	shalt  }
0x66: {  	_ =	shalt  }
0x67: {  	_ =	shalt  }
0x68: {  	_ =	shalt  }
0x69: {  	_ =	shalt  }
0x6a: {  	_ =	shalt  }
0x6b: {  	_ =	shalt  }
0x6c: {  	_ =	shalt  }
0x6d: {  	_ =	shalt  }
0x6e: {  	_ =	shalt  }
0x6f: {  	_ =	shalt  }
0x70: {  	_ =	shalt  }
0x71: {  	_ =	shalt  }
0x72: {  	_ =	shalt  }
0x73: {  	_ =	shalt  }
0x74: {  	_ =	shalt  }
0x75: {  	_ =	shalt  }
0x76: {  	_ =	shalt  }
0x77: {  	_ =	shalt  }
0x78: {  	_ =	shalt  }
0x79: {  	_ =	shalt  }
0x7a: {  	_ =	shalt  }
0x7b: {  	_ =	shalt  }
0x7c: {  	_ =	shalt  }
0x7d: {  	_ =	shalt  }
0x7e: {  	_ =	shalt  }
0x7f: {  	_ =	shalt  }
0x80: {  	_ =	shalt  }
0x81: {  	_ =	shalt  }
0x82: {  	_ =	shalt  }
0x83: {  	_ =	shalt  }
0x84: {  	_ =	shalt  }
0x85: {  	_ =	shalt  }
0x86: {  	_ =	shalt  }
0x87: {  	_ =	shalt  }
.Lfunc_end0:
.L_simem_size_0:
called_computation.5_lowered:
.L_overlay_start_0:
0x88: {  	s2 =	sld [smem:$0x3FD9]  }
0x89: {  	s3 =	sld [smem:$0x3FFE];
	_ =	sdelay $0x1  }
0x8a: {  	s1 =	srdreg.scid  }
0x8b: {  	s0 =	sand.u32 $0x1, s1  }
0x8c: {  	s17 =	sshll.u32 s0, $0xA;
	s2 =	sadd.s32 s3, s2  }
0x8d: {  	s2 =	sadd.s32 s2, s17  }
0x8e: {  	[smem:$0x3FBB] =	sst s2  }
0x8f: {  	_ = 	snop  }
0x90: {  	s2 =	sld [smem:$0x3FD0];
	(tm) =	ssettm $0x1  }
0x91: {  	s18 =	sld [smem:$0x3FFB];
	_ =	sdelay $0x3  }
0x92: {  	_ =	strace s18  }
0x93: {  	s3 =	sld [smem:$0x3FFC];
	_ =	sdelay $0x3  }
0x94: {  	_ =	strace s3  }
0x95: {  	s3 =	sld [smem:$0x3FFD];
	_ =	sdelay $0x3  }
0x96: {  	_ =	strace s3  }
0x97: {  	_ =	strace $0x8FFFFFFF  }
0x98: {  	s19 =	sld [smem:$0x3FDB];
	_ =	sdelay $0x1  }
0x99: {  	s4 =	simm.s32 $_scs_section_size  }
0x9a: {  	s5 =	simm.s32 $_size__tile_overlayer_lowered;
	s6 =	simm.s32 $_tile_overlayer_lowered  }
0x9b: {  	s22 =	simm.s32 $0x1BFF;
	s21 =	sshll.u32 s6, $0x1;
	s3 =	sadd.s32 s4, s19  }
0x9c: {  	s7 =	simm.s32 $0x0;
	s20 =	sshll.u32 s5, $0x1;
	s5 =	sadd.s32 s21, s3  }
0x9d: {  	[timem:s7], [sflag:s22] =	dma.local [hbm:s5], s20  }
0x9e: {  	_ =	swait.ge [sflag:s22], s20  }
0x9f: {  	s4 =	ssub.s32 $0x0, s20;
	[sflag:s22] =	ssyncset.done $0x0  }
0xa0: {  	[sflag:s22] =	ssyncadd.s32 s4;
	_ =	sdelay $0x1  }
0xa1: {  	s23 =	simm.s32 $0x1B8B  }
0xa2: {  	_ =	swait.ge [sflag:s23], $0x1  }
0xa3: {  	[sflag:s23] =	ssyncset.done $0x0  }
0xa4: {  	s25 =	simm.s32 $0x1B8E;
	s24 =	sld [smem:$0x3FFE];
	[sflag:s23] =	ssyncadd.s32 $0xFFFFFFFF  }
0xa5: {  	s26 =	simm.s32 $execute0_lowered;
	[smem:$0x3FD2] =	sst s25  }
0xa6: {  	s5 =	sshll.u32 s26, $0x1;
	_ =	strace $0x80000055;
	[dreg:$0x1] =	wrdreg $0xFFFFFFFF  }
0xa7: {  	s28 =	simm.s32 $_size_execute0_lowered;
	s3 =	sadd.s32 s3, s5;
	[dreg:$0x0] =	wrdreg $0x0  }
0xa8: {  	s5 =	sshll.u32 s28, $0x1;
	[dreg:$0x2] =	wrdreg s3  }
0xa9: {  	[dreg:$0x3] =	wrdreg s5  }
0xaa: {  	[dreg:$0x4] =	wrdreg $0xC0  }
0xab: {  	_ =	task [dreg:s7], $0x5FFFF  }
0xac: {  	[dreg:$0x1] =	wrdreg $0xFFFFFFFF  }
0xad: {  	[dreg:$0x0] =	wrdreg $0x60  }
0xae: {  	[dreg:$0x2] =	wrdreg s2  }
0xaf: {  	[dreg:$0x3] =	wrdreg s24  }
0xb0: {  	[dreg:$0x4] =	wrdreg $0xA8000  }
0xb1: {  	[dreg:$0x5] =	wrdreg $0x9  }
0xb2: {  	_ =	task.clear_ibuf [dreg:s7], $0x6FFFF;
	_ =	strace $0x90000055  }
0xb3: {  	s29 =	simm.s32 $0x9;
	_ =	strace $0x80000057  }
0xb4: {  	_ =	swait.ge [sflag:s29], $0x1  }
0xb5: {  	[sflag:s29] =	ssyncadd.s32 $0xFFFFFFFF  }
0xb6: {  	_ =	strace $0x90000057  }
0xb7: {  	_ =	sfence  }
0xb8: {  	s30 =	sld [smem:$0x0];
	_ =	sdelay $0x2  }
0xb9: {  	s31 =	sshll.u32 s1, $0xD;
	s1 =	sshrl.u32 s1, $0x2  }
0xba: {  	s3 =	sand.u32 $0x4000, s31;
	s1 =	sadd.s32 s1, s30  }
0xbb: {  	s0 =	sor.u32 s3, s0;
	s1 =	sshll.u32 s1, $0x11  }
0xbc: {  	s0 =	sor.u32 s1, s0  }
0xbd: {  	s0 =	sadd.s32 $0x8F2B, s0  }
0xbe: {  	[sflag:s0] =	ssyncadd.remote.s32 $0x1  }
0xbf: {  	_ =	sfence.sel $0xFFFF  }
0xc0: {  	[dreg:$0x0] =	wrdreg $0xFFFFFFFF;
	(pc) =	sbr.abs _section_cstart, $3  }
0xc1: {  	[dreg:$0x1] =	wrdreg $0xFFFFFFFF  }
0xc2: {  	_ =	task.clear_ibuf [dreg:s7], $0x2FFFF;
	_ =	strace $0x9FFFFFFF  }
0xc3: {  	(tm) =	ssettm $0x7FFFFFFF  }
tec
execute0_lowered:
.L_overlay_start_1:
0x0: {  	(tag) =	ssettag $0x1  }
0x1: {  	s1 =	rddreg [dreg:$0x0]  }
0x2: {  	s0 =	rddreg [dreg:$0x1]  }
0x3: {  	s2 =	rddreg [dreg:$0x2]  }
0x4: {  	s3 =	srdreg.scid;
	s4 =	simm.s32 $0x0;
	s10 =	stileid.u32  }
0x5: {  	s17 =	simm.s32 $0x2800;
	s18 =	simm.s32 $0x7;
	s7 =	smul.u32 $0x14000, s10  }
0x6: {  	s20 =	simm.s32 $0x80;
	s3 =	sand.u32 $0x1, s3;
	s8 =	smul.u32 $0x50000, s10  }
0x7: {  	s21 =	simm.s32 $0x6800;
	s22 =	simm.s32 $0x5;
	s6 =	smul.u32 $0x140000, s3  }
0x8: {  	[smem:$0x7FF] =	sst s4;
	s5 =	sadd.s32 $0xDDE00, s0;
	s9 =	smul.u32 $0x5000, s10  }
0x9: {  	s26 =	smul.u32 $0xA0, s10;
	_ =	strace $0x80000056;
	s7 =	sadd.s32 s7, s6  }
0xa: {  	s8 =	sshrl.u32 s8, $0x2;
	s6 =	smul.u32 $0x50000, s3;
	s7 =	sshrl.u32 s7, $0x3  }
0xb: {  	s3 =	ssub.s32 $0x2, s3;
	s0 =	sadd.s32 s7, s0;
	s7 =	sadd.s32 s8, s2  }
0xc: {  	s14 =	sadd.s32 $0x50, s26;
	s23 =	sshrl.u32 s3, $0x1;
	s25 =	sadd.s32 $0x4000, s7  }
0xd: {  	s3 =	ssub.s32 s3, s23;
	s28 =	sadd.s32 $0x8000, s7;
	[dreg:$0x4] =	wrdreg s25  }
0xe: {  	s24 =	sadd.s32 s9, s6;
	s29 =	sadd.s32 $0xC000, s7;
	[dreg:$0x5] =	wrdreg s28  }
0xf: {  	s8 =	sshrl.u32 s24, $0x3;
	s30 =	sadd.s32 $0x10000, s7;
	[dreg:$0x6] =	wrdreg s29  }
0x10: {  	s0 =	sadd.s32 $0x3E00, s0;
	s11 =	sadd.s32 s5, s8;
	[dreg:$0x7] =	wrdreg s30  }
0x11: {  	s23 =	simm.s32 $0x6;
	[dreg:$0x9] =	wrdreg s0;
	s31 =	sadd.s32 $0x280, s11  }
0x12: {  	v0 =	vimm.f32 $0.0e+00;
	s16 =	smax.u32 s3, $0x1;
	s24 =	simm.s32 $0x0;
	[dreg:$0x8] =	wrdreg s31  }
.LBB2_1:
0x13: {  	s0 =	simm.s32 $0x0;
	s3 =	simm.s32 $0x200  }
.LBB2_2:
0x14: {  	p0 =	sne.s32 s3, $0xFE00;
	[tilespmem:s0+$0x2870] =	vst v0  }
0x15: {  	[tilespmem:s0+$0x2800] =	vst v0  }
0x16: {  	[tilespmem:s0+$0x2810] =	vst v0  }
.Ltmp0:
0x17: {  	[tilespmem:s0+$0x2820] =	vst v0;
	(pc) =	sbr.rel @p0 .LBB2_2-.Ltmp0, $4  }
0x18: {  	[tilespmem:s0+$0x2830] =	vst v0  }
0x19: {  	[tilespmem:s0+$0x2840] =	vst v0  }
0x1a: {  	[tilespmem:s0+$0x2850] =	vst v0  }
0x1b: {  	[tilespmem:s0+$0x2860] =	vst v0;
	s0 =	sshra.s32 s3, $0x2;
	s3 =	sadd.s32 $0x200, s3  }
0x1c: {  	[tilespmem:s0+$0x2870] =	vst v0  }
0x1d: {  	[tilespmem:s0+$0x2800] =	vst v0  }
0x1e: {  	[tilespmem:s0+$0x2810] =	vst v0  }
0x1f: {  	[tilespmem:s0+$0x2820] =	vst v0  }
0x20: {  	[tilespmem:s0+$0x2830] =	vst v0  }
0x21: {  	[tilespmem:s0+$0x2840] =	vst v0  }
0x22: {  	[tilespmem:s0+$0x2850] =	vst v0  }
0x23: {  	[tilespmem:s0+$0x2860] =	vst v0  }
0x24: {  	[spmem:s7] =	stream.linear.scatter [tilespmem:s17], [sflag:$0x7], $0x4000, $0x38;
	[tilespmem:$0x1E800] =	vst v63  }
0x25: {  	_ =	swait.ge [sflag:s18], $0x4000  }
0x26: {  	[sflag:s18] =	ssyncset.done $0x0  }
0x27: {  	s26 =	rddreg [dreg:$0x4];
	[sflag:s18] =	ssyncadd.s32 $0xFFFFC000  }
0x28: {  	[spmem:s26] =	stream.linear.scatter [tilespmem:s17], [sflag:$0x7], $0x4000, $0x38;
	[tilespmem:$0x1E800] =	vst v63  }
0x29: {  	_ =	swait.ge [sflag:s18], $0x4000  }
0x2a: {  	[sflag:s18] =	ssyncset.done $0x0  }
0x2b: {  	s28 =	rddreg [dreg:$0x5];
	[sflag:s18] =	ssyncadd.s32 $0xFFFFC000  }
0x2c: {  	[spmem:s28] =	stream.linear.scatter [tilespmem:s17], [sflag:$0x7], $0x4000, $0x38;
	[tilespmem:$0x1E800] =	vst v63  }
0x2d: {  	_ =	swait.ge [sflag:s18], $0x4000  }
0x2e: {  	[sflag:s18] =	ssyncset.done $0x0  }
0x2f: {  	s29 =	rddreg [dreg:$0x6];
	[sflag:s18] =	ssyncadd.s32 $0xFFFFC000  }
0x30: {  	[spmem:s29] =	stream.linear.scatter [tilespmem:s17], [sflag:$0x7], $0x4000, $0x38;
	[tilespmem:$0x1E800] =	vst v63  }
0x31: {  	_ =	swait.ge [sflag:s18], $0x4000  }
0x32: {  	[sflag:s18] =	ssyncset.done $0x0  }
0x33: {  	s30 =	rddreg [dreg:$0x7];
	[sflag:s18] =	ssyncadd.s32 $0xFFFFC000  }
0x34: {  	[spmem:s30] =	stream.linear.scatter [tilespmem:s17], [sflag:$0x7], $0x4000, $0x38;
	[tilespmem:$0x1E800] =	vst v63  }
0x35: {  	_ =	swait.ge [sflag:s18], $0x4000  }
0x36: {  	[sflag:s18] =	ssyncset.done $0x0  }
0x37: {  	[sflag:s18] =	ssyncadd.s32 $0xFFFFC000  }
0x38: {  	s3 =	simm.s32 $0x1400;
	[bflag:$0x0] =	sbarrier.arrive $0xFFFF  }
0x39: {  	[tilespmem:s24], [sflag:$0x1] =	stream.linear.gather [hbm4b:s11+s24], $0x1400, $0x38;
	[tilespmem:$0x1E800] =	vst v63  }
0x3a: {  	p0 =	por $0x0, $0x0;
	s25 =	simm.s32 $0x0;
	s31 =	rddreg [dreg:$0x8]  }
0x3b: {  	[tilespmem:s3], [sflag:$0x2] =	stream.linear.gather [hbm4b:s31+s24], $0x1400, $0x38;
	[tilespmem:$0x1E800] =	vst v63  }
.LBB2_4:
0x3c: {  	s0 =	sand.u32 $0x1, s25  }
0x3d: {  	s3 =	simm.s32 $0x1;
	s26 =	sadd.s32 $0x1, s0  }
0x3e: {  	s15 =	sand.u32 $0x1, s24;
	s0 =	smul.u32 $0x5000, s0;
	_ =	swait.ge [sflag:s26], $0x1400  }
0x3f: {  	s30 =	simm.s32 $0x1;
	p1 =	por $0x0, $0x0;
	[sflag:s26] =	ssyncset.done $0x0  }
0x40: {  	s3 =	simm.s32 @!p0 $0x0;
	s28 =	sshrl.u32 s0, $0x2;
	[sflag:s26] =	ssyncadd.s32 $0xFFFFEC00  }
0x41: {  	[tilespmem:s17], [sflag:$0x3] =	stream.indirect.gather [hbm4b:s1+s20], $0x80, s28, s20, $0xb8;
	[tilespmem:$0x1E800] =	vst v63  }
0x42: {  	s31 =	sadd.s32 $0x3, s15;
	s12 =	smul.u32 $0x5000, s3;
	s13 =	sor.u32 $0x80, s28  }
0x43: {  	[tilespmem:s21], [sflag:$0x4] =	stream.indirect.gather [hbm4b:s1+s20], $0x80, s13, s20, $0xb8;
	[tilespmem:$0x1E800] =	vst v63  }
0x44: {  	s19 =	sshll.u32 s15, $0xE;
	s10 =	sadd.s32 $0x5, s15;
	_ =	swait.ge [sflag:s31], $0x4000  }
0x45: {  	s8 =	sor.u32 $0x2800, s19;
	s0 =	sshrl.u32 s12, $0x2;
	[sflag:s31] =	ssyncset.done $0x0  }
0x46: {  	s3 =	sand.u32 $0x1, s30;
	s9 =	sadd.s32 $0xA00, s0;
	[sflag:s31] =	ssyncadd.s32 $0xFFFFC000  }
0x47: {  	[spmem:s2] =	stream.indirect.scatter.add.f32 [tilespmem:s8], [sflag:s10], $0x80, s9, s20, $0xb8;
	[tilespmem:$0x1E800] =	vst v63  }
0x48: {  	s19 =	sshll.u32 s3, $0xE;
	_ =	swait.ge @!p1 [sflag:s10], $0x4000  }
0x49: {  	s0 =	simm.s32 $0x2;
	s29 =	sadd.s32 $0x80, s9;
	[sflag:s10] =	ssyncset.done @!p1 $0x0  }
0x4a: {  	s9 =	sadd.s32 @!p1 $0xFFFFF700, s9;
	[sflag:s10] =	ssyncadd.s32 @!p1 $0xFFFFC000;
	s10 =	simm.s32 @!p1 $0x80  }
.LBB2_5:
0x4b: {  	[tilespmem:s8], [sflag:s31] =	stream.indirect.gather @!p1 [hbm4b:s1+s10], $0x80, s9, s10, $0xb8;
	[tilespmem:$0x1E800] =	vst v63  }
0x4c: {  	s9 =	smov.u32 s0;
	s10 =	smov.u32 s29  }
0x4d: {  	s0 =	sadd.s32 $0x1, s0;
	s31 =	sadd.s32 $0x3, s3;
	s12 =	sand.u32 $0x1, s9  }
0x4e: {  	p2 =	sne.s32 s0, $0x14;
	s13 =	sshll.u32 s12, $0xE;
	_ =	swait.ge [sflag:s31], $0x4000  }
0x4f: {  	s15 =	sadd.s32 $0x5, s3;
	p1 =	sgt.u32 s30, $0x11;
	[sflag:s31] =	ssyncset.done $0x0  }
.Ltmp1:
0x50: {  	s8 =	sor.u32 $0x2800, s19;
	[sflag:s31] =	ssyncadd.s32 $0xFFFFC000;
	(pc) =	sbr.rel @p2 .LBB2_5-.Ltmp1, $4  }
0x51: {  	[spmem:s2] =	stream.indirect.scatter.add.f32 [tilespmem:s8], [sflag:s15], $0x80, s29, s20, $0xb8;
	[tilespmem:$0x1E800] =	vst v63  }
0x52: {  	s30 =	smov.u32 s9;
	s3 =	smov.u32 s12;
	_ =	swait.ge @!p1 [sflag:s15], $0x4000  }
0x53: {  	s19 =	smov.u32 s13;
	s29 =	sadd.s32 $0x80, s29;
	[sflag:s15] =	ssyncset.done @!p1 $0x0  }
0x54: {  	s9 =	sadd.s32 @!p1 $0xFFFFF700, s10;
	s10 =	simm.s32 @!p1 $0x80;
	[sflag:s15] =	ssyncadd.s32 @!p1 $0xFFFFC000  }
0x55: {  	[tilespmem:s8], [sflag:s31] =	stream.indirect.gather @!p1 [hbm4b:s1+s10], $0x80, s9, s10, $0xb8;
	[tilespmem:$0x1E800] =	vst v63  }
0x56: {  	s0 =	sadd.s32 $0x3, s3  }
0x57: {  	_ =	swait.ge [sflag:s0], $0x4000  }
0x58: {  	s3 =	sadd.s32 $0x5, s3;
	[sflag:s0] =	ssyncset.done $0x0  }
0x59: {  	p1 =	sgt.u32 s30, $0x11;
	s8 =	sor.u32 $0x2800, s19;
	[sflag:s0] =	ssyncadd.s32 $0xFFFFC000  }
0x5a: {  	[spmem:s2] =	stream.indirect.scatter.add.f32 [tilespmem:s8], [sflag:s3], $0x80, s29, s20, $0xb8;
	[tilespmem:$0x1E800] =	vst v63  }
0x5b: {  	_ =	swait.ge @!p1 [sflag:s3], $0x4000  }
0x5c: {  	[sflag:s3] =	ssyncset.done @!p1 $0x0  }
0x5d: {  	s9 =	simm.s32 @!p1 $0x80;
	[sflag:s3] =	ssyncadd.s32 @!p1 $0xFFFFC000;
	s3 =	sadd.s32 @!p1 $0xFFFFF700, s29  }
0x5e: {  	[tilespmem:s8], [sflag:s0] =	stream.indirect.gather @!p1 [hbm4b:s1+s9], $0x80, s3, s9, $0xb8;
	[tilespmem:$0x1E800] =	vst v63  }
0x5f: {  	p1 =	sgt.u32 s25, $0x1  }
0x60: {  	s0 =	smul.u32 @!p1 $0x28, s25  }
0x61: {  	_ =	swait.ge [sflag:s22], $0x4000  }
0x62: {  	[sflag:s22] =	ssyncset.done $0x0;
	s0 =	sadd.s32 @!p1 s0, s14  }
0x63: {  	[sflag:s22] =	ssyncadd.s32 $0xFFFFC000;
	s0 =	sshll.u32 @!p1 s0, $0x7  }
0x64: {  	_ =	swait.ge [sflag:s23], $0x4000;
	s0 =	sadd.s32 @!p1 s6, s0  }
0x65: {  	s3 =	simm.s32 @!p1 $0x0;
	[sflag:s23] =	ssyncset.done $0x0;
	s0 =	sshrl.u32 @!p1 s0, $0x3  }
0x66: {  	s25 =	sadd.s32 $0x1, s25;
	[sflag:s23] =	ssyncadd.s32 $0xFFFFC000;
	s0 =	sadd.s32 @!p1 s5, s0  }
0x67: {  	[tilespmem:s28], [sflag:s26] =	stream.linear.gather @!p1 [hbm4b:s0+s3], $0x1400, $0x38;
	[tilespmem:$0x1E800] =	vst v63  }
0x68: {  	p1 =	sne.s32 s25, $0x4  }
.Ltmp2:
0x69: {  	_ = 	snop;
	(pc) =	sbr.rel @p1 .LBB2_4-.Ltmp2, $2  }
0x6a: {  	_ =	sdelay $0x2  }
0x6b: {  	p0 =	por !p0, !p0  }
0x6c: {  	s0 =	stileid.u32;
	[bflag:$0x0] =	sbarrier.arrive $0xFFFF;
	s4 =	sadd.s32 $0x1, s4  }
0x6d: {  	s3 =	sshrl.u32 s7, $0x3;
	s0 =	sshll.u32 s0, $0x6;
	p0 =	sne.s32 s4, s16  }
.Ltmp3:
0x6e: {  	s8 =	rddreg [dreg:$0x9];
	s0 =	sor.u32 $0x1C07, s0;
	(pc) =	sbr.rel @p0 .LBB2_1-.Ltmp3, $4  }
0x6f: {  	[hbm:s8], [sflag:s0] =	dma.local [spmem:s3], $0x2800  }
0x70: {  	_ =	swait.ge [sflag:s18], $0x2800  }
0x71: {  	[sflag:s18] =	ssyncset.done $0x0  }
0x72: {  	[sflag:s18] =	ssyncadd.s32 $0xFFFFD800  }
0x73: {  	_ =	sfence.sel $0x180000  }
0x74: {  	[bflag:$0x0] =	sbarrier.arrive $0xFFFF  }
0x75: {  	_ =	strace $0x90000056  }
0x76: {  	s0 =	stileid.u32;
	[bflag:$0x2] =	sbarrier.arrive $0xFFFF  }
0x77: {  	p0 =	sne.s32 s0, $0x0;
	s0 =	rddreg [dreg:$0x3]  }
0x78: {  	s0 =	sadd.s32 @!p0 $0x100000, s0  }
0x79: {  	[sflag:s0] =	ssyncadd.tile.s32 @!p0 $0x1;
	_ =	shalt  }
.Lfunc_end2:
_tile_overlayer_lowered:
.L_overlay_start_2:
0x7a: {  	(tag) =	ssettag $0x2  }
0x7b: {  	s0 =	rddreg [dreg:$0x0];
	s2 =	stileid.u32  }
0x7c: {  	s1 =	rddreg [dreg:$0x1];
	p0 =	sne.s32 s2, $0x0  }
0x7d: {  	s3 =	rddreg [dreg:$0x2];
	[bflag:$0x3] =	sbarrier.arrive $0xFFFF;
	s2 =	simm.s32 @!p0 $0x1C07  }
0x7e: {  	[timem:s3], [sflag:s2] =	dma.local @!p0 [hbm:s0], s1  }
0x7f: {  	s0 =	simm.s32 @!p0 $0x7  }
0x80: {  	_ =	swait.ge @!p0 [sflag:s0], s1  }
0x81: {  	s1 =	ssub.s32 @!p0 $0x0, s1;
	[sflag:s0] =	ssyncset.done @!p0 $0x0  }
0x82: {  	[sflag:s0] =	ssyncadd.s32 @!p0 s1  }
0x83: {  	[bflag:$0x3] =	sbarrier.arrive $0xFFFF  }
0x84: {  	_ =	shalt  }

</sc_bundles>
